<compile_context>
chip_gen: v7x
topology: tpu7x:2x2x1
jax: 0.10.2.dev20260603
libtpu: 0.0.44.dev20260713+nightly
codegen_flags: <defaults>
</compile_context>

<pallas_src>
import functools

import jax
import jax.numpy as jnp
from jax import lax
from jax.experimental import pallas as pl
from jax.experimental.pallas import tpu as pltpu
from jax.experimental.pallas import tpu_sc as plsc

_NUM_NODES = 100000
_D = 128
_CW = 2
_B = 4096
_S = 50
_NC = _S - 2 * _CW - 2
_K = 2 * _CW
_NP = _NC * _K
_L = 16
_G = _D // _L
_NW = 32
_RPW = _B // _NW
_HALF = _NP // 2
_OFFS = (0, 1, 3, 4)


def _sc_scores(seq, W, rnd):
    mesh = plsc.VectorSubcoreMesh(core_axis_name="c", subcore_axis_name="s")

    @functools.partial(
        pl.kernel,
        out_type=(
            jax.ShapeDtypeStruct((_B, _NP), jnp.float32),
            jax.ShapeDtypeStruct((_B, _NP), jnp.float32),
        ),
        mesh=mesh,
        compiler_params=pltpu.CompilerParams(needs_layout_passes=False),
        scratch_types=[
            pltpu.VMEM((_RPW, _S), jnp.int32),
            pltpu.VMEM((_RPW, 2, _HALF), jnp.int32),
            pltpu.VMEM((2 * _S, _D), jnp.float32),
            pltpu.VMEM((2 * _NP, _D), jnp.float32),
            pltpu.VMEM((_NP * _L,), jnp.float32),
            pltpu.VMEM((_NP * _L,), jnp.float32),
            pltpu.VMEM((_NP,), jnp.float32),
            pltpu.VMEM((_NP,), jnp.float32),
            pltpu.VMEM((_NP,), jnp.float32),
            pltpu.VMEM((_NP,), jnp.float32),
            pltpu.SemaphoreType.DMA,
            pltpu.SemaphoreType.DMA,
            pltpu.SemaphoreType.DMA,
            pltpu.SemaphoreType.DMA,
        ],
    )
    def k(seq_hbm, w_hbm, rnd_hbm, pos_hbm, neg_hbm,
          seq_v, rnd_v, e_v, r_v, pacc, nacc, pos_s0, pos_s1, neg_s0, neg_s1,
          gsem0, gsem1, osem0, osem1):
        pos_sb = (pos_s0, pos_s1)
        neg_sb = (neg_s0, neg_s1)
        wid = lax.axis_index("s") * 2 + lax.axis_index("c")
        base = wid * _RPW
        pltpu.sync_copy(seq_hbm.at[pl.ds(base, _RPW)], seq_v)
        pltpu.sync_copy(rnd_hbm.at[pl.ds(base, _RPW)], rnd_v)
        lane = lax.iota(jnp.int32, _L)
        gsems = (gsem0, gsem1)
        osems = (osem0, osem1)

        def gather_copies(r, q, sem):
            return (
                pltpu.make_async_copy(w_hbm.at[seq_v.at[r]],
                                      e_v.at[pl.ds(q * _S, _S)], sem),
                pltpu.make_async_copy(w_hbm.at[rnd_v.at[r, 0]],
                                      r_v.at[pl.ds(q * _NP, _HALF)], sem),
                pltpu.make_async_copy(w_hbm.at[rnd_v.at[r, 1]],
                                      r_v.at[pl.ds(q * _NP + _HALF, _HALF)], sem),
            )

        def issue_gathers(r, q):
            for c in gather_copies(r, q, gsems[q]):
                c.start()

        def drain_gathers(r, q):
            for c in gather_copies(r, q, gsems[q]):
                c.wait()

        issue_gathers(0, 0)
        issue_gathers(1, 1)

        def pair_body(g, carry):
            for q in (0, 1):
                r = 2 * g + q
                b = base + r
                drain_gathers(r, q)

                @plsc.parallel_loop(0, _NC, 1, unroll=2)
                def _(i):
                    m = i + _CW + q * _S
                    cvec = [e_v[m, pl.ds(gg * _L, _L)] for gg in range(_G)]
                    for kk, off in enumerate(_OFFS):
                        p = i + off + q * _S
                        j = i * _K + kk
                        jq = j + q * _NP
                        acc = cvec[0] * e_v[p, pl.ds(0, _L)]
                        for gg in range(1, _G):
                            acc = acc + cvec[gg] * e_v[p, pl.ds(gg * _L, _L)]
                        pacc[pl.ds(j * _L, _L)] = acc
                        acc = cvec[0] * r_v[jq, pl.ds(0, _L)]
                        for gg in range(1, _G):
                            acc = acc + cvec[gg] * r_v[jq, pl.ds(gg * _L, _L)]
                        nacc[pl.ds(j * _L, _L)] = acc

                @pl.when(g < _RPW // 2 - 1)
                def _():
                    issue_gathers(r + 2, q)

                @pl.when(g >= 1)
                def _():
                    pltpu.make_async_copy(pos_sb[q], pos_hbm.at[b], osems[q]).wait()
                    pltpu.make_async_copy(neg_sb[q], neg_hbm.at[b], osems[q]).wait()

                @plsc.parallel_loop(0, _NP // _L, 1, unroll=2)
                def _(chunk):
                    rows = (chunk * _L + lane) * _L
                    tp = plsc.load_gather(pacc, [rows])
                    tn = plsc.load_gather(nacc, [rows])
                    for l in range(1, _L):
                        tp = tp + plsc.load_gather(pacc, [rows + l])
                        tn = tn + plsc.load_gather(nacc, [rows + l])
                    pos_sb[q][pl.ds(chunk * _L, _L)] = tp
                    neg_sb[q][pl.ds(chunk * _L, _L)] = tn

                pltpu.async_copy(pos_sb[q], pos_hbm.at[b], osems[q])
                pltpu.async_copy(neg_sb[q], neg_hbm.at[b], osems[q])
            return carry

        lax.fori_loop(0, _RPW // 2, pair_body, 0)

        for q in (0, 1):
            pltpu.make_async_copy(pos_sb[q], pos_hbm.at[base], osems[q]).wait()
            pltpu.make_async_copy(neg_sb[q], neg_hbm.at[base], osems[q]).wait()

    return k(seq, W, rnd)


def _loss_tc(pos, neg):
    def body(pos_ref, neg_ref, out_ref):
        p = pos_ref[...]
        n = neg_ref[...]
        lp = jnp.log(jax.nn.sigmoid(p) + 1e-08)
        ln = jnp.log(1.0 - jax.nn.sigmoid(n) + 1e-08)
        inv = 1.0 / float(_B * _NP)
        out_ref[0, 0] = -(jnp.sum(jnp.sum(lp, axis=1)) * inv
                          + jnp.sum(jnp.sum(ln, axis=1)) * inv)

    return pl.pallas_call(
        body,
        out_shape=jax.ShapeDtypeStruct((1, 1), jnp.float32),
        out_specs=pl.BlockSpec(memory_space=pltpu.SMEM),
    )(pos, neg)


def kernel(seq, W):
    seq = seq.astype(jnp.int32)
    rnd = jax.random.randint(jax.random.key(1), (_B, _NC, _K), 0, _NUM_NODES)
    rnd = rnd.reshape(_B, 2, _HALF).astype(jnp.int32)
    pos, neg = _sc_scores(seq, W, rnd)
    return _loss_tc(pos, neg)[0, 0]

# --- scband reference (transcript-rebuilt; emitter-appended) ---
"""Pipeline reference for scband-node2-vec-53626961657863 (READ-ONLY COPY).

The authoritative reference and input builder live on the scoring server;
editing this copy changes nothing except your own understanding.
"""

import jax, jax.numpy as jnp
import numpy as np

NUM_NODES = 100000
EMB_SIZE = 128
CONTEXT_WINDOW = 2
BATCH = 4096
SEQ_LEN = 50


def setup_inputs(seed: int = 0) -> dict:
    key = jax.random.key(seed)
    k_seq, k_w = jax.random.split(key)
    seq = jax.random.randint(k_seq, (BATCH, SEQ_LEN), 0, NUM_NODES, dtype=jnp.int64 if jax.config.jax_enable_x64 else jnp.int32)
    W = jax.random.normal(k_w, (NUM_NODES, EMB_SIZE), dtype=jnp.float32)
    return {"seq": seq, "W": W}


def _build_index_arrays(S, cw):
    center_ids = np.arange(cw, S - cw - 2)
    context_ids = np.array([[j for j in range(i, i + cw * 2 + 1) if j != i + cw] for i in range(center_ids.shape[0])])
    return jnp.asarray(center_ids), jnp.asarray(context_ids)


def reference(seq, W):
    S = seq.shape[1]
    center_ids, context_ids = _build_index_arrays(S, CONTEXT_WINDOW)
    centers = seq[:, center_ids]            # [B, Nc]
    contexts = seq[:, context_ids]          # [B, Nc, 2*cw]
    c_embs = jnp.take(W, centers, axis=0)[:, :, None, :]     # [B, Nc, 1, D]
    ctxt_embs = jnp.take(W, contexts, axis=0)                # [B, Nc, 2*cw, D]
    rnd_ids = jax.random.randint(jax.random.key(1), contexts.shape, 0, NUM_NODES)
    rnd_embs = jnp.take(W, rnd_ids, axis=0)                  # [B, Nc, 2*cw, D]
    pos_scores = (c_embs * ctxt_embs).sum(axis=-1).reshape(-1)
    neg_scores = (c_embs * rnd_embs).sum(axis=-1).reshape(-1)
    loss = -jnp.log(jax.nn.sigmoid(pos_scores) + 1e-08).mean() - jnp.log(1.0 - jax.nn.sigmoid(neg_scores) + 1e-08).mean()
    return loss

if __name__ == "__main__":
    import jax
    _d = setup_inputs()
    print(jax.jit(kernel)(*tuple(_d.values())))

</pallas_src>

<mosaic_0001>
#map = affine_map<(d0, d1) -> (0, 0)>
#map1 = affine_map<(d0, d1) -> (0, 0, 0)>
module attributes {stable_mosaic.version = 14 : i64} {
  func.func @k(%arg0: i32, %arg1: i32, %arg2: memref<4096x50xi32, #tpu.memory_space<hbm>>, %arg3: memref<100000x128xf32, #tpu.memory_space<hbm>>, %arg4: memref<4096x2x88xi32, #tpu.memory_space<hbm>>, %arg5: memref<4096x176xf32, #tpu.memory_space<hbm>>, %arg6: memref<4096x176xf32, #tpu.memory_space<hbm>>, %arg7: memref<128x50xi32, #tpu.memory_space<vmem>>, %arg8: memref<128x2x88xi32, #tpu.memory_space<vmem>>, %arg9: memref<100x128xf32, #tpu.memory_space<vmem>>, %arg10: memref<352x128xf32, #tpu.memory_space<vmem>>, %arg11: memref<2816xf32, #tpu.memory_space<vmem>>, %arg12: memref<2816xf32, #tpu.memory_space<vmem>>, %arg13: memref<176xf32, #tpu.memory_space<vmem>>, %arg14: memref<176xf32, #tpu.memory_space<vmem>>, %arg15: memref<176xf32, #tpu.memory_space<vmem>>, %arg16: memref<176xf32, #tpu.memory_space<vmem>>, %arg17: memref<!tpu.dma_semaphore, #tpu.memory_space<semaphore_mem>>, %arg18: memref<!tpu.dma_semaphore, #tpu.memory_space<semaphore_mem>>, %arg19: memref<!tpu.dma_semaphore, #tpu.memory_space<semaphore_mem>>, %arg20: memref<!tpu.dma_semaphore, #tpu.memory_space<semaphore_mem>>) attributes {dimension_semantics = [#tpu.dimension_semantics<core_parallel>, #tpu.dimension_semantics<subcore_parallel>], iteration_bounds = array<i64: 2, 16>, scalar_prefetch = 0 : i64, scratch_operands = 14 : i64, tpu.core_type = #tpu.core_type<sc_vector_subcore>, window_params = [{transform_indices = #map}, {transform_indices = #map}, {transform_indices = #map1}, {transform_indices = #map}, {transform_indices = #map}]} {
    %mul3A = arith.constant 2 : i32
    %mul3A_0 = arith.muli %arg1, %mul3A : i32
    %add3A = arith.addi %mul3A_0, %arg0 : i32
    %mul3A_1 = arith.constant 128 : i32
    %mul3A_2 = arith.muli %add3A, %mul3A_1 : i32
    "tpu.region"() ({
      %run_scoped3A = tpu.sem_alloc : memref<!tpu.dma_semaphore, #tpu.memory_space<semaphore_mem>>
      %dma_start3A_94 = arith.constant 0 : i32
      %dma_start3A_95 = tpu.memref_slice %arg2[%mul3A_2, %dma_start3A_94] : memref<4096x50xi32, #tpu.memory_space<hbm>> -> memref<128x50xi32, #tpu.memory_space<hbm>>
      %dma_start3A_96 = arith.constant 0 : i32
      %dma_start3A_97 = tpu.memref_slice %arg2[%mul3A_2, %dma_start3A_96] : memref<4096x50xi32, #tpu.memory_space<hbm>> -> memref<128x50xi32, #tpu.memory_space<hbm>>
      tpu.enqueue_dma source(%dma_start3A_97 : memref<128x50xi32, #tpu.memory_space<hbm>>) target(%arg7 : memref<128x50xi32, #tpu.memory_space<vmem>>) target_semaphore(%run_scoped3A : memref<!tpu.dma_semaphore, #tpu.memory_space<semaphore_mem>>)
      %dma_wait3A_98 = arith.constant 0 : i32
      %dma_wait3A_99 = tpu.memref_slice %arg2[%mul3A_2, %dma_wait3A_98] : memref<4096x50xi32, #tpu.memory_space<hbm>> -> memref<128x50xi32, #tpu.memory_space<hbm>>
      %dma_wait3A_100 = arith.constant 0 : i32
      %dma_wait3A_101 = tpu.memref_slice %arg2[%mul3A_2, %dma_wait3A_100] : memref<4096x50xi32, #tpu.memory_space<hbm>> -> memref<128x50xi32, #tpu.memory_space<hbm>>
      tpu.wait_dma2 semaphore(%run_scoped3A : memref<!tpu.dma_semaphore, #tpu.memory_space<semaphore_mem>>) src(%dma_wait3A_101 : memref<128x50xi32, #tpu.memory_space<hbm>>) dst(%arg7 : memref<128x50xi32, #tpu.memory_space<vmem>>)
      tpu.yield
    }) : () -> ()
    "tpu.region"() ({
      %run_scoped3A = tpu.sem_alloc : memref<!tpu.dma_semaphore, #tpu.memory_space<semaphore_mem>>
      %dma_start3A_94 = arith.constant 0 : i32
      %dma_start3A_95 = arith.constant 0 : i32
      %dma_start3A_96 = tpu.memref_slice %arg4[%mul3A_2, %dma_start3A_94, %dma_start3A_95] : memref<4096x2x88xi32, #tpu.memory_space<hbm>> -> memref<128x2x88xi32, #tpu.memory_space<hbm>>
      %dma_start3A_97 = arith.constant 0 : i32
      %dma_start3A_98 = arith.constant 0 : i32
      %dma_start3A_99 = tpu.memref_slice %arg4[%mul3A_2, %dma_start3A_97, %dma_start3A_98] : memref<4096x2x88xi32, #tpu.memory_space<hbm>> -> memref<128x2x88xi32, #tpu.memory_space<hbm>>
      tpu.enqueue_dma source(%dma_start3A_99 : memref<128x2x88xi32, #tpu.memory_space<hbm>>) target(%arg8 : memref<128x2x88xi32, #tpu.memory_space<vmem>>) target_semaphore(%run_scoped3A : memref<!tpu.dma_semaphore, #tpu.memory_space<semaphore_mem>>)
      %dma_wait3A_100 = arith.constant 0 : i32
      %dma_wait3A_101 = arith.constant 0 : i32
      %dma_wait3A_102 = tpu.memref_slice %arg4[%mul3A_2, %dma_wait3A_100, %dma_wait3A_101] : memref<4096x2x88xi32, #tpu.memory_space<hbm>> -> memref<128x2x88xi32, #tpu.memory_space<hbm>>
      %dma_wait3A_103 = arith.constant 0 : i32
      %dma_wait3A_104 = arith.constant 0 : i32
      %dma_wait3A_105 = tpu.memref_slice %arg4[%mul3A_2, %dma_wait3A_103, %dma_wait3A_104] : memref<4096x2x88xi32, #tpu.memory_space<hbm>> -> memref<128x2x88xi32, #tpu.memory_space<hbm>>
      tpu.wait_dma2 semaphore(%run_scoped3A : memref<!tpu.dma_semaphore, #tpu.memory_space<semaphore_mem>>) src(%dma_wait3A_105 : memref<128x2x88xi32, #tpu.memory_space<hbm>>) dst(%arg8 : memref<128x2x88xi32, #tpu.memory_space<vmem>>)
      tpu.yield
    }) : () -> ()
    %iota3A = tpu.iota {dimensions = array<i32: 0>} : vector<16xi32>
    %dma_start3A = arith.constant 0 : i32
    %dma_start3A_3 = arith.constant 0 : i32
    %dma_start3A_4 = arith.constant 0 : i32
    %dma_start3A_5 = tpu.memref_slice %arg9[%dma_start3A_3, %dma_start3A_4] : memref<100x128xf32, #tpu.memory_space<vmem>> -> memref<50x128xf32, #tpu.memory_space<vmem>>
    %dma_start3A_6 = arith.constant 0 : i32
    %dma_start3A_7 = tpu.memref_slice %arg7[%dma_start3A, %dma_start3A_6] : memref<128x50xi32, #tpu.memory_space<vmem>> -> memref<1x50xi32, #tpu.memory_space<vmem>>
    %dma_start3A_8 = tpu.memref_squeeze %dma_start3A_7 : memref<1x50xi32, #tpu.memory_space<vmem>> -> memref<50xi32, #tpu.memory_space<vmem>>
    %dma_start3A_9 = arith.constant 0 : i32
    %dma_start3A_10 = arith.constant 0 : i32
    %dma_start3A_11 = tpu.memref_slice %arg3[%dma_start3A_9, %dma_start3A_10] : memref<100000x128xf32, #tpu.memory_space<hbm>> -> memref<100000x128xf32, #tpu.memory_space<hbm>>
    tpu.enqueue_indirect_dma source(%dma_start3A_11 : memref<100000x128xf32, #tpu.memory_space<hbm>>) target(%dma_start3A_5 : memref<50x128xf32, #tpu.memory_space<vmem>>) offsets(%dma_start3A_8 : memref<50xi32, #tpu.memory_space<vmem>>) semaphore(%arg17 : memref<!tpu.dma_semaphore, #tpu.memory_space<semaphore_mem>>)
    %dma_start3A_12 = arith.constant 0 : i32
    %dma_start3A_13 = arith.constant 0 : i32
    %dma_start3A_14 = arith.constant 0 : i32
    %dma_start3A_15 = arith.constant 0 : i32
    %dma_start3A_16 = tpu.memref_slice %arg10[%dma_start3A_14, %dma_start3A_15] : memref<352x128xf32, #tpu.memory_space<vmem>> -> memref<88x128xf32, #tpu.memory_space<vmem>>
    %dma_start3A_17 = arith.constant 0 : i32
    %dma_start3A_18 = tpu.memref_slice %arg8[%dma_start3A_12, %dma_start3A_13, %dma_start3A_17] : memref<128x2x88xi32, #tpu.memory_space<vmem>> -> memref<1x1x88xi32, #tpu.memory_space<vmem>>
    %dma_start3A_19 = tpu.memref_squeeze %dma_start3A_18 : memref<1x1x88xi32, #tpu.memory_space<vmem>> -> memref<88xi32, #tpu.memory_space<vmem>>
    %dma_start3A_20 = arith.constant 0 : i32
    %dma_start3A_21 = arith.constant 0 : i32
    %dma_start3A_22 = tpu.memref_slice %arg3[%dma_start3A_20, %dma_start3A_21] : memref<100000x128xf32, #tpu.memory_space<hbm>> -> memref<100000x128xf32, #tpu.memory_space<hbm>>
    tpu.enqueue_indirect_dma source(%dma_start3A_22 : memref<100000x128xf32, #tpu.memory_space<hbm>>) target(%dma_start3A_16 : memref<88x128xf32, #tpu.memory_space<vmem>>) offsets(%dma_start3A_19 : memref<88xi32, #tpu.memory_space<vmem>>) semaphore(%arg17 : memref<!tpu.dma_semaphore, #tpu.memory_space<semaphore_mem>>)
    %dma_start3A_23 = arith.constant 0 : i32
    %dma_start3A_24 = arith.constant 1 : i32
    %dma_start3A_25 = arith.constant 88 : i32
    %dma_start3A_26 = arith.constant 0 : i32
    %dma_start3A_27 = tpu.memref_slice %arg10[%dma_start3A_25, %dma_start3A_26] : memref<352x128xf32, #tpu.memory_space<vmem>> -> memref<88x128xf32, #tpu.memory_space<vmem>>
    %dma_start3A_28 = arith.constant 0 : i32
    %dma_start3A_29 = tpu.memref_slice %arg8[%dma_start3A_23, %dma_start3A_24, %dma_start3A_28] : memref<128x2x88xi32, #tpu.memory_space<vmem>> -> memref<1x1x88xi32, #tpu.memory_space<vmem>>
    %dma_start3A_30 = tpu.memref_squeeze %dma_start3A_29 : memref<1x1x88xi32, #tpu.memory_space<vmem>> -> memref<88xi32, #tpu.memory_space<vmem>>
    %dma_start3A_31 = arith.constant 0 : i32
    %dma_start3A_32 = arith.constant 0 : i32
    %dma_start3A_33 = tpu.memref_slice %arg3[%dma_start3A_31, %dma_start3A_32] : memref<100000x128xf32, #tpu.memory_space<hbm>> -> memref<100000x128xf32, #tpu.memory_space<hbm>>
    tpu.enqueue_indirect_dma source(%dma_start3A_33 : memref<100000x128xf32, #tpu.memory_space<hbm>>) target(%dma_start3A_27 : memref<88x128xf32, #tpu.memory_space<vmem>>) offsets(%dma_start3A_30 : memref<88xi32, #tpu.memory_space<vmem>>) semaphore(%arg17 : memref<!tpu.dma_semaphore, #tpu.memory_space<semaphore_mem>>)
    %dma_start3A_34 = arith.constant 1 : i32
    %dma_start3A_35 = arith.constant 50 : i32
    %dma_start3A_36 = arith.constant 0 : i32
    %dma_start3A_37 = tpu.memref_slice %arg9[%dma_start3A_35, %dma_start3A_36] : memref<100x128xf32, #tpu.memory_space<vmem>> -> memref<50x128xf32, #tpu.memory_space<vmem>>
    %dma_start3A_38 = arith.constant 0 : i32
    %dma_start3A_39 = tpu.memref_slice %arg7[%dma_start3A_34, %dma_start3A_38] : memref<128x50xi32, #tpu.memory_space<vmem>> -> memref<1x50xi32, #tpu.memory_space<vmem>>
    %dma_start3A_40 = tpu.memref_squeeze %dma_start3A_39 : memref<1x50xi32, #tpu.memory_space<vmem>> -> memref<50xi32, #tpu.memory_space<vmem>>
    %dma_start3A_41 = arith.constant 0 : i32
    %dma_start3A_42 = arith.constant 0 : i32
    %dma_start3A_43 = tpu.memref_slice %arg3[%dma_start3A_41, %dma_start3A_42] : memref<100000x128xf32, #tpu.memory_space<hbm>> -> memref<100000x128xf32, #tpu.memory_space<hbm>>
    tpu.enqueue_indirect_dma source(%dma_start3A_43 : memref<100000x128xf32, #tpu.memory_space<hbm>>) target(%dma_start3A_37 : memref<50x128xf32, #tpu.memory_space<vmem>>) offsets(%dma_start3A_40 : memref<50xi32, #tpu.memory_space<vmem>>) semaphore(%arg18 : memref<!tpu.dma_semaphore, #tpu.memory_space<semaphore_mem>>)
    %dma_start3A_44 = arith.constant 1 : i32
    %dma_start3A_45 = arith.constant 0 : i32
    %dma_start3A_46 = arith.constant 176 : i32
    %dma_start3A_47 = arith.constant 0 : i32
    %dma_start3A_48 = tpu.memref_slice %arg10[%dma_start3A_46, %dma_start3A_47] : memref<352x128xf32, #tpu.memory_space<vmem>> -> memref<88x128xf32, #tpu.memory_space<vmem>>
    %dma_start3A_49 = arith.constant 0 : i32
    %dma_start3A_50 = tpu.memref_slice %arg8[%dma_start3A_44, %dma_start3A_45, %dma_start3A_49] : memref<128x2x88xi32, #tpu.memory_space<vmem>> -> memref<1x1x88xi32, #tpu.memory_space<vmem>>
    %dma_start3A_51 = tpu.memref_squeeze %dma_start3A_50 : memref<1x1x88xi32, #tpu.memory_space<vmem>> -> memref<88xi32, #tpu.memory_space<vmem>>
    %dma_start3A_52 = arith.constant 0 : i32
    %dma_start3A_53 = arith.constant 0 : i32
    %dma_start3A_54 = tpu.memref_slice %arg3[%dma_start3A_52, %dma_start3A_53] : memref<100000x128xf32, #tpu.memory_space<hbm>> -> memref<100000x128xf32, #tpu.memory_space<hbm>>
    tpu.enqueue_indirect_dma source(%dma_start3A_54 : memref<100000x128xf32, #tpu.memory_space<hbm>>) target(%dma_start3A_48 : memref<88x128xf32, #tpu.memory_space<vmem>>) offsets(%dma_start3A_51 : memref<88xi32, #tpu.memory_space<vmem>>) semaphore(%arg18 : memref<!tpu.dma_semaphore, #tpu.memory_space<semaphore_mem>>)
    %dma_start3A_55 = arith.constant 1 : i32
    %dma_start3A_56 = arith.constant 1 : i32
    %dma_start3A_57 = arith.constant 264 : i32
    %dma_start3A_58 = arith.constant 0 : i32
    %dma_start3A_59 = tpu.memref_slice %arg10[%dma_start3A_57, %dma_start3A_58] : memref<352x128xf32, #tpu.memory_space<vmem>> -> memref<88x128xf32, #tpu.memory_space<vmem>>
    %dma_start3A_60 = arith.constant 0 : i32
    %dma_start3A_61 = tpu.memref_slice %arg8[%dma_start3A_55, %dma_start3A_56, %dma_start3A_60] : memref<128x2x88xi32, #tpu.memory_space<vmem>> -> memref<1x1x88xi32, #tpu.memory_space<vmem>>
    %dma_start3A_62 = tpu.memref_squeeze %dma_start3A_61 : memref<1x1x88xi32, #tpu.memory_space<vmem>> -> memref<88xi32, #tpu.memory_space<vmem>>
    %dma_start3A_63 = arith.constant 0 : i32
    %dma_start3A_64 = arith.constant 0 : i32
    %dma_start3A_65 = tpu.memref_slice %arg3[%dma_start3A_63, %dma_start3A_64] : memref<100000x128xf32, #tpu.memory_space<hbm>> -> memref<100000x128xf32, #tpu.memory_space<hbm>>
    tpu.enqueue_indirect_dma source(%dma_start3A_65 : memref<100000x128xf32, #tpu.memory_space<hbm>>) target(%dma_start3A_59 : memref<88x128xf32, #tpu.memory_space<vmem>>) offsets(%dma_start3A_62 : memref<88xi32, #tpu.memory_space<vmem>>) semaphore(%arg18 : memref<!tpu.dma_semaphore, #tpu.memory_space<semaphore_mem>>)
    %scan3A = arith.constant 0 : i32
    %scan3A_66 = arith.constant 0 : i32
    %scan3A_67 = arith.constant 64 : i32
    %scan3A_68 = arith.addi %scan3A_66, %scan3A_67 : i32
    %scan3A_69 = arith.constant 1 : i32
    scf.for %scan3A_94 = %scan3A_66 to %scan3A_68 step %scan3A_69  : i32 {
      %mul3A_95 = arith.constant 2 : i32
      %mul3A_96 = arith.muli %mul3A_95, %scan3A_94 : i32
      %add3A_97 = arith.constant 0 : i32
      %add3A_98 = arith.addi %mul3A_96, %add3A_97 : i32
      %add3A_99 = arith.addi %mul3A_2, %add3A_98 : i32
      %dma_wait3A_100 = arith.constant 0 : i32
      %dma_wait3A_101 = arith.constant 0 : i32
      %dma_wait3A_102 = tpu.memref_slice %arg9[%dma_wait3A_100, %dma_wait3A_101] : memref<100x128xf32, #tpu.memory_space<vmem>> -> memref<50x128xf32, #tpu.memory_space<vmem>>
      %dma_wait3A_103 = arith.constant 0 : i32
      %dma_wait3A_104 = tpu.memref_slice %arg7[%add3A_98, %dma_wait3A_103] : memref<128x50xi32, #tpu.memory_space<vmem>> -> memref<1x50xi32, #tpu.memory_space<vmem>>
      %dma_wait3A_105 = tpu.memref_squeeze %dma_wait3A_104 : memref<1x50xi32, #tpu.memory_space<vmem>> -> memref<50xi32, #tpu.memory_space<vmem>>
      %dma_wait3A_106 = arith.constant 0 : i32
      %dma_wait3A_107 = arith.constant 0 : i32
      %dma_wait3A_108 = tpu.memref_slice %arg3[%dma_wait3A_106, %dma_wait3A_107] : memref<100000x128xf32, #tpu.memory_space<hbm>> -> memref<100000x128xf32, #tpu.memory_space<hbm>>
      tpu.wait_indirect_dma semaphore(%arg17 : memref<!tpu.dma_semaphore, #tpu.memory_space<semaphore_mem>>) src(%dma_wait3A_108 : memref<100000x128xf32, #tpu.memory_space<hbm>>) dst(%dma_wait3A_102 : memref<50x128xf32, #tpu.memory_space<vmem>>)
      %dma_wait3A_109 = arith.constant 0 : i32
      %dma_wait3A_110 = arith.constant 0 : i32
      %dma_wait3A_111 = arith.constant 0 : i32
      %dma_wait3A_112 = tpu.memref_slice %arg10[%dma_wait3A_110, %dma_wait3A_111] : memref<352x128xf32, #tpu.memory_space<vmem>> -> memref<88x128xf32, #tpu.memory_space<vmem>>
      %dma_wait3A_113 = arith.constant 0 : i32
      %dma_wait3A_114 = tpu.memref_slice %arg8[%add3A_98, %dma_wait3A_109, %dma_wait3A_113] : memref<128x2x88xi32, #tpu.memory_space<vmem>> -> memref<1x1x88xi32, #tpu.memory_space<vmem>>
      %dma_wait3A_115 = tpu.memref_squeeze %dma_wait3A_114 : memref<1x1x88xi32, #tpu.memory_space<vmem>> -> memref<88xi32, #tpu.memory_space<vmem>>
      %dma_wait3A_116 = arith.constant 0 : i32
      %dma_wait3A_117 = arith.constant 0 : i32
      %dma_wait3A_118 = tpu.memref_slice %arg3[%dma_wait3A_116, %dma_wait3A_117] : memref<100000x128xf32, #tpu.memory_space<hbm>> -> memref<100000x128xf32, #tpu.memory_space<hbm>>
      tpu.wait_indirect_dma semaphore(%arg17 : memref<!tpu.dma_semaphore, #tpu.memory_space<semaphore_mem>>) src(%dma_wait3A_118 : memref<100000x128xf32, #tpu.memory_space<hbm>>) dst(%dma_wait3A_112 : memref<88x128xf32, #tpu.memory_space<vmem>>)
      %dma_wait3A_119 = arith.constant 1 : i32
      %dma_wait3A_120 = arith.constant 88 : i32
      %dma_wait3A_121 = arith.constant 0 : i32
      %dma_wait3A_122 = tpu.memref_slice %arg10[%dma_wait3A_120, %dma_wait3A_121] : memref<352x128xf32, #tpu.memory_space<vmem>> -> memref<88x128xf32, #tpu.memory_space<vmem>>
      %dma_wait3A_123 = arith.constant 0 : i32
      %dma_wait3A_124 = tpu.memref_slice %arg8[%add3A_98, %dma_wait3A_119, %dma_wait3A_123] : memref<128x2x88xi32, #tpu.memory_space<vmem>> -> memref<1x1x88xi32, #tpu.memory_space<vmem>>
      %dma_wait3A_125 = tpu.memref_squeeze %dma_wait3A_124 : memref<1x1x88xi32, #tpu.memory_space<vmem>> -> memref<88xi32, #tpu.memory_space<vmem>>
      %dma_wait3A_126 = arith.constant 0 : i32
      %dma_wait3A_127 = arith.constant 0 : i32
      %dma_wait3A_128 = tpu.memref_slice %arg3[%dma_wait3A_126, %dma_wait3A_127] : memref<100000x128xf32, #tpu.memory_space<hbm>> -> memref<100000x128xf32, #tpu.memory_space<hbm>>
      tpu.wait_indirect_dma semaphore(%arg17 : memref<!tpu.dma_semaphore, #tpu.memory_space<semaphore_mem>>) src(%dma_wait3A_128 : memref<100000x128xf32, #tpu.memory_space<hbm>>) dst(%dma_wait3A_122 : memref<88x128xf32, #tpu.memory_space<vmem>>)
      %parallel_loop3A = arith.constant 0 : i32
      %parallel_loop3A_129 = arith.constant 44 : i32
      %parallel_loop3A_130 = arith.constant 1 : i32
      scf.for %parallel_loop3A_214 = %parallel_loop3A to %parallel_loop3A_129 step %parallel_loop3A_130  : i32 {
        %parallel_loop3A_215 = arith.constant 2 : i32
        %parallel_loop3A_216 = arith.addi %parallel_loop3A_214, %parallel_loop3A_215 : i32
        %parallel_loop3A_217 = arith.constant 0 : i32
        %parallel_loop3A_218 = arith.addi %parallel_loop3A_216, %parallel_loop3A_217 : i32
        %parallel_loop3A_219 = arith.index_cast %parallel_loop3A_218 : i32 to index
        %parallel_loop3A_220 = arith.constant 0 : index
        %parallel_loop3A_221 = tpu.vector_load %arg9[%parallel_loop3A_219, %parallel_loop3A_220] {strides = array<i32>} : memref<100x128xf32, #tpu.memory_space<vmem>>, vector<16xf32>,
        %parallel_loop3A_222 = arith.index_cast %parallel_loop3A_218 : i32 to index
        %parallel_loop3A_223 = arith.constant 16 : index
        %parallel_loop3A_224 = tpu.vector_load %arg9[%parallel_loop3A_222, %parallel_loop3A_223] {strides = array<i32>} : memref<100x128xf32, #tpu.memory_space<vmem>>, vector<16xf32>,
        %parallel_loop3A_225 = arith.index_cast %parallel_loop3A_218 : i32 to index
        %parallel_loop3A_226 = arith.constant 32 : index
        %parallel_loop3A_227 = tpu.vector_load %arg9[%parallel_loop3A_225, %parallel_loop3A_226] {strides = array<i32>} : memref<100x128xf32, #tpu.memory_space<vmem>>, vector<16xf32>,
        %parallel_loop3A_228 = arith.index_cast %parallel_loop3A_218 : i32 to index
        %parallel_loop3A_229 = arith.constant 48 : index
        %parallel_loop3A_230 = tpu.vector_load %arg9[%parallel_loop3A_228, %parallel_loop3A_229] {strides = array<i32>} : memref<100x128xf32, #tpu.memory_space<vmem>>, vector<16xf32>,
        %parallel_loop3A_231 = arith.index_cast %parallel_loop3A_218 : i32 to index
        %parallel_loop3A_232 = arith.constant 64 : index
        %parallel_loop3A_233 = tpu.vector_load %arg9[%parallel_loop3A_231, %parallel_loop3A_232] {strides = array<i32>} : memref<100x128xf32, #tpu.memory_space<vmem>>, vector<16xf32>,
        %parallel_loop3A_234 = arith.index_cast %parallel_loop3A_218 : i32 to index
        %parallel_loop3A_235 = arith.constant 80 : index
        %parallel_loop3A_236 = tpu.vector_load %arg9[%parallel_loop3A_234, %parallel_loop3A_235] {strides = array<i32>} : memref<100x128xf32, #tpu.memory_space<vmem>>, vector<16xf32>,
        %parallel_loop3A_237 = arith.index_cast %parallel_loop3A_218 : i32 to index
        %parallel_loop3A_238 = arith.constant 96 : index
        %parallel_loop3A_239 = tpu.vector_load %arg9[%parallel_loop3A_237, %parallel_loop3A_238] {strides = array<i32>} : memref<100x128xf32, #tpu.memory_space<vmem>>, vector<16xf32>,
        %parallel_loop3A_240 = arith.index_cast %parallel_loop3A_218 : i32 to index
        %parallel_loop3A_241 = arith.constant 112 : index
        %parallel_loop3A_242 = tpu.vector_load %arg9[%parallel_loop3A_240, %parallel_loop3A_241] {strides = array<i32>} : memref<100x128xf32, #tpu.memory_space<vmem>>, vector<16xf32>,
        %parallel_loop3A_243 = arith.constant 0 : i32
        %parallel_loop3A_244 = arith.addi %parallel_loop3A_214, %parallel_loop3A_243 : i32
        %parallel_loop3A_245 = arith.constant 0 : i32
        %parallel_loop3A_246 = arith.addi %parallel_loop3A_244, %parallel_loop3A_245 : i32
        %parallel_loop3A_247 = arith.constant 4 : i32
        %parallel_loop3A_248 = arith.muli %parallel_loop3A_214, %parallel_loop3A_247 : i32
        %parallel_loop3A_249 = arith.constant 0 : i32
        %parallel_loop3A_250 = arith.addi %parallel_loop3A_248, %parallel_loop3A_249 : i32
        %parallel_loop3A_251 = arith.constant 0 : i32
        %parallel_loop3A_252 = arith.addi %parallel_loop3A_250, %parallel_loop3A_251 : i32
        %parallel_loop3A_253 = arith.index_cast %parallel_loop3A_246 : i32 to index
        %parallel_loop3A_254 = arith.constant 0 : index
        %parallel_loop3A_255 = tpu.vector_load %arg9[%parallel_loop3A_253, %parallel_loop3A_254] {strides = array<i32>} : memref<100x128xf32, #tpu.memory_space<vmem>>, vector<16xf32>,
        %parallel_loop3A_256 = arith.mulf %parallel_loop3A_221, %parallel_loop3A_255 : vector<16xf32>
        %parallel_loop3A_257 = arith.index_cast %parallel_loop3A_246 : i32 to index
        %parallel_loop3A_258 = arith.constant 16 : index
        %parallel_loop3A_259 = tpu.vector_load %arg9[%parallel_loop3A_257, %parallel_loop3A_258] {strides = array<i32>} : memref<100x128xf32, #tpu.memory_space<vmem>>, vector<16xf32>,
        %parallel_loop3A_260 = arith.mulf %parallel_loop3A_224, %parallel_loop3A_259 : vector<16xf32>
        %parallel_loop3A_261 = arith.addf %parallel_loop3A_256, %parallel_loop3A_260 : vector<16xf32>
        %parallel_loop3A_262 = arith.index_cast %parallel_loop3A_246 : i32 to index
        %parallel_loop3A_263 = arith.constant 32 : index
        %parallel_loop3A_264 = tpu.vector_load %arg9[%parallel_loop3A_262, %parallel_loop3A_263] {strides = array<i32>} : memref<100x128xf32, #tpu.memory_space<vmem>>, vector<16xf32>,
        %parallel_loop3A_265 = arith.mulf %parallel_loop3A_227, %parallel_loop3A_264 : vector<16xf32>
        %parallel_loop3A_266 = arith.addf %parallel_loop3A_261, %parallel_loop3A_265 : vector<16xf32>
        %parallel_loop3A_267 = arith.index_cast %parallel_loop3A_246 : i32 to index
        %parallel_loop3A_268 = arith.constant 48 : index
        %parallel_loop3A_269 = tpu.vector_load %arg9[%parallel_loop3A_267, %parallel_loop3A_268] {strides = array<i32>} : memref<100x128xf32, #tpu.memory_space<vmem>>, vector<16xf32>,
        %parallel_loop3A_270 = arith.mulf %parallel_loop3A_230, %parallel_loop3A_269 : vector<16xf32>
        %parallel_loop3A_271 = arith.addf %parallel_loop3A_266, %parallel_loop3A_270 : vector<16xf32>
        %parallel_loop3A_272 = arith.index_cast %parallel_loop3A_246 : i32 to index
        %parallel_loop3A_273 = arith.constant 64 : index
        %parallel_loop3A_274 = tpu.vector_load %arg9[%parallel_loop3A_272, %parallel_loop3A_273] {strides = array<i32>} : memref<100x128xf32, #tpu.memory_space<vmem>>, vector<16xf32>,
        %parallel_loop3A_275 = arith.mulf %parallel_loop3A_233, %parallel_loop3A_274 : vector<16xf32>
        %parallel_loop3A_276 = arith.addf %parallel_loop3A_271, %parallel_loop3A_275 : vector<16xf32>
        %parallel_loop3A_277 = arith.index_cast %parallel_loop3A_246 : i32 to index
        %parallel_loop3A_278 = arith.constant 80 : index
        %parallel_loop3A_279 = tpu.vector_load %arg9[%parallel_loop3A_277, %parallel_loop3A_278] {strides = array<i32>} : memref<100x128xf32, #tpu.memory_space<vmem>>, vector<16xf32>,
        %parallel_loop3A_280 = arith.mulf %parallel_loop3A_236, %parallel_loop3A_279 : vector<16xf32>
        %parallel_loop3A_281 = arith.addf %parallel_loop3A_276, %parallel_loop3A_280 : vector<16xf32>
        %parallel_loop3A_282 = arith.index_cast %parallel_loop3A_246 : i32 to index
        %parallel_loop3A_283 = arith.constant 96 : index
        %parallel_loop3A_284 = tpu.vector_load %arg9[%parallel_loop3A_282, %parallel_loop3A_283] {strides = array<i32>} : memref<100x128xf32, #tpu.memory_space<vmem>>, vector<16xf32>,
        %parallel_loop3A_285 = arith.mulf %parallel_loop3A_239, %parallel_loop3A_284 : vector<16xf32>
        %parallel_loop3A_286 = arith.addf %parallel_loop3A_281, %parallel_loop3A_285 : vector<16xf32>
        %parallel_loop3A_287 = arith.index_cast %parallel_loop3A_246 : i32 to index
        %parallel_loop3A_288 = arith.constant 112 : index
        %parallel_loop3A_289 = tpu.vector_load %arg9[%parallel_loop3A_287, %parallel_loop3A_288] {strides = array<i32>} : memref<100x128xf32, #tpu.memory_space<vmem>>, vector<16xf32>,
        %parallel_loop3A_290 = arith.mulf %parallel_loop3A_242, %parallel_loop3A_289 : vector<16xf32>
        %parallel_loop3A_291 = arith.addf %parallel_loop3A_286, %parallel_loop3A_290 : vector<16xf32>
        %parallel_loop3A_292 = arith.constant 16 : i32
        %parallel_loop3A_293 = arith.muli %parallel_loop3A_250, %parallel_loop3A_292 : i32
        %parallel_loop3A_294 = arith.index_cast %parallel_loop3A_293 : i32 to index
        %parallel_loop3A_295 = tpu.vector_load %arg11[%parallel_loop3A_294] {strides = array<i32>} : memref<2816xf32, #tpu.memory_space<vmem>>, vector<16xf32>,
        tpu.vector_store %arg11[%parallel_loop3A_294], %parallel_loop3A_291 {strides = array<i32>} : memref<2816xf32, #tpu.memory_space<vmem>>, vector<16xf32>,
        %parallel_loop3A_296 = arith.index_cast %parallel_loop3A_252 : i32 to index
        %parallel_loop3A_297 = arith.constant 0 : index
        %parallel_loop3A_298 = tpu.vector_load %arg10[%parallel_loop3A_296, %parallel_loop3A_297] {strides = array<i32>} : memref<352x128xf32, #tpu.memory_space<vmem>>, vector<16xf32>,
        %parallel_loop3A_299 = arith.mulf %parallel_loop3A_221, %parallel_loop3A_298 : vector<16xf32>
        %parallel_loop3A_300 = arith.index_cast %parallel_loop3A_252 : i32 to index
        %parallel_loop3A_301 = arith.constant 16 : index
        %parallel_loop3A_302 = tpu.vector_load %arg10[%parallel_loop3A_300, %parallel_loop3A_301] {strides = array<i32>} : memref<352x128xf32, #tpu.memory_space<vmem>>, vector<16xf32>,
        %parallel_loop3A_303 = arith.mulf %parallel_loop3A_224, %parallel_loop3A_302 : vector<16xf32>
        %parallel_loop3A_304 = arith.addf %parallel_loop3A_299, %parallel_loop3A_303 : vector<16xf32>
        %parallel_loop3A_305 = arith.index_cast %parallel_loop3A_252 : i32 to index
        %parallel_loop3A_306 = arith.constant 32 : index
        %parallel_loop3A_307 = tpu.vector_load %arg10[%parallel_loop3A_305, %parallel_loop3A_306] {strides = array<i32>} : memref<352x128xf32, #tpu.memory_space<vmem>>, vector<16xf32>,
        %parallel_loop3A_308 = arith.mulf %parallel_loop3A_227, %parallel_loop3A_307 : vector<16xf32>
        %parallel_loop3A_309 = arith.addf %parallel_loop3A_304, %parallel_loop3A_308 : vector<16xf32>
        %parallel_loop3A_310 = arith.index_cast %parallel_loop3A_252 : i32 to index
        %parallel_loop3A_311 = arith.constant 48 : index
        %parallel_loop3A_312 = tpu.vector_load %arg10[%parallel_loop3A_310, %parallel_loop3A_311] {strides = array<i32>} : memref<352x128xf32, #tpu.memory_space<vmem>>, vector<16xf32>,
        %parallel_loop3A_313 = arith.mulf %parallel_loop3A_230, %parallel_loop3A_312 : vector<16xf32>
        %parallel_loop3A_314 = arith.addf %parallel_loop3A_309, %parallel_loop3A_313 : vector<16xf32>
        %parallel_loop3A_315 = arith.index_cast %parallel_loop3A_252 : i32 to index
        %parallel_loop3A_316 = arith.constant 64 : index
        %parallel_loop3A_317 = tpu.vector_load %arg10[%parallel_loop3A_315, %parallel_loop3A_316] {strides = array<i32>} : memref<352x128xf32, #tpu.memory_space<vmem>>, vector<16xf32>,
        %parallel_loop3A_318 = arith.mulf %parallel_loop3A_233, %parallel_loop3A_317 : vector<16xf32>
        %parallel_loop3A_319 = arith.addf %parallel_loop3A_314, %parallel_loop3A_318 : vector<16xf32>
        %parallel_loop3A_320 = arith.index_cast %parallel_loop3A_252 : i32 to index
        %parallel_loop3A_321 = arith.constant 80 : index
        %parallel_loop3A_322 = tpu.vector_load %arg10[%parallel_loop3A_320, %parallel_loop3A_321] {strides = array<i32>} : memref<352x128xf32, #tpu.memory_space<vmem>>, vector<16xf32>,
        %parallel_loop3A_323 = arith.mulf %parallel_loop3A_236, %parallel_loop3A_322 : vector<16xf32>
        %parallel_loop3A_324 = arith.addf %parallel_loop3A_319, %parallel_loop3A_323 : vector<16xf32>
        %parallel_loop3A_325 = arith.index_cast %parallel_loop3A_252 : i32 to index
        %parallel_loop3A_326 = arith.constant 96 : index
        %parallel_loop3A_327 = tpu.vector_load %arg10[%parallel_loop3A_325, %parallel_loop3A_326] {strides = array<i32>} : memref<352x128xf32, #tpu.memory_space<vmem>>, vector<16xf32>,
        %parallel_loop3A_328 = arith.mulf %parallel_loop3A_239, %parallel_loop3A_327 : vector<16xf32>
        %parallel_loop3A_329 = arith.addf %parallel_loop3A_324, %parallel_loop3A_328 : vector<16xf32>
        %parallel_loop3A_330 = arith.index_cast %parallel_loop3A_252 : i32 to index
        %parallel_loop3A_331 = arith.constant 112 : index
        %parallel_loop3A_332 = tpu.vector_load %arg10[%parallel_loop3A_330, %parallel_loop3A_331] {strides = array<i32>} : memref<352x128xf32, #tpu.memory_space<vmem>>, vector<16xf32>,
        %parallel_loop3A_333 = arith.mulf %parallel_loop3A_242, %parallel_loop3A_332 : vector<16xf32>
        %parallel_loop3A_334 = arith.addf %parallel_loop3A_329, %parallel_loop3A_333 : vector<16xf32>
        %parallel_loop3A_335 = arith.constant 16 : i32
        %parallel_loop3A_336 = arith.muli %parallel_loop3A_250, %parallel_loop3A_335 : i32
        %parallel_loop3A_337 = arith.index_cast %parallel_loop3A_336 : i32 to index
        %parallel_loop3A_338 = tpu.vector_load %arg12[%parallel_loop3A_337] {strides = array<i32>} : memref<2816xf32, #tpu.memory_space<vmem>>, vector<16xf32>,
        tpu.vector_store %arg12[%parallel_loop3A_337], %parallel_loop3A_334 {strides = array<i32>} : memref<2816xf32, #tpu.memory_space<vmem>>, vector<16xf32>,
        %parallel_loop3A_339 = arith.constant 1 : i32
        %parallel_loop3A_340 = arith.addi %parallel_loop3A_214, %parallel_loop3A_339 : i32
        %parallel_loop3A_341 = arith.constant 0 : i32
        %parallel_loop3A_342 = arith.addi %parallel_loop3A_340, %parallel_loop3A_341 : i32
        %parallel_loop3A_343 = arith.constant 4 : i32
        %parallel_loop3A_344 = arith.muli %parallel_loop3A_214, %parallel_loop3A_343 : i32
        %parallel_loop3A_345 = arith.constant 1 : i32
        %parallel_loop3A_346 = arith.addi %parallel_loop3A_344, %parallel_loop3A_345 : i32
        %parallel_loop3A_347 = arith.constant 0 : i32
        %parallel_loop3A_348 = arith.addi %parallel_loop3A_346, %parallel_loop3A_347 : i32
        %parallel_loop3A_349 = arith.index_cast %parallel_loop3A_342 : i32 to index
        %parallel_loop3A_350 = arith.constant 0 : index
        %parallel_loop3A_351 = tpu.vector_load %arg9[%parallel_loop3A_349, %parallel_loop3A_350] {strides = array<i32>} : memref<100x128xf32, #tpu.memory_space<vmem>>, vector<16xf32>,
        %parallel_loop3A_352 = arith.mulf %parallel_loop3A_221, %parallel_loop3A_351 : vector<16xf32>
        %parallel_loop3A_353 = arith.index_cast %parallel_loop3A_342 : i32 to index
        %parallel_loop3A_354 = arith.constant 16 : index
        %parallel_loop3A_355 = tpu.vector_load %arg9[%parallel_loop3A_353, %parallel_loop3A_354] {strides = array<i32>} : memref<100x128xf32, #tpu.memory_space<vmem>>, vector<16xf32>,
        %parallel_loop3A_356 = arith.mulf %parallel_loop3A_224, %parallel_loop3A_355 : vector<16xf32>
        %parallel_loop3A_357 = arith.addf %parallel_loop3A_352, %parallel_loop3A_356 : vector<16xf32>
        %parallel_loop3A_358 = arith.index_cast %parallel_loop3A_342 : i32 to index
        %parallel_loop3A_359 = arith.constant 32 : index
        %parallel_loop3A_360 = tpu.vector_load %arg9[%parallel_loop3A_358, %parallel_loop3A_359] {strides = array<i32>} : memref<100x128xf32, #tpu.memory_space<vmem>>, vector<16xf32>,
        %parallel_loop3A_361 = arith.mulf %parallel_loop3A_227, %parallel_loop3A_360 : vector<16xf32>
        %parallel_loop3A_362 = arith.addf %parallel_loop3A_357, %parallel_loop3A_361 : vector<16xf32>
        %parallel_loop3A_363 = arith.index_cast %parallel_loop3A_342 : i32 to index
        %parallel_loop3A_364 = arith.constant 48 : index
        %parallel_loop3A_365 = tpu.vector_load %arg9[%parallel_loop3A_363, %parallel_loop3A_364] {strides = array<i32>} : memref<100x128xf32, #tpu.memory_space<vmem>>, vector<16xf32>,
        %parallel_loop3A_366 = arith.mulf %parallel_loop3A_230, %parallel_loop3A_365 : vector<16xf32>
        %parallel_loop3A_367 = arith.addf %parallel_loop3A_362, %parallel_loop3A_366 : vector<16xf32>
        %parallel_loop3A_368 = arith.index_cast %parallel_loop3A_342 : i32 to index
        %parallel_loop3A_369 = arith.constant 64 : index
        %parallel_loop3A_370 = tpu.vector_load %arg9[%parallel_loop3A_368, %parallel_loop3A_369] {strides = array<i32>} : memref<100x128xf32, #tpu.memory_space<vmem>>, vector<16xf32>,
        %parallel_loop3A_371 = arith.mulf %parallel_loop3A_233, %parallel_loop3A_370 : vector<16xf32>
        %parallel_loop3A_372 = arith.addf %parallel_loop3A_367, %parallel_loop3A_371 : vector<16xf32>
        %parallel_loop3A_373 = arith.index_cast %parallel_loop3A_342 : i32 to index
        %parallel_loop3A_374 = arith.constant 80 : index
        %parallel_loop3A_375 = tpu.vector_load %arg9[%parallel_loop3A_373, %parallel_loop3A_374] {strides = array<i32>} : memref<100x128xf32, #tpu.memory_space<vmem>>, vector<16xf32>,
        %parallel_loop3A_376 = arith.mulf %parallel_loop3A_236, %parallel_loop3A_375 : vector<16xf32>
        %parallel_loop3A_377 = arith.addf %parallel_loop3A_372, %parallel_loop3A_376 : vector<16xf32>
        %parallel_loop3A_378 = arith.index_cast %parallel_loop3A_342 : i32 to index
        %parallel_loop3A_379 = arith.constant 96 : index
        %parallel_loop3A_380 = tpu.vector_load %arg9[%parallel_loop3A_378, %parallel_loop3A_379] {strides = array<i32>} : memref<100x128xf32, #tpu.memory_space<vmem>>, vector<16xf32>,
        %parallel_loop3A_381 = arith.mulf %parallel_loop3A_239, %parallel_loop3A_380 : vector<16xf32>
        %parallel_loop3A_382 = arith.addf %parallel_loop3A_377, %parallel_loop3A_381 : vector<16xf32>
        %parallel_loop3A_383 = arith.index_cast %parallel_loop3A_342 : i32 to index
        %parallel_loop3A_384 = arith.constant 112 : index
        %parallel_loop3A_385 = tpu.vector_load %arg9[%parallel_loop3A_383, %parallel_loop3A_384] {strides = array<i32>} : memref<100x128xf32, #tpu.memory_space<vmem>>, vector<16xf32>,
        %parallel_loop3A_386 = arith.mulf %parallel_loop3A_242, %parallel_loop3A_385 : vector<16xf32>
        %parallel_loop3A_387 = arith.addf %parallel_loop3A_382, %parallel_loop3A_386 : vector<16xf32>
        %parallel_loop3A_388 = arith.constant 16 : i32
        %parallel_loop3A_389 = arith.muli %parallel_loop3A_346, %parallel_loop3A_388 : i32
        %parallel_loop3A_390 = arith.index_cast %parallel_loop3A_389 : i32 to index
        %parallel_loop3A_391 = tpu.vector_load %arg11[%parallel_loop3A_390] {strides = array<i32>} : memref<2816xf32, #tpu.memory_space<vmem>>, vector<16xf32>,
        tpu.vector_store %arg11[%parallel_loop3A_390], %parallel_loop3A_387 {strides = array<i32>} : memref<2816xf32, #tpu.memory_space<vmem>>, vector<16xf32>,
        %parallel_loop3A_392 = arith.index_cast %parallel_loop3A_348 : i32 to index
        %parallel_loop3A_393 = arith.constant 0 : index
        %parallel_loop3A_394 = tpu.vector_load %arg10[%parallel_loop3A_392, %parallel_loop3A_393] {strides = array<i32>} : memref<352x128xf32, #tpu.memory_space<vmem>>, vector<16xf32>,
        %parallel_loop3A_395 = arith.mulf %parallel_loop3A_221, %parallel_loop3A_394 : vector<16xf32>
        %parallel_loop3A_396 = arith.index_cast %parallel_loop3A_348 : i32 to index
        %parallel_loop3A_397 = arith.constant 16 : index
        %parallel_loop3A_398 = tpu.vector_load %arg10[%parallel_loop3A_396, %parallel_loop3A_397] {strides = array<i32>} : memref<352x128xf32, #tpu.memory_space<vmem>>, vector<16xf32>,
        %parallel_loop3A_399 = arith.mulf %parallel_loop3A_224, %parallel_loop3A_398 : vector<16xf32>
        %parallel_loop3A_400 = arith.addf %parallel_loop3A_395, %parallel_loop3A_399 : vector<16xf32>
        %parallel_loop3A_401 = arith.index_cast %parallel_loop3A_348 : i32 to index
        %parallel_loop3A_402 = arith.constant 32 : index
        %parallel_loop3A_403 = tpu.vector_load %arg10[%parallel_loop3A_401, %parallel_loop3A_402] {strides = array<i32>} : memref<352x128xf32, #tpu.memory_space<vmem>>, vector<16xf32>,
        %parallel_loop3A_404 = arith.mulf %parallel_loop3A_227, %parallel_loop3A_403 : vector<16xf32>
        %parallel_loop3A_405 = arith.addf %parallel_loop3A_400, %parallel_loop3A_404 : vector<16xf32>
        %parallel_loop3A_406 = arith.index_cast %parallel_loop3A_348 : i32 to index
        %parallel_loop3A_407 = arith.constant 48 : index
        %parallel_loop3A_408 = tpu.vector_load %arg10[%parallel_loop3A_406, %parallel_loop3A_407] {strides = array<i32>} : memref<352x128xf32, #tpu.memory_space<vmem>>, vector<16xf32>,
        %parallel_loop3A_409 = arith.mulf %parallel_loop3A_230, %parallel_loop3A_408 : vector<16xf32>
        %parallel_loop3A_410 = arith.addf %parallel_loop3A_405, %parallel_loop3A_409 : vector<16xf32>
        %parallel_loop3A_411 = arith.index_cast %parallel_loop3A_348 : i32 to index
        %parallel_loop3A_412 = arith.constant 64 : index
        %parallel_loop3A_413 = tpu.vector_load %arg10[%parallel_loop3A_411, %parallel_loop3A_412] {strides = array<i32>} : memref<352x128xf32, #tpu.memory_space<vmem>>, vector<16xf32>,
        %parallel_loop3A_414 = arith.mulf %parallel_loop3A_233, %parallel_loop3A_413 : vector<16xf32>
        %parallel_loop3A_415 = arith.addf %parallel_loop3A_410, %parallel_loop3A_414 : vector<16xf32>
        %parallel_loop3A_416 = arith.index_cast %parallel_loop3A_348 : i32 to index
        %parallel_loop3A_417 = arith.constant 80 : index
        %parallel_loop3A_418 = tpu.vector_load %arg10[%parallel_loop3A_416, %parallel_loop3A_417] {strides = array<i32>} : memref<352x128xf32, #tpu.memory_space<vmem>>, vector<16xf32>,
        %parallel_loop3A_419 = arith.mulf %parallel_loop3A_236, %parallel_loop3A_418 : vector<16xf32>
        %parallel_loop3A_420 = arith.addf %parallel_loop3A_415, %parallel_loop3A_419 : vector<16xf32>
        %parallel_loop3A_421 = arith.index_cast %parallel_loop3A_348 : i32 to index
        %parallel_loop3A_422 = arith.constant 96 : index
        %parallel_loop3A_423 = tpu.vector_load %arg10[%parallel_loop3A_421, %parallel_loop3A_422] {strides = array<i32>} : memref<352x128xf32, #tpu.memory_space<vmem>>, vector<16xf32>,
        %parallel_loop3A_424 = arith.mulf %parallel_loop3A_239, %parallel_loop3A_423 : vector<16xf32>
        %parallel_loop3A_425 = arith.addf %parallel_loop3A_420, %parallel_loop3A_424 : vector<16xf32>
        %parallel_loop3A_426 = arith.index_cast %parallel_loop3A_348 : i32 to index
        %parallel_loop3A_427 = arith.constant 112 : index
        %parallel_loop3A_428 = tpu.vector_load %arg10[%parallel_loop3A_426, %parallel_loop3A_427] {strides = array<i32>} : memref<352x128xf32, #tpu.memory_space<vmem>>, vector<16xf32>,
        %parallel_loop3A_429 = arith.mulf %parallel_loop3A_242, %parallel_loop3A_428 : vector<16xf32>
        %parallel_loop3A_430 = arith.addf %parallel_loop3A_425, %parallel_loop3A_429 : vector<16xf32>
        %parallel_loop3A_431 = arith.constant 16 : i32
        %parallel_loop3A_432 = arith.muli %parallel_loop3A_346, %parallel_loop3A_431 : i32
        %parallel_loop3A_433 = arith.index_cast %parallel_loop3A_432 : i32 to index
        %parallel_loop3A_434 = tpu.vector_load %arg12[%parallel_loop3A_433] {strides = array<i32>} : memref<2816xf32, #tpu.memory_space<vmem>>, vector<16xf32>,
        tpu.vector_store %arg12[%parallel_loop3A_433], %parallel_loop3A_430 {strides = array<i32>} : memref<2816xf32, #tpu.memory_space<vmem>>, vector<16xf32>,
        %parallel_loop3A_435 = arith.constant 3 : i32
        %parallel_loop3A_436 = arith.addi %parallel_loop3A_214, %parallel_loop3A_435 : i32
        %parallel_loop3A_437 = arith.constant 0 : i32
        %parallel_loop3A_438 = arith.addi %parallel_loop3A_436, %parallel_loop3A_437 : i32
        %parallel_loop3A_439 = arith.constant 4 : i32
        %parallel_loop3A_440 = arith.muli %parallel_loop3A_214, %parallel_loop3A_439 : i32
        %parallel_loop3A_441 = arith.constant 2 : i32
        %parallel_loop3A_442 = arith.addi %parallel_loop3A_440, %parallel_loop3A_441 : i32
        %parallel_loop3A_443 = arith.constant 0 : i32
        %parallel_loop3A_444 = arith.addi %parallel_loop3A_442, %parallel_loop3A_443 : i32
        %parallel_loop3A_445 = arith.index_cast %parallel_loop3A_438 : i32 to index
        %parallel_loop3A_446 = arith.constant 0 : index
        %parallel_loop3A_447 = tpu.vector_load %arg9[%parallel_loop3A_445, %parallel_loop3A_446] {strides = array<i32>} : memref<100x128xf32, #tpu.memory_space<vmem>>, vector<16xf32>,
        %parallel_loop3A_448 = arith.mulf %parallel_loop3A_221, %parallel_loop3A_447 : vector<16xf32>
        %parallel_loop3A_449 = arith.index_cast %parallel_loop3A_438 : i32 to index
        %parallel_loop3A_450 = arith.constant 16 : index
        %parallel_loop3A_451 = tpu.vector_load %arg9[%parallel_loop3A_449, %parallel_loop3A_450] {strides = array<i32>} : memref<100x128xf32, #tpu.memory_space<vmem>>, vector<16xf32>,
        %parallel_loop3A_452 = arith.mulf %parallel_loop3A_224, %parallel_loop3A_451 : vector<16xf32>
        %parallel_loop3A_453 = arith.addf %parallel_loop3A_448, %parallel_loop3A_452 : vector<16xf32>
        %parallel_loop3A_454 = arith.index_cast %parallel_loop3A_438 : i32 to index
        %parallel_loop3A_455 = arith.constant 32 : index
        %parallel_loop3A_456 = tpu.vector_load %arg9[%parallel_loop3A_454, %parallel_loop3A_455] {strides = array<i32>} : memref<100x128xf32, #tpu.memory_space<vmem>>, vector<16xf32>,
        %parallel_loop3A_457 = arith.mulf %parallel_loop3A_227, %parallel_loop3A_456 : vector<16xf32>
        %parallel_loop3A_458 = arith.addf %parallel_loop3A_453, %parallel_loop3A_457 : vector<16xf32>
        %parallel_loop3A_459 = arith.index_cast %parallel_loop3A_438 : i32 to index
        %parallel_loop3A_460 = arith.constant 48 : index
        %parallel_loop3A_461 = tpu.vector_load %arg9[%parallel_loop3A_459, %parallel_loop3A_460] {strides = array<i32>} : memref<100x128xf32, #tpu.memory_space<vmem>>, vector<16xf32>,
        %parallel_loop3A_462 = arith.mulf %parallel_loop3A_230, %parallel_loop3A_461 : vector<16xf32>
        %parallel_loop3A_463 = arith.addf %parallel_loop3A_458, %parallel_loop3A_462 : vector<16xf32>
        %parallel_loop3A_464 = arith.index_cast %parallel_loop3A_438 : i32 to index
        %parallel_loop3A_465 = arith.constant 64 : index
        %parallel_loop3A_466 = tpu.vector_load %arg9[%parallel_loop3A_464, %parallel_loop3A_465] {strides = array<i32>} : memref<100x128xf32, #tpu.memory_space<vmem>>, vector<16xf32>,
        %parallel_loop3A_467 = arith.mulf %parallel_loop3A_233, %parallel_loop3A_466 : vector<16xf32>
        %parallel_loop3A_468 = arith.addf %parallel_loop3A_463, %parallel_loop3A_467 : vector<16xf32>
        %parallel_loop3A_469 = arith.index_cast %parallel_loop3A_438 : i32 to index
        %parallel_loop3A_470 = arith.constant 80 : index
        %parallel_loop3A_471 = tpu.vector_load %arg9[%parallel_loop3A_469, %parallel_loop3A_470] {strides = array<i32>} : memref<100x128xf32, #tpu.memory_space<vmem>>, vector<16xf32>,
        %parallel_loop3A_472 = arith.mulf %parallel_loop3A_236, %parallel_loop3A_471 : vector<16xf32>
        %parallel_loop3A_473 = arith.addf %parallel_loop3A_468, %parallel_loop3A_472 : vector<16xf32>
        %parallel_loop3A_474 = arith.index_cast %parallel_loop3A_438 : i32 to index
        %parallel_loop3A_475 = arith.constant 96 : index
        %parallel_loop3A_476 = tpu.vector_load %arg9[%parallel_loop3A_474, %parallel_loop3A_475] {strides = array<i32>} : memref<100x128xf32, #tpu.memory_space<vmem>>, vector<16xf32>,
        %parallel_loop3A_477 = arith.mulf %parallel_loop3A_239, %parallel_loop3A_476 : vector<16xf32>
        %parallel_loop3A_478 = arith.addf %parallel_loop3A_473, %parallel_loop3A_477 : vector<16xf32>
        %parallel_loop3A_479 = arith.index_cast %parallel_loop3A_438 : i32 to index
        %parallel_loop3A_480 = arith.constant 112 : index
        %parallel_loop3A_481 = tpu.vector_load %arg9[%parallel_loop3A_479, %parallel_loop3A_480] {strides = array<i32>} : memref<100x128xf32, #tpu.memory_space<vmem>>, vector<16xf32>,
        %parallel_loop3A_482 = arith.mulf %parallel_loop3A_242, %parallel_loop3A_481 : vector<16xf32>
        %parallel_loop3A_483 = arith.addf %parallel_loop3A_478, %parallel_loop3A_482 : vector<16xf32>
        %parallel_loop3A_484 = arith.constant 16 : i32
        %parallel_loop3A_485 = arith.muli %parallel_loop3A_442, %parallel_loop3A_484 : i32
        %parallel_loop3A_486 = arith.index_cast %parallel_loop3A_485 : i32 to index
        %parallel_loop3A_487 = tpu.vector_load %arg11[%parallel_loop3A_486] {strides = array<i32>} : memref<2816xf32, #tpu.memory_space<vmem>>, vector<16xf32>,
        tpu.vector_store %arg11[%parallel_loop3A_486], %parallel_loop3A_483 {strides = array<i32>} : memref<2816xf32, #tpu.memory_space<vmem>>, vector<16xf32>,
        %parallel_loop3A_488 = arith.index_cast %parallel_loop3A_444 : i32 to index
        %parallel_loop3A_489 = arith.constant 0 : index
        %parallel_loop3A_490 = tpu.vector_load %arg10[%parallel_loop3A_488, %parallel_loop3A_489] {strides = array<i32>} : memref<352x128xf32, #tpu.memory_space<vmem>>, vector<16xf32>,
        %parallel_loop3A_491 = arith.mulf %parallel_loop3A_221, %parallel_loop3A_490 : vector<16xf32>
        %parallel_loop3A_492 = arith.index_cast %parallel_loop3A_444 : i32 to index
        %parallel_loop3A_493 = arith.constant 16 : index
        %parallel_loop3A_494 = tpu.vector_load %arg10[%parallel_loop3A_492, %parallel_loop3A_493] {strides = array<i32>} : memref<352x128xf32, #tpu.memory_space<vmem>>, vector<16xf32>,
        %parallel_loop3A_495 = arith.mulf %parallel_loop3A_224, %parallel_loop3A_494 : vector<16xf32>
        %parallel_loop3A_496 = arith.addf %parallel_loop3A_491, %parallel_loop3A_495 : vector<16xf32>
        %parallel_loop3A_497 = arith.index_cast %parallel_loop3A_444 : i32 to index
        %parallel_loop3A_498 = arith.constant 32 : index
        %parallel_loop3A_499 = tpu.vector_load %arg10[%parallel_loop3A_497, %parallel_loop3A_498] {strides = array<i32>} : memref<352x128xf32, #tpu.memory_space<vmem>>, vector<16xf32>,
        %parallel_loop3A_500 = arith.mulf %parallel_loop3A_227, %parallel_loop3A_499 : vector<16xf32>
        %parallel_loop3A_501 = arith.addf %parallel_loop3A_496, %parallel_loop3A_500 : vector<16xf32>
        %parallel_loop3A_502 = arith.index_cast %parallel_loop3A_444 : i32 to index
        %parallel_loop3A_503 = arith.constant 48 : index
        %parallel_loop3A_504 = tpu.vector_load %arg10[%parallel_loop3A_502, %parallel_loop3A_503] {strides = array<i32>} : memref<352x128xf32, #tpu.memory_space<vmem>>, vector<16xf32>,
        %parallel_loop3A_505 = arith.mulf %parallel_loop3A_230, %parallel_loop3A_504 : vector<16xf32>
        %parallel_loop3A_506 = arith.addf %parallel_loop3A_501, %parallel_loop3A_505 : vector<16xf32>
        %parallel_loop3A_507 = arith.index_cast %parallel_loop3A_444 : i32 to index
        %parallel_loop3A_508 = arith.constant 64 : index
        %parallel_loop3A_509 = tpu.vector_load %arg10[%parallel_loop3A_507, %parallel_loop3A_508] {strides = array<i32>} : memref<352x128xf32, #tpu.memory_space<vmem>>, vector<16xf32>,
        %parallel_loop3A_510 = arith.mulf %parallel_loop3A_233, %parallel_loop3A_509 : vector<16xf32>
        %parallel_loop3A_511 = arith.addf %parallel_loop3A_506, %parallel_loop3A_510 : vector<16xf32>
        %parallel_loop3A_512 = arith.index_cast %parallel_loop3A_444 : i32 to index
        %parallel_loop3A_513 = arith.constant 80 : index
        %parallel_loop3A_514 = tpu.vector_load %arg10[%parallel_loop3A_512, %parallel_loop3A_513] {strides = array<i32>} : memref<352x128xf32, #tpu.memory_space<vmem>>, vector<16xf32>,
        %parallel_loop3A_515 = arith.mulf %parallel_loop3A_236, %parallel_loop3A_514 : vector<16xf32>
        %parallel_loop3A_516 = arith.addf %parallel_loop3A_511, %parallel_loop3A_515 : vector<16xf32>
        %parallel_loop3A_517 = arith.index_cast %parallel_loop3A_444 : i32 to index
        %parallel_loop3A_518 = arith.constant 96 : index
        %parallel_loop3A_519 = tpu.vector_load %arg10[%parallel_loop3A_517, %parallel_loop3A_518] {strides = array<i32>} : memref<352x128xf32, #tpu.memory_space<vmem>>, vector<16xf32>,
        %parallel_loop3A_520 = arith.mulf %parallel_loop3A_239, %parallel_loop3A_519 : vector<16xf32>
        %parallel_loop3A_521 = arith.addf %parallel_loop3A_516, %parallel_loop3A_520 : vector<16xf32>
        %parallel_loop3A_522 = arith.index_cast %parallel_loop3A_444 : i32 to index
        %parallel_loop3A_523 = arith.constant 112 : index
        %parallel_loop3A_524 = tpu.vector_load %arg10[%parallel_loop3A_522, %parallel_loop3A_523] {strides = array<i32>} : memref<352x128xf32, #tpu.memory_space<vmem>>, vector<16xf32>,
        %parallel_loop3A_525 = arith.mulf %parallel_loop3A_242, %parallel_loop3A_524 : vector<16xf32>
        %parallel_loop3A_526 = arith.addf %parallel_loop3A_521, %parallel_loop3A_525 : vector<16xf32>
        %parallel_loop3A_527 = arith.constant 16 : i32
        %parallel_loop3A_528 = arith.muli %parallel_loop3A_442, %parallel_loop3A_527 : i32
        %parallel_loop3A_529 = arith.index_cast %parallel_loop3A_528 : i32 to index
        %parallel_loop3A_530 = tpu.vector_load %arg12[%parallel_loop3A_529] {strides = array<i32>} : memref<2816xf32, #tpu.memory_space<vmem>>, vector<16xf32>,
        tpu.vector_store %arg12[%parallel_loop3A_529], %parallel_loop3A_526 {strides = array<i32>} : memref<2816xf32, #tpu.memory_space<vmem>>, vector<16xf32>,
        %parallel_loop3A_531 = arith.constant 4 : i32
        %parallel_loop3A_532 = arith.addi %parallel_loop3A_214, %parallel_loop3A_531 : i32
        %parallel_loop3A_533 = arith.constant 0 : i32
        %parallel_loop3A_534 = arith.addi %parallel_loop3A_532, %parallel_loop3A_533 : i32
        %parallel_loop3A_535 = arith.constant 4 : i32
        %parallel_loop3A_536 = arith.muli %parallel_loop3A_214, %parallel_loop3A_535 : i32
        %parallel_loop3A_537 = arith.constant 3 : i32
        %parallel_loop3A_538 = arith.addi %parallel_loop3A_536, %parallel_loop3A_537 : i32
        %parallel_loop3A_539 = arith.constant 0 : i32
        %parallel_loop3A_540 = arith.addi %parallel_loop3A_538, %parallel_loop3A_539 : i32
        %parallel_loop3A_541 = arith.index_cast %parallel_loop3A_534 : i32 to index
        %parallel_loop3A_542 = arith.constant 0 : index
        %parallel_loop3A_543 = tpu.vector_load %arg9[%parallel_loop3A_541, %parallel_loop3A_542] {strides = array<i32>} : memref<100x128xf32, #tpu.memory_space<vmem>>, vector<16xf32>,
        %parallel_loop3A_544 = arith.mulf %parallel_loop3A_221, %parallel_loop3A_543 : vector<16xf32>
        %parallel_loop3A_545 = arith.index_cast %parallel_loop3A_534 : i32 to index
        %parallel_loop3A_546 = arith.constant 16 : index
        %parallel_loop3A_547 = tpu.vector_load %arg9[%parallel_loop3A_545, %parallel_loop3A_546] {strides = array<i32>} : memref<100x128xf32, #tpu.memory_space<vmem>>, vector<16xf32>,
        %parallel_loop3A_548 = arith.mulf %parallel_loop3A_224, %parallel_loop3A_547 : vector<16xf32>
        %parallel_loop3A_549 = arith.addf %parallel_loop3A_544, %parallel_loop3A_548 : vector<16xf32>
        %parallel_loop3A_550 = arith.index_cast %parallel_loop3A_534 : i32 to index
        %parallel_loop3A_551 = arith.constant 32 : index
        %parallel_loop3A_552 = tpu.vector_load %arg9[%parallel_loop3A_550, %parallel_loop3A_551] {strides = array<i32>} : memref<100x128xf32, #tpu.memory_space<vmem>>, vector<16xf32>,
        %parallel_loop3A_553 = arith.mulf %parallel_loop3A_227, %parallel_loop3A_552 : vector<16xf32>
        %parallel_loop3A_554 = arith.addf %parallel_loop3A_549, %parallel_loop3A_553 : vector<16xf32>
        %parallel_loop3A_555 = arith.index_cast %parallel_loop3A_534 : i32 to index
        %parallel_loop3A_556 = arith.constant 48 : index
        %parallel_loop3A_557 = tpu.vector_load %arg9[%parallel_loop3A_555, %parallel_loop3A_556] {strides = array<i32>} : memref<100x128xf32, #tpu.memory_space<vmem>>, vector<16xf32>,
        %parallel_loop3A_558 = arith.mulf %parallel_loop3A_230, %parallel_loop3A_557 : vector<16xf32>
        %parallel_loop3A_559 = arith.addf %parallel_loop3A_554, %parallel_loop3A_558 : vector<16xf32>
        %parallel_loop3A_560 = arith.index_cast %parallel_loop3A_534 : i32 to index
        %parallel_loop3A_561 = arith.constant 64 : index
        %parallel_loop3A_562 = tpu.vector_load %arg9[%parallel_loop3A_560, %parallel_loop3A_561] {strides = array<i32>} : memref<100x128xf32, #tpu.memory_space<vmem>>, vector<16xf32>,
        %parallel_loop3A_563 = arith.mulf %parallel_loop3A_233, %parallel_loop3A_562 : vector<16xf32>
        %parallel_loop3A_564 = arith.addf %parallel_loop3A_559, %parallel_loop3A_563 : vector<16xf32>
        %parallel_loop3A_565 = arith.index_cast %parallel_loop3A_534 : i32 to index
        %parallel_loop3A_566 = arith.constant 80 : index
        %parallel_loop3A_567 = tpu.vector_load %arg9[%parallel_loop3A_565, %parallel_loop3A_566] {strides = array<i32>} : memref<100x128xf32, #tpu.memory_space<vmem>>, vector<16xf32>,
        %parallel_loop3A_568 = arith.mulf %parallel_loop3A_236, %parallel_loop3A_567 : vector<16xf32>
        %parallel_loop3A_569 = arith.addf %parallel_loop3A_564, %parallel_loop3A_568 : vector<16xf32>
        %parallel_loop3A_570 = arith.index_cast %parallel_loop3A_534 : i32 to index
        %parallel_loop3A_571 = arith.constant 96 : index
        %parallel_loop3A_572 = tpu.vector_load %arg9[%parallel_loop3A_570, %parallel_loop3A_571] {strides = array<i32>} : memref<100x128xf32, #tpu.memory_space<vmem>>, vector<16xf32>,
        %parallel_loop3A_573 = arith.mulf %parallel_loop3A_239, %parallel_loop3A_572 : vector<16xf32>
        %parallel_loop3A_574 = arith.addf %parallel_loop3A_569, %parallel_loop3A_573 : vector<16xf32>
        %parallel_loop3A_575 = arith.index_cast %parallel_loop3A_534 : i32 to index
        %parallel_loop3A_576 = arith.constant 112 : index
        %parallel_loop3A_577 = tpu.vector_load %arg9[%parallel_loop3A_575, %parallel_loop3A_576] {strides = array<i32>} : memref<100x128xf32, #tpu.memory_space<vmem>>, vector<16xf32>,
        %parallel_loop3A_578 = arith.mulf %parallel_loop3A_242, %parallel_loop3A_577 : vector<16xf32>
        %parallel_loop3A_579 = arith.addf %parallel_loop3A_574, %parallel_loop3A_578 : vector<16xf32>
        %parallel_loop3A_580 = arith.constant 16 : i32
        %parallel_loop3A_581 = arith.muli %parallel_loop3A_538, %parallel_loop3A_580 : i32
        %parallel_loop3A_582 = arith.index_cast %parallel_loop3A_581 : i32 to index
        %parallel_loop3A_583 = tpu.vector_load %arg11[%parallel_loop3A_582] {strides = array<i32>} : memref<2816xf32, #tpu.memory_space<vmem>>, vector<16xf32>,
        tpu.vector_store %arg11[%parallel_loop3A_582], %parallel_loop3A_579 {strides = array<i32>} : memref<2816xf32, #tpu.memory_space<vmem>>, vector<16xf32>,
        %parallel_loop3A_584 = arith.index_cast %parallel_loop3A_540 : i32 to index
        %parallel_loop3A_585 = arith.constant 0 : index
        %parallel_loop3A_586 = tpu.vector_load %arg10[%parallel_loop3A_584, %parallel_loop3A_585] {strides = array<i32>} : memref<352x128xf32, #tpu.memory_space<vmem>>, vector<16xf32>,
        %parallel_loop3A_587 = arith.mulf %parallel_loop3A_221, %parallel_loop3A_586 : vector<16xf32>
        %parallel_loop3A_588 = arith.index_cast %parallel_loop3A_540 : i32 to index
        %parallel_loop3A_589 = arith.constant 16 : index
        %parallel_loop3A_590 = tpu.vector_load %arg10[%parallel_loop3A_588, %parallel_loop3A_589] {strides = array<i32>} : memref<352x128xf32, #tpu.memory_space<vmem>>, vector<16xf32>,
        %parallel_loop3A_591 = arith.mulf %parallel_loop3A_224, %parallel_loop3A_590 : vector<16xf32>
        %parallel_loop3A_592 = arith.addf %parallel_loop3A_587, %parallel_loop3A_591 : vector<16xf32>
        %parallel_loop3A_593 = arith.index_cast %parallel_loop3A_540 : i32 to index
        %parallel_loop3A_594 = arith.constant 32 : index
        %parallel_loop3A_595 = tpu.vector_load %arg10[%parallel_loop3A_593, %parallel_loop3A_594] {strides = array<i32>} : memref<352x128xf32, #tpu.memory_space<vmem>>, vector<16xf32>,
        %parallel_loop3A_596 = arith.mulf %parallel_loop3A_227, %parallel_loop3A_595 : vector<16xf32>
        %parallel_loop3A_597 = arith.addf %parallel_loop3A_592, %parallel_loop3A_596 : vector<16xf32>
        %parallel_loop3A_598 = arith.index_cast %parallel_loop3A_540 : i32 to index
        %parallel_loop3A_599 = arith.constant 48 : index
        %parallel_loop3A_600 = tpu.vector_load %arg10[%parallel_loop3A_598, %parallel_loop3A_599] {strides = array<i32>} : memref<352x128xf32, #tpu.memory_space<vmem>>, vector<16xf32>,
        %parallel_loop3A_601 = arith.mulf %parallel_loop3A_230, %parallel_loop3A_600 : vector<16xf32>
        %parallel_loop3A_602 = arith.addf %parallel_loop3A_597, %parallel_loop3A_601 : vector<16xf32>
        %parallel_loop3A_603 = arith.index_cast %parallel_loop3A_540 : i32 to index
        %parallel_loop3A_604 = arith.constant 64 : index
        %parallel_loop3A_605 = tpu.vector_load %arg10[%parallel_loop3A_603, %parallel_loop3A_604] {strides = array<i32>} : memref<352x128xf32, #tpu.memory_space<vmem>>, vector<16xf32>,
        %parallel_loop3A_606 = arith.mulf %parallel_loop3A_233, %parallel_loop3A_605 : vector<16xf32>
        %parallel_loop3A_607 = arith.addf %parallel_loop3A_602, %parallel_loop3A_606 : vector<16xf32>
        %parallel_loop3A_608 = arith.index_cast %parallel_loop3A_540 : i32 to index
        %parallel_loop3A_609 = arith.constant 80 : index
        %parallel_loop3A_610 = tpu.vector_load %arg10[%parallel_loop3A_608, %parallel_loop3A_609] {strides = array<i32>} : memref<352x128xf32, #tpu.memory_space<vmem>>, vector<16xf32>,
        %parallel_loop3A_611 = arith.mulf %parallel_loop3A_236, %parallel_loop3A_610 : vector<16xf32>
        %parallel_loop3A_612 = arith.addf %parallel_loop3A_607, %parallel_loop3A_611 : vector<16xf32>
        %parallel_loop3A_613 = arith.index_cast %parallel_loop3A_540 : i32 to index
        %parallel_loop3A_614 = arith.constant 96 : index
        %parallel_loop3A_615 = tpu.vector_load %arg10[%parallel_loop3A_613, %parallel_loop3A_614] {strides = array<i32>} : memref<352x128xf32, #tpu.memory_space<vmem>>, vector<16xf32>,
        %parallel_loop3A_616 = arith.mulf %parallel_loop3A_239, %parallel_loop3A_615 : vector<16xf32>
        %parallel_loop3A_617 = arith.addf %parallel_loop3A_612, %parallel_loop3A_616 : vector<16xf32>
        %parallel_loop3A_618 = arith.index_cast %parallel_loop3A_540 : i32 to index
        %parallel_loop3A_619 = arith.constant 112 : index
        %parallel_loop3A_620 = tpu.vector_load %arg10[%parallel_loop3A_618, %parallel_loop3A_619] {strides = array<i32>} : memref<352x128xf32, #tpu.memory_space<vmem>>, vector<16xf32>,
        %parallel_loop3A_621 = arith.mulf %parallel_loop3A_242, %parallel_loop3A_620 : vector<16xf32>
        %parallel_loop3A_622 = arith.addf %parallel_loop3A_617, %parallel_loop3A_621 : vector<16xf32>
        %parallel_loop3A_623 = arith.constant 16 : i32
        %parallel_loop3A_624 = arith.muli %parallel_loop3A_538, %parallel_loop3A_623 : i32
        %parallel_loop3A_625 = arith.index_cast %parallel_loop3A_624 : i32 to index
        %parallel_loop3A_626 = tpu.vector_load %arg12[%parallel_loop3A_625] {strides = array<i32>} : memref<2816xf32, #tpu.memory_space<vmem>>, vector<16xf32>,
        tpu.vector_store %arg12[%parallel_loop3A_625], %parallel_loop3A_622 {strides = array<i32>} : memref<2816xf32, #tpu.memory_space<vmem>>, vector<16xf32>,
      } {sc.loop_unroll_factor = 2 : i64, sc.parallel_access}
      %lt3A = arith.constant 63 : i32
      %lt3A_131 = arith.cmpi slt, %scan3A_94, %lt3A : i32
      %convert_element_type3A = arith.extui %lt3A_131 : i1 to i32
      %cond3A = arith.constant 0 : i32
      %cond3A_132 = arith.cmpi ne, %convert_element_type3A, %cond3A : i32
      scf.if %cond3A_132 {
        %add3A_214 = arith.constant 2 : i32
        %add3A_215 = arith.addi %add3A_98, %add3A_214 : i32
        %dma_start3A_216 = arith.constant 0 : i32
        %dma_start3A_217 = arith.constant 0 : i32
        %dma_start3A_218 = tpu.memref_slice %arg9[%dma_start3A_216, %dma_start3A_217] : memref<100x128xf32, #tpu.memory_space<vmem>> -> memref<50x128xf32, #tpu.memory_space<vmem>>
        %dma_start3A_219 = arith.constant 0 : i32
        %dma_start3A_220 = tpu.memref_slice %arg7[%add3A_215, %dma_start3A_219] : memref<128x50xi32, #tpu.memory_space<vmem>> -> memref<1x50xi32, #tpu.memory_space<vmem>>
        %dma_start3A_221 = tpu.memref_squeeze %dma_start3A_220 : memref<1x50xi32, #tpu.memory_space<vmem>> -> memref<50xi32, #tpu.memory_space<vmem>>
        %dma_start3A_222 = arith.constant 0 : i32
        %dma_start3A_223 = arith.constant 0 : i32
        %dma_start3A_224 = tpu.memref_slice %arg3[%dma_start3A_222, %dma_start3A_223] : memref<100000x128xf32, #tpu.memory_space<hbm>> -> memref<100000x128xf32, #tpu.memory_space<hbm>>
        tpu.enqueue_indirect_dma source(%dma_start3A_224 : memref<100000x128xf32, #tpu.memory_space<hbm>>) target(%dma_start3A_218 : memref<50x128xf32, #tpu.memory_space<vmem>>) offsets(%dma_start3A_221 : memref<50xi32, #tpu.memory_space<vmem>>) semaphore(%arg17 : memref<!tpu.dma_semaphore, #tpu.memory_space<semaphore_mem>>)
        %dma_start3A_225 = arith.constant 0 : i32
        %dma_start3A_226 = arith.constant 0 : i32
        %dma_start3A_227 = arith.constant 0 : i32
        %dma_start3A_228 = tpu.memref_slice %arg10[%dma_start3A_226, %dma_start3A_227] : memref<352x128xf32, #tpu.memory_space<vmem>> -> memref<88x128xf32, #tpu.memory_space<vmem>>
        %dma_start3A_229 = arith.constant 0 : i32
        %dma_start3A_230 = tpu.memref_slice %arg8[%add3A_215, %dma_start3A_225, %dma_start3A_229] : memref<128x2x88xi32, #tpu.memory_space<vmem>> -> memref<1x1x88xi32, #tpu.memory_space<vmem>>
        %dma_start3A_231 = tpu.memref_squeeze %dma_start3A_230 : memref<1x1x88xi32, #tpu.memory_space<vmem>> -> memref<88xi32, #tpu.memory_space<vmem>>
        %dma_start3A_232 = arith.constant 0 : i32
        %dma_start3A_233 = arith.constant 0 : i32
        %dma_start3A_234 = tpu.memref_slice %arg3[%dma_start3A_232, %dma_start3A_233] : memref<100000x128xf32, #tpu.memory_space<hbm>> -> memref<100000x128xf32, #tpu.memory_space<hbm>>
        tpu.enqueue_indirect_dma source(%dma_start3A_234 : memref<100000x128xf32, #tpu.memory_space<hbm>>) target(%dma_start3A_228 : memref<88x128xf32, #tpu.memory_space<vmem>>) offsets(%dma_start3A_231 : memref<88xi32, #tpu.memory_space<vmem>>) semaphore(%arg17 : memref<!tpu.dma_semaphore, #tpu.memory_space<semaphore_mem>>)
        %dma_start3A_235 = arith.constant 1 : i32
        %dma_start3A_236 = arith.constant 88 : i32
        %dma_start3A_237 = arith.constant 0 : i32
        %dma_start3A_238 = tpu.memref_slice %arg10[%dma_start3A_236, %dma_start3A_237] : memref<352x128xf32, #tpu.memory_space<vmem>> -> memref<88x128xf32, #tpu.memory_space<vmem>>
        %dma_start3A_239 = arith.constant 0 : i32
        %dma_start3A_240 = tpu.memref_slice %arg8[%add3A_215, %dma_start3A_235, %dma_start3A_239] : memref<128x2x88xi32, #tpu.memory_space<vmem>> -> memref<1x1x88xi32, #tpu.memory_space<vmem>>
        %dma_start3A_241 = tpu.memref_squeeze %dma_start3A_240 : memref<1x1x88xi32, #tpu.memory_space<vmem>> -> memref<88xi32, #tpu.memory_space<vmem>>
        %dma_start3A_242 = arith.constant 0 : i32
        %dma_start3A_243 = arith.constant 0 : i32
        %dma_start3A_244 = tpu.memref_slice %arg3[%dma_start3A_242, %dma_start3A_243] : memref<100000x128xf32, #tpu.memory_space<hbm>> -> memref<100000x128xf32, #tpu.memory_space<hbm>>
        tpu.enqueue_indirect_dma source(%dma_start3A_244 : memref<100000x128xf32, #tpu.memory_space<hbm>>) target(%dma_start3A_238 : memref<88x128xf32, #tpu.memory_space<vmem>>) offsets(%dma_start3A_241 : memref<88xi32, #tpu.memory_space<vmem>>) semaphore(%arg17 : memref<!tpu.dma_semaphore, #tpu.memory_space<semaphore_mem>>)
      } else {
      }
      %ge3A = arith.constant 1 : i32
      %ge3A_133 = arith.cmpi sge, %scan3A_94, %ge3A : i32
      %convert_element_type3A_134 = arith.extui %ge3A_133 : i1 to i32
      %cond3A_135 = arith.constant 0 : i32
      %cond3A_136 = arith.cmpi ne, %convert_element_type3A_134, %cond3A_135 : i32
      scf.if %cond3A_136 {
        %dma_wait3A_214 = arith.constant 0 : i32
        %dma_wait3A_215 = tpu.memref_slice %arg5[%add3A_99, %dma_wait3A_214] : memref<4096x176xf32, #tpu.memory_space<hbm>> -> memref<1x176xf32, #tpu.memory_space<hbm>>
        %dma_wait3A_216 = tpu.memref_squeeze %dma_wait3A_215 : memref<1x176xf32, #tpu.memory_space<hbm>> -> memref<176xf32, #tpu.memory_space<hbm>>
        %dma_wait3A_217 = arith.constant 0 : i32
        %dma_wait3A_218 = tpu.memref_slice %arg5[%add3A_99, %dma_wait3A_217] : memref<4096x176xf32, #tpu.memory_space<hbm>> -> memref<1x176xf32, #tpu.memory_space<hbm>>
        %dma_wait3A_219 = tpu.memref_squeeze %dma_wait3A_218 : memref<1x176xf32, #tpu.memory_space<hbm>> -> memref<176xf32, #tpu.memory_space<hbm>>
        tpu.wait_dma2 semaphore(%arg19 : memref<!tpu.dma_semaphore, #tpu.memory_space<semaphore_mem>>) src(%arg13 : memref<176xf32, #tpu.memory_space<vmem>>) dst(%dma_wait3A_219 : memref<176xf32, #tpu.memory_space<hbm>>)
        %dma_wait3A_220 = arith.constant 0 : i32
        %dma_wait3A_221 = tpu.memref_slice %arg6[%add3A_99, %dma_wait3A_220] : memref<4096x176xf32, #tpu.memory_space<hbm>> -> memref<1x176xf32, #tpu.memory_space<hbm>>
        %dma_wait3A_222 = tpu.memref_squeeze %dma_wait3A_221 : memref<1x176xf32, #tpu.memory_space<hbm>> -> memref<176xf32, #tpu.memory_space<hbm>>
        %dma_wait3A_223 = arith.constant 0 : i32
        %dma_wait3A_224 = tpu.memref_slice %arg6[%add3A_99, %dma_wait3A_223] : memref<4096x176xf32, #tpu.memory_space<hbm>> -> memref<1x176xf32, #tpu.memory_space<hbm>>
        %dma_wait3A_225 = tpu.memref_squeeze %dma_wait3A_224 : memref<1x176xf32, #tpu.memory_space<hbm>> -> memref<176xf32, #tpu.memory_space<hbm>>
        tpu.wait_dma2 semaphore(%arg19 : memref<!tpu.dma_semaphore, #tpu.memory_space<semaphore_mem>>) src(%arg15 : memref<176xf32, #tpu.memory_space<vmem>>) dst(%dma_wait3A_225 : memref<176xf32, #tpu.memory_space<hbm>>)
      } else {
      }
      %parallel_loop3A_137 = arith.constant 0 : i32
      %parallel_loop3A_138 = arith.constant 11 : i32
      %parallel_loop3A_139 = arith.constant 1 : i32
      scf.for %parallel_loop3A_214 = %parallel_loop3A_137 to %parallel_loop3A_138 step %parallel_loop3A_139  : i32 {
        %parallel_loop3A_215 = arith.constant 16 : i32
        %parallel_loop3A_216 = arith.muli %parallel_loop3A_214, %parallel_loop3A_215 : i32
        %parallel_loop3A_217 = vector.broadcast %parallel_loop3A_216 : i32 to vector<16xi32>
        %parallel_loop3A_218 = arith.addi %parallel_loop3A_217, %iota3A : vector<16xi32>
        %parallel_loop3A_219 = arith.constant 16 : i32
        %parallel_loop3A_220 = vector.broadcast %parallel_loop3A_219 : i32 to vector<16xi32>
        %parallel_loop3A_221 = arith.muli %parallel_loop3A_218, %parallel_loop3A_220 : vector<16xi32>
        %parallel_loop3A_222 = tpu.vector_load_idx %arg11[%parallel_loop3A_221] : memref<2816xf32, #tpu.memory_space<vmem>>[vector<16xi32>], vector<16xf32>,
        %parallel_loop3A_223 = tpu.vector_load_idx %arg12[%parallel_loop3A_221] : memref<2816xf32, #tpu.memory_space<vmem>>[vector<16xi32>], vector<16xf32>,
        %parallel_loop3A_224 = arith.constant 1 : i32
        %parallel_loop3A_225 = vector.broadcast %parallel_loop3A_224 : i32 to vector<16xi32>
        %parallel_loop3A_226 = arith.addi %parallel_loop3A_221, %parallel_loop3A_225 : vector<16xi32>
        %parallel_loop3A_227 = tpu.vector_load_idx %arg11[%parallel_loop3A_226] : memref<2816xf32, #tpu.memory_space<vmem>>[vector<16xi32>], vector<16xf32>,
        %parallel_loop3A_228 = arith.addf %parallel_loop3A_222, %parallel_loop3A_227 : vector<16xf32>
        %parallel_loop3A_229 = arith.constant 1 : i32
        %parallel_loop3A_230 = vector.broadcast %parallel_loop3A_229 : i32 to vector<16xi32>
        %parallel_loop3A_231 = arith.addi %parallel_loop3A_221, %parallel_loop3A_230 : vector<16xi32>
        %parallel_loop3A_232 = tpu.vector_load_idx %arg12[%parallel_loop3A_231] : memref<2816xf32, #tpu.memory_space<vmem>>[vector<16xi32>], vector<16xf32>,
        %parallel_loop3A_233 = arith.addf %parallel_loop3A_223, %parallel_loop3A_232 : vector<16xf32>
        %parallel_loop3A_234 = arith.constant 2 : i32
        %parallel_loop3A_235 = vector.broadcast %parallel_loop3A_234 : i32 to vector<16xi32>
        %parallel_loop3A_236 = arith.addi %parallel_loop3A_221, %parallel_loop3A_235 : vector<16xi32>
        %parallel_loop3A_237 = tpu.vector_load_idx %arg11[%parallel_loop3A_236] : memref<2816xf32, #tpu.memory_space<vmem>>[vector<16xi32>], vector<16xf32>,
        %parallel_loop3A_238 = arith.addf %parallel_loop3A_228, %parallel_loop3A_237 : vector<16xf32>
        %parallel_loop3A_239 = arith.constant 2 : i32
        %parallel_loop3A_240 = vector.broadcast %parallel_loop3A_239 : i32 to vector<16xi32>
        %parallel_loop3A_241 = arith.addi %parallel_loop3A_221, %parallel_loop3A_240 : vector<16xi32>
        %parallel_loop3A_242 = tpu.vector_load_idx %arg12[%parallel_loop3A_241] : memref<2816xf32, #tpu.memory_space<vmem>>[vector<16xi32>], vector<16xf32>,
        %parallel_loop3A_243 = arith.addf %parallel_loop3A_233, %parallel_loop3A_242 : vector<16xf32>
        %parallel_loop3A_244 = arith.constant 3 : i32
        %parallel_loop3A_245 = vector.broadcast %parallel_loop3A_244 : i32 to vector<16xi32>
        %parallel_loop3A_246 = arith.addi %parallel_loop3A_221, %parallel_loop3A_245 : vector<16xi32>
        %parallel_loop3A_247 = tpu.vector_load_idx %arg11[%parallel_loop3A_246] : memref<2816xf32, #tpu.memory_space<vmem>>[vector<16xi32>], vector<16xf32>,
        %parallel_loop3A_248 = arith.addf %parallel_loop3A_238, %parallel_loop3A_247 : vector<16xf32>
        %parallel_loop3A_249 = arith.constant 3 : i32
        %parallel_loop3A_250 = vector.broadcast %parallel_loop3A_249 : i32 to vector<16xi32>
        %parallel_loop3A_251 = arith.addi %parallel_loop3A_221, %parallel_loop3A_250 : vector<16xi32>
        %parallel_loop3A_252 = tpu.vector_load_idx %arg12[%parallel_loop3A_251] : memref<2816xf32, #tpu.memory_space<vmem>>[vector<16xi32>], vector<16xf32>,
        %parallel_loop3A_253 = arith.addf %parallel_loop3A_243, %parallel_loop3A_252 : vector<16xf32>
        %parallel_loop3A_254 = arith.constant 4 : i32
        %parallel_loop3A_255 = vector.broadcast %parallel_loop3A_254 : i32 to vector<16xi32>
        %parallel_loop3A_256 = arith.addi %parallel_loop3A_221, %parallel_loop3A_255 : vector<16xi32>
        %parallel_loop3A_257 = tpu.vector_load_idx %arg11[%parallel_loop3A_256] : memref<2816xf32, #tpu.memory_space<vmem>>[vector<16xi32>], vector<16xf32>,
        %parallel_loop3A_258 = arith.addf %parallel_loop3A_248, %parallel_loop3A_257 : vector<16xf32>
        %parallel_loop3A_259 = arith.constant 4 : i32
        %parallel_loop3A_260 = vector.broadcast %parallel_loop3A_259 : i32 to vector<16xi32>
        %parallel_loop3A_261 = arith.addi %parallel_loop3A_221, %parallel_loop3A_260 : vector<16xi32>
        %parallel_loop3A_262 = tpu.vector_load_idx %arg12[%parallel_loop3A_261] : memref<2816xf32, #tpu.memory_space<vmem>>[vector<16xi32>], vector<16xf32>,
        %parallel_loop3A_263 = arith.addf %parallel_loop3A_253, %parallel_loop3A_262 : vector<16xf32>
        %parallel_loop3A_264 = arith.constant 5 : i32
        %parallel_loop3A_265 = vector.broadcast %parallel_loop3A_264 : i32 to vector<16xi32>
        %parallel_loop3A_266 = arith.addi %parallel_loop3A_221, %parallel_loop3A_265 : vector<16xi32>
        %parallel_loop3A_267 = tpu.vector_load_idx %arg11[%parallel_loop3A_266] : memref<2816xf32, #tpu.memory_space<vmem>>[vector<16xi32>], vector<16xf32>,
        %parallel_loop3A_268 = arith.addf %parallel_loop3A_258, %parallel_loop3A_267 : vector<16xf32>
        %parallel_loop3A_269 = arith.constant 5 : i32
        %parallel_loop3A_270 = vector.broadcast %parallel_loop3A_269 : i32 to vector<16xi32>
        %parallel_loop3A_271 = arith.addi %parallel_loop3A_221, %parallel_loop3A_270 : vector<16xi32>
        %parallel_loop3A_272 = tpu.vector_load_idx %arg12[%parallel_loop3A_271] : memref<2816xf32, #tpu.memory_space<vmem>>[vector<16xi32>], vector<16xf32>,
        %parallel_loop3A_273 = arith.addf %parallel_loop3A_263, %parallel_loop3A_272 : vector<16xf32>
        %parallel_loop3A_274 = arith.constant 6 : i32
        %parallel_loop3A_275 = vector.broadcast %parallel_loop3A_274 : i32 to vector<16xi32>
        %parallel_loop3A_276 = arith.addi %parallel_loop3A_221, %parallel_loop3A_275 : vector<16xi32>
        %parallel_loop3A_277 = tpu.vector_load_idx %arg11[%parallel_loop3A_276] : memref<2816xf32, #tpu.memory_space<vmem>>[vector<16xi32>], vector<16xf32>,
        %parallel_loop3A_278 = arith.addf %parallel_loop3A_268, %parallel_loop3A_277 : vector<16xf32>
        %parallel_loop3A_279 = arith.constant 6 : i32
        %parallel_loop3A_280 = vector.broadcast %parallel_loop3A_279 : i32 to vector<16xi32>
        %parallel_loop3A_281 = arith.addi %parallel_loop3A_221, %parallel_loop3A_280 : vector<16xi32>
        %parallel_loop3A_282 = tpu.vector_load_idx %arg12[%parallel_loop3A_281] : memref<2816xf32, #tpu.memory_space<vmem>>[vector<16xi32>], vector<16xf32>,
        %parallel_loop3A_283 = arith.addf %parallel_loop3A_273, %parallel_loop3A_282 : vector<16xf32>
        %parallel_loop3A_284 = arith.constant 7 : i32
        %parallel_loop3A_285 = vector.broadcast %parallel_loop3A_284 : i32 to vector<16xi32>
        %parallel_loop3A_286 = arith.addi %parallel_loop3A_221, %parallel_loop3A_285 : vector<16xi32>
        %parallel_loop3A_287 = tpu.vector_load_idx %arg11[%parallel_loop3A_286] : memref<2816xf32, #tpu.memory_space<vmem>>[vector<16xi32>], vector<16xf32>,
        %parallel_loop3A_288 = arith.addf %parallel_loop3A_278, %parallel_loop3A_287 : vector<16xf32>
        %parallel_loop3A_289 = arith.constant 7 : i32
        %parallel_loop3A_290 = vector.broadcast %parallel_loop3A_289 : i32 to vector<16xi32>
        %parallel_loop3A_291 = arith.addi %parallel_loop3A_221, %parallel_loop3A_290 : vector<16xi32>
        %parallel_loop3A_292 = tpu.vector_load_idx %arg12[%parallel_loop3A_291] : memref<2816xf32, #tpu.memory_space<vmem>>[vector<16xi32>], vector<16xf32>,
        %parallel_loop3A_293 = arith.addf %parallel_loop3A_283, %parallel_loop3A_292 : vector<16xf32>
        %parallel_loop3A_294 = arith.constant 8 : i32
        %parallel_loop3A_295 = vector.broadcast %parallel_loop3A_294 : i32 to vector<16xi32>
        %parallel_loop3A_296 = arith.addi %parallel_loop3A_221, %parallel_loop3A_295 : vector<16xi32>
        %parallel_loop3A_297 = tpu.vector_load_idx %arg11[%parallel_loop3A_296] : memref<2816xf32, #tpu.memory_space<vmem>>[vector<16xi32>], vector<16xf32>,
        %parallel_loop3A_298 = arith.addf %parallel_loop3A_288, %parallel_loop3A_297 : vector<16xf32>
        %parallel_loop3A_299 = arith.constant 8 : i32
        %parallel_loop3A_300 = vector.broadcast %parallel_loop3A_299 : i32 to vector<16xi32>
        %parallel_loop3A_301 = arith.addi %parallel_loop3A_221, %parallel_loop3A_300 : vector<16xi32>
        %parallel_loop3A_302 = tpu.vector_load_idx %arg12[%parallel_loop3A_301] : memref<2816xf32, #tpu.memory_space<vmem>>[vector<16xi32>], vector<16xf32>,
        %parallel_loop3A_303 = arith.addf %parallel_loop3A_293, %parallel_loop3A_302 : vector<16xf32>
        %parallel_loop3A_304 = arith.constant 9 : i32
        %parallel_loop3A_305 = vector.broadcast %parallel_loop3A_304 : i32 to vector<16xi32>
        %parallel_loop3A_306 = arith.addi %parallel_loop3A_221, %parallel_loop3A_305 : vector<16xi32>
        %parallel_loop3A_307 = tpu.vector_load_idx %arg11[%parallel_loop3A_306] : memref<2816xf32, #tpu.memory_space<vmem>>[vector<16xi32>], vector<16xf32>,
        %parallel_loop3A_308 = arith.addf %parallel_loop3A_298, %parallel_loop3A_307 : vector<16xf32>
        %parallel_loop3A_309 = arith.constant 9 : i32
        %parallel_loop3A_310 = vector.broadcast %parallel_loop3A_309 : i32 to vector<16xi32>
        %parallel_loop3A_311 = arith.addi %parallel_loop3A_221, %parallel_loop3A_310 : vector<16xi32>
        %parallel_loop3A_312 = tpu.vector_load_idx %arg12[%parallel_loop3A_311] : memref<2816xf32, #tpu.memory_space<vmem>>[vector<16xi32>], vector<16xf32>,
        %parallel_loop3A_313 = arith.addf %parallel_loop3A_303, %parallel_loop3A_312 : vector<16xf32>
        %parallel_loop3A_314 = arith.constant 10 : i32
        %parallel_loop3A_315 = vector.broadcast %parallel_loop3A_314 : i32 to vector<16xi32>
        %parallel_loop3A_316 = arith.addi %parallel_loop3A_221, %parallel_loop3A_315 : vector<16xi32>
        %parallel_loop3A_317 = tpu.vector_load_idx %arg11[%parallel_loop3A_316] : memref<2816xf32, #tpu.memory_space<vmem>>[vector<16xi32>], vector<16xf32>,
        %parallel_loop3A_318 = arith.addf %parallel_loop3A_308, %parallel_loop3A_317 : vector<16xf32>
        %parallel_loop3A_319 = arith.constant 10 : i32
        %parallel_loop3A_320 = vector.broadcast %parallel_loop3A_319 : i32 to vector<16xi32>
        %parallel_loop3A_321 = arith.addi %parallel_loop3A_221, %parallel_loop3A_320 : vector<16xi32>
        %parallel_loop3A_322 = tpu.vector_load_idx %arg12[%parallel_loop3A_321] : memref<2816xf32, #tpu.memory_space<vmem>>[vector<16xi32>], vector<16xf32>,
        %parallel_loop3A_323 = arith.addf %parallel_loop3A_313, %parallel_loop3A_322 : vector<16xf32>
        %parallel_loop3A_324 = arith.constant 11 : i32
        %parallel_loop3A_325 = vector.broadcast %parallel_loop3A_324 : i32 to vector<16xi32>
        %parallel_loop3A_326 = arith.addi %parallel_loop3A_221, %parallel_loop3A_325 : vector<16xi32>
        %parallel_loop3A_327 = tpu.vector_load_idx %arg11[%parallel_loop3A_326] : memref<2816xf32, #tpu.memory_space<vmem>>[vector<16xi32>], vector<16xf32>,
        %parallel_loop3A_328 = arith.addf %parallel_loop3A_318, %parallel_loop3A_327 : vector<16xf32>
        %parallel_loop3A_329 = arith.constant 11 : i32
        %parallel_loop3A_330 = vector.broadcast %parallel_loop3A_329 : i32 to vector<16xi32>
        %parallel_loop3A_331 = arith.addi %parallel_loop3A_221, %parallel_loop3A_330 : vector<16xi32>
        %parallel_loop3A_332 = tpu.vector_load_idx %arg12[%parallel_loop3A_331] : memref<2816xf32, #tpu.memory_space<vmem>>[vector<16xi32>], vector<16xf32>,
        %parallel_loop3A_333 = arith.addf %parallel_loop3A_323, %parallel_loop3A_332 : vector<16xf32>
        %parallel_loop3A_334 = arith.constant 12 : i32
        %parallel_loop3A_335 = vector.broadcast %parallel_loop3A_334 : i32 to vector<16xi32>
        %parallel_loop3A_336 = arith.addi %parallel_loop3A_221, %parallel_loop3A_335 : vector<16xi32>
        %parallel_loop3A_337 = tpu.vector_load_idx %arg11[%parallel_loop3A_336] : memref<2816xf32, #tpu.memory_space<vmem>>[vector<16xi32>], vector<16xf32>,
        %parallel_loop3A_338 = arith.addf %parallel_loop3A_328, %parallel_loop3A_337 : vector<16xf32>
        %parallel_loop3A_339 = arith.constant 12 : i32
        %parallel_loop3A_340 = vector.broadcast %parallel_loop3A_339 : i32 to vector<16xi32>
        %parallel_loop3A_341 = arith.addi %parallel_loop3A_221, %parallel_loop3A_340 : vector<16xi32>
        %parallel_loop3A_342 = tpu.vector_load_idx %arg12[%parallel_loop3A_341] : memref<2816xf32, #tpu.memory_space<vmem>>[vector<16xi32>], vector<16xf32>,
        %parallel_loop3A_343 = arith.addf %parallel_loop3A_333, %parallel_loop3A_342 : vector<16xf32>
        %parallel_loop3A_344 = arith.constant 13 : i32
        %parallel_loop3A_345 = vector.broadcast %parallel_loop3A_344 : i32 to vector<16xi32>
        %parallel_loop3A_346 = arith.addi %parallel_loop3A_221, %parallel_loop3A_345 : vector<16xi32>
        %parallel_loop3A_347 = tpu.vector_load_idx %arg11[%parallel_loop3A_346] : memref<2816xf32, #tpu.memory_space<vmem>>[vector<16xi32>], vector<16xf32>,
        %parallel_loop3A_348 = arith.addf %parallel_loop3A_338, %parallel_loop3A_347 : vector<16xf32>
        %parallel_loop3A_349 = arith.constant 13 : i32
        %parallel_loop3A_350 = vector.broadcast %parallel_loop3A_349 : i32 to vector<16xi32>
        %parallel_loop3A_351 = arith.addi %parallel_loop3A_221, %parallel_loop3A_350 : vector<16xi32>
        %parallel_loop3A_352 = tpu.vector_load_idx %arg12[%parallel_loop3A_351] : memref<2816xf32, #tpu.memory_space<vmem>>[vector<16xi32>], vector<16xf32>,
        %parallel_loop3A_353 = arith.addf %parallel_loop3A_343, %parallel_loop3A_352 : vector<16xf32>
        %parallel_loop3A_354 = arith.constant 14 : i32
        %parallel_loop3A_355 = vector.broadcast %parallel_loop3A_354 : i32 to vector<16xi32>
        %parallel_loop3A_356 = arith.addi %parallel_loop3A_221, %parallel_loop3A_355 : vector<16xi32>
        %parallel_loop3A_357 = tpu.vector_load_idx %arg11[%parallel_loop3A_356] : memref<2816xf32, #tpu.memory_space<vmem>>[vector<16xi32>], vector<16xf32>,
        %parallel_loop3A_358 = arith.addf %parallel_loop3A_348, %parallel_loop3A_357 : vector<16xf32>
        %parallel_loop3A_359 = arith.constant 14 : i32
        %parallel_loop3A_360 = vector.broadcast %parallel_loop3A_359 : i32 to vector<16xi32>
        %parallel_loop3A_361 = arith.addi %parallel_loop3A_221, %parallel_loop3A_360 : vector<16xi32>
        %parallel_loop3A_362 = tpu.vector_load_idx %arg12[%parallel_loop3A_361] : memref<2816xf32, #tpu.memory_space<vmem>>[vector<16xi32>], vector<16xf32>,
        %parallel_loop3A_363 = arith.addf %parallel_loop3A_353, %parallel_loop3A_362 : vector<16xf32>
        %parallel_loop3A_364 = arith.constant 15 : i32
        %parallel_loop3A_365 = vector.broadcast %parallel_loop3A_364 : i32 to vector<16xi32>
        %parallel_loop3A_366 = arith.addi %parallel_loop3A_221, %parallel_loop3A_365 : vector<16xi32>
        %parallel_loop3A_367 = tpu.vector_load_idx %arg11[%parallel_loop3A_366] : memref<2816xf32, #tpu.memory_space<vmem>>[vector<16xi32>], vector<16xf32>,
        %parallel_loop3A_368 = arith.addf %parallel_loop3A_358, %parallel_loop3A_367 : vector<16xf32>
        %parallel_loop3A_369 = arith.constant 15 : i32
        %parallel_loop3A_370 = vector.broadcast %parallel_loop3A_369 : i32 to vector<16xi32>
        %parallel_loop3A_371 = arith.addi %parallel_loop3A_221, %parallel_loop3A_370 : vector<16xi32>
        %parallel_loop3A_372 = tpu.vector_load_idx %arg12[%parallel_loop3A_371] : memref<2816xf32, #tpu.memory_space<vmem>>[vector<16xi32>], vector<16xf32>,
        %parallel_loop3A_373 = arith.addf %parallel_loop3A_363, %parallel_loop3A_372 : vector<16xf32>
        %parallel_loop3A_374 = arith.constant 16 : i32
        %parallel_loop3A_375 = arith.muli %parallel_loop3A_214, %parallel_loop3A_374 : i32
        %parallel_loop3A_376 = arith.index_cast %parallel_loop3A_375 : i32 to index
        %parallel_loop3A_377 = tpu.vector_load %arg13[%parallel_loop3A_376] {strides = array<i32>} : memref<176xf32, #tpu.memory_space<vmem>>, vector<16xf32>,
        tpu.vector_store %arg13[%parallel_loop3A_376], %parallel_loop3A_368 {strides = array<i32>} : memref<176xf32, #tpu.memory_space<vmem>>, vector<16xf32>,
        %parallel_loop3A_378 = arith.constant 16 : i32
        %parallel_loop3A_379 = arith.muli %parallel_loop3A_214, %parallel_loop3A_378 : i32
        %parallel_loop3A_380 = arith.index_cast %parallel_loop3A_379 : i32 to index
        %parallel_loop3A_381 = tpu.vector_load %arg15[%parallel_loop3A_380] {strides = array<i32>} : memref<176xf32, #tpu.memory_space<vmem>>, vector<16xf32>,
        tpu.vector_store %arg15[%parallel_loop3A_380], %parallel_loop3A_373 {strides = array<i32>} : memref<176xf32, #tpu.memory_space<vmem>>, vector<16xf32>,
      } {sc.loop_unroll_factor = 2 : i64, sc.parallel_access}
      %dma_start3A_140 = arith.constant 0 : i32
      %dma_start3A_141 = tpu.memref_slice %arg5[%add3A_99, %dma_start3A_140] : memref<4096x176xf32, #tpu.memory_space<hbm>> -> memref<1x176xf32, #tpu.memory_space<hbm>>
      %dma_start3A_142 = tpu.memref_squeeze %dma_start3A_141 : memref<1x176xf32, #tpu.memory_space<hbm>> -> memref<176xf32, #tpu.memory_space<hbm>>
      %dma_start3A_143 = arith.constant 0 : i32
      %dma_start3A_144 = tpu.memref_slice %arg5[%add3A_99, %dma_start3A_143] : memref<4096x176xf32, #tpu.memory_space<hbm>> -> memref<1x176xf32, #tpu.memory_space<hbm>>
      %dma_start3A_145 = tpu.memref_squeeze %dma_start3A_144 : memref<1x176xf32, #tpu.memory_space<hbm>> -> memref<176xf32, #tpu.memory_space<hbm>>
      tpu.enqueue_dma source(%arg13 : memref<176xf32, #tpu.memory_space<vmem>>) target(%dma_start3A_145 : memref<176xf32, #tpu.memory_space<hbm>>) target_semaphore(%arg19 : memref<!tpu.dma_semaphore, #tpu.memory_space<semaphore_mem>>)
      %dma_start3A_146 = arith.constant 0 : i32
      %dma_start3A_147 = tpu.memref_slice %arg6[%add3A_99, %dma_start3A_146] : memref<4096x176xf32, #tpu.memory_space<hbm>> -> memref<1x176xf32, #tpu.memory_space<hbm>>
      %dma_start3A_148 = tpu.memref_squeeze %dma_start3A_147 : memref<1x176xf32, #tpu.memory_space<hbm>> -> memref<176xf32, #tpu.memory_space<hbm>>
      %dma_start3A_149 = arith.constant 0 : i32
      %dma_start3A_150 = tpu.memref_slice %arg6[%add3A_99, %dma_start3A_149] : memref<4096x176xf32, #tpu.memory_space<hbm>> -> memref<1x176xf32, #tpu.memory_space<hbm>>
      %dma_start3A_151 = tpu.memref_squeeze %dma_start3A_150 : memref<1x176xf32, #tpu.memory_space<hbm>> -> memref<176xf32, #tpu.memory_space<hbm>>
      tpu.enqueue_dma source(%arg15 : memref<176xf32, #tpu.memory_space<vmem>>) target(%dma_start3A_151 : memref<176xf32, #tpu.memory_space<hbm>>) target_semaphore(%arg19 : memref<!tpu.dma_semaphore, #tpu.memory_space<semaphore_mem>>)
      %mul3A_152 = arith.constant 2 : i32
      %mul3A_153 = arith.muli %mul3A_152, %scan3A_94 : i32
      %add3A_154 = arith.constant 1 : i32
      %add3A_155 = arith.addi %mul3A_153, %add3A_154 : i32
      %add3A_156 = arith.addi %mul3A_2, %add3A_155 : i32
      %dma_wait3A_157 = arith.constant 50 : i32
      %dma_wait3A_158 = arith.constant 0 : i32
      %dma_wait3A_159 = tpu.memref_slice %arg9[%dma_wait3A_157, %dma_wait3A_158] : memref<100x128xf32, #tpu.memory_space<vmem>> -> memref<50x128xf32, #tpu.memory_space<vmem>>
      %dma_wait3A_160 = arith.constant 0 : i32
      %dma_wait3A_161 = tpu.memref_slice %arg7[%add3A_155, %dma_wait3A_160] : memref<128x50xi32, #tpu.memory_space<vmem>> -> memref<1x50xi32, #tpu.memory_space<vmem>>
      %dma_wait3A_162 = tpu.memref_squeeze %dma_wait3A_161 : memref<1x50xi32, #tpu.memory_space<vmem>> -> memref<50xi32, #tpu.memory_space<vmem>>
      %dma_wait3A_163 = arith.constant 0 : i32
      %dma_wait3A_164 = arith.constant 0 : i32
      %dma_wait3A_165 = tpu.memref_slice %arg3[%dma_wait3A_163, %dma_wait3A_164] : memref<100000x128xf32, #tpu.memory_space<hbm>> -> memref<100000x128xf32, #tpu.memory_space<hbm>>
      tpu.wait_indirect_dma semaphore(%arg18 : memref<!tpu.dma_semaphore, #tpu.memory_space<semaphore_mem>>) src(%dma_wait3A_165 : memref<100000x128xf32, #tpu.memory_space<hbm>>) dst(%dma_wait3A_159 : memref<50x128xf32, #tpu.memory_space<vmem>>)
      %dma_wait3A_166 = arith.constant 0 : i32
      %dma_wait3A_167 = arith.constant 176 : i32
      %dma_wait3A_168 = arith.constant 0 : i32
      %dma_wait3A_169 = tpu.memref_slice %arg10[%dma_wait3A_167, %dma_wait3A_168] : memref<352x128xf32, #tpu.memory_space<vmem>> -> memref<88x128xf32, #tpu.memory_space<vmem>>
      %dma_wait3A_170 = arith.constant 0 : i32
      %dma_wait3A_171 = tpu.memref_slice %arg8[%add3A_155, %dma_wait3A_166, %dma_wait3A_170] : memref<128x2x88xi32, #tpu.memory_space<vmem>> -> memref<1x1x88xi32, #tpu.memory_space<vmem>>
      %dma_wait3A_172 = tpu.memref_squeeze %dma_wait3A_171 : memref<1x1x88xi32, #tpu.memory_space<vmem>> -> memref<88xi32, #tpu.memory_space<vmem>>
      %dma_wait3A_173 = arith.constant 0 : i32
      %dma_wait3A_174 = arith.constant 0 : i32
      %dma_wait3A_175 = tpu.memref_slice %arg3[%dma_wait3A_173, %dma_wait3A_174] : memref<100000x128xf32, #tpu.memory_space<hbm>> -> memref<100000x128xf32, #tpu.memory_space<hbm>>
      tpu.wait_indirect_dma semaphore(%arg18 : memref<!tpu.dma_semaphore, #tpu.memory_space<semaphore_mem>>) src(%dma_wait3A_175 : memref<100000x128xf32, #tpu.memory_space<hbm>>) dst(%dma_wait3A_169 : memref<88x128xf32, #tpu.memory_space<vmem>>)
      %dma_wait3A_176 = arith.constant 1 : i32
      %dma_wait3A_177 = arith.constant 264 : i32
      %dma_wait3A_178 = arith.constant 0 : i32
      %dma_wait3A_179 = tpu.memref_slice %arg10[%dma_wait3A_177, %dma_wait3A_178] : memref<352x128xf32, #tpu.memory_space<vmem>> -> memref<88x128xf32, #tpu.memory_space<vmem>>
      %dma_wait3A_180 = arith.constant 0 : i32
      %dma_wait3A_181 = tpu.memref_slice %arg8[%add3A_155, %dma_wait3A_176, %dma_wait3A_180] : memref<128x2x88xi32, #tpu.memory_space<vmem>> -> memref<1x1x88xi32, #tpu.memory_space<vmem>>
      %dma_wait3A_182 = tpu.memref_squeeze %dma_wait3A_181 : memref<1x1x88xi32, #tpu.memory_space<vmem>> -> memref<88xi32, #tpu.memory_space<vmem>>
      %dma_wait3A_183 = arith.constant 0 : i32
      %dma_wait3A_184 = arith.constant 0 : i32
      %dma_wait3A_185 = tpu.memref_slice %arg3[%dma_wait3A_183, %dma_wait3A_184] : memref<100000x128xf32, #tpu.memory_space<hbm>> -> memref<100000x128xf32, #tpu.memory_space<hbm>>
      tpu.wait_indirect_dma semaphore(%arg18 : memref<!tpu.dma_semaphore, #tpu.memory_space<semaphore_mem>>) src(%dma_wait3A_185 : memref<100000x128xf32, #tpu.memory_space<hbm>>) dst(%dma_wait3A_179 : memref<88x128xf32, #tpu.memory_space<vmem>>)
      %parallel_loop3A_186 = arith.constant 0 : i32
      %parallel_loop3A_187 = arith.constant 44 : i32
      %parallel_loop3A_188 = arith.constant 1 : i32
      scf.for %parallel_loop3A_214 = %parallel_loop3A_186 to %parallel_loop3A_187 step %parallel_loop3A_188  : i32 {
        %parallel_loop3A_215 = arith.constant 2 : i32
        %parallel_loop3A_216 = arith.addi %parallel_loop3A_214, %parallel_loop3A_215 : i32
        %parallel_loop3A_217 = arith.constant 50 : i32
        %parallel_loop3A_218 = arith.addi %parallel_loop3A_216, %parallel_loop3A_217 : i32
        %parallel_loop3A_219 = arith.index_cast %parallel_loop3A_218 : i32 to index
        %parallel_loop3A_220 = arith.constant 0 : index
        %parallel_loop3A_221 = tpu.vector_load %arg9[%parallel_loop3A_219, %parallel_loop3A_220] {strides = array<i32>} : memref<100x128xf32, #tpu.memory_space<vmem>>, vector<16xf32>,
        %parallel_loop3A_222 = arith.index_cast %parallel_loop3A_218 : i32 to index
        %parallel_loop3A_223 = arith.constant 16 : index
        %parallel_loop3A_224 = tpu.vector_load %arg9[%parallel_loop3A_222, %parallel_loop3A_223] {strides = array<i32>} : memref<100x128xf32, #tpu.memory_space<vmem>>, vector<16xf32>,
        %parallel_loop3A_225 = arith.index_cast %parallel_loop3A_218 : i32 to index
        %parallel_loop3A_226 = arith.constant 32 : index
        %parallel_loop3A_227 = tpu.vector_load %arg9[%parallel_loop3A_225, %parallel_loop3A_226] {strides = array<i32>} : memref<100x128xf32, #tpu.memory_space<vmem>>, vector<16xf32>,
        %parallel_loop3A_228 = arith.index_cast %parallel_loop3A_218 : i32 to index
        %parallel_loop3A_229 = arith.constant 48 : index
        %parallel_loop3A_230 = tpu.vector_load %arg9[%parallel_loop3A_228, %parallel_loop3A_229] {strides = array<i32>} : memref<100x128xf32, #tpu.memory_space<vmem>>, vector<16xf32>,
        %parallel_loop3A_231 = arith.index_cast %parallel_loop3A_218 : i32 to index
        %parallel_loop3A_232 = arith.constant 64 : index
        %parallel_loop3A_233 = tpu.vector_load %arg9[%parallel_loop3A_231, %parallel_loop3A_232] {strides = array<i32>} : memref<100x128xf32, #tpu.memory_space<vmem>>, vector<16xf32>,
        %parallel_loop3A_234 = arith.index_cast %parallel_loop3A_218 : i32 to index
        %parallel_loop3A_235 = arith.constant 80 : index
        %parallel_loop3A_236 = tpu.vector_load %arg9[%parallel_loop3A_234, %parallel_loop3A_235] {strides = array<i32>} : memref<100x128xf32, #tpu.memory_space<vmem>>, vector<16xf32>,
        %parallel_loop3A_237 = arith.index_cast %parallel_loop3A_218 : i32 to index
        %parallel_loop3A_238 = arith.constant 96 : index
        %parallel_loop3A_239 = tpu.vector_load %arg9[%parallel_loop3A_237, %parallel_loop3A_238] {strides = array<i32>} : memref<100x128xf32, #tpu.memory_space<vmem>>, vector<16xf32>,
        %parallel_loop3A_240 = arith.index_cast %parallel_loop3A_218 : i32 to index
        %parallel_loop3A_241 = arith.constant 112 : index
        %parallel_loop3A_242 = tpu.vector_load %arg9[%parallel_loop3A_240, %parallel_loop3A_241] {strides = array<i32>} : memref<100x128xf32, #tpu.memory_space<vmem>>, vector<16xf32>,
        %parallel_loop3A_243 = arith.constant 0 : i32
        %parallel_loop3A_244 = arith.addi %parallel_loop3A_214, %parallel_loop3A_243 : i32
        %parallel_loop3A_245 = arith.constant 50 : i32
        %parallel_loop3A_246 = arith.addi %parallel_loop3A_244, %parallel_loop3A_245 : i32
        %parallel_loop3A_247 = arith.constant 4 : i32
        %parallel_loop3A_248 = arith.muli %parallel_loop3A_214, %parallel_loop3A_247 : i32
        %parallel_loop3A_249 = arith.constant 0 : i32
        %parallel_loop3A_250 = arith.addi %parallel_loop3A_248, %parallel_loop3A_249 : i32
        %parallel_loop3A_251 = arith.constant 176 : i32
        %parallel_loop3A_252 = arith.addi %parallel_loop3A_250, %parallel_loop3A_251 : i32
        %parallel_loop3A_253 = arith.index_cast %parallel_loop3A_246 : i32 to index
        %parallel_loop3A_254 = arith.constant 0 : index
        %parallel_loop3A_255 = tpu.vector_load %arg9[%parallel_loop3A_253, %parallel_loop3A_254] {strides = array<i32>} : memref<100x128xf32, #tpu.memory_space<vmem>>, vector<16xf32>,
        %parallel_loop3A_256 = arith.mulf %parallel_loop3A_221, %parallel_loop3A_255 : vector<16xf32>
        %parallel_loop3A_257 = arith.index_cast %parallel_loop3A_246 : i32 to index
        %parallel_loop3A_258 = arith.constant 16 : index
        %parallel_loop3A_259 = tpu.vector_load %arg9[%parallel_loop3A_257, %parallel_loop3A_258] {strides = array<i32>} : memref<100x128xf32, #tpu.memory_space<vmem>>, vector<16xf32>,
        %parallel_loop3A_260 = arith.mulf %parallel_loop3A_224, %parallel_loop3A_259 : vector<16xf32>
        %parallel_loop3A_261 = arith.addf %parallel_loop3A_256, %parallel_loop3A_260 : vector<16xf32>
        %parallel_loop3A_262 = arith.index_cast %parallel_loop3A_246 : i32 to index
        %parallel_loop3A_263 = arith.constant 32 : index
        %parallel_loop3A_264 = tpu.vector_load %arg9[%parallel_loop3A_262, %parallel_loop3A_263] {strides = array<i32>} : memref<100x128xf32, #tpu.memory_space<vmem>>, vector<16xf32>,
        %parallel_loop3A_265 = arith.mulf %parallel_loop3A_227, %parallel_loop3A_264 : vector<16xf32>
        %parallel_loop3A_266 = arith.addf %parallel_loop3A_261, %parallel_loop3A_265 : vector<16xf32>
        %parallel_loop3A_267 = arith.index_cast %parallel_loop3A_246 : i32 to index
        %parallel_loop3A_268 = arith.constant 48 : index
        %parallel_loop3A_269 = tpu.vector_load %arg9[%parallel_loop3A_267, %parallel_loop3A_268] {strides = array<i32>} : memref<100x128xf32, #tpu.memory_space<vmem>>, vector<16xf32>,
        %parallel_loop3A_270 = arith.mulf %parallel_loop3A_230, %parallel_loop3A_269 : vector<16xf32>
        %parallel_loop3A_271 = arith.addf %parallel_loop3A_266, %parallel_loop3A_270 : vector<16xf32>
        %parallel_loop3A_272 = arith.index_cast %parallel_loop3A_246 : i32 to index
        %parallel_loop3A_273 = arith.constant 64 : index
        %parallel_loop3A_274 = tpu.vector_load %arg9[%parallel_loop3A_272, %parallel_loop3A_273] {strides = array<i32>} : memref<100x128xf32, #tpu.memory_space<vmem>>, vector<16xf32>,
        %parallel_loop3A_275 = arith.mulf %parallel_loop3A_233, %parallel_loop3A_274 : vector<16xf32>
        %parallel_loop3A_276 = arith.addf %parallel_loop3A_271, %parallel_loop3A_275 : vector<16xf32>
        %parallel_loop3A_277 = arith.index_cast %parallel_loop3A_246 : i32 to index
        %parallel_loop3A_278 = arith.constant 80 : index
        %parallel_loop3A_279 = tpu.vector_load %arg9[%parallel_loop3A_277, %parallel_loop3A_278] {strides = array<i32>} : memref<100x128xf32, #tpu.memory_space<vmem>>, vector<16xf32>,
        %parallel_loop3A_280 = arith.mulf %parallel_loop3A_236, %parallel_loop3A_279 : vector<16xf32>
        %parallel_loop3A_281 = arith.addf %parallel_loop3A_276, %parallel_loop3A_280 : vector<16xf32>
        %parallel_loop3A_282 = arith.index_cast %parallel_loop3A_246 : i32 to index
        %parallel_loop3A_283 = arith.constant 96 : index
        %parallel_loop3A_284 = tpu.vector_load %arg9[%parallel_loop3A_282, %parallel_loop3A_283] {strides = array<i32>} : memref<100x128xf32, #tpu.memory_space<vmem>>, vector<16xf32>,
        %parallel_loop3A_285 = arith.mulf %parallel_loop3A_239, %parallel_loop3A_284 : vector<16xf32>
        %parallel_loop3A_286 = arith.addf %parallel_loop3A_281, %parallel_loop3A_285 : vector<16xf32>
        %parallel_loop3A_287 = arith.index_cast %parallel_loop3A_246 : i32 to index
        %parallel_loop3A_288 = arith.constant 112 : index
        %parallel_loop3A_289 = tpu.vector_load %arg9[%parallel_loop3A_287, %parallel_loop3A_288] {strides = array<i32>} : memref<100x128xf32, #tpu.memory_space<vmem>>, vector<16xf32>,
        %parallel_loop3A_290 = arith.mulf %parallel_loop3A_242, %parallel_loop3A_289 : vector<16xf32>
        %parallel_loop3A_291 = arith.addf %parallel_loop3A_286, %parallel_loop3A_290 : vector<16xf32>
        %parallel_loop3A_292 = arith.constant 16 : i32
        %parallel_loop3A_293 = arith.muli %parallel_loop3A_250, %parallel_loop3A_292 : i32
        %parallel_loop3A_294 = arith.index_cast %parallel_loop3A_293 : i32 to index
        %parallel_loop3A_295 = tpu.vector_load %arg11[%parallel_loop3A_294] {strides = array<i32>} : memref<2816xf32, #tpu.memory_space<vmem>>, vector<16xf32>,
        tpu.vector_store %arg11[%parallel_loop3A_294], %parallel_loop3A_291 {strides = array<i32>} : memref<2816xf32, #tpu.memory_space<vmem>>, vector<16xf32>,
        %parallel_loop3A_296 = arith.index_cast %parallel_loop3A_252 : i32 to index
        %parallel_loop3A_297 = arith.constant 0 : index
        %parallel_loop3A_298 = tpu.vector_load %arg10[%parallel_loop3A_296, %parallel_loop3A_297] {strides = array<i32>} : memref<352x128xf32, #tpu.memory_space<vmem>>, vector<16xf32>,
        %parallel_loop3A_299 = arith.mulf %parallel_loop3A_221, %parallel_loop3A_298 : vector<16xf32>
        %parallel_loop3A_300 = arith.index_cast %parallel_loop3A_252 : i32 to index
        %parallel_loop3A_301 = arith.constant 16 : index
        %parallel_loop3A_302 = tpu.vector_load %arg10[%parallel_loop3A_300, %parallel_loop3A_301] {strides = array<i32>} : memref<352x128xf32, #tpu.memory_space<vmem>>, vector<16xf32>,
        %parallel_loop3A_303 = arith.mulf %parallel_loop3A_224, %parallel_loop3A_302 : vector<16xf32>
        %parallel_loop3A_304 = arith.addf %parallel_loop3A_299, %parallel_loop3A_303 : vector<16xf32>
        %parallel_loop3A_305 = arith.index_cast %parallel_loop3A_252 : i32 to index
        %parallel_loop3A_306 = arith.constant 32 : index
        %parallel_loop3A_307 = tpu.vector_load %arg10[%parallel_loop3A_305, %parallel_loop3A_306] {strides = array<i32>} : memref<352x128xf32, #tpu.memory_space<vmem>>, vector<16xf32>,
        %parallel_loop3A_308 = arith.mulf %parallel_loop3A_227, %parallel_loop3A_307 : vector<16xf32>
        %parallel_loop3A_309 = arith.addf %parallel_loop3A_304, %parallel_loop3A_308 : vector<16xf32>
        %parallel_loop3A_310 = arith.index_cast %parallel_loop3A_252 : i32 to index
        %parallel_loop3A_311 = arith.constant 48 : index
        %parallel_loop3A_312 = tpu.vector_load %arg10[%parallel_loop3A_310, %parallel_loop3A_311] {strides = array<i32>} : memref<352x128xf32, #tpu.memory_space<vmem>>, vector<16xf32>,
        %parallel_loop3A_313 = arith.mulf %parallel_loop3A_230, %parallel_loop3A_312 : vector<16xf32>
        %parallel_loop3A_314 = arith.addf %parallel_loop3A_309, %parallel_loop3A_313 : vector<16xf32>
        %parallel_loop3A_315 = arith.index_cast %parallel_loop3A_252 : i32 to index
        %parallel_loop3A_316 = arith.constant 64 : index
        %parallel_loop3A_317 = tpu.vector_load %arg10[%parallel_loop3A_315, %parallel_loop3A_316] {strides = array<i32>} : memref<352x128xf32, #tpu.memory_space<vmem>>, vector<16xf32>,
        %parallel_loop3A_318 = arith.mulf %parallel_loop3A_233, %parallel_loop3A_317 : vector<16xf32>
        %parallel_loop3A_319 = arith.addf %parallel_loop3A_314, %parallel_loop3A_318 : vector<16xf32>
        %parallel_loop3A_320 = arith.index_cast %parallel_loop3A_252 : i32 to index
        %parallel_loop3A_321 = arith.constant 80 : index
        %parallel_loop3A_322 = tpu.vector_load %arg10[%parallel_loop3A_320, %parallel_loop3A_321] {strides = array<i32>} : memref<352x128xf32, #tpu.memory_space<vmem>>, vector<16xf32>,
        %parallel_loop3A_323 = arith.mulf %parallel_loop3A_236, %parallel_loop3A_322 : vector<16xf32>
        %parallel_loop3A_324 = arith.addf %parallel_loop3A_319, %parallel_loop3A_323 : vector<16xf32>
        %parallel_loop3A_325 = arith.index_cast %parallel_loop3A_252 : i32 to index
        %parallel_loop3A_326 = arith.constant 96 : index
        %parallel_loop3A_327 = tpu.vector_load %arg10[%parallel_loop3A_325, %parallel_loop3A_326] {strides = array<i32>} : memref<352x128xf32, #tpu.memory_space<vmem>>, vector<16xf32>,
        %parallel_loop3A_328 = arith.mulf %parallel_loop3A_239, %parallel_loop3A_327 : vector<16xf32>
        %parallel_loop3A_329 = arith.addf %parallel_loop3A_324, %parallel_loop3A_328 : vector<16xf32>
        %parallel_loop3A_330 = arith.index_cast %parallel_loop3A_252 : i32 to index
        %parallel_loop3A_331 = arith.constant 112 : index
        %parallel_loop3A_332 = tpu.vector_load %arg10[%parallel_loop3A_330, %parallel_loop3A_331] {strides = array<i32>} : memref<352x128xf32, #tpu.memory_space<vmem>>, vector<16xf32>,
        %parallel_loop3A_333 = arith.mulf %parallel_loop3A_242, %parallel_loop3A_332 : vector<16xf32>
        %parallel_loop3A_334 = arith.addf %parallel_loop3A_329, %parallel_loop3A_333 : vector<16xf32>
        %parallel_loop3A_335 = arith.constant 16 : i32
        %parallel_loop3A_336 = arith.muli %parallel_loop3A_250, %parallel_loop3A_335 : i32
        %parallel_loop3A_337 = arith.index_cast %parallel_loop3A_336 : i32 to index
        %parallel_loop3A_338 = tpu.vector_load %arg12[%parallel_loop3A_337] {strides = array<i32>} : memref<2816xf32, #tpu.memory_space<vmem>>, vector<16xf32>,
        tpu.vector_store %arg12[%parallel_loop3A_337], %parallel_loop3A_334 {strides = array<i32>} : memref<2816xf32, #tpu.memory_space<vmem>>, vector<16xf32>,
        %parallel_loop3A_339 = arith.constant 1 : i32
        %parallel_loop3A_340 = arith.addi %parallel_loop3A_214, %parallel_loop3A_339 : i32
        %parallel_loop3A_341 = arith.constant 50 : i32
        %parallel_loop3A_342 = arith.addi %parallel_loop3A_340, %parallel_loop3A_341 : i32
        %parallel_loop3A_343 = arith.constant 4 : i32
        %parallel_loop3A_344 = arith.muli %parallel_loop3A_214, %parallel_loop3A_343 : i32
        %parallel_loop3A_345 = arith.constant 1 : i32
        %parallel_loop3A_346 = arith.addi %parallel_loop3A_344, %parallel_loop3A_345 : i32
        %parallel_loop3A_347 = arith.constant 176 : i32
        %parallel_loop3A_348 = arith.addi %parallel_loop3A_346, %parallel_loop3A_347 : i32
        %parallel_loop3A_349 = arith.index_cast %parallel_loop3A_342 : i32 to index
        %parallel_loop3A_350 = arith.constant 0 : index
        %parallel_loop3A_351 = tpu.vector_load %arg9[%parallel_loop3A_349, %parallel_loop3A_350] {strides = array<i32>} : memref<100x128xf32, #tpu.memory_space<vmem>>, vector<16xf32>,
        %parallel_loop3A_352 = arith.mulf %parallel_loop3A_221, %parallel_loop3A_351 : vector<16xf32>
        %parallel_loop3A_353 = arith.index_cast %parallel_loop3A_342 : i32 to index
        %parallel_loop3A_354 = arith.constant 16 : index
        %parallel_loop3A_355 = tpu.vector_load %arg9[%parallel_loop3A_353, %parallel_loop3A_354] {strides = array<i32>} : memref<100x128xf32, #tpu.memory_space<vmem>>, vector<16xf32>,
        %parallel_loop3A_356 = arith.mulf %parallel_loop3A_224, %parallel_loop3A_355 : vector<16xf32>
        %parallel_loop3A_357 = arith.addf %parallel_loop3A_352, %parallel_loop3A_356 : vector<16xf32>
        %parallel_loop3A_358 = arith.index_cast %parallel_loop3A_342 : i32 to index
        %parallel_loop3A_359 = arith.constant 32 : index
        %parallel_loop3A_360 = tpu.vector_load %arg9[%parallel_loop3A_358, %parallel_loop3A_359] {strides = array<i32>} : memref<100x128xf32, #tpu.memory_space<vmem>>, vector<16xf32>,
        %parallel_loop3A_361 = arith.mulf %parallel_loop3A_227, %parallel_loop3A_360 : vector<16xf32>
        %parallel_loop3A_362 = arith.addf %parallel_loop3A_357, %parallel_loop3A_361 : vector<16xf32>
        %parallel_loop3A_363 = arith.index_cast %parallel_loop3A_342 : i32 to index
        %parallel_loop3A_364 = arith.constant 48 : index
        %parallel_loop3A_365 = tpu.vector_load %arg9[%parallel_loop3A_363, %parallel_loop3A_364] {strides = array<i32>} : memref<100x128xf32, #tpu.memory_space<vmem>>, vector<16xf32>,
        %parallel_loop3A_366 = arith.mulf %parallel_loop3A_230, %parallel_loop3A_365 : vector<16xf32>
        %parallel_loop3A_367 = arith.addf %parallel_loop3A_362, %parallel_loop3A_366 : vector<16xf32>
        %parallel_loop3A_368 = arith.index_cast %parallel_loop3A_342 : i32 to index
        %parallel_loop3A_369 = arith.constant 64 : index
        %parallel_loop3A_370 = tpu.vector_load %arg9[%parallel_loop3A_368, %parallel_loop3A_369] {strides = array<i32>} : memref<100x128xf32, #tpu.memory_space<vmem>>, vector<16xf32>,
        %parallel_loop3A_371 = arith.mulf %parallel_loop3A_233, %parallel_loop3A_370 : vector<16xf32>
        %parallel_loop3A_372 = arith.addf %parallel_loop3A_367, %parallel_loop3A_371 : vector<16xf32>
        %parallel_loop3A_373 = arith.index_cast %parallel_loop3A_342 : i32 to index
        %parallel_loop3A_374 = arith.constant 80 : index
        %parallel_loop3A_375 = tpu.vector_load %arg9[%parallel_loop3A_373, %parallel_loop3A_374] {strides = array<i32>} : memref<100x128xf32, #tpu.memory_space<vmem>>, vector<16xf32>,
        %parallel_loop3A_376 = arith.mulf %parallel_loop3A_236, %parallel_loop3A_375 : vector<16xf32>
        %parallel_loop3A_377 = arith.addf %parallel_loop3A_372, %parallel_loop3A_376 : vector<16xf32>
        %parallel_loop3A_378 = arith.index_cast %parallel_loop3A_342 : i32 to index
        %parallel_loop3A_379 = arith.constant 96 : index
        %parallel_loop3A_380 = tpu.vector_load %arg9[%parallel_loop3A_378, %parallel_loop3A_379] {strides = array<i32>} : memref<100x128xf32, #tpu.memory_space<vmem>>, vector<16xf32>,
        %parallel_loop3A_381 = arith.mulf %parallel_loop3A_239, %parallel_loop3A_380 : vector<16xf32>
        %parallel_loop3A_382 = arith.addf %parallel_loop3A_377, %parallel_loop3A_381 : vector<16xf32>
        %parallel_loop3A_383 = arith.index_cast %parallel_loop3A_342 : i32 to index
        %parallel_loop3A_384 = arith.constant 112 : index
        %parallel_loop3A_385 = tpu.vector_load %arg9[%parallel_loop3A_383, %parallel_loop3A_384] {strides = array<i32>} : memref<100x128xf32, #tpu.memory_space<vmem>>, vector<16xf32>,
        %parallel_loop3A_386 = arith.mulf %parallel_loop3A_242, %parallel_loop3A_385 : vector<16xf32>
        %parallel_loop3A_387 = arith.addf %parallel_loop3A_382, %parallel_loop3A_386 : vector<16xf32>
        %parallel_loop3A_388 = arith.constant 16 : i32
        %parallel_loop3A_389 = arith.muli %parallel_loop3A_346, %parallel_loop3A_388 : i32
        %parallel_loop3A_390 = arith.index_cast %parallel_loop3A_389 : i32 to index
        %parallel_loop3A_391 = tpu.vector_load %arg11[%parallel_loop3A_390] {strides = array<i32>} : memref<2816xf32, #tpu.memory_space<vmem>>, vector<16xf32>,
        tpu.vector_store %arg11[%parallel_loop3A_390], %parallel_loop3A_387 {strides = array<i32>} : memref<2816xf32, #tpu.memory_space<vmem>>, vector<16xf32>,
        %parallel_loop3A_392 = arith.index_cast %parallel_loop3A_348 : i32 to index
        %parallel_loop3A_393 = arith.constant 0 : index
        %parallel_loop3A_394 = tpu.vector_load %arg10[%parallel_loop3A_392, %parallel_loop3A_393] {strides = array<i32>} : memref<352x128xf32, #tpu.memory_space<vmem>>, vector<16xf32>,
        %parallel_loop3A_395 = arith.mulf %parallel_loop3A_221, %parallel_loop3A_394 : vector<16xf32>
        %parallel_loop3A_396 = arith.index_cast %parallel_loop3A_348 : i32 to index
        %parallel_loop3A_397 = arith.constant 16 : index
        %parallel_loop3A_398 = tpu.vector_load %arg10[%parallel_loop3A_396, %parallel_loop3A_397] {strides = array<i32>} : memref<352x128xf32, #tpu.memory_space<vmem>>, vector<16xf32>,
        %parallel_loop3A_399 = arith.mulf %parallel_loop3A_224, %parallel_loop3A_398 : vector<16xf32>
        %parallel_loop3A_400 = arith.addf %parallel_loop3A_395, %parallel_loop3A_399 : vector<16xf32>
        %parallel_loop3A_401 = arith.index_cast %parallel_loop3A_348 : i32 to index
        %parallel_loop3A_402 = arith.constant 32 : index
        %parallel_loop3A_403 = tpu.vector_load %arg10[%parallel_loop3A_401, %parallel_loop3A_402] {strides = array<i32>} : memref<352x128xf32, #tpu.memory_space<vmem>>, vector<16xf32>,
        %parallel_loop3A_404 = arith.mulf %parallel_loop3A_227, %parallel_loop3A_403 : vector<16xf32>
        %parallel_loop3A_405 = arith.addf %parallel_loop3A_400, %parallel_loop3A_404 : vector<16xf32>
        %parallel_loop3A_406 = arith.index_cast %parallel_loop3A_348 : i32 to index
        %parallel_loop3A_407 = arith.constant 48 : index
        %parallel_loop3A_408 = tpu.vector_load %arg10[%parallel_loop3A_406, %parallel_loop3A_407] {strides = array<i32>} : memref<352x128xf32, #tpu.memory_space<vmem>>, vector<16xf32>,
        %parallel_loop3A_409 = arith.mulf %parallel_loop3A_230, %parallel_loop3A_408 : vector<16xf32>
        %parallel_loop3A_410 = arith.addf %parallel_loop3A_405, %parallel_loop3A_409 : vector<16xf32>
        %parallel_loop3A_411 = arith.index_cast %parallel_loop3A_348 : i32 to index
        %parallel_loop3A_412 = arith.constant 64 : index
        %parallel_loop3A_413 = tpu.vector_load %arg10[%parallel_loop3A_411, %parallel_loop3A_412] {strides = array<i32>} : memref<352x128xf32, #tpu.memory_space<vmem>>, vector<16xf32>,
        %parallel_loop3A_414 = arith.mulf %parallel_loop3A_233, %parallel_loop3A_413 : vector<16xf32>
        %parallel_loop3A_415 = arith.addf %parallel_loop3A_410, %parallel_loop3A_414 : vector<16xf32>
        %parallel_loop3A_416 = arith.index_cast %parallel_loop3A_348 : i32 to index
        %parallel_loop3A_417 = arith.constant 80 : index
        %parallel_loop3A_418 = tpu.vector_load %arg10[%parallel_loop3A_416, %parallel_loop3A_417] {strides = array<i32>} : memref<352x128xf32, #tpu.memory_space<vmem>>, vector<16xf32>,
        %parallel_loop3A_419 = arith.mulf %parallel_loop3A_236, %parallel_loop3A_418 : vector<16xf32>
        %parallel_loop3A_420 = arith.addf %parallel_loop3A_415, %parallel_loop3A_419 : vector<16xf32>
        %parallel_loop3A_421 = arith.index_cast %parallel_loop3A_348 : i32 to index
        %parallel_loop3A_422 = arith.constant 96 : index
        %parallel_loop3A_423 = tpu.vector_load %arg10[%parallel_loop3A_421, %parallel_loop3A_422] {strides = array<i32>} : memref<352x128xf32, #tpu.memory_space<vmem>>, vector<16xf32>,
        %parallel_loop3A_424 = arith.mulf %parallel_loop3A_239, %parallel_loop3A_423 : vector<16xf32>
        %parallel_loop3A_425 = arith.addf %parallel_loop3A_420, %parallel_loop3A_424 : vector<16xf32>
        %parallel_loop3A_426 = arith.index_cast %parallel_loop3A_348 : i32 to index
        %parallel_loop3A_427 = arith.constant 112 : index
        %parallel_loop3A_428 = tpu.vector_load %arg10[%parallel_loop3A_426, %parallel_loop3A_427] {strides = array<i32>} : memref<352x128xf32, #tpu.memory_space<vmem>>, vector<16xf32>,
        %parallel_loop3A_429 = arith.mulf %parallel_loop3A_242, %parallel_loop3A_428 : vector<16xf32>
        %parallel_loop3A_430 = arith.addf %parallel_loop3A_425, %parallel_loop3A_429 : vector<16xf32>
        %parallel_loop3A_431 = arith.constant 16 : i32
        %parallel_loop3A_432 = arith.muli %parallel_loop3A_346, %parallel_loop3A_431 : i32
        %parallel_loop3A_433 = arith.index_cast %parallel_loop3A_432 : i32 to index
        %parallel_loop3A_434 = tpu.vector_load %arg12[%parallel_loop3A_433] {strides = array<i32>} : memref<2816xf32, #tpu.memory_space<vmem>>, vector<16xf32>,
        tpu.vector_store %arg12[%parallel_loop3A_433], %parallel_loop3A_430 {strides = array<i32>} : memref<2816xf32, #tpu.memory_space<vmem>>, vector<16xf32>,
        %parallel_loop3A_435 = arith.constant 3 : i32
        %parallel_loop3A_436 = arith.addi %parallel_loop3A_214, %parallel_loop3A_435 : i32
        %parallel_loop3A_437 = arith.constant 50 : i32
        %parallel_loop3A_438 = arith.addi %parallel_loop3A_436, %parallel_loop3A_437 : i32
        %parallel_loop3A_439 = arith.constant 4 : i32
        %parallel_loop3A_440 = arith.muli %parallel_loop3A_214, %parallel_loop3A_439 : i32
        %parallel_loop3A_441 = arith.constant 2 : i32
        %parallel_loop3A_442 = arith.addi %parallel_loop3A_440, %parallel_loop3A_441 : i32
        %parallel_loop3A_443 = arith.constant 176 : i32
        %parallel_loop3A_444 = arith.addi %parallel_loop3A_442, %parallel_loop3A_443 : i32
        %parallel_loop3A_445 = arith.index_cast %parallel_loop3A_438 : i32 to index
        %parallel_loop3A_446 = arith.constant 0 : index
        %parallel_loop3A_447 = tpu.vector_load %arg9[%parallel_loop3A_445, %parallel_loop3A_446] {strides = array<i32>} : memref<100x128xf32, #tpu.memory_space<vmem>>, vector<16xf32>,
        %parallel_loop3A_448 = arith.mulf %parallel_loop3A_221, %parallel_loop3A_447 : vector<16xf32>
        %parallel_loop3A_449 = arith.index_cast %parallel_loop3A_438 : i32 to index
        %parallel_loop3A_450 = arith.constant 16 : index
        %parallel_loop3A_451 = tpu.vector_load %arg9[%parallel_loop3A_449, %parallel_loop3A_450] {strides = array<i32>} : memref<100x128xf32, #tpu.memory_space<vmem>>, vector<16xf32>,
        %parallel_loop3A_452 = arith.mulf %parallel_loop3A_224, %parallel_loop3A_451 : vector<16xf32>
        %parallel_loop3A_453 = arith.addf %parallel_loop3A_448, %parallel_loop3A_452 : vector<16xf32>
        %parallel_loop3A_454 = arith.index_cast %parallel_loop3A_438 : i32 to index
        %parallel_loop3A_455 = arith.constant 32 : index
        %parallel_loop3A_456 = tpu.vector_load %arg9[%parallel_loop3A_454, %parallel_loop3A_455] {strides = array<i32>} : memref<100x128xf32, #tpu.memory_space<vmem>>, vector<16xf32>,
        %parallel_loop3A_457 = arith.mulf %parallel_loop3A_227, %parallel_loop3A_456 : vector<16xf32>
        %parallel_loop3A_458 = arith.addf %parallel_loop3A_453, %parallel_loop3A_457 : vector<16xf32>
        %parallel_loop3A_459 = arith.index_cast %parallel_loop3A_438 : i32 to index
        %parallel_loop3A_460 = arith.constant 48 : index
        %parallel_loop3A_461 = tpu.vector_load %arg9[%parallel_loop3A_459, %parallel_loop3A_460] {strides = array<i32>} : memref<100x128xf32, #tpu.memory_space<vmem>>, vector<16xf32>,
        %parallel_loop3A_462 = arith.mulf %parallel_loop3A_230, %parallel_loop3A_461 : vector<16xf32>
        %parallel_loop3A_463 = arith.addf %parallel_loop3A_458, %parallel_loop3A_462 : vector<16xf32>
        %parallel_loop3A_464 = arith.index_cast %parallel_loop3A_438 : i32 to index
        %parallel_loop3A_465 = arith.constant 64 : index
        %parallel_loop3A_466 = tpu.vector_load %arg9[%parallel_loop3A_464, %parallel_loop3A_465] {strides = array<i32>} : memref<100x128xf32, #tpu.memory_space<vmem>>, vector<16xf32>,
        %parallel_loop3A_467 = arith.mulf %parallel_loop3A_233, %parallel_loop3A_466 : vector<16xf32>
        %parallel_loop3A_468 = arith.addf %parallel_loop3A_463, %parallel_loop3A_467 : vector<16xf32>
        %parallel_loop3A_469 = arith.index_cast %parallel_loop3A_438 : i32 to index
        %parallel_loop3A_470 = arith.constant 80 : index
        %parallel_loop3A_471 = tpu.vector_load %arg9[%parallel_loop3A_469, %parallel_loop3A_470] {strides = array<i32>} : memref<100x128xf32, #tpu.memory_space<vmem>>, vector<16xf32>,
        %parallel_loop3A_472 = arith.mulf %parallel_loop3A_236, %parallel_loop3A_471 : vector<16xf32>
        %parallel_loop3A_473 = arith.addf %parallel_loop3A_468, %parallel_loop3A_472 : vector<16xf32>
        %parallel_loop3A_474 = arith.index_cast %parallel_loop3A_438 : i32 to index
        %parallel_loop3A_475 = arith.constant 96 : index
        %parallel_loop3A_476 = tpu.vector_load %arg9[%parallel_loop3A_474, %parallel_loop3A_475] {strides = array<i32>} : memref<100x128xf32, #tpu.memory_space<vmem>>, vector<16xf32>,
        %parallel_loop3A_477 = arith.mulf %parallel_loop3A_239, %parallel_loop3A_476 : vector<16xf32>
        %parallel_loop3A_478 = arith.addf %parallel_loop3A_473, %parallel_loop3A_477 : vector<16xf32>
        %parallel_loop3A_479 = arith.index_cast %parallel_loop3A_438 : i32 to index
        %parallel_loop3A_480 = arith.constant 112 : index
        %parallel_loop3A_481 = tpu.vector_load %arg9[%parallel_loop3A_479, %parallel_loop3A_480] {strides = array<i32>} : memref<100x128xf32, #tpu.memory_space<vmem>>, vector<16xf32>,
        %parallel_loop3A_482 = arith.mulf %parallel_loop3A_242, %parallel_loop3A_481 : vector<16xf32>
        %parallel_loop3A_483 = arith.addf %parallel_loop3A_478, %parallel_loop3A_482 : vector<16xf32>
        %parallel_loop3A_484 = arith.constant 16 : i32
        %parallel_loop3A_485 = arith.muli %parallel_loop3A_442, %parallel_loop3A_484 : i32
        %parallel_loop3A_486 = arith.index_cast %parallel_loop3A_485 : i32 to index
        %parallel_loop3A_487 = tpu.vector_load %arg11[%parallel_loop3A_486] {strides = array<i32>} : memref<2816xf32, #tpu.memory_space<vmem>>, vector<16xf32>,
        tpu.vector_store %arg11[%parallel_loop3A_486], %parallel_loop3A_483 {strides = array<i32>} : memref<2816xf32, #tpu.memory_space<vmem>>, vector<16xf32>,
        %parallel_loop3A_488 = arith.index_cast %parallel_loop3A_444 : i32 to index
        %parallel_loop3A_489 = arith.constant 0 : index
        %parallel_loop3A_490 = tpu.vector_load %arg10[%parallel_loop3A_488, %parallel_loop3A_489] {strides = array<i32>} : memref<352x128xf32, #tpu.memory_space<vmem>>, vector<16xf32>,
        %parallel_loop3A_491 = arith.mulf %parallel_loop3A_221, %parallel_loop3A_490 : vector<16xf32>
        %parallel_loop3A_492 = arith.index_cast %parallel_loop3A_444 : i32 to index
        %parallel_loop3A_493 = arith.constant 16 : index
        %parallel_loop3A_494 = tpu.vector_load %arg10[%parallel_loop3A_492, %parallel_loop3A_493] {strides = array<i32>} : memref<352x128xf32, #tpu.memory_space<vmem>>, vector<16xf32>,
        %parallel_loop3A_495 = arith.mulf %parallel_loop3A_224, %parallel_loop3A_494 : vector<16xf32>
        %parallel_loop3A_496 = arith.addf %parallel_loop3A_491, %parallel_loop3A_495 : vector<16xf32>
        %parallel_loop3A_497 = arith.index_cast %parallel_loop3A_444 : i32 to index
        %parallel_loop3A_498 = arith.constant 32 : index
        %parallel_loop3A_499 = tpu.vector_load %arg10[%parallel_loop3A_497, %parallel_loop3A_498] {strides = array<i32>} : memref<352x128xf32, #tpu.memory_space<vmem>>, vector<16xf32>,
        %parallel_loop3A_500 = arith.mulf %parallel_loop3A_227, %parallel_loop3A_499 : vector<16xf32>
        %parallel_loop3A_501 = arith.addf %parallel_loop3A_496, %parallel_loop3A_500 : vector<16xf32>
        %parallel_loop3A_502 = arith.index_cast %parallel_loop3A_444 : i32 to index
        %parallel_loop3A_503 = arith.constant 48 : index
        %parallel_loop3A_504 = tpu.vector_load %arg10[%parallel_loop3A_502, %parallel_loop3A_503] {strides = array<i32>} : memref<352x128xf32, #tpu.memory_space<vmem>>, vector<16xf32>,
        %parallel_loop3A_505 = arith.mulf %parallel_loop3A_230, %parallel_loop3A_504 : vector<16xf32>
        %parallel_loop3A_506 = arith.addf %parallel_loop3A_501, %parallel_loop3A_505 : vector<16xf32>
        %parallel_loop3A_507 = arith.index_cast %parallel_loop3A_444 : i32 to index
        %parallel_loop3A_508 = arith.constant 64 : index
        %parallel_loop3A_509 = tpu.vector_load %arg10[%parallel_loop3A_507, %parallel_loop3A_508] {strides = array<i32>} : memref<352x128xf32, #tpu.memory_space<vmem>>, vector<16xf32>,
        %parallel_loop3A_510 = arith.mulf %parallel_loop3A_233, %parallel_loop3A_509 : vector<16xf32>
        %parallel_loop3A_511 = arith.addf %parallel_loop3A_506, %parallel_loop3A_510 : vector<16xf32>
        %parallel_loop3A_512 = arith.index_cast %parallel_loop3A_444 : i32 to index
        %parallel_loop3A_513 = arith.constant 80 : index
        %parallel_loop3A_514 = tpu.vector_load %arg10[%parallel_loop3A_512, %parallel_loop3A_513] {strides = array<i32>} : memref<352x128xf32, #tpu.memory_space<vmem>>, vector<16xf32>,
        %parallel_loop3A_515 = arith.mulf %parallel_loop3A_236, %parallel_loop3A_514 : vector<16xf32>
        %parallel_loop3A_516 = arith.addf %parallel_loop3A_511, %parallel_loop3A_515 : vector<16xf32>
        %parallel_loop3A_517 = arith.index_cast %parallel_loop3A_444 : i32 to index
        %parallel_loop3A_518 = arith.constant 96 : index
        %parallel_loop3A_519 = tpu.vector_load %arg10[%parallel_loop3A_517, %parallel_loop3A_518] {strides = array<i32>} : memref<352x128xf32, #tpu.memory_space<vmem>>, vector<16xf32>,
        %parallel_loop3A_520 = arith.mulf %parallel_loop3A_239, %parallel_loop3A_519 : vector<16xf32>
        %parallel_loop3A_521 = arith.addf %parallel_loop3A_516, %parallel_loop3A_520 : vector<16xf32>
        %parallel_loop3A_522 = arith.index_cast %parallel_loop3A_444 : i32 to index
        %parallel_loop3A_523 = arith.constant 112 : index
        %parallel_loop3A_524 = tpu.vector_load %arg10[%parallel_loop3A_522, %parallel_loop3A_523] {strides = array<i32>} : memref<352x128xf32, #tpu.memory_space<vmem>>, vector<16xf32>,
        %parallel_loop3A_525 = arith.mulf %parallel_loop3A_242, %parallel_loop3A_524 : vector<16xf32>
        %parallel_loop3A_526 = arith.addf %parallel_loop3A_521, %parallel_loop3A_525 : vector<16xf32>
        %parallel_loop3A_527 = arith.constant 16 : i32
        %parallel_loop3A_528 = arith.muli %parallel_loop3A_442, %parallel_loop3A_527 : i32
        %parallel_loop3A_529 = arith.index_cast %parallel_loop3A_528 : i32 to index
        %parallel_loop3A_530 = tpu.vector_load %arg12[%parallel_loop3A_529] {strides = array<i32>} : memref<2816xf32, #tpu.memory_space<vmem>>, vector<16xf32>,
        tpu.vector_store %arg12[%parallel_loop3A_529], %parallel_loop3A_526 {strides = array<i32>} : memref<2816xf32, #tpu.memory_space<vmem>>, vector<16xf32>,
        %parallel_loop3A_531 = arith.constant 4 : i32
        %parallel_loop3A_532 = arith.addi %parallel_loop3A_214, %parallel_loop3A_531 : i32
        %parallel_loop3A_533 = arith.constant 50 : i32
        %parallel_loop3A_534 = arith.addi %parallel_loop3A_532, %parallel_loop3A_533 : i32
        %parallel_loop3A_535 = arith.constant 4 : i32
        %parallel_loop3A_536 = arith.muli %parallel_loop3A_214, %parallel_loop3A_535 : i32
        %parallel_loop3A_537 = arith.constant 3 : i32
        %parallel_loop3A_538 = arith.addi %parallel_loop3A_536, %parallel_loop3A_537 : i32
        %parallel_loop3A_539 = arith.constant 176 : i32
        %parallel_loop3A_540 = arith.addi %parallel_loop3A_538, %parallel_loop3A_539 : i32
        %parallel_loop3A_541 = arith.index_cast %parallel_loop3A_534 : i32 to index
        %parallel_loop3A_542 = arith.constant 0 : index
        %parallel_loop3A_543 = tpu.vector_load %arg9[%parallel_loop3A_541, %parallel_loop3A_542] {strides = array<i32>} : memref<100x128xf32, #tpu.memory_space<vmem>>, vector<16xf32>,
        %parallel_loop3A_544 = arith.mulf %parallel_loop3A_221, %parallel_loop3A_543 : vector<16xf32>
        %parallel_loop3A_545 = arith.index_cast %parallel_loop3A_534 : i32 to index
        %parallel_loop3A_546 = arith.constant 16 : index
        %parallel_loop3A_547 = tpu.vector_load %arg9[%parallel_loop3A_545, %parallel_loop3A_546] {strides = array<i32>} : memref<100x128xf32, #tpu.memory_space<vmem>>, vector<16xf32>,
        %parallel_loop3A_548 = arith.mulf %parallel_loop3A_224, %parallel_loop3A_547 : vector<16xf32>
        %parallel_loop3A_549 = arith.addf %parallel_loop3A_544, %parallel_loop3A_548 : vector<16xf32>
        %parallel_loop3A_550 = arith.index_cast %parallel_loop3A_534 : i32 to index
        %parallel_loop3A_551 = arith.constant 32 : index
        %parallel_loop3A_552 = tpu.vector_load %arg9[%parallel_loop3A_550, %parallel_loop3A_551] {strides = array<i32>} : memref<100x128xf32, #tpu.memory_space<vmem>>, vector<16xf32>,
        %parallel_loop3A_553 = arith.mulf %parallel_loop3A_227, %parallel_loop3A_552 : vector<16xf32>
        %parallel_loop3A_554 = arith.addf %parallel_loop3A_549, %parallel_loop3A_553 : vector<16xf32>
        %parallel_loop3A_555 = arith.index_cast %parallel_loop3A_534 : i32 to index
        %parallel_loop3A_556 = arith.constant 48 : index
        %parallel_loop3A_557 = tpu.vector_load %arg9[%parallel_loop3A_555, %parallel_loop3A_556] {strides = array<i32>} : memref<100x128xf32, #tpu.memory_space<vmem>>, vector<16xf32>,
        %parallel_loop3A_558 = arith.mulf %parallel_loop3A_230, %parallel_loop3A_557 : vector<16xf32>
        %parallel_loop3A_559 = arith.addf %parallel_loop3A_554, %parallel_loop3A_558 : vector<16xf32>
        %parallel_loop3A_560 = arith.index_cast %parallel_loop3A_534 : i32 to index
        %parallel_loop3A_561 = arith.constant 64 : index
        %parallel_loop3A_562 = tpu.vector_load %arg9[%parallel_loop3A_560, %parallel_loop3A_561] {strides = array<i32>} : memref<100x128xf32, #tpu.memory_space<vmem>>, vector<16xf32>,
        %parallel_loop3A_563 = arith.mulf %parallel_loop3A_233, %parallel_loop3A_562 : vector<16xf32>
        %parallel_loop3A_564 = arith.addf %parallel_loop3A_559, %parallel_loop3A_563 : vector<16xf32>
        %parallel_loop3A_565 = arith.index_cast %parallel_loop3A_534 : i32 to index
        %parallel_loop3A_566 = arith.constant 80 : index
        %parallel_loop3A_567 = tpu.vector_load %arg9[%parallel_loop3A_565, %parallel_loop3A_566] {strides = array<i32>} : memref<100x128xf32, #tpu.memory_space<vmem>>, vector<16xf32>,
        %parallel_loop3A_568 = arith.mulf %parallel_loop3A_236, %parallel_loop3A_567 : vector<16xf32>
        %parallel_loop3A_569 = arith.addf %parallel_loop3A_564, %parallel_loop3A_568 : vector<16xf32>
        %parallel_loop3A_570 = arith.index_cast %parallel_loop3A_534 : i32 to index
        %parallel_loop3A_571 = arith.constant 96 : index
        %parallel_loop3A_572 = tpu.vector_load %arg9[%parallel_loop3A_570, %parallel_loop3A_571] {strides = array<i32>} : memref<100x128xf32, #tpu.memory_space<vmem>>, vector<16xf32>,
        %parallel_loop3A_573 = arith.mulf %parallel_loop3A_239, %parallel_loop3A_572 : vector<16xf32>
        %parallel_loop3A_574 = arith.addf %parallel_loop3A_569, %parallel_loop3A_573 : vector<16xf32>
        %parallel_loop3A_575 = arith.index_cast %parallel_loop3A_534 : i32 to index
        %parallel_loop3A_576 = arith.constant 112 : index
        %parallel_loop3A_577 = tpu.vector_load %arg9[%parallel_loop3A_575, %parallel_loop3A_576] {strides = array<i32>} : memref<100x128xf32, #tpu.memory_space<vmem>>, vector<16xf32>,
        %parallel_loop3A_578 = arith.mulf %parallel_loop3A_242, %parallel_loop3A_577 : vector<16xf32>
        %parallel_loop3A_579 = arith.addf %parallel_loop3A_574, %parallel_loop3A_578 : vector<16xf32>
        %parallel_loop3A_580 = arith.constant 16 : i32
        %parallel_loop3A_581 = arith.muli %parallel_loop3A_538, %parallel_loop3A_580 : i32
        %parallel_loop3A_582 = arith.index_cast %parallel_loop3A_581 : i32 to index
        %parallel_loop3A_583 = tpu.vector_load %arg11[%parallel_loop3A_582] {strides = array<i32>} : memref<2816xf32, #tpu.memory_space<vmem>>, vector<16xf32>,
        tpu.vector_store %arg11[%parallel_loop3A_582], %parallel_loop3A_579 {strides = array<i32>} : memref<2816xf32, #tpu.memory_space<vmem>>, vector<16xf32>,
        %parallel_loop3A_584 = arith.index_cast %parallel_loop3A_540 : i32 to index
        %parallel_loop3A_585 = arith.constant 0 : index
        %parallel_loop3A_586 = tpu.vector_load %arg10[%parallel_loop3A_584, %parallel_loop3A_585] {strides = array<i32>} : memref<352x128xf32, #tpu.memory_space<vmem>>, vector<16xf32>,
        %parallel_loop3A_587 = arith.mulf %parallel_loop3A_221, %parallel_loop3A_586 : vector<16xf32>
        %parallel_loop3A_588 = arith.index_cast %parallel_loop3A_540 : i32 to index
        %parallel_loop3A_589 = arith.constant 16 : index
        %parallel_loop3A_590 = tpu.vector_load %arg10[%parallel_loop3A_588, %parallel_loop3A_589] {strides = array<i32>} : memref<352x128xf32, #tpu.memory_space<vmem>>, vector<16xf32>,
        %parallel_loop3A_591 = arith.mulf %parallel_loop3A_224, %parallel_loop3A_590 : vector<16xf32>
        %parallel_loop3A_592 = arith.addf %parallel_loop3A_587, %parallel_loop3A_591 : vector<16xf32>
        %parallel_loop3A_593 = arith.index_cast %parallel_loop3A_540 : i32 to index
        %parallel_loop3A_594 = arith.constant 32 : index
        %parallel_loop3A_595 = tpu.vector_load %arg10[%parallel_loop3A_593, %parallel_loop3A_594] {strides = array<i32>} : memref<352x128xf32, #tpu.memory_space<vmem>>, vector<16xf32>,
        %parallel_loop3A_596 = arith.mulf %parallel_loop3A_227, %parallel_loop3A_595 : vector<16xf32>
        %parallel_loop3A_597 = arith.addf %parallel_loop3A_592, %parallel_loop3A_596 : vector<16xf32>
        %parallel_loop3A_598 = arith.index_cast %parallel_loop3A_540 : i32 to index
        %parallel_loop3A_599 = arith.constant 48 : index
        %parallel_loop3A_600 = tpu.vector_load %arg10[%parallel_loop3A_598, %parallel_loop3A_599] {strides = array<i32>} : memref<352x128xf32, #tpu.memory_space<vmem>>, vector<16xf32>,
        %parallel_loop3A_601 = arith.mulf %parallel_loop3A_230, %parallel_loop3A_600 : vector<16xf32>
        %parallel_loop3A_602 = arith.addf %parallel_loop3A_597, %parallel_loop3A_601 : vector<16xf32>
        %parallel_loop3A_603 = arith.index_cast %parallel_loop3A_540 : i32 to index
        %parallel_loop3A_604 = arith.constant 64 : index
        %parallel_loop3A_605 = tpu.vector_load %arg10[%parallel_loop3A_603, %parallel_loop3A_604] {strides = array<i32>} : memref<352x128xf32, #tpu.memory_space<vmem>>, vector<16xf32>,
        %parallel_loop3A_606 = arith.mulf %parallel_loop3A_233, %parallel_loop3A_605 : vector<16xf32>
        %parallel_loop3A_607 = arith.addf %parallel_loop3A_602, %parallel_loop3A_606 : vector<16xf32>
        %parallel_loop3A_608 = arith.index_cast %parallel_loop3A_540 : i32 to index
        %parallel_loop3A_609 = arith.constant 80 : index
        %parallel_loop3A_610 = tpu.vector_load %arg10[%parallel_loop3A_608, %parallel_loop3A_609] {strides = array<i32>} : memref<352x128xf32, #tpu.memory_space<vmem>>, vector<16xf32>,
        %parallel_loop3A_611 = arith.mulf %parallel_loop3A_236, %parallel_loop3A_610 : vector<16xf32>
        %parallel_loop3A_612 = arith.addf %parallel_loop3A_607, %parallel_loop3A_611 : vector<16xf32>
        %parallel_loop3A_613 = arith.index_cast %parallel_loop3A_540 : i32 to index
        %parallel_loop3A_614 = arith.constant 96 : index
        %parallel_loop3A_615 = tpu.vector_load %arg10[%parallel_loop3A_613, %parallel_loop3A_614] {strides = array<i32>} : memref<352x128xf32, #tpu.memory_space<vmem>>, vector<16xf32>,
        %parallel_loop3A_616 = arith.mulf %parallel_loop3A_239, %parallel_loop3A_615 : vector<16xf32>
        %parallel_loop3A_617 = arith.addf %parallel_loop3A_612, %parallel_loop3A_616 : vector<16xf32>
        %parallel_loop3A_618 = arith.index_cast %parallel_loop3A_540 : i32 to index
        %parallel_loop3A_619 = arith.constant 112 : index
        %parallel_loop3A_620 = tpu.vector_load %arg10[%parallel_loop3A_618, %parallel_loop3A_619] {strides = array<i32>} : memref<352x128xf32, #tpu.memory_space<vmem>>, vector<16xf32>,
        %parallel_loop3A_621 = arith.mulf %parallel_loop3A_242, %parallel_loop3A_620 : vector<16xf32>
        %parallel_loop3A_622 = arith.addf %parallel_loop3A_617, %parallel_loop3A_621 : vector<16xf32>
        %parallel_loop3A_623 = arith.constant 16 : i32
        %parallel_loop3A_624 = arith.muli %parallel_loop3A_538, %parallel_loop3A_623 : i32
        %parallel_loop3A_625 = arith.index_cast %parallel_loop3A_624 : i32 to index
        %parallel_loop3A_626 = tpu.vector_load %arg12[%parallel_loop3A_625] {strides = array<i32>} : memref<2816xf32, #tpu.memory_space<vmem>>, vector<16xf32>,
        tpu.vector_store %arg12[%parallel_loop3A_625], %parallel_loop3A_622 {strides = array<i32>} : memref<2816xf32, #tpu.memory_space<vmem>>, vector<16xf32>,
      } {sc.loop_unroll_factor = 2 : i64, sc.parallel_access}
      %lt3A_189 = arith.constant 63 : i32
      %lt3A_190 = arith.cmpi slt, %scan3A_94, %lt3A_189 : i32
      %convert_element_type3A_191 = arith.extui %lt3A_190 : i1 to i32
      %cond3A_192 = arith.constant 0 : i32
      %cond3A_193 = arith.cmpi ne, %convert_element_type3A_191, %cond3A_192 : i32
      scf.if %cond3A_193 {
        %add3A_214 = arith.constant 2 : i32
        %add3A_215 = arith.addi %add3A_155, %add3A_214 : i32
        %dma_start3A_216 = arith.constant 50 : i32
        %dma_start3A_217 = arith.constant 0 : i32
        %dma_start3A_218 = tpu.memref_slice %arg9[%dma_start3A_216, %dma_start3A_217] : memref<100x128xf32, #tpu.memory_space<vmem>> -> memref<50x128xf32, #tpu.memory_space<vmem>>
        %dma_start3A_219 = arith.constant 0 : i32
        %dma_start3A_220 = tpu.memref_slice %arg7[%add3A_215, %dma_start3A_219] : memref<128x50xi32, #tpu.memory_space<vmem>> -> memref<1x50xi32, #tpu.memory_space<vmem>>
        %dma_start3A_221 = tpu.memref_squeeze %dma_start3A_220 : memref<1x50xi32, #tpu.memory_space<vmem>> -> memref<50xi32, #tpu.memory_space<vmem>>
        %dma_start3A_222 = arith.constant 0 : i32
        %dma_start3A_223 = arith.constant 0 : i32
        %dma_start3A_224 = tpu.memref_slice %arg3[%dma_start3A_222, %dma_start3A_223] : memref<100000x128xf32, #tpu.memory_space<hbm>> -> memref<100000x128xf32, #tpu.memory_space<hbm>>
        tpu.enqueue_indirect_dma source(%dma_start3A_224 : memref<100000x128xf32, #tpu.memory_space<hbm>>) target(%dma_start3A_218 : memref<50x128xf32, #tpu.memory_space<vmem>>) offsets(%dma_start3A_221 : memref<50xi32, #tpu.memory_space<vmem>>) semaphore(%arg18 : memref<!tpu.dma_semaphore, #tpu.memory_space<semaphore_mem>>)
        %dma_start3A_225 = arith.constant 0 : i32
        %dma_start3A_226 = arith.constant 176 : i32
        %dma_start3A_227 = arith.constant 0 : i32
        %dma_start3A_228 = tpu.memref_slice %arg10[%dma_start3A_226, %dma_start3A_227] : memref<352x128xf32, #tpu.memory_space<vmem>> -> memref<88x128xf32, #tpu.memory_space<vmem>>
        %dma_start3A_229 = arith.constant 0 : i32
        %dma_start3A_230 = tpu.memref_slice %arg8[%add3A_215, %dma_start3A_225, %dma_start3A_229] : memref<128x2x88xi32, #tpu.memory_space<vmem>> -> memref<1x1x88xi32, #tpu.memory_space<vmem>>
        %dma_start3A_231 = tpu.memref_squeeze %dma_start3A_230 : memref<1x1x88xi32, #tpu.memory_space<vmem>> -> memref<88xi32, #tpu.memory_space<vmem>>
        %dma_start3A_232 = arith.constant 0 : i32
        %dma_start3A_233 = arith.constant 0 : i32
        %dma_start3A_234 = tpu.memref_slice %arg3[%dma_start3A_232, %dma_start3A_233] : memref<100000x128xf32, #tpu.memory_space<hbm>> -> memref<100000x128xf32, #tpu.memory_space<hbm>>
        tpu.enqueue_indirect_dma source(%dma_start3A_234 : memref<100000x128xf32, #tpu.memory_space<hbm>>) target(%dma_start3A_228 : memref<88x128xf32, #tpu.memory_space<vmem>>) offsets(%dma_start3A_231 : memref<88xi32, #tpu.memory_space<vmem>>) semaphore(%arg18 : memref<!tpu.dma_semaphore, #tpu.memory_space<semaphore_mem>>)
        %dma_start3A_235 = arith.constant 1 : i32
        %dma_start3A_236 = arith.constant 264 : i32
        %dma_start3A_237 = arith.constant 0 : i32
        %dma_start3A_238 = tpu.memref_slice %arg10[%dma_start3A_236, %dma_start3A_237] : memref<352x128xf32, #tpu.memory_space<vmem>> -> memref<88x128xf32, #tpu.memory_space<vmem>>
        %dma_start3A_239 = arith.constant 0 : i32
        %dma_start3A_240 = tpu.memref_slice %arg8[%add3A_215, %dma_start3A_235, %dma_start3A_239] : memref<128x2x88xi32, #tpu.memory_space<vmem>> -> memref<1x1x88xi32, #tpu.memory_space<vmem>>
        %dma_start3A_241 = tpu.memref_squeeze %dma_start3A_240 : memref<1x1x88xi32, #tpu.memory_space<vmem>> -> memref<88xi32, #tpu.memory_space<vmem>>
        %dma_start3A_242 = arith.constant 0 : i32
        %dma_start3A_243 = arith.constant 0 : i32
        %dma_start3A_244 = tpu.memref_slice %arg3[%dma_start3A_242, %dma_start3A_243] : memref<100000x128xf32, #tpu.memory_space<hbm>> -> memref<100000x128xf32, #tpu.memory_space<hbm>>
        tpu.enqueue_indirect_dma source(%dma_start3A_244 : memref<100000x128xf32, #tpu.memory_space<hbm>>) target(%dma_start3A_238 : memref<88x128xf32, #tpu.memory_space<vmem>>) offsets(%dma_start3A_241 : memref<88xi32, #tpu.memory_space<vmem>>) semaphore(%arg18 : memref<!tpu.dma_semaphore, #tpu.memory_space<semaphore_mem>>)
      } else {
      }
      %ge3A_194 = arith.constant 1 : i32
      %ge3A_195 = arith.cmpi sge, %scan3A_94, %ge3A_194 : i32
      %convert_element_type3A_196 = arith.extui %ge3A_195 : i1 to i32
      %cond3A_197 = arith.constant 0 : i32
      %cond3A_198 = arith.cmpi ne, %convert_element_type3A_196, %cond3A_197 : i32
      scf.if %cond3A_198 {
        %dma_wait3A_214 = arith.constant 0 : i32
        %dma_wait3A_215 = tpu.memref_slice %arg5[%add3A_156, %dma_wait3A_214] : memref<4096x176xf32, #tpu.memory_space<hbm>> -> memref<1x176xf32, #tpu.memory_space<hbm>>
        %dma_wait3A_216 = tpu.memref_squeeze %dma_wait3A_215 : memref<1x176xf32, #tpu.memory_space<hbm>> -> memref<176xf32, #tpu.memory_space<hbm>>
        %dma_wait3A_217 = arith.constant 0 : i32
        %dma_wait3A_218 = tpu.memref_slice %arg5[%add3A_156, %dma_wait3A_217] : memref<4096x176xf32, #tpu.memory_space<hbm>> -> memref<1x176xf32, #tpu.memory_space<hbm>>
        %dma_wait3A_219 = tpu.memref_squeeze %dma_wait3A_218 : memref<1x176xf32, #tpu.memory_space<hbm>> -> memref<176xf32, #tpu.memory_space<hbm>>
        tpu.wait_dma2 semaphore(%arg20 : memref<!tpu.dma_semaphore, #tpu.memory_space<semaphore_mem>>) src(%arg14 : memref<176xf32, #tpu.memory_space<vmem>>) dst(%dma_wait3A_219 : memref<176xf32, #tpu.memory_space<hbm>>)
        %dma_wait3A_220 = arith.constant 0 : i32
        %dma_wait3A_221 = tpu.memref_slice %arg6[%add3A_156, %dma_wait3A_220] : memref<4096x176xf32, #tpu.memory_space<hbm>> -> memref<1x176xf32, #tpu.memory_space<hbm>>
        %dma_wait3A_222 = tpu.memref_squeeze %dma_wait3A_221 : memref<1x176xf32, #tpu.memory_space<hbm>> -> memref<176xf32, #tpu.memory_space<hbm>>
        %dma_wait3A_223 = arith.constant 0 : i32
        %dma_wait3A_224 = tpu.memref_slice %arg6[%add3A_156, %dma_wait3A_223] : memref<4096x176xf32, #tpu.memory_space<hbm>> -> memref<1x176xf32, #tpu.memory_space<hbm>>
        %dma_wait3A_225 = tpu.memref_squeeze %dma_wait3A_224 : memref<1x176xf32, #tpu.memory_space<hbm>> -> memref<176xf32, #tpu.memory_space<hbm>>
        tpu.wait_dma2 semaphore(%arg20 : memref<!tpu.dma_semaphore, #tpu.memory_space<semaphore_mem>>) src(%arg16 : memref<176xf32, #tpu.memory_space<vmem>>) dst(%dma_wait3A_225 : memref<176xf32, #tpu.memory_space<hbm>>)
      } else {
      }
      %parallel_loop3A_199 = arith.constant 0 : i32
      %parallel_loop3A_200 = arith.constant 11 : i32
      %parallel_loop3A_201 = arith.constant 1 : i32
      scf.for %parallel_loop3A_214 = %parallel_loop3A_199 to %parallel_loop3A_200 step %parallel_loop3A_201  : i32 {
        %parallel_loop3A_215 = arith.constant 16 : i32
        %parallel_loop3A_216 = arith.muli %parallel_loop3A_214, %parallel_loop3A_215 : i32
        %parallel_loop3A_217 = vector.broadcast %parallel_loop3A_216 : i32 to vector<16xi32>
        %parallel_loop3A_218 = arith.addi %parallel_loop3A_217, %iota3A : vector<16xi32>
        %parallel_loop3A_219 = arith.constant 16 : i32
        %parallel_loop3A_220 = vector.broadcast %parallel_loop3A_219 : i32 to vector<16xi32>
        %parallel_loop3A_221 = arith.muli %parallel_loop3A_218, %parallel_loop3A_220 : vector<16xi32>
        %parallel_loop3A_222 = tpu.vector_load_idx %arg11[%parallel_loop3A_221] : memref<2816xf32, #tpu.memory_space<vmem>>[vector<16xi32>], vector<16xf32>,
        %parallel_loop3A_223 = tpu.vector_load_idx %arg12[%parallel_loop3A_221] : memref<2816xf32, #tpu.memory_space<vmem>>[vector<16xi32>], vector<16xf32>,
        %parallel_loop3A_224 = arith.constant 1 : i32
        %parallel_loop3A_225 = vector.broadcast %parallel_loop3A_224 : i32 to vector<16xi32>
        %parallel_loop3A_226 = arith.addi %parallel_loop3A_221, %parallel_loop3A_225 : vector<16xi32>
        %parallel_loop3A_227 = tpu.vector_load_idx %arg11[%parallel_loop3A_226] : memref<2816xf32, #tpu.memory_space<vmem>>[vector<16xi32>], vector<16xf32>,
        %parallel_loop3A_228 = arith.addf %parallel_loop3A_222, %parallel_loop3A_227 : vector<16xf32>
        %parallel_loop3A_229 = arith.constant 1 : i32
        %parallel_loop3A_230 = vector.broadcast %parallel_loop3A_229 : i32 to vector<16xi32>
        %parallel_loop3A_231 = arith.addi %parallel_loop3A_221, %parallel_loop3A_230 : vector<16xi32>
        %parallel_loop3A_232 = tpu.vector_load_idx %arg12[%parallel_loop3A_231] : memref<2816xf32, #tpu.memory_space<vmem>>[vector<16xi32>], vector<16xf32>,
        %parallel_loop3A_233 = arith.addf %parallel_loop3A_223, %parallel_loop3A_232 : vector<16xf32>
        %parallel_loop3A_234 = arith.constant 2 : i32
        %parallel_loop3A_235 = vector.broadcast %parallel_loop3A_234 : i32 to vector<16xi32>
        %parallel_loop3A_236 = arith.addi %parallel_loop3A_221, %parallel_loop3A_235 : vector<16xi32>
        %parallel_loop3A_237 = tpu.vector_load_idx %arg11[%parallel_loop3A_236] : memref<2816xf32, #tpu.memory_space<vmem>>[vector<16xi32>], vector<16xf32>,
        %parallel_loop3A_238 = arith.addf %parallel_loop3A_228, %parallel_loop3A_237 : vector<16xf32>
        %parallel_loop3A_239 = arith.constant 2 : i32
        %parallel_loop3A_240 = vector.broadcast %parallel_loop3A_239 : i32 to vector<16xi32>
        %parallel_loop3A_241 = arith.addi %parallel_loop3A_221, %parallel_loop3A_240 : vector<16xi32>
        %parallel_loop3A_242 = tpu.vector_load_idx %arg12[%parallel_loop3A_241] : memref<2816xf32, #tpu.memory_space<vmem>>[vector<16xi32>], vector<16xf32>,
        %parallel_loop3A_243 = arith.addf %parallel_loop3A_233, %parallel_loop3A_242 : vector<16xf32>
        %parallel_loop3A_244 = arith.constant 3 : i32
        %parallel_loop3A_245 = vector.broadcast %parallel_loop3A_244 : i32 to vector<16xi32>
        %parallel_loop3A_246 = arith.addi %parallel_loop3A_221, %parallel_loop3A_245 : vector<16xi32>
        %parallel_loop3A_247 = tpu.vector_load_idx %arg11[%parallel_loop3A_246] : memref<2816xf32, #tpu.memory_space<vmem>>[vector<16xi32>], vector<16xf32>,
        %parallel_loop3A_248 = arith.addf %parallel_loop3A_238, %parallel_loop3A_247 : vector<16xf32>
        %parallel_loop3A_249 = arith.constant 3 : i32
        %parallel_loop3A_250 = vector.broadcast %parallel_loop3A_249 : i32 to vector<16xi32>
        %parallel_loop3A_251 = arith.addi %parallel_loop3A_221, %parallel_loop3A_250 : vector<16xi32>
        %parallel_loop3A_252 = tpu.vector_load_idx %arg12[%parallel_loop3A_251] : memref<2816xf32, #tpu.memory_space<vmem>>[vector<16xi32>], vector<16xf32>,
        %parallel_loop3A_253 = arith.addf %parallel_loop3A_243, %parallel_loop3A_252 : vector<16xf32>
        %parallel_loop3A_254 = arith.constant 4 : i32
        %parallel_loop3A_255 = vector.broadcast %parallel_loop3A_254 : i32 to vector<16xi32>
        %parallel_loop3A_256 = arith.addi %parallel_loop3A_221, %parallel_loop3A_255 : vector<16xi32>
        %parallel_loop3A_257 = tpu.vector_load_idx %arg11[%parallel_loop3A_256] : memref<2816xf32, #tpu.memory_space<vmem>>[vector<16xi32>], vector<16xf32>,
        %parallel_loop3A_258 = arith.addf %parallel_loop3A_248, %parallel_loop3A_257 : vector<16xf32>
        %parallel_loop3A_259 = arith.constant 4 : i32
        %parallel_loop3A_260 = vector.broadcast %parallel_loop3A_259 : i32 to vector<16xi32>
        %parallel_loop3A_261 = arith.addi %parallel_loop3A_221, %parallel_loop3A_260 : vector<16xi32>
        %parallel_loop3A_262 = tpu.vector_load_idx %arg12[%parallel_loop3A_261] : memref<2816xf32, #tpu.memory_space<vmem>>[vector<16xi32>], vector<16xf32>,
        %parallel_loop3A_263 = arith.addf %parallel_loop3A_253, %parallel_loop3A_262 : vector<16xf32>
        %parallel_loop3A_264 = arith.constant 5 : i32
        %parallel_loop3A_265 = vector.broadcast %parallel_loop3A_264 : i32 to vector<16xi32>
        %parallel_loop3A_266 = arith.addi %parallel_loop3A_221, %parallel_loop3A_265 : vector<16xi32>
        %parallel_loop3A_267 = tpu.vector_load_idx %arg11[%parallel_loop3A_266] : memref<2816xf32, #tpu.memory_space<vmem>>[vector<16xi32>], vector<16xf32>,
        %parallel_loop3A_268 = arith.addf %parallel_loop3A_258, %parallel_loop3A_267 : vector<16xf32>
        %parallel_loop3A_269 = arith.constant 5 : i32
        %parallel_loop3A_270 = vector.broadcast %parallel_loop3A_269 : i32 to vector<16xi32>
        %parallel_loop3A_271 = arith.addi %parallel_loop3A_221, %parallel_loop3A_270 : vector<16xi32>
        %parallel_loop3A_272 = tpu.vector_load_idx %arg12[%parallel_loop3A_271] : memref<2816xf32, #tpu.memory_space<vmem>>[vector<16xi32>], vector<16xf32>,
        %parallel_loop3A_273 = arith.addf %parallel_loop3A_263, %parallel_loop3A_272 : vector<16xf32>
        %parallel_loop3A_274 = arith.constant 6 : i32
        %parallel_loop3A_275 = vector.broadcast %parallel_loop3A_274 : i32 to vector<16xi32>
        %parallel_loop3A_276 = arith.addi %parallel_loop3A_221, %parallel_loop3A_275 : vector<16xi32>
        %parallel_loop3A_277 = tpu.vector_load_idx %arg11[%parallel_loop3A_276] : memref<2816xf32, #tpu.memory_space<vmem>>[vector<16xi32>], vector<16xf32>,
        %parallel_loop3A_278 = arith.addf %parallel_loop3A_268, %parallel_loop3A_277 : vector<16xf32>
        %parallel_loop3A_279 = arith.constant 6 : i32
        %parallel_loop3A_280 = vector.broadcast %parallel_loop3A_279 : i32 to vector<16xi32>
        %parallel_loop3A_281 = arith.addi %parallel_loop3A_221, %parallel_loop3A_280 : vector<16xi32>
        %parallel_loop3A_282 = tpu.vector_load_idx %arg12[%parallel_loop3A_281] : memref<2816xf32, #tpu.memory_space<vmem>>[vector<16xi32>], vector<16xf32>,
        %parallel_loop3A_283 = arith.addf %parallel_loop3A_273, %parallel_loop3A_282 : vector<16xf32>
        %parallel_loop3A_284 = arith.constant 7 : i32
        %parallel_loop3A_285 = vector.broadcast %parallel_loop3A_284 : i32 to vector<16xi32>
        %parallel_loop3A_286 = arith.addi %parallel_loop3A_221, %parallel_loop3A_285 : vector<16xi32>
        %parallel_loop3A_287 = tpu.vector_load_idx %arg11[%parallel_loop3A_286] : memref<2816xf32, #tpu.memory_space<vmem>>[vector<16xi32>], vector<16xf32>,
        %parallel_loop3A_288 = arith.addf %parallel_loop3A_278, %parallel_loop3A_287 : vector<16xf32>
        %parallel_loop3A_289 = arith.constant 7 : i32
        %parallel_loop3A_290 = vector.broadcast %parallel_loop3A_289 : i32 to vector<16xi32>
        %parallel_loop3A_291 = arith.addi %parallel_loop3A_221, %parallel_loop3A_290 : vector<16xi32>
        %parallel_loop3A_292 = tpu.vector_load_idx %arg12[%parallel_loop3A_291] : memref<2816xf32, #tpu.memory_space<vmem>>[vector<16xi32>], vector<16xf32>,
        %parallel_loop3A_293 = arith.addf %parallel_loop3A_283, %parallel_loop3A_292 : vector<16xf32>
        %parallel_loop3A_294 = arith.constant 8 : i32
        %parallel_loop3A_295 = vector.broadcast %parallel_loop3A_294 : i32 to vector<16xi32>
        %parallel_loop3A_296 = arith.addi %parallel_loop3A_221, %parallel_loop3A_295 : vector<16xi32>
        %parallel_loop3A_297 = tpu.vector_load_idx %arg11[%parallel_loop3A_296] : memref<2816xf32, #tpu.memory_space<vmem>>[vector<16xi32>], vector<16xf32>,
        %parallel_loop3A_298 = arith.addf %parallel_loop3A_288, %parallel_loop3A_297 : vector<16xf32>
        %parallel_loop3A_299 = arith.constant 8 : i32
        %parallel_loop3A_300 = vector.broadcast %parallel_loop3A_299 : i32 to vector<16xi32>
        %parallel_loop3A_301 = arith.addi %parallel_loop3A_221, %parallel_loop3A_300 : vector<16xi32>
        %parallel_loop3A_302 = tpu.vector_load_idx %arg12[%parallel_loop3A_301] : memref<2816xf32, #tpu.memory_space<vmem>>[vector<16xi32>], vector<16xf32>,
        %parallel_loop3A_303 = arith.addf %parallel_loop3A_293, %parallel_loop3A_302 : vector<16xf32>
        %parallel_loop3A_304 = arith.constant 9 : i32
        %parallel_loop3A_305 = vector.broadcast %parallel_loop3A_304 : i32 to vector<16xi32>
        %parallel_loop3A_306 = arith.addi %parallel_loop3A_221, %parallel_loop3A_305 : vector<16xi32>
        %parallel_loop3A_307 = tpu.vector_load_idx %arg11[%parallel_loop3A_306] : memref<2816xf32, #tpu.memory_space<vmem>>[vector<16xi32>], vector<16xf32>,
        %parallel_loop3A_308 = arith.addf %parallel_loop3A_298, %parallel_loop3A_307 : vector<16xf32>
        %parallel_loop3A_309 = arith.constant 9 : i32
        %parallel_loop3A_310 = vector.broadcast %parallel_loop3A_309 : i32 to vector<16xi32>
        %parallel_loop3A_311 = arith.addi %parallel_loop3A_221, %parallel_loop3A_310 : vector<16xi32>
        %parallel_loop3A_312 = tpu.vector_load_idx %arg12[%parallel_loop3A_311] : memref<2816xf32, #tpu.memory_space<vmem>>[vector<16xi32>], vector<16xf32>,
        %parallel_loop3A_313 = arith.addf %parallel_loop3A_303, %parallel_loop3A_312 : vector<16xf32>
        %parallel_loop3A_314 = arith.constant 10 : i32
        %parallel_loop3A_315 = vector.broadcast %parallel_loop3A_314 : i32 to vector<16xi32>
        %parallel_loop3A_316 = arith.addi %parallel_loop3A_221, %parallel_loop3A_315 : vector<16xi32>
        %parallel_loop3A_317 = tpu.vector_load_idx %arg11[%parallel_loop3A_316] : memref<2816xf32, #tpu.memory_space<vmem>>[vector<16xi32>], vector<16xf32>,
        %parallel_loop3A_318 = arith.addf %parallel_loop3A_308, %parallel_loop3A_317 : vector<16xf32>
        %parallel_loop3A_319 = arith.constant 10 : i32
        %parallel_loop3A_320 = vector.broadcast %parallel_loop3A_319 : i32 to vector<16xi32>
        %parallel_loop3A_321 = arith.addi %parallel_loop3A_221, %parallel_loop3A_320 : vector<16xi32>
        %parallel_loop3A_322 = tpu.vector_load_idx %arg12[%parallel_loop3A_321] : memref<2816xf32, #tpu.memory_space<vmem>>[vector<16xi32>], vector<16xf32>,
        %parallel_loop3A_323 = arith.addf %parallel_loop3A_313, %parallel_loop3A_322 : vector<16xf32>
        %parallel_loop3A_324 = arith.constant 11 : i32
        %parallel_loop3A_325 = vector.broadcast %parallel_loop3A_324 : i32 to vector<16xi32>
        %parallel_loop3A_326 = arith.addi %parallel_loop3A_221, %parallel_loop3A_325 : vector<16xi32>
        %parallel_loop3A_327 = tpu.vector_load_idx %arg11[%parallel_loop3A_326] : memref<2816xf32, #tpu.memory_space<vmem>>[vector<16xi32>], vector<16xf32>,
        %parallel_loop3A_328 = arith.addf %parallel_loop3A_318, %parallel_loop3A_327 : vector<16xf32>
        %parallel_loop3A_329 = arith.constant 11 : i32
        %parallel_loop3A_330 = vector.broadcast %parallel_loop3A_329 : i32 to vector<16xi32>
        %parallel_loop3A_331 = arith.addi %parallel_loop3A_221, %parallel_loop3A_330 : vector<16xi32>
        %parallel_loop3A_332 = tpu.vector_load_idx %arg12[%parallel_loop3A_331] : memref<2816xf32, #tpu.memory_space<vmem>>[vector<16xi32>], vector<16xf32>,
        %parallel_loop3A_333 = arith.addf %parallel_loop3A_323, %parallel_loop3A_332 : vector<16xf32>
        %parallel_loop3A_334 = arith.constant 12 : i32
        %parallel_loop3A_335 = vector.broadcast %parallel_loop3A_334 : i32 to vector<16xi32>
        %parallel_loop3A_336 = arith.addi %parallel_loop3A_221, %parallel_loop3A_335 : vector<16xi32>
        %parallel_loop3A_337 = tpu.vector_load_idx %arg11[%parallel_loop3A_336] : memref<2816xf32, #tpu.memory_space<vmem>>[vector<16xi32>], vector<16xf32>,
        %parallel_loop3A_338 = arith.addf %parallel_loop3A_328, %parallel_loop3A_337 : vector<16xf32>
        %parallel_loop3A_339 = arith.constant 12 : i32
        %parallel_loop3A_340 = vector.broadcast %parallel_loop3A_339 : i32 to vector<16xi32>
        %parallel_loop3A_341 = arith.addi %parallel_loop3A_221, %parallel_loop3A_340 : vector<16xi32>
        %parallel_loop3A_342 = tpu.vector_load_idx %arg12[%parallel_loop3A_341] : memref<2816xf32, #tpu.memory_space<vmem>>[vector<16xi32>], vector<16xf32>,
        %parallel_loop3A_343 = arith.addf %parallel_loop3A_333, %parallel_loop3A_342 : vector<16xf32>
        %parallel_loop3A_344 = arith.constant 13 : i32
        %parallel_loop3A_345 = vector.broadcast %parallel_loop3A_344 : i32 to vector<16xi32>
        %parallel_loop3A_346 = arith.addi %parallel_loop3A_221, %parallel_loop3A_345 : vector<16xi32>
        %parallel_loop3A_347 = tpu.vector_load_idx %arg11[%parallel_loop3A_346] : memref<2816xf32, #tpu.memory_space<vmem>>[vector<16xi32>], vector<16xf32>,
        %parallel_loop3A_348 = arith.addf %parallel_loop3A_338, %parallel_loop3A_347 : vector<16xf32>
        %parallel_loop3A_349 = arith.constant 13 : i32
        %parallel_loop3A_350 = vector.broadcast %parallel_loop3A_349 : i32 to vector<16xi32>
        %parallel_loop3A_351 = arith.addi %parallel_loop3A_221, %parallel_loop3A_350 : vector<16xi32>
        %parallel_loop3A_352 = tpu.vector_load_idx %arg12[%parallel_loop3A_351] : memref<2816xf32, #tpu.memory_space<vmem>>[vector<16xi32>], vector<16xf32>,
        %parallel_loop3A_353 = arith.addf %parallel_loop3A_343, %parallel_loop3A_352 : vector<16xf32>
        %parallel_loop3A_354 = arith.constant 14 : i32
        %parallel_loop3A_355 = vector.broadcast %parallel_loop3A_354 : i32 to vector<16xi32>
        %parallel_loop3A_356 = arith.addi %parallel_loop3A_221, %parallel_loop3A_355 : vector<16xi32>
        %parallel_loop3A_357 = tpu.vector_load_idx %arg11[%parallel_loop3A_356] : memref<2816xf32, #tpu.memory_space<vmem>>[vector<16xi32>], vector<16xf32>,
        %parallel_loop3A_358 = arith.addf %parallel_loop3A_348, %parallel_loop3A_357 : vector<16xf32>
        %parallel_loop3A_359 = arith.constant 14 : i32
        %parallel_loop3A_360 = vector.broadcast %parallel_loop3A_359 : i32 to vector<16xi32>
        %parallel_loop3A_361 = arith.addi %parallel_loop3A_221, %parallel_loop3A_360 : vector<16xi32>
        %parallel_loop3A_362 = tpu.vector_load_idx %arg12[%parallel_loop3A_361] : memref<2816xf32, #tpu.memory_space<vmem>>[vector<16xi32>], vector<16xf32>,
        %parallel_loop3A_363 = arith.addf %parallel_loop3A_353, %parallel_loop3A_362 : vector<16xf32>
        %parallel_loop3A_364 = arith.constant 15 : i32
        %parallel_loop3A_365 = vector.broadcast %parallel_loop3A_364 : i32 to vector<16xi32>
        %parallel_loop3A_366 = arith.addi %parallel_loop3A_221, %parallel_loop3A_365 : vector<16xi32>
        %parallel_loop3A_367 = tpu.vector_load_idx %arg11[%parallel_loop3A_366] : memref<2816xf32, #tpu.memory_space<vmem>>[vector<16xi32>], vector<16xf32>,
        %parallel_loop3A_368 = arith.addf %parallel_loop3A_358, %parallel_loop3A_367 : vector<16xf32>
        %parallel_loop3A_369 = arith.constant 15 : i32
        %parallel_loop3A_370 = vector.broadcast %parallel_loop3A_369 : i32 to vector<16xi32>
        %parallel_loop3A_371 = arith.addi %parallel_loop3A_221, %parallel_loop3A_370 : vector<16xi32>
        %parallel_loop3A_372 = tpu.vector_load_idx %arg12[%parallel_loop3A_371] : memref<2816xf32, #tpu.memory_space<vmem>>[vector<16xi32>], vector<16xf32>,
        %parallel_loop3A_373 = arith.addf %parallel_loop3A_363, %parallel_loop3A_372 : vector<16xf32>
        %parallel_loop3A_374 = arith.constant 16 : i32
        %parallel_loop3A_375 = arith.muli %parallel_loop3A_214, %parallel_loop3A_374 : i32
        %parallel_loop3A_376 = arith.index_cast %parallel_loop3A_375 : i32 to index
        %parallel_loop3A_377 = tpu.vector_load %arg14[%parallel_loop3A_376] {strides = array<i32>} : memref<176xf32, #tpu.memory_space<vmem>>, vector<16xf32>,
        tpu.vector_store %arg14[%parallel_loop3A_376], %parallel_loop3A_368 {strides = array<i32>} : memref<176xf32, #tpu.memory_space<vmem>>, vector<16xf32>,
        %parallel_loop3A_378 = arith.constant 16 : i32
        %parallel_loop3A_379 = arith.muli %parallel_loop3A_214, %parallel_loop3A_378 : i32
        %parallel_loop3A_380 = arith.index_cast %parallel_loop3A_379 : i32 to index
        %parallel_loop3A_381 = tpu.vector_load %arg16[%parallel_loop3A_380] {strides = array<i32>} : memref<176xf32, #tpu.memory_space<vmem>>, vector<16xf32>,
        tpu.vector_store %arg16[%parallel_loop3A_380], %parallel_loop3A_373 {strides = array<i32>} : memref<176xf32, #tpu.memory_space<vmem>>, vector<16xf32>,
      } {sc.loop_unroll_factor = 2 : i64, sc.parallel_access}
      %dma_start3A_202 = arith.constant 0 : i32
      %dma_start3A_203 = tpu.memref_slice %arg5[%add3A_156, %dma_start3A_202] : memref<4096x176xf32, #tpu.memory_space<hbm>> -> memref<1x176xf32, #tpu.memory_space<hbm>>
      %dma_start3A_204 = tpu.memref_squeeze %dma_start3A_203 : memref<1x176xf32, #tpu.memory_space<hbm>> -> memref<176xf32, #tpu.memory_space<hbm>>
      %dma_start3A_205 = arith.constant 0 : i32
      %dma_start3A_206 = tpu.memref_slice %arg5[%add3A_156, %dma_start3A_205] : memref<4096x176xf32, #tpu.memory_space<hbm>> -> memref<1x176xf32, #tpu.memory_space<hbm>>
      %dma_start3A_207 = tpu.memref_squeeze %dma_start3A_206 : memref<1x176xf32, #tpu.memory_space<hbm>> -> memref<176xf32, #tpu.memory_space<hbm>>
      tpu.enqueue_dma source(%arg14 : memref<176xf32, #tpu.memory_space<vmem>>) target(%dma_start3A_207 : memref<176xf32, #tpu.memory_space<hbm>>) target_semaphore(%arg20 : memref<!tpu.dma_semaphore, #tpu.memory_space<semaphore_mem>>)
      %dma_start3A_208 = arith.constant 0 : i32
      %dma_start3A_209 = tpu.memref_slice %arg6[%add3A_156, %dma_start3A_208] : memref<4096x176xf32, #tpu.memory_space<hbm>> -> memref<1x176xf32, #tpu.memory_space<hbm>>
      %dma_start3A_210 = tpu.memref_squeeze %dma_start3A_209 : memref<1x176xf32, #tpu.memory_space<hbm>> -> memref<176xf32, #tpu.memory_space<hbm>>
      %dma_start3A_211 = arith.constant 0 : i32
      %dma_start3A_212 = tpu.memref_slice %arg6[%add3A_156, %dma_start3A_211] : memref<4096x176xf32, #tpu.memory_space<hbm>> -> memref<1x176xf32, #tpu.memory_space<hbm>>
      %dma_start3A_213 = tpu.memref_squeeze %dma_start3A_212 : memref<1x176xf32, #tpu.memory_space<hbm>> -> memref<176xf32, #tpu.memory_space<hbm>>
      tpu.enqueue_dma source(%arg16 : memref<176xf32, #tpu.memory_space<vmem>>) target(%dma_start3A_213 : memref<176xf32, #tpu.memory_space<hbm>>) target_semaphore(%arg20 : memref<!tpu.dma_semaphore, #tpu.memory_space<semaphore_mem>>)
    }
    %scan3A_70 = arith.constant 64 : i32
    %dma_wait3A = arith.constant 0 : i32
    %dma_wait3A_71 = tpu.memref_slice %arg5[%mul3A_2, %dma_wait3A] : memref<4096x176xf32, #tpu.memory_space<hbm>> -> memref<1x176xf32, #tpu.memory_space<hbm>>
    %dma_wait3A_72 = tpu.memref_squeeze %dma_wait3A_71 : memref<1x176xf32, #tpu.memory_space<hbm>> -> memref<176xf32, #tpu.memory_space<hbm>>
    %dma_wait3A_73 = arith.constant 0 : i32
    %dma_wait3A_74 = tpu.memref_slice %arg5[%mul3A_2, %dma_wait3A_73] : memref<4096x176xf32, #tpu.memory_space<hbm>> -> memref<1x176xf32, #tpu.memory_space<hbm>>
    %dma_wait3A_75 = tpu.memref_squeeze %dma_wait3A_74 : memref<1x176xf32, #tpu.memory_space<hbm>> -> memref<176xf32, #tpu.memory_space<hbm>>
    tpu.wait_dma2 semaphore(%arg19 : memref<!tpu.dma_semaphore, #tpu.memory_space<semaphore_mem>>) src(%arg13 : memref<176xf32, #tpu.memory_space<vmem>>) dst(%dma_wait3A_75 : memref<176xf32, #tpu.memory_space<hbm>>)
    %dma_wait3A_76 = arith.constant 0 : i32
    %dma_wait3A_77 = tpu.memref_slice %arg6[%mul3A_2, %dma_wait3A_76] : memref<4096x176xf32, #tpu.memory_space<hbm>> -> memref<1x176xf32, #tpu.memory_space<hbm>>
    %dma_wait3A_78 = tpu.memref_squeeze %dma_wait3A_77 : memref<1x176xf32, #tpu.memory_space<hbm>> -> memref<176xf32, #tpu.memory_space<hbm>>
    %dma_wait3A_79 = arith.constant 0 : i32
    %dma_wait3A_80 = tpu.memref_slice %arg6[%mul3A_2, %dma_wait3A_79] : memref<4096x176xf32, #tpu.memory_space<hbm>> -> memref<1x176xf32, #tpu.memory_space<hbm>>
    %dma_wait3A_81 = tpu.memref_squeeze %dma_wait3A_80 : memref<1x176xf32, #tpu.memory_space<hbm>> -> memref<176xf32, #tpu.memory_space<hbm>>
    tpu.wait_dma2 semaphore(%arg19 : memref<!tpu.dma_semaphore, #tpu.memory_space<semaphore_mem>>) src(%arg15 : memref<176xf32, #tpu.memory_space<vmem>>) dst(%dma_wait3A_81 : memref<176xf32, #tpu.memory_space<hbm>>)
    %dma_wait3A_82 = arith.constant 0 : i32
    %dma_wait3A_83 = tpu.memref_slice %arg5[%mul3A_2, %dma_wait3A_82] : memref<4096x176xf32, #tpu.memory_space<hbm>> -> memref<1x176xf32, #tpu.memory_space<hbm>>
    %dma_wait3A_84 = tpu.memref_squeeze %dma_wait3A_83 : memref<1x176xf32, #tpu.memory_space<hbm>> -> memref<176xf32, #tpu.memory_space<hbm>>
    %dma_wait3A_85 = arith.constant 0 : i32
    %dma_wait3A_86 = tpu.memref_slice %arg5[%mul3A_2, %dma_wait3A_85] : memref<4096x176xf32, #tpu.memory_space<hbm>> -> memref<1x176xf32, #tpu.memory_space<hbm>>
    %dma_wait3A_87 = tpu.memref_squeeze %dma_wait3A_86 : memref<1x176xf32, #tpu.memory_space<hbm>> -> memref<176xf32, #tpu.memory_space<hbm>>
    tpu.wait_dma2 semaphore(%arg20 : memref<!tpu.dma_semaphore, #tpu.memory_space<semaphore_mem>>) src(%arg14 : memref<176xf32, #tpu.memory_space<vmem>>) dst(%dma_wait3A_87 : memref<176xf32, #tpu.memory_space<hbm>>)
    %dma_wait3A_88 = arith.constant 0 : i32
    %dma_wait3A_89 = tpu.memref_slice %arg6[%mul3A_2, %dma_wait3A_88] : memref<4096x176xf32, #tpu.memory_space<hbm>> -> memref<1x176xf32, #tpu.memory_space<hbm>>
    %dma_wait3A_90 = tpu.memref_squeeze %dma_wait3A_89 : memref<1x176xf32, #tpu.memory_space<hbm>> -> memref<176xf32, #tpu.memory_space<hbm>>
    %dma_wait3A_91 = arith.constant 0 : i32
    %dma_wait3A_92 = tpu.memref_slice %arg6[%mul3A_2, %dma_wait3A_91] : memref<4096x176xf32, #tpu.memory_space<hbm>> -> memref<1x176xf32, #tpu.memory_space<hbm>>
    %dma_wait3A_93 = tpu.memref_squeeze %dma_wait3A_92 : memref<1x176xf32, #tpu.memory_space<hbm>> -> memref<176xf32, #tpu.memory_space<hbm>>
    tpu.wait_dma2 semaphore(%arg20 : memref<!tpu.dma_semaphore, #tpu.memory_space<semaphore_mem>>) src(%arg16 : memref<176xf32, #tpu.memory_space<vmem>>) dst(%dma_wait3A_93 : memref<176xf32, #tpu.memory_space<hbm>>)
    return
  }
}

module attributes {stable_mosaic.version = 14 : i64} {
  func.func @body(%arg0: memref<4096x176xf32, #tpu.memory_space<vmem>>, %arg1: memref<4096x176xf32, #tpu.memory_space<vmem>>, %arg2: memref<1x1xf32, #tpu.memory_space<smem>>) attributes {dimension_semantics = [], scalar_prefetch = 0 : i64, scratch_operands = 0 : i64, tpu.core_type = #tpu.core_type<tc>} {
    %get3A = arith.constant 0 : index
    %get3A_0 = arith.constant 0 : index
    %get3A_1 = vector.load %arg0[%get3A, %get3A_0] : memref<4096x176xf32, #tpu.memory_space<vmem>>, vector<4096x176xf32>
    %get3A_2 = arith.constant 0 : index
    %get3A_3 = arith.constant 0 : index
    %get3A_4 = vector.load %arg1[%get3A_2, %get3A_3] : memref<4096x176xf32, #tpu.memory_space<vmem>>, vector<4096x176xf32>
    %logistic3A = arith.negf %get3A_1 : vector<4096x176xf32>
    %logistic3A_5 = math.exp %logistic3A : vector<4096x176xf32>
    %logistic3A_6 = arith.constant 1.000000e+00 : f32
    %logistic3A_7 = vector.broadcast %logistic3A_6 : f32 to vector<4096x176xf32>
    %logistic3A_8 = arith.addf %logistic3A_7, %logistic3A_5 : vector<4096x176xf32>
    %logistic3A_9 = arith.divf %logistic3A_7, %logistic3A_8 : vector<4096x176xf32>
    %add3A = arith.constant 9.99999993E-9 : f32
    %add3A_10 = vector.broadcast %add3A : f32 to vector<4096x176xf32>
    %add3A_11 = arith.addf %logistic3A_9, %add3A_10 : vector<4096x176xf32>
    %log3A = math.log %add3A_11 : vector<4096x176xf32>
    %logistic3A_12 = arith.negf %get3A_4 : vector<4096x176xf32>
    %logistic3A_13 = math.exp %logistic3A_12 : vector<4096x176xf32>
    %logistic3A_14 = arith.constant 1.000000e+00 : f32
    %logistic3A_15 = vector.broadcast %logistic3A_14 : f32 to vector<4096x176xf32>
    %logistic3A_16 = arith.addf %logistic3A_15, %logistic3A_13 : vector<4096x176xf32>
    %logistic3A_17 = arith.divf %logistic3A_15, %logistic3A_16 : vector<4096x176xf32>
    %sub3A = arith.constant 1.000000e+00 : f32
    %sub3A_18 = vector.broadcast %sub3A : f32 to vector<4096x176xf32>
    %sub3A_19 = arith.subf %sub3A_18, %logistic3A_17 : vector<4096x176xf32>
    %add3A_20 = arith.constant 9.99999993E-9 : f32
    %add3A_21 = vector.broadcast %add3A_20 : f32 to vector<4096x176xf32>
    %add3A_22 = arith.addf %sub3A_19, %add3A_21 : vector<4096x176xf32>
    %log3A_23 = math.log %add3A_22 : vector<4096x176xf32>
    %reduce_sum3A = arith.constant dense<0.000000e+00> : vector<4096xf32>
    %reduce_sum3A_24 = vector.multi_reduction <add>, %log3A, %reduce_sum3A [1] : vector<4096x176xf32> to vector<4096xf32>
    %reduce_sum3A_25 = vector.shape_cast %reduce_sum3A_24 : vector<4096xf32> to vector<1x4096xf32>
    %reduce_sum3A_26 = arith.constant dense<0.000000e+00> : vector<1xf32>
    %reduce_sum3A_27 = vector.multi_reduction <add>, %reduce_sum3A_25, %reduce_sum3A_26 [1] : vector<1x4096xf32> to vector<1xf32>
    %reduce_sum3A_28 = vector.shape_cast %reduce_sum3A_27 : vector<1xf32> to vector<1x1xf32>
    %reduce_sum3A_29 = vector.extract %reduce_sum3A_28[0, 0] : f32 from vector<1x1xf32>
    %mul3A = arith.constant 1.38716268E-6 : f32
    %mul3A_30 = arith.mulf %reduce_sum3A_29, %mul3A : f32
    %reduce_sum3A_31 = arith.constant dense<0.000000e+00> : vector<4096xf32>
    %reduce_sum3A_32 = vector.multi_reduction <add>, %log3A_23, %reduce_sum3A_31 [1] : vector<4096x176xf32> to vector<4096xf32>
    %reduce_sum3A_33 = vector.shape_cast %reduce_sum3A_32 : vector<4096xf32> to vector<1x4096xf32>
    %reduce_sum3A_34 = arith.constant dense<0.000000e+00> : vector<1xf32>
    %reduce_sum3A_35 = vector.multi_reduction <add>, %reduce_sum3A_33, %reduce_sum3A_34 [1] : vector<1x4096xf32> to vector<1xf32>
    %reduce_sum3A_36 = vector.shape_cast %reduce_sum3A_35 : vector<1xf32> to vector<1x1xf32>
    %reduce_sum3A_37 = vector.extract %reduce_sum3A_36[0, 0] : f32 from vector<1x1xf32>
    %mul3A_38 = arith.constant 1.38716268E-6 : f32
    %mul3A_39 = arith.mulf %reduce_sum3A_37, %mul3A_38 : f32
    %add3A_40 = arith.addf %mul3A_30, %mul3A_39 : f32
    %neg3A = arith.constant 0.000000e+00 : f32
    %neg3A_41 = arith.subf %neg3A, %add3A_40 : f32
    %swap3A = arith.constant 0 : index
    %swap3A_42 = arith.constant 0 : index
    %swap3A_43 = memref.load %arg2[%swap3A, %swap3A_42] : memref<1x1xf32, #tpu.memory_space<smem>>
    memref.store %neg3A_41, %arg2[%swap3A, %swap3A_42] : memref<1x1xf32, #tpu.memory_space<smem>>
    return
  }
}

</mosaic_0001>

<sc_bundles>
// kernel: kernel.4.cloned.1.call-start
scs
__scs_entry_jumppad:
0x0: {  	(pc) =	sbr.rel $0x88, $3  }
0x1: {  	(tag) =	ssettag $0x0;
	lr =	simm.s32 $0x1  }
0x2: {  	[smem:$0x3F9F] =	sst lr;
	_ =	strace $0xD0000000  }
0x3: {  	_ = 	snop  }
0x4: {  	_ = 	snop  }
0x5: {  	_ = 	snop  }
0x6: {  	_ = 	snop  }
0x7: {  	_ = 	snop  }
__scs_overlays_trampoline_lowered:
0x8: {  	[smem:$0x3FAE] =	sst s0  }
0x9: {  	[smem:$0x3FAF] =	sst s1  }
0xa: {  	[smem:$0x3FB0] =	sst s2  }
0xb: {  	[smem:$0x3FB1] =	sst s3  }
0xc: {  	[smem:$0x3FB2] =	sst s4  }
0xd: {  	[smem:$0x3FB3] =	sst s5  }
0xe: {  	[smem:$0x3FB4] =	sst s6  }
0xf: {  	[smem:$0x3FB5] =	sst s7  }
0x10: {  	[smem:$0x3FB6] =	sst s8  }
0x11: {  	[smem:$0x3FB7] =	sst s9;
	s0 =	simm.s32 @!p0 $0x0  }
0x12: {  	s1 =	sld [smem:$0x3F9D];
	s0 =	simm.s32 @p0 $0x1  }
0x13: {  	[smem:$0x3FB8] =	sst s0;
	s0 =	simm.s32 @!p1 $0x0  }
0x14: {  	s2 =	sld [smem:$0x3F9C];
	s0 =	simm.s32 @p1 $0x1  }
0x15: {  	[smem:$0x3FB9] =	sst s0;
	s0 =	simm.s32 @!p2 $0x0  }
0x16: {  	s3 =	sld [smem:$0x3FDB];
	s0 =	simm.s32 @p2 $0x1  }
0x17: {  	s4 =	simm.s32 $0x1BF5;
	[smem:$0x3FBB] =	sst s0  }
0x18: {  	s0 =	sld [smem:$0x3F9E];
	_ =	swait.ge [sflag:s4], $0x0  }
0x19: {  	s7 =	sld [smem:$0x3F9F]  }
0x1a: {  	s8 =	sadd.s32 $0xFFFFE003, lr  }
0x1b: {  	s9 =	sadd.s32 $0xFFFFFEF7, lr;
	s5 =	simm.s32 $0xFFFFFFFF;
	p2 =	slt.u32 s8, $0xFFFFF086  }
0x1c: {  	p1 =	slt.u32 s9, $0xF7A;
	s5 =	simm.s32 @!p2 $0x0  }
0x1d: {  	s5 =	simm.s32 @p1 $0x1;
	p0 =	seq.s32 s7, s2  }
0x1e: {  	s7 =	smul.u32 @!p0 $0xF7A, s2;
	p2 =	seq.s32 @!p0 s5, $0x0  }
0x1f: {  	s9 =	smul.u32 $0xF7A, s1;
	s8 =	simm.s32 @!p0 $0x1BF5;
	p2 =	por !p2, p0  }
0x20: {  	[sflag:s8] =	ssyncset.s32 @!p0 $0xFFFFF086;
	s6 =	sadd.s32 @!p0 s3, s7;
	s7 =	simm.s32 @!p0 $0x108  }
0x21: {  	s3 =	sadd.s32 s3, s9;
	s6 =	sadd.s32 @!p0 $0x88, s6;
	s7 =	simm.s32 @p2 $0x1082  }
0x22: {  	[simem:s7], [sflag:s8] =	dma.local @!p0 [hbm:s6], $0xF7A  }
0x23: {  	s9 =	sor.u32 $0xD0000000, s2;
	s6 =	simm.s32 $0x108;
	_ =	swait.ge @!p0 [sflag:s8], $0x0  }
0x24: {  	s3 =	sadd.s32 $0x88, s3;
	s6 =	simm.s32 @!p1 $0x1082;
	[sflag:s4] =	ssyncset.s32 $0xFFFFF086  }
0x25: {  	[simem:s6], [sflag:s4] =	dma.local [hbm:s3], $0xF7A  }
0x26: {  	[smem:$0x3F9F] =	sst s1;
	(tag) =	ssettag s2;
	_ =	strace s9  }
0x27: {  	s1 =	sld [smem:$0x3FAF]  }
0x28: {  	s2 =	sld [smem:$0x3FB0]  }
0x29: {  	s4 =	sld [smem:$0x3FB2]  }
0x2a: {  	p0 =	seq.s32 s5, $0x0;
	s5 =	sld [smem:$0x3FB3]  }
0x2b: {  	s6 =	sld [smem:$0x3FB4]  }
0x2c: {  	s7 =	sld [smem:$0x3FB5]  }
0x2d: {  	s3 =	simm.s32 $0x108;
	s8 =	sld [smem:$0x3FB6]  }
0x2e: {  	s3 =	simm.s32 @!p0 $0x1082;
	s9 =	sld [smem:$0x3FB7]  }
0x2f: {  	lr =	sadd.s32 s0, s3;
	s0 =	sld [smem:$0x3FAE]  }
0x30: {  	s3 =	sld [smem:$0x3FB1]  }
0x31: {  	[smem:$0x3FBA] =	sst s10  }
0x32: {  	s10 =	sld [smem:$0x3FB8];
	_ =	sdelay $0x3  }
0x33: {  	p0 =	seq.s32 s10, $0x1;
	s10 =	sld [smem:$0x3FBA];
	_ =	sdelay $0x3  }
0x34: {  	[smem:$0x3FBA] =	sst s10  }
0x35: {  	s10 =	sld [smem:$0x3FB9];
	_ =	sdelay $0x3  }
0x36: {  	p1 =	seq.s32 s10, $0x1;
	s10 =	sld [smem:$0x3FBA];
	_ =	sdelay $0x3  }
0x37: {  	[smem:$0x3FBA] =	sst s10  }
0x38: {  	s10 =	sld [smem:$0x3FBB]  }
0x39: {  	_ = 	snop;
	(pc) =	sbr.ind lr, $3  }
0x3a: {  	_ = 	snop  }
0x3b: {  	_ = 	snop  }
0x3c: {  	p2 =	seq.s32 s10, $0x1;
	s10 =	sld [smem:$0x3FBA]  }
0x3d: {  	_ =	shalt  }
0x3e: {  	_ =	shalt  }
0x3f: {  	_ =	shalt  }
0x40: {  	_ =	shalt  }
0x41: {  	_ =	shalt  }
0x42: {  	_ =	shalt  }
0x43: {  	_ =	shalt  }
0x44: {  	_ =	shalt  }
0x45: {  	_ =	shalt  }
0x46: {  	_ =	shalt  }
0x47: {  	_ =	shalt  }
0x48: {  	_ =	shalt  }
0x49: {  	_ =	shalt  }
0x4a: {  	_ =	shalt  }
0x4b: {  	_ =	shalt  }
0x4c: {  	_ =	shalt  }
0x4d: {  	_ =	shalt  }
0x4e: {  	_ =	shalt  }
0x4f: {  	_ =	shalt  }
0x50: {  	_ =	shalt  }
0x51: {  	_ =	shalt  }
0x52: {  	_ =	shalt  }
0x53: {  	_ =	shalt  }
0x54: {  	_ =	shalt  }
0x55: {  	_ =	shalt  }
0x56: {  	_ =	shalt  }
0x57: {  	_ =	shalt  }
0x58: {  	_ =	shalt  }
0x59: {  	_ =	shalt  }
0x5a: {  	_ =	shalt  }
0x5b: {  	_ =	shalt  }
0x5c: {  	_ =	shalt  }
0x5d: {  	_ =	shalt  }
0x5e: {  	_ =	shalt  }
0x5f: {  	_ =	shalt  }
0x60: {  	_ =	shalt  }
0x61: {  	_ =	shalt  }
0x62: {  	_ =	shalt  }
0x63: {  	_ =	shalt  }
0x64: {  	_ =	shalt  }
0x65: {  	_ =	shalt  }
0x66: {  	_ =	shalt  }
0x67: {  	_ =	shalt  }
0x68: {  	_ =	shalt  }
0x69: {  	_ =	shalt  }
0x6a: {  	_ =	shalt  }
0x6b: {  	_ =	shalt  }
0x6c: {  	_ =	shalt  }
0x6d: {  	_ =	shalt  }
0x6e: {  	_ =	shalt  }
0x6f: {  	_ =	shalt  }
0x70: {  	_ =	shalt  }
0x71: {  	_ =	shalt  }
0x72: {  	_ =	shalt  }
0x73: {  	_ =	shalt  }
0x74: {  	_ =	shalt  }
0x75: {  	_ =	shalt  }
0x76: {  	_ =	shalt  }
0x77: {  	_ =	shalt  }
0x78: {  	_ =	shalt  }
0x79: {  	_ =	shalt  }
0x7a: {  	_ =	shalt  }
0x7b: {  	_ =	shalt  }
0x7c: {  	_ =	shalt  }
0x7d: {  	_ =	shalt  }
0x7e: {  	_ =	shalt  }
0x7f: {  	_ =	shalt  }
0x80: {  	_ =	shalt  }
0x81: {  	_ =	shalt  }
0x82: {  	_ =	shalt  }
0x83: {  	_ =	shalt  }
0x84: {  	_ =	shalt  }
0x85: {  	_ =	shalt  }
0x86: {  	_ =	shalt  }
0x87: {  	_ =	shalt  }
.Lfunc_end0:
.L_simem_size_0:
called_computation_lowered:
.L_overlay_start_0:
0x88: {  	s2 =	sld [smem:$0x3FD9]  }
0x89: {  	s3 =	sld [smem:$0x3FFE];
	_ =	sdelay $0x1  }
0x8a: {  	s1 =	srdreg.scid  }
0x8b: {  	s0 =	sand.u32 $0x1, s1  }
0x8c: {  	s17 =	sshll.u32 s0, $0xA;
	s2 =	sadd.s32 s3, s2  }
0x8d: {  	s2 =	sadd.s32 s2, s17  }
0x8e: {  	[smem:$0x3FC6] =	sst s2  }
0x8f: {  	_ = 	snop  }
0x90: {  	s2 =	sld [smem:$0x3FC8];
	(tm) =	ssettm $0x1  }
0x91: {  	s18 =	sld [smem:$0x3FFB];
	_ =	sdelay $0x3  }
0x92: {  	_ =	strace s18  }
0x93: {  	s3 =	sld [smem:$0x3FFC];
	_ =	sdelay $0x3  }
0x94: {  	_ =	strace s3  }
0x95: {  	s3 =	sld [smem:$0x3FFD];
	_ =	sdelay $0x3  }
0x96: {  	_ =	strace s3  }
0x97: {  	_ =	strace $0x8FFFFFFF  }
0x98: {  	s19 =	sld [smem:$0x3FDB];
	_ =	sdelay $0x1  }
0x99: {  	s4 =	simm.s32 $_scs_section_size  }
0x9a: {  	s5 =	simm.s32 $_size__tile_overlayer_lowered;
	s6 =	simm.s32 $_tile_overlayer_lowered  }
0x9b: {  	s22 =	simm.s32 $0x1BFF;
	s21 =	sshll.u32 s6, $0x1;
	s3 =	sadd.s32 s4, s19  }
0x9c: {  	s7 =	simm.s32 $0x0;
	s20 =	sshll.u32 s5, $0x1;
	s5 =	sadd.s32 s21, s3  }
0x9d: {  	[timem:s7], [sflag:s22] =	dma.local [hbm:s5], s20  }
0x9e: {  	_ =	swait.ge [sflag:s22], s20  }
0x9f: {  	s4 =	ssub.s32 $0x0, s20;
	[sflag:s22] =	ssyncset.done $0x0  }
0xa0: {  	[sflag:s22] =	ssyncadd.s32 s4;
	_ =	sdelay $0x1  }
0xa1: {  	s23 =	simm.s32 $0x1B8B  }
0xa2: {  	_ =	swait.ge [sflag:s23], $0x1  }
0xa3: {  	[sflag:s23] =	ssyncset.done $0x0  }
0xa4: {  	s25 =	simm.s32 $0x1B8E;
	s24 =	sld [smem:$0x3FFE];
	[sflag:s23] =	ssyncadd.s32 $0xFFFFFFFF  }
0xa5: {  	s26 =	simm.s32 $execute0_lowered;
	[smem:$0x3FD2] =	sst s25  }
0xa6: {  	s5 =	sshll.u32 s26, $0x1;
	_ =	strace $0x80000046;
	[dreg:$0x1] =	wrdreg $0xFFFFFFFF  }
0xa7: {  	s28 =	simm.s32 $_size_execute0_lowered;
	s3 =	sadd.s32 s3, s5;
	[dreg:$0x0] =	wrdreg $0x0  }
0xa8: {  	s5 =	sshll.u32 s28, $0x1;
	[dreg:$0x2] =	wrdreg s3  }
0xa9: {  	[dreg:$0x3] =	wrdreg s5  }
0xaa: {  	[dreg:$0x4] =	wrdreg $0xC0  }
0xab: {  	_ =	task [dreg:s7], $0x5FFFF  }
0xac: {  	[dreg:$0x1] =	wrdreg $0xFFFFFFFF  }
0xad: {  	[dreg:$0x0] =	wrdreg $0x60  }
0xae: {  	[dreg:$0x2] =	wrdreg s24  }
0xaf: {  	[dreg:$0x3] =	wrdreg s2  }
0xb0: {  	[dreg:$0x4] =	wrdreg $0x9  }
0xb1: {  	_ =	task.clear_ibuf [dreg:s7], $0x5FFFF;
	_ =	strace $0x90000046  }
0xb2: {  	s29 =	simm.s32 $0x9;
	_ =	strace $0x80000048  }
0xb3: {  	_ =	swait.ge [sflag:s29], $0x1  }
0xb4: {  	[sflag:s29] =	ssyncadd.s32 $0xFFFFFFFF  }
0xb5: {  	_ =	strace $0x90000048  }
0xb6: {  	_ =	sfence  }
0xb7: {  	s30 =	sld [smem:$0x0];
	_ =	sdelay $0x2  }
0xb8: {  	s31 =	sshll.u32 s1, $0xD;
	s1 =	sshrl.u32 s1, $0x2  }
0xb9: {  	s3 =	sand.u32 $0x4000, s31;
	s1 =	sadd.s32 s1, s30  }
0xba: {  	s0 =	sor.u32 s3, s0;
	s1 =	sshll.u32 s1, $0x11  }
0xbb: {  	s0 =	sor.u32 s1, s0  }
0xbc: {  	s0 =	sadd.s32 $0x8F2B, s0  }
0xbd: {  	[sflag:s0] =	ssyncadd.remote.s32 $0x1  }
0xbe: {  	_ =	sfence.sel $0xFFFF  }
0xbf: {  	[dreg:$0x0] =	wrdreg $0xFFFFFFFF;
	(pc) =	sbr.abs _section_cstart, $3  }
0xc0: {  	[dreg:$0x1] =	wrdreg $0xFFFFFFFF  }
0xc1: {  	_ =	task.clear_ibuf [dreg:s7], $0x2FFFF;
	_ =	strace $0x9FFFFFFF  }
0xc2: {  	(tm) =	ssettm $0x7FFFFFFF  }
0xc3: {  	_ =	shalt  }
tec
execute0_lowered:
.L_overlay_start_1:
0x0: {  	(tag) =	ssettag $0x1  }
0x1: {  	s0 =	rddreg [dreg:$0x0]  }
0x2: {  	s2 =	rddreg [dreg:$0x1]  }
0x3: {  	s1 =	srdreg.scid;
	s3 =	stileid.u32;
	s5 =	simm.s32 $0x0  }
0x4: {  	s18 =	simm.s32 $0x80;
	s28 =	simm.s32 $0x400;
	s29 =	simm.s32 $0x1BA00  }
0x5: {  	s30 =	simm.s32 $0x1BC00;
	s31 =	simm.s32 $0x2;
	s1 =	sand.u32 $0x1, s1  }
0x6: {  	s13 =	simm.s32 $0x3;
	s3 =	sshll.u32 s3, $0x8;
	s4 =	sshll.u32 s1, $0x7  }
0x7: {  	v0 =	vlaneseq.u32;
	[smem:$0x7FF] =	sst s5;
	s5 =	sadd.s32 $0x31400, s0;
	s4 =	sor.u32 s4, s3  }
0x8: {  	s6 =	sadd.s32 $0x51400, s0;
	v0 =	vmul.u32 $0x10, v0;
	_ =	strace $0x80000047;
	s3 =	sshll.u32 s4, $0x4  }
0x9: {  	s1 =	ssub.s32 $0x2, s1;
	s23 =	sshll.u32 s4, $0x5;
	s3 =	sadd.s32 s3, s0  }
0xa: {  	s24 =	sshrl.u32 s1, $0x1;
	v1 =	vor.u32 $0xA05, v0;
	s7 =	sadd.s32 s23, s0;
	s25 =	sadd.s32 $0x1400, s3  }
0xb: {  	v59 =	vor.u32 $0xA00, v0;
	[tilespmem:$0x1FFC0] =	vst v1;
	s0 =	ssub.s32 s1, s24;
	s26 =	sadd.s32 $0x11400, s7;
	[dreg:$0x3] =	wrdreg s25  }
0xc: {  	s16 =	simm.s32 $0x0;
	v60 =	vor.u32 $0xA01, v0;
	[tilespmem:$0x1FFE0] =	vst v59;
	s0 =	smax.u32 s0, $0x1;
	[dreg:$0x4] =	wrdreg s26  }
0xd: {  	v61 =	vor.u32 $0xA02, v0;
	v1 =	vor.u32 $0xA06, v0;
	[tilespmem:$0x1FFF0] =	vst v60;
	s24 =	simm.s32 $0x1;
	s1 =	simm.s32 $0x1BD00;
	[dreg:$0x5] =	wrdreg s0  }
0xe: {  	v62 =	vor.u32 $0xA03, v0;
	v63 =	vor.u32 $0xA04, v0;
	[tilespmem:$0x1FFD0] =	vst v1;
	s25 =	simm.s32 $0x1A400;
	s26 =	simm.s32 $0x1AF00;
	s0 =	simm.s32 $0x1BB00  }
.LBB2_1:
0xf: {  	s3 =	simm.s32 $0x0;
	s7 =	rddreg [dreg:$0x3];
	s8 =	simm.s32 $0x5  }
0x10: {  	[tilespmem:s3], [sflag:$0x5] =	stream.linear.gather [hbm4b:s7+s3], $0x4000, $0x38;
	[tilespmem:$0x1BE00] =	vst v63  }
0x11: {  	_ =	swait.ge [sflag:s8], $0x4000  }
0x12: {  	[sflag:s8] =	ssyncset.done $0x0  }
0x13: {  	s9 =	simm.s32 $0x4000;
	s23 =	rddreg [dreg:$0x4];
	[sflag:s8] =	ssyncadd.s32 $0xFFFFC000  }
0x14: {  	[tilespmem:s9], [sflag:$0x5] =	stream.linear.gather [hbm4b:s23+s3], $0x8000, $0x38;
	[tilespmem:$0x1BE00] =	vst v63  }
0x15: {  	_ =	swait.ge [sflag:s8], $0x8000  }
0x16: {  	[sflag:s8] =	ssyncset.done $0x0  }
0x17: {  	s10 =	simm.s32 $0x32;
	s11 =	simm.s32 $0xC000;
	[sflag:s8] =	ssyncadd.s32 $0xFFFF8000  }
0x18: {  	[tilespmem:s11], [sflag:$0x1] =	stream.indirect.gather [hbm4b:s2+s10], $0x80, s3, s10, $0xb8;
	[tilespmem:$0x1BE00] =	vst v63  }
0x19: {  	s12 =	simm.s32 $0x58;
	s14 =	simm.s32 $0xF400  }
0x1a: {  	[tilespmem:s14], [sflag:$0x1] =	stream.indirect.gather [hbm4b:s2+s12], $0x80, s9, s12, $0xb8;
	[tilespmem:$0x1BE00] =	vst v63  }
0x1b: {  	s15 =	simm.s32 $0x4080;
	s17 =	simm.s32 $0x12000  }
0x1c: {  	[tilespmem:s17], [sflag:$0x1] =	stream.indirect.gather [hbm4b:s2+s12], $0x80, s15, s12, $0xb8;
	[tilespmem:$0x1BE00] =	vst v63  }
0x1d: {  	s19 =	simm.s32 $0xD900  }
0x1e: {  	[tilespmem:s19], [sflag:$0x2] =	stream.indirect.gather [hbm4b:s2+s10], $0x80, s18, s10, $0xb8;
	[tilespmem:$0x1BE00] =	vst v63  }
0x1f: {  	s20 =	simm.s32 $0x4100;
	s21 =	simm.s32 $0x14C00  }
0x20: {  	[tilespmem:s21], [sflag:$0x2] =	stream.indirect.gather [hbm4b:s2+s12], $0x80, s20, s12, $0xb8;
	[tilespmem:$0x1BE00] =	vst v63  }
0x21: {  	s22 =	simm.s32 $0x4180;
	s23 =	simm.s32 $0x17800;
	s17 =	simm.s32 $0x0  }
0x22: {  	[tilespmem:s23], [sflag:$0x2] =	stream.indirect.gather [hbm4b:s2+s12], $0x80, s22, s12, $0xb8;
	[tilespmem:$0x1BE00] =	vst v63  }
.LBB2_2:
0x23: {  	_ =	swait.ge [sflag:s24], $0x1900  }
0x24: {  	[sflag:s24] =	ssyncset.done $0x0  }
0x25: {  	[sflag:s24] =	ssyncadd.s32 $0xFFFFE700  }
0x26: {  	_ =	swait.ge [sflag:s24], $0x2C00  }
0x27: {  	[sflag:s24] =	ssyncset.done $0x0  }
0x28: {  	[sflag:s24] =	ssyncadd.s32 $0xFFFFD400  }
0x29: {  	_ =	swait.ge [sflag:s24], $0x2C00  }
0x2a: {  	[sflag:s24] =	ssyncset.done $0x0  }
0x2b: {  	s22 =	simm.s32 $0xC180;
	[sflag:s24] =	ssyncadd.s32 $0xFFFFD400  }
0x2c: {  	v31 =	vld [tilespmem:s22+$0xFFFFFF80]  }
0x2d: {  	v30 =	vld [tilespmem:s22+$0xFFFFFF90]  }
0x2e: {  	v8 =	vld [tilespmem:s22+$0xFFFFFE80]  }
0x2f: {  	v9 =	vld [tilespmem:s22+$0xFFFFFE90]  }
0x30: {  	v13 =	vld [tilespmem:s22+$0xFFFFFFA0]  }
0x31: {  	v14 =	vld [tilespmem:s22+$0xFFFFFEA0]  }
0x32: {  	v12 =	vld [tilespmem:s22+$0xFFFFFFB0]  }
0x33: {  	v15 =	vld [tilespmem:s22+$0xFFFFFEB0]  }
0x34: {  	v10 =	vld [tilespmem:s22+$0xFFFFFFC0];
	v8 =	vmul.f32 v8, v31;
	v9 =	vmul.f32 v9, v30  }
0x35: {  	v16 =	vld [tilespmem:s22+$0xFFFFFEC0]  }
0x36: {  	v11 =	vld [tilespmem:s22+$0xFFFFFFD0];
	v14 =	vmul.f32 v14, v13;
	v8 =	vadd.f32 v9, v8  }
0x37: {  	v17 =	vld [tilespmem:s22+$0xFFFFFED0]  }
0x38: {  	v18 =	vld [tilespmem:s22+$0xFFFFFEE0];
	v15 =	vmul.f32 v15, v12;
	v14 =	vadd.f32 v14, v8  }
0x39: {  	v9 =	vld [tilespmem:s22+$0xFFFFFFE0]  }
0x3a: {  	v8 =	vld [tilespmem:s22+$0xFFFFFFF0];
	v14 =	vadd.f32 v15, v14;
	v15 =	vmul.f32 v16, v10  }
0x3b: {  	v16 =	vld [tilespmem:s22+$0xFFFFFEF0]  }
0x3c: {  	v17 =	vmul.f32 v17, v11;
	v14 =	vadd.f32 v15, v14;
	_ =	sdelay $0x1  }
0x3d: {  	v15 =	vmul.f32 v18, v9;
	v14 =	vadd.f32 v17, v14;
	_ =	sdelay $0x1  }
0x3e: {  	v16 =	vmul.f32 v16, v8;
	v14 =	vadd.f32 v15, v14;
	_ =	sdelay $0x1  }
0x3f: {  	v14 =	vadd.f32 v16, v14  }
0x40: {  	s21 =	simm.s32 $0x1A440  }
0x41: {  	s19 =	simm.s32 $0xF600;
	[tilespmem:s21+$0xFFFFFFC0] =	vst v14  }
0x42: {  	v14 =	vld [tilespmem:s19+$0xFFFFFE00]  }
0x43: {  	v15 =	vld [tilespmem:s19+$0xFFFFFE10];
	_ =	sdelay $0x1  }
0x44: {  	v16 =	vld [tilespmem:s19+$0xFFFFFE20];
	_ =	sdelay $0x1  }
0x45: {  	v17 =	vld [tilespmem:s19+$0xFFFFFE30]  }
0x46: {  	v14 =	vmul.f32 v14, v31;
	v15 =	vmul.f32 v15, v30  }
0x47: {  	v18 =	vld [tilespmem:s19+$0xFFFFFE40]  }
0x48: {  	v16 =	vmul.f32 v16, v13;
	v14 =	vadd.f32 v15, v14  }
0x49: {  	v15 =	vld [tilespmem:s19+$0xFFFFFE50]  }
0x4a: {  	v17 =	vmul.f32 v17, v12;
	v14 =	vadd.f32 v16, v14  }
0x4b: {  	v16 =	vld [tilespmem:s19+$0xFFFFFE60]  }
0x4c: {  	v18 =	vmul.f32 v18, v10;
	v14 =	vadd.f32 v17, v14  }
0x4d: {  	v17 =	vld [tilespmem:s19+$0xFFFFFE70]  }
0x4e: {  	v15 =	vmul.f32 v15, v11;
	v14 =	vadd.f32 v18, v14;
	_ =	sdelay $0x1  }
0x4f: {  	v14 =	vadd.f32 v15, v14;
	v15 =	vmul.f32 v16, v9;
	_ =	sdelay $0x1  }
0x50: {  	v14 =	vadd.f32 v15, v14;
	v15 =	vmul.f32 v17, v8;
	_ =	sdelay $0x1  }
0x51: {  	v14 =	vadd.f32 v15, v14  }
0x52: {  	s20 =	simm.s32 $0x1AF40  }
0x53: {  	[tilespmem:s20+$0xFFFFFFC0] =	vst v14  }
0x54: {  	v14 =	vld [tilespmem:s22+$0xFFFFFF00]  }
0x55: {  	v15 =	vld [tilespmem:s22+$0xFFFFFF10];
	_ =	sdelay $0x1  }
0x56: {  	v16 =	vld [tilespmem:s22+$0xFFFFFF20];
	_ =	sdelay $0x1  }
0x57: {  	v17 =	vld [tilespmem:s22+$0xFFFFFF30]  }
0x58: {  	v18 =	vmul.f32 v14, v31;
	v19 =	vmul.f32 v15, v30  }
0x59: {  	v23 =	vld [tilespmem:s22+$0xFFFFFF40]  }
0x5a: {  	v20 =	vmul.f32 v16, v13;
	v18 =	vadd.f32 v19, v18  }
0x5b: {  	v24 =	vld [tilespmem:s22+$0xFFFFFF50]  }
0x5c: {  	v19 =	vmul.f32 v17, v12;
	v18 =	vadd.f32 v20, v18  }
0x5d: {  	v25 =	vld [tilespmem:s22+$0xFFFFFF60]  }
0x5e: {  	v20 =	vmul.f32 v23, v10;
	v18 =	vadd.f32 v19, v18  }
0x5f: {  	v28 =	vld [tilespmem:s22+$0xFFFFFF70]  }
0x60: {  	v19 =	vmul.f32 v24, v11;
	v18 =	vadd.f32 v20, v18;
	_ =	sdelay $0x1  }
0x61: {  	v18 =	vadd.f32 v19, v18;
	v19 =	vmul.f32 v25, v9;
	_ =	sdelay $0x1  }
0x62: {  	v18 =	vadd.f32 v19, v18;
	v19 =	vmul.f32 v28, v8;
	_ =	sdelay $0x1  }
0x63: {  	v18 =	vadd.f32 v19, v18;
	_ =	sdelay $0x1  }
0x64: {  	[tilespmem:s21+$0xFFFFFFD0] =	vst v18  }
0x65: {  	v18 =	vld [tilespmem:s19+$0xFFFFFE80]  }
0x66: {  	v19 =	vld [tilespmem:s19+$0xFFFFFE90];
	_ =	sdelay $0x1  }
0x67: {  	v20 =	vld [tilespmem:s19+$0xFFFFFEA0];
	_ =	sdelay $0x1  }
0x68: {  	v21 =	vld [tilespmem:s19+$0xFFFFFEB0]  }
0x69: {  	v18 =	vmul.f32 v18, v31;
	v19 =	vmul.f32 v19, v30  }
0x6a: {  	v22 =	vld [tilespmem:s19+$0xFFFFFEC0]  }
0x6b: {  	v20 =	vmul.f32 v20, v13;
	v18 =	vadd.f32 v19, v18  }
0x6c: {  	v19 =	vld [tilespmem:s19+$0xFFFFFED0]  }
0x6d: {  	v21 =	vmul.f32 v21, v12;
	v18 =	vadd.f32 v20, v18  }
0x6e: {  	v20 =	vld [tilespmem:s19+$0xFFFFFEE0]  }
0x6f: {  	v18 =	vadd.f32 v21, v18;
	v21 =	vmul.f32 v22, v10  }
0x70: {  	v22 =	vld [tilespmem:s19+$0xFFFFFEF0]  }
0x71: {  	v19 =	vmul.f32 v19, v11;
	v18 =	vadd.f32 v21, v18;
	_ =	sdelay $0x1  }
0x72: {  	v18 =	vadd.f32 v19, v18;
	v19 =	vmul.f32 v20, v9;
	_ =	sdelay $0x1  }
0x73: {  	v18 =	vadd.f32 v19, v18;
	v19 =	vmul.f32 v22, v8;
	_ =	sdelay $0x1  }
0x74: {  	v18 =	vadd.f32 v19, v18;
	_ =	sdelay $0x1  }
0x75: {  	[tilespmem:s20+$0xFFFFFFD0] =	vst v18  }
0x76: {  	v26 =	vld [tilespmem:s22+$0x0]  }
0x77: {  	v27 =	vld [tilespmem:s22+$0x10];
	_ =	sdelay $0x1  }
0x78: {  	v22 =	vld [tilespmem:s22+$0x20];
	_ =	sdelay $0x1  }
0x79: {  	v21 =	vld [tilespmem:s22+$0x30]  }
0x7a: {  	v14 =	vmul.f32 v26, v14;
	v15 =	vmul.f32 v27, v15  }
0x7b: {  	v20 =	vld [tilespmem:s22+$0x40]  }
0x7c: {  	v16 =	vmul.f32 v22, v16;
	v14 =	vadd.f32 v15, v14  }
0x7d: {  	v19 =	vld [tilespmem:s22+$0x50]  }
0x7e: {  	v15 =	vmul.f32 v21, v17;
	v14 =	vadd.f32 v16, v14  }
0x7f: {  	v18 =	vld [tilespmem:s22+$0x60]  }
0x80: {  	v16 =	vmul.f32 v20, v23;
	v14 =	vadd.f32 v15, v14  }
0x81: {  	v15 =	vld [tilespmem:s22+$0x70]  }
0x82: {  	v17 =	vmul.f32 v19, v24;
	v16 =	vadd.f32 v16, v14;
	_ =	sdelay $0x1  }
0x83: {  	v24 =	vmul.f32 v18, v25;
	v23 =	vadd.f32 v17, v16;
	_ =	sdelay $0x1  }
0x84: {  	v23 =	vadd.f32 v24, v23;
	v24 =	vmul.f32 v15, v28  }
0x85: {  	s11 =	simm.s32 $0xC280  }
0x86: {  	v29 =	vld [tilespmem:s11+$0xFFFFFFA0];
	v23 =	vadd.f32 v24, v23  }
0x87: {  	v33 =	vld [tilespmem:s11+$0xFFFFFE80]  }
0x88: {  	v35 =	vld [tilespmem:s11+$0xFFFFFE90];
	[tilespmem:s21+$0x0] =	vst v23  }
0x89: {  	v23 =	vld [tilespmem:s19+$0x0]  }
0x8a: {  	v32 =	vld [tilespmem:s19+$0x10]  }
0x8b: {  	v39 =	vld [tilespmem:s11+$0xFFFFFEA0]  }
0x8c: {  	v34 =	vld [tilespmem:s19+$0x20]  }
0x8d: {  	v41 =	vld [tilespmem:s11+$0xFFFFFEB0]  }
0x8e: {  	v38 =	vld [tilespmem:s19+$0x30]  }
0x8f: {  	v25 =	vld [tilespmem:s11+$0xFFFFFF90];
	v23 =	vmul.f32 v23, v26;
	v32 =	vmul.f32 v32, v27  }
0x90: {  	v36 =	vmul.f32 v26, v31;
	v40 =	vld [tilespmem:s19+$0x40]  }
0x91: {  	v37 =	vmul.f32 v27, v30;
	v24 =	vld [tilespmem:s11+$0xFFFFFF80];
	v5 =	vmul.f32 v34, v22;
	v23 =	vadd.f32 v32, v23  }
0x92: {  	v4 =	vmul.f32 v22, v13;
	v42 =	vld [tilespmem:s19+$0x50]  }
0x93: {  	v46 =	vld [tilespmem:s11+$0xFFFFFEC0];
	v36 =	vadd.f32 v37, v36;
	v48 =	vmul.f32 v38, v21;
	v23 =	vadd.f32 v5, v23  }
0x94: {  	v47 =	vmul.f32 v21, v12;
	v43 =	vmul.f32 v20, v10;
	v51 =	vld [tilespmem:s19+$0x60]  }
0x95: {  	v45 =	vadd.f32 v4, v36;
	v28 =	vld [tilespmem:s11+$0xFFFFFFB0];
	v52 =	vmul.f32 v40, v20;
	v23 =	vadd.f32 v48, v23  }
0x96: {  	v35 =	vmul.f32 v35, v25;
	v56 =	vld [tilespmem:s19+$0x70];
	v33 =	vmul.f32 v33, v24  }
0x97: {  	v17 =	vld [tilespmem:s11+$0xFFFFFFC0];
	v34 =	vadd.f32 v47, v45;
	v42 =	vmul.f32 v42, v19;
	v32 =	vadd.f32 v52, v23  }
0x98: {  	v49 =	vld [tilespmem:s11+$0xFFFFFED0];
	v50 =	vmul.f32 v39, v29;
	v55 =	vmul.f32 v19, v11;
	v33 =	vadd.f32 v35, v33  }
0x99: {  	v16 =	vld [tilespmem:s11+$0xFFFFFFD0];
	v37 =	vmul.f32 v51, v18;
	v34 =	vadd.f32 v43, v34;
	v32 =	vadd.f32 v42, v32  }
0x9a: {  	v53 =	vld [tilespmem:s11+$0xFFFFFEE0];
	v58 =	vmul.f32 v18, v9;
	v54 =	vmul.f32 v41, v28;
	v33 =	vadd.f32 v50, v33  }
0x9b: {  	v14 =	vld [tilespmem:s11+$0xFFFFFFE0];
	v43 =	vmul.f32 v56, v15;
	v34 =	vadd.f32 v55, v34;
	v32 =	vadd.f32 v37, v32  }
0x9c: {  	v4 =	vld [tilespmem:s11+$0xFFFFFEF0];
	v57 =	vmul.f32 v46, v17;
	v33 =	vadd.f32 v54, v33  }
0x9d: {  	v5 =	vmul.f32 v15, v8;
	v34 =	vadd.f32 v58, v34;
	v23 =	vld [tilespmem:s11+$0xFFFFFFF0];
	v32 =	vadd.f32 v43, v32  }
0x9e: {  	v38 =	vmul.f32 v49, v16;
	v33 =	vadd.f32 v57, v33  }
0x9f: {  	v34 =	vadd.f32 v5, v34;
	[tilespmem:s20+$0x0] =	vst v32  }
0xa0: {  	v33 =	vadd.f32 v38, v33;
	v42 =	vmul.f32 v53, v14;
	v46 =	vld [tilespmem:s22+$0xFFFFFF80]  }
0xa1: {  	[tilespmem:s21+$0xFFFFFFE0] =	vst v34;
	v47 =	vld [tilespmem:s22+$0xFFFFFF90]  }
0xa2: {  	v34 =	vld [tilespmem:s19+$0xFFFFFF00];
	v33 =	vadd.f32 v42, v33;
	v44 =	vmul.f32 v4, v23  }
0xa3: {  	v49 =	vld [tilespmem:s22+$0xFFFFFFA0]  }
0xa4: {  	v45 =	vadd.f32 v44, v33;
	v51 =	vld [tilespmem:s22+$0xFFFFFFB0]  }
0xa5: {  	s12 =	simm.s32 $0x1A4C0;
	v53 =	vld [tilespmem:s22+$0xFFFFFFC0]  }
0xa6: {  	s8 =	simm.s32 $0xFA00;
	[tilespmem:s12+$0xFFFFFFC0] =	vst v45;
	v56 =	vld [tilespmem:s22+$0xFFFFFFD0];
	v33 =	vmul.f32 v46, v26;
	v32 =	vmul.f32 v47, v27  }
0xa7: {  	v48 =	vld [tilespmem:s8+$0xFFFFFE00]  }
0xa8: {  	v50 =	vld [tilespmem:s8+$0xFFFFFE10];
	v55 =	vmul.f32 v49, v22;
	v32 =	vadd.f32 v32, v33  }
0xa9: {  	v52 =	vld [tilespmem:s8+$0xFFFFFE20]  }
0xaa: {  	v54 =	vld [tilespmem:s8+$0xFFFFFE30];
	v58 =	vmul.f32 v51, v21;
	v32 =	vadd.f32 v55, v32  }
0xab: {  	v5 =	vld [tilespmem:s22+$0xFFFFFFE0]  }
0xac: {  	v44 =	vld [tilespmem:s19+$0xFFFFFF50];
	v46 =	vmul.f32 v53, v20;
	v32 =	vadd.f32 v58, v32  }
0xad: {  	v35 =	vmul.f32 v48, v24;
	v48 =	vld [tilespmem:s22+$0xFFFFFFF0]  }
0xae: {  	v57 =	vld [tilespmem:s8+$0xFFFFFE40];
	v37 =	vmul.f32 v50, v25;
	v50 =	vmul.f32 v56, v19;
	v32 =	vadd.f32 v46, v32  }
0xaf: {  	v45 =	vld [tilespmem:s8+$0xFFFFFE50];
	v4 =	vmul.f32 v52, v29;
	v47 =	vmul.f32 v54, v28  }
0xb0: {  	v49 =	vld [tilespmem:s19+$0xFFFFFF10];
	v54 =	vmul.f32 v5, v18;
	v35 =	vadd.f32 v37, v35;
	v32 =	vadd.f32 v50, v32  }
0xb1: {  	v53 =	vld [tilespmem:s19+$0xFFFFFF20]  }
0xb2: {  	v52 =	vld [tilespmem:s8+$0xFFFFFE60];
	v35 =	vadd.f32 v4, v35;
	v56 =	vmul.f32 v48, v15;
	v32 =	vadd.f32 v54, v32  }
0xb3: {  	v55 =	vld [tilespmem:s8+$0xFFFFFE70]  }
0xb4: {  	v51 =	vmul.f32 v57, v17;
	v58 =	vld [tilespmem:s19+$0xFFFFFF30];
	v35 =	vadd.f32 v47, v35;
	v32 =	vadd.f32 v56, v32  }
0xb5: {  	v34 =	vmul.f32 v34, v31;
	v57 =	vmul.f32 v49, v30;
	v4 =	vld [tilespmem:s19+$0xFFFFFF40]  }
0xb6: {  	v37 =	vmul.f32 v45, v16;
	v46 =	vld [tilespmem:s19+$0xFFFFFF60];
	v35 =	vadd.f32 v51, v35;
	[tilespmem:s21+$0x10] =	vst v32  }
0xb7: {  	v45 =	vmul.f32 v53, v13;
	v43 =	vadd.f32 v57, v34;
	v32 =	vld [tilespmem:s19+$0x80]  }
0xb8: {  	v5 =	vmul.f32 v52, v14;
	v35 =	vadd.f32 v37, v35;
	v49 =	vld [tilespmem:s19+$0x90]  }
0xb9: {  	v33 =	vadd.f32 v45, v43;
	v50 =	vld [tilespmem:s19+$0xFFFFFF70];
	v48 =	vmul.f32 v58, v12  }
0xba: {  	v47 =	vmul.f32 v55, v23;
	v35 =	vadd.f32 v5, v35;
	v52 =	vld [tilespmem:s19+$0xA0]  }
0xbb: {  	v51 =	vmul.f32 v4, v10;
	v36 =	vadd.f32 v48, v33;
	v54 =	vld [tilespmem:s19+$0xB0]  }
0xbc: {  	v53 =	vmul.f32 v44, v11;
	v35 =	vadd.f32 v47, v35;
	v55 =	vld [tilespmem:s19+$0xC0]  }
0xbd: {  	s3 =	simm.s32 $0x1AFC0;
	v36 =	vadd.f32 v51, v36;
	v57 =	vld [tilespmem:s19+$0xD0];
	v32 =	vmul.f32 v32, v26;
	v37 =	vmul.f32 v49, v27  }
0xbe: {  	v38 =	vmul.f32 v46, v9;
	[tilespmem:s3+$0xFFFFFFC0] =	vst v35;
	v4 =	vld [tilespmem:s19+$0xE0]  }
0xbf: {  	v40 =	vadd.f32 v53, v36;
	v33 =	vld [tilespmem:s11+$0xFFFFFF00];
	v56 =	vmul.f32 v52, v22;
	v32 =	vadd.f32 v37, v32  }
0xc0: {  	v39 =	vmul.f32 v50, v8;
	v34 =	vld [tilespmem:s11+$0xFFFFFF10]  }
0xc1: {  	v36 =	vld [tilespmem:s11+$0xFFFFFF20];
	v38 =	vadd.f32 v38, v40;
	v41 =	vmul.f32 v54, v21;
	v32 =	vadd.f32 v56, v32  }
0xc2: {  	v35 =	vld [tilespmem:s11+$0xFFFFFF30]  }
0xc3: {  	v38 =	vadd.f32 v39, v38;
	v39 =	vld [tilespmem:s11+$0xFFFFFF50];
	v5 =	vmul.f32 v55, v20;
	v32 =	vadd.f32 v41, v32  }
0xc4: {  	v49 =	vld [tilespmem:s19+$0xF0];
	v40 =	vmul.f32 v57, v19  }
0xc5: {  	v58 =	vmul.f32 v33, v24;
	v44 =	vmul.f32 v34, v25;
	[tilespmem:s20+$0xFFFFFFE0] =	vst v38;
	v37 =	vld [tilespmem:s11+$0xFFFFFF40];
	v32 =	vadd.f32 v5, v32  }
0xc6: {  	v43 =	vmul.f32 v4, v18;
	v45 =	vld [tilespmem:s22+$0x80]  }
0xc7: {  	v48 =	vmul.f32 v36, v29;
	v51 =	vld [tilespmem:s22+$0x90];
	v44 =	vadd.f32 v44, v58;
	v32 =	vadd.f32 v40, v32  }
0xc8: {  	v50 =	vmul.f32 v35, v28;
	v47 =	vld [tilespmem:s22+$0xA0]  }
0xc9: {  	v53 =	vld [tilespmem:s22+$0xB0];
	v38 =	vadd.f32 v48, v44;
	v42 =	vmul.f32 v49, v15;
	v32 =	vadd.f32 v43, v32  }
0xca: {  	v40 =	vld [tilespmem:s11+$0xFFFFFF60]  }
0xcb: {  	v41 =	vld [tilespmem:s11+$0xFFFFFF70];
	v46 =	vmul.f32 v37, v17;
	v38 =	vadd.f32 v50, v38;
	v32 =	vadd.f32 v42, v32  }
0xcc: {  	v52 =	vmul.f32 v39, v16;
	v48 =	vld [tilespmem:s22+$0xD0]  }
0xcd: {  	v54 =	vmul.f32 v45, v31;
	v44 =	vmul.f32 v51, v30;
	v45 =	vld [tilespmem:s22+$0xC0];
	v38 =	vadd.f32 v46, v38;
	[tilespmem:s20+$0x10] =	vst v32  }
0xce: {  	v58 =	vmul.f32 v47, v13;
	v57 =	vld [tilespmem:s22+$0x80]  }
0xcf: {  	v56 =	vadd.f32 v44, v54;
	v38 =	vadd.f32 v52, v38;
	v55 =	vmul.f32 v40, v14;
	v5 =	vld [tilespmem:s22+$0x90]  }
0xd0: {  	v49 =	vld [tilespmem:s22+$0xE0];
	v4 =	vmul.f32 v41, v23  }
0xd1: {  	v52 =	vmul.f32 v53, v12;
	v32 =	vadd.f32 v58, v56;
	v38 =	vadd.f32 v55, v38;
	v53 =	vld [tilespmem:s22+$0xA0]  }
0xd2: {  	v54 =	vld [tilespmem:s22+$0xF0]  }
0xd3: {  	v45 =	vmul.f32 v45, v10;
	v55 =	vld [tilespmem:s22+$0xB0];
	v32 =	vadd.f32 v52, v32;
	v38 =	vadd.f32 v4, v38  }
0xd4: {  	v4 =	vld [tilespmem:s22+$0xD0];
	v42 =	vmul.f32 v57, v26;
	v47 =	vmul.f32 v5, v27  }
0xd5: {  	v48 =	vmul.f32 v48, v11;
	v32 =	vadd.f32 v45, v32;
	[tilespmem:s12+$0xFFFFFFD0] =	vst v38;
	v57 =	vld [tilespmem:s22+$0xC0]  }
0xd6: {  	v56 =	vld [tilespmem:s8+$0xFFFFFE80];
	v43 =	vmul.f32 v53, v22;
	v42 =	vadd.f32 v47, v42  }
0xd7: {  	v58 =	vmul.f32 v49, v9;
	v50 =	vld [tilespmem:s8+$0xFFFFFE90];
	v32 =	vadd.f32 v48, v32  }
0xd8: {  	v5 =	vld [tilespmem:s8+$0xFFFFFEA0];
	v38 =	vmul.f32 v55, v21;
	v42 =	vadd.f32 v43, v42  }
0xd9: {  	v52 =	vmul.f32 v54, v8;
	v53 =	vld [tilespmem:s22+$0xE0];
	v32 =	vadd.f32 v58, v32  }
0xda: {  	v44 =	vld [tilespmem:s22+$0xF0];
	v55 =	vmul.f32 v57, v20;
	v38 =	vadd.f32 v38, v42  }
0xdb: {  	v54 =	vld [tilespmem:s8+$0xFFFFFEB0];
	v58 =	vmul.f32 v4, v19;
	v32 =	vadd.f32 v52, v32  }
0xdc: {  	v56 =	vmul.f32 v56, v24;
	v57 =	vmul.f32 v50, v25;
	v38 =	vadd.f32 v55, v38  }
0xdd: {  	v4 =	vmul.f32 v5, v29;
	v5 =	vld [tilespmem:s8+$0xFFFFFEC0];
	[tilespmem:s21+$0xFFFFFFF0] =	vst v32  }
0xde: {  	v53 =	vmul.f32 v53, v18;
	v43 =	vadd.f32 v57, v56;
	v52 =	vld [tilespmem:s19+$0xFFFFFF80];
	v38 =	vadd.f32 v58, v38  }
0xdf: {  	v44 =	vmul.f32 v44, v15;
	v55 =	vld [tilespmem:s8+$0xFFFFFED0]  }
0xe0: {  	v54 =	vmul.f32 v54, v28;
	v56 =	vld [tilespmem:s19+$0xFFFFFF90];
	v32 =	vadd.f32 v4, v43;
	v42 =	vadd.f32 v53, v38  }
0xe1: {  	v57 =	vld [tilespmem:s8+$0xFFFFFEE0]  }
0xe2: {  	v58 =	vmul.f32 v5, v17;
	v32 =	vadd.f32 v54, v32;
	v38 =	vld [tilespmem:s19+$0xFFFFFFA0];
	v42 =	vadd.f32 v44, v42  }
0xe3: {  	v44 =	vld [tilespmem:s8+$0xFFFFFEF0]  }
0xe4: {  	v46 =	vadd.f32 v58, v32;
	v47 =	vmul.f32 v55, v16;
	v32 =	vld [tilespmem:s19+$0xFFFFFFB0];
	[tilespmem:s21+$0x20] =	vst v42  }
0xe5: {  	s14 =	simm.s32 $0x2;
	v43 =	vmul.f32 v56, v30;
	v42 =	vmul.f32 v52, v31;
	v48 =	vld [tilespmem:s19+$0x100]  }
0xe6: {  	s10 =	simm.s32 $0xC380;
	s9 =	simm.s32 $0xFA00;
	s7 =	simm.s32 $0x1AFC0;
	v45 =	vmul.f32 v57, v14;
	v31 =	vadd.f32 v47, v46;
	v49 =	vld [tilespmem:s19+$0x110]  }
.LBB2_3:
0xe7: {  	v30 =	vld [tilespmem:s10+$0xFFFFFFF0];
	v42 =	vadd.f32 v43, v42;
	v43 =	vmul.f32 v38, v13;
	v13 =	vmov v29  }
0xe8: {  	v29 =	vadd.f32 v45, v31;
	v31 =	vmul.f32 v44, v23;
	v46 =	vld [tilespmem:s19+$0x120]  }
0xe9: {  	v38 =	vld [tilespmem:s10+$0xFFFFFFE0];
	v42 =	vadd.f32 v43, v42;
	v32 =	vmul.f32 v32, v12;
	v12 =	vmov v28  }
0xea: {  	v28 =	vadd.f32 v31, v29;
	v29 =	vld [tilespmem:s19+$0x130]  }
0xeb: {  	v31 =	vmul.f32 v48, v26;
	v44 =	vld [tilespmem:s10+$0xFFFFFEE0];
	v42 =	vadd.f32 v32, v42;
	v32 =	vmul.f32 v49, v27  }
0xec: {  	[tilespmem:s3+$0xFFFFFFD0] =	vst v28;
	v28 =	vld [tilespmem:s19+$0x140]  }
0xed: {  	v45 =	vld [tilespmem:s11+$0x0];
	v31 =	vadd.f32 v32, v31;
	v32 =	vmul.f32 v46, v22  }
0xee: {  	v48 =	vld [tilespmem:s19+$0x150]  }
0xef: {  	v46 =	vld [tilespmem:s11+$0x10];
	v31 =	vadd.f32 v32, v31;
	v29 =	vmul.f32 v29, v21  }
0xf0: {  	v32 =	vld [tilespmem:s19+$0x160]  }
0xf1: {  	v47 =	vld [tilespmem:s11+$0x20];
	v29 =	vadd.f32 v29, v31;
	v28 =	vmul.f32 v28, v20  }
0xf2: {  	v31 =	vmul.f32 v45, v24;
	v51 =	vld [tilespmem:s19+$0x170]  }
0xf3: {  	v43 =	vld [tilespmem:s10+$0xFFFFFFD0];
	v28 =	vadd.f32 v28, v29;
	v29 =	vmul.f32 v48, v19  }
0xf4: {  	v52 =	vmul.f32 v45, v33;
	v49 =	vmul.f32 v46, v25;
	v48 =	vld [tilespmem:s11+$0x30]  }
0xf5: {  	v34 =	vmul.f32 v46, v34;
	v50 =	vld [tilespmem:s10+$0xFFFFFED0];
	v28 =	vadd.f32 v29, v28;
	v29 =	vmul.f32 v32, v18  }
0xf6: {  	v31 =	vadd.f32 v49, v31;
	v32 =	vmul.f32 v47, v13;
	v49 =	vld [tilespmem:s11+$0x40];
	v53 =	vmul.f32 v47, v36  }
0xf7: {  	v34 =	vadd.f32 v34, v52;
	v33 =	vld [tilespmem:s10+$0xFFFFFFC0];
	v28 =	vadd.f32 v29, v28;
	v29 =	vmul.f32 v51, v15  }
0xf8: {  	v31 =	vadd.f32 v32, v31;
	v36 =	vld [tilespmem:s11+$0x50]  }
0xf9: {  	v32 =	vadd.f32 v53, v34;
	v51 =	vld [tilespmem:s10+$0xFFFFFEC0];
	v52 =	vmul.f32 v48, v35;
	v28 =	vadd.f32 v29, v28  }
0xfa: {  	v29 =	vmul.f32 v48, v12;
	v35 =	vld [tilespmem:s11+$0x60]  }
0xfb: {  	v53 =	vmul.f32 v49, v17;
	v34 =	vld [tilespmem:s11+$0x70];
	v32 =	vadd.f32 v52, v32;
	v37 =	vmul.f32 v49, v37;
	[tilespmem:s20+$0x20] =	vst v28  }
0xfc: {  	v29 =	vadd.f32 v29, v31;
	v31 =	vld [tilespmem:s22+$0x100]  }
0xfd: {  	v52 =	vmul.f32 v36, v16;
	v32 =	vadd.f32 v37, v32;
	v37 =	vmul.f32 v36, v39;
	v39 =	vld [tilespmem:s22+$0x110]  }
0xfe: {  	v53 =	vadd.f32 v53, v29;
	v28 =	vld [tilespmem:s10+$0xFFFFFFB0]  }
0xff: {  	v54 =	vmul.f32 v35, v14;
	v32 =	vadd.f32 v37, v32;
	v37 =	vmul.f32 v35, v40;
	v40 =	vld [tilespmem:s22+$0x120]  }
0x100: {  	v52 =	vadd.f32 v52, v53;
	v29 =	vld [tilespmem:s10+$0xFFFFFFA0];
	v53 =	vmul.f32 v34, v23  }
0x101: {  	v41 =	vmul.f32 v34, v41;
	v37 =	vadd.f32 v37, v32;
	v55 =	vld [tilespmem:s22+$0x130]  }
0x102: {  	v52 =	vadd.f32 v54, v52;
	v54 =	vmul.f32 v31, v26;
	v32 =	vld [tilespmem:s10+$0xFFFFFF80];
	v39 =	vmul.f32 v39, v27  }
0x103: {  	v37 =	vadd.f32 v41, v37;
	v41 =	vld [tilespmem:s22+$0x140]  }
0x104: {  	v52 =	vadd.f32 v53, v52;
	v31 =	vld [tilespmem:s10+$0xFFFFFF90];
	v39 =	vadd.f32 v39, v54;
	v40 =	vmul.f32 v40, v22  }
0x105: {  	[tilespmem:s12+$0x0] =	vst v37;
	v37 =	vld [tilespmem:s22+$0x150]  }
0x106: {  	[tilespmem:s12+$0xFFFFFFE0] =	vst v52;
	v52 =	vld [tilespmem:s8+$0x0];
	v39 =	vadd.f32 v40, v39;
	v40 =	vmul.f32 v55, v21  }
0x107: {  	v53 =	vld [tilespmem:s22+$0x160]  }
0x108: {  	v54 =	vld [tilespmem:s8+$0x10];
	v39 =	vadd.f32 v40, v39;
	v40 =	vmul.f32 v41, v20  }
0x109: {  	v41 =	vld [tilespmem:s22+$0x170];
	s22 =	smov.u32 s11;
	s11 =	smov.u32 s10  }
0x10a: {  	v55 =	vld [tilespmem:s10+$0xFFFFFE80];
	v39 =	vadd.f32 v40, v39;
	v37 =	vmul.f32 v37, v19  }
0x10b: {  	v40 =	vld [tilespmem:s8+$0x20]  }
0x10c: {  	v56 =	vld [tilespmem:s10+$0xFFFFFE90];
	v37 =	vadd.f32 v37, v39;
	v39 =	vmul.f32 v53, v18  }
0x10d: {  	v52 =	vmul.f32 v52, v45;
	v53 =	vld [tilespmem:s8+$0x30]  }
0x10e: {  	v54 =	vmul.f32 v54, v46;
	v57 =	vld [tilespmem:s10+$0xFFFFFEA0];
	v37 =	vadd.f32 v39, v37;
	v39 =	vmul.f32 v41, v15  }
0x10f: {  	v41 =	vld [tilespmem:s8+$0x40]  }
0x110: {  	v52 =	vadd.f32 v54, v52;
	v58 =	vld [tilespmem:s10+$0xFFFFFEB0];
	v40 =	vmul.f32 v40, v47;
	v37 =	vadd.f32 v39, v37  }
0x111: {  	v39 =	vmul.f32 v55, v32;
	v54 =	vmul.f32 v56, v31;
	v55 =	vld [tilespmem:s8+$0x50]  }
0x112: {  	v40 =	vadd.f32 v40, v52;
	v52 =	vmul.f32 v53, v48;
	v53 =	vld [tilespmem:s8+$0x60];
	[tilespmem:s21+$0x30] =	vst v37;
	s21 =	smov.u32 s12  }
0x113: {  	v37 =	vadd.f32 v54, v39;
	v39 =	vmul.f32 v57, v29;
	v54 =	vld [tilespmem:s19+$0x180]  }
0x114: {  	v40 =	vadd.f32 v52, v40;
	v41 =	vmul.f32 v41, v49;
	v52 =	vld [tilespmem:s19+$0x190]  }
0x115: {  	v37 =	vadd.f32 v39, v37;
	v39 =	vmul.f32 v58, v28;
	v56 =	vld [tilespmem:s8+$0x70]  }
0x116: {  	v40 =	vadd.f32 v41, v40;
	v41 =	vmul.f32 v55, v36;
	v55 =	vld [tilespmem:s19+$0x1A0]  }
0x117: {  	v37 =	vadd.f32 v39, v37;
	v39 =	vmul.f32 v51, v33;
	v51 =	vld [tilespmem:s10+$0xFFFFFEF0]  }
0x118: {  	v50 =	vmul.f32 v50, v43;
	v40 =	vadd.f32 v41, v40;
	v41 =	vmul.f32 v53, v35;
	v53 =	vld [tilespmem:s19+$0x1B0]  }
0x119: {  	v54 =	vmul.f32 v54, v26;
	v26 =	vmovc v45;
	v37 =	vadd.f32 v39, v37;
	v39 =	vld [tilespmem:s8+$0xFFFFFF00];
	v52 =	vmul.f32 v52, v27  }
0x11a: {  	v44 =	vmul.f32 v44, v38;
	v27 =	vmovc v46;
	v40 =	vadd.f32 v41, v40;
	v41 =	vmul.f32 v56, v34;
	v45 =	vld [tilespmem:s19+$0x1C0]  }
0x11b: {  	v37 =	vadd.f32 v50, v37;
	v46 =	vld [tilespmem:s8+$0xFFFFFF10];
	v50 =	vadd.f32 v52, v54;
	v52 =	vmul.f32 v55, v22;
	v22 =	vmovc v47  }
0x11c: {  	v47 =	vmul.f32 v51, v30;
	v40 =	vadd.f32 v41, v40;
	v41 =	vld [tilespmem:s19+$0x1D0]  }
0x11d: {  	v37 =	vadd.f32 v44, v37;
	v44 =	vld [tilespmem:s8+$0xFFFFFF20];
	v50 =	vadd.f32 v52, v50;
	v51 =	vmul.f32 v53, v21;
	v21 =	vmovc v48  }
0x11e: {  	v39 =	vmul.f32 v39, v24;
	[tilespmem:s3+$0x0] =	vst v40;
	v40 =	vld [tilespmem:s19+$0x1E0]  }
0x11f: {  	v37 =	vadd.f32 v47, v37;
	v47 =	vld [tilespmem:s22+$0xFFFFFF80];
	v48 =	vadd.f32 v51, v50;
	v45 =	vmul.f32 v45, v20;
	v20 =	vmovc v49  }
0x120: {  	s12 =	sadd.s32 $0x80, s12;
	v46 =	vmul.f32 v46, v25;
	v49 =	vld [tilespmem:s19+$0x1F0]  }
0x121: {  	s8 =	sadd.s32 $0x400, s8;
	[tilespmem:s12+$0xFFFFFFC0] =	vst v37;
	v37 =	vld [tilespmem:s22+$0xFFFFFF90];
	v45 =	vadd.f32 v45, v48;
	v41 =	vmul.f32 v41, v19;
	v19 =	vmov v36  }
0x122: {  	s14 =	sadd.s32 $0x2, s14;
	v36 =	vld [tilespmem:s8+$0xFFFFFE00];
	v39 =	vadd.f32 v46, v39;
	v44 =	vmul.f32 v44, v13  }
0x123: {  	p0 =	slt.u32 s14, $0x2A;
	v46 =	vld [tilespmem:s22+$0xFFFFFFA0];
	v41 =	vadd.f32 v41, v45;
	v40 =	vmul.f32 v40, v18;
	v18 =	vmov v35  }
0x124: {  	v35 =	vld [tilespmem:s8+$0xFFFFFE10];
	v39 =	vadd.f32 v44, v39  }
0x125: {  	v44 =	vld [tilespmem:s22+$0xFFFFFFB0];
	v40 =	vadd.f32 v40, v41;
	v41 =	vmul.f32 v49, v15;
	v15 =	vmov v34  }
0x126: {  	v45 =	vmul.f32 v47, v26;
	v34 =	vld [tilespmem:s8+$0xFFFFFE20];
	v37 =	vmul.f32 v37, v27  }
0x127: {  	v47 =	vld [tilespmem:s22+$0xFFFFFFC0];
	v40 =	vadd.f32 v41, v40  }
0x128: {  	v41 =	vld [tilespmem:s8+$0xFFFFFE30];
	v37 =	vadd.f32 v37, v45;
	v45 =	vmul.f32 v46, v22  }
0x129: {  	v36 =	vmul.f32 v36, v32;
	v46 =	vld [tilespmem:s22+$0xFFFFFFD0];
	[tilespmem:s20+$0x30] =	vst v40  }
0x12a: {  	v35 =	vmul.f32 v35, v31;
	v40 =	vld [tilespmem:s8+$0xFFFFFE40];
	v37 =	vadd.f32 v45, v37;
	v44 =	vmul.f32 v44, v21  }
0x12b: {  	v34 =	vmul.f32 v34, v29;
	v45 =	vld [tilespmem:s22+$0xFFFFFFE0]  }
0x12c: {  	v35 =	vadd.f32 v35, v36;
	v36 =	vld [tilespmem:s8+$0xFFFFFE50];
	v37 =	vadd.f32 v44, v37;
	v44 =	vmul.f32 v47, v20  }
0x12d: {  	v41 =	vmul.f32 v41, v28;
	v47 =	vld [tilespmem:s22+$0xFFFFFFF0]  }
0x12e: {  	v34 =	vadd.f32 v34, v35;
	v35 =	vld [tilespmem:s9+$0xFFFFFF30];
	v37 =	vadd.f32 v44, v37;
	v44 =	vmul.f32 v46, v19  }
0x12f: {  	v40 =	vmul.f32 v40, v33;
	v46 =	vld [tilespmem:s8+$0xFFFFFE60]  }
0x130: {  	v34 =	vadd.f32 v41, v34;
	v41 =	vld [tilespmem:s9+$0xFFFFFF40];
	v37 =	vadd.f32 v44, v37;
	v44 =	vmul.f32 v45, v18  }
0x131: {  	v36 =	vmul.f32 v36, v43;
	v45 =	vld [tilespmem:s8+$0xFFFFFE70]  }
0x132: {  	v34 =	vadd.f32 v40, v34;
	v40 =	vld [tilespmem:s9+$0xFFFFFF50];
	v37 =	vadd.f32 v44, v37;
	v44 =	vmul.f32 v47, v15  }
0x133: {  	v35 =	vmul.f32 v35, v12;
	v47 =	vld [tilespmem:s9+$0xFFFFFF60]  }
0x134: {  	v34 =	vadd.f32 v36, v34;
	v36 =	vmul.f32 v46, v38;
	v46 =	vld [tilespmem:s9+$0xFFFFFF70];
	v37 =	vadd.f32 v44, v37  }
0x135: {  	v35 =	vadd.f32 v35, v39;
	v39 =	vmul.f32 v41, v17;
	v41 =	vld [tilespmem:s19+$0xFFFFFFC0]  }
0x136: {  	v34 =	vadd.f32 v36, v34;
	v36 =	vmul.f32 v45, v30;
	[tilespmem:s21+$0x10] =	vst v37;
	v37 =	vld [tilespmem:s19+$0xFFFFFFD0]  }
0x137: {  	v35 =	vadd.f32 v39, v35;
	v39 =	vmul.f32 v40, v16;
	v40 =	vld [tilespmem:s9+$0x80]  }
0x138: {  	v34 =	vadd.f32 v36, v34;
	v36 =	vmul.f32 v47, v14;
	v44 =	vld [tilespmem:s9+$0x90]  }
0x139: {  	s3 =	sadd.s32 $0x80, s3;
	v35 =	vadd.f32 v39, v35;
	v39 =	vmul.f32 v46, v23;
	v45 =	vld [tilespmem:s19+$0xFFFFFFE0]  }
0x13a: {  	[tilespmem:s3+$0xFFFFFFC0] =	vst v34;
	v46 =	vld [tilespmem:s9+$0xA0];
	v34 =	vmul.f32 v41, v10;
	v10 =	vmov v17;
	v17 =	vmov v33  }
0x13b: {  	v33 =	vld [tilespmem:s10+$0xFFFFFF00];
	v35 =	vadd.f32 v36, v35;
	v36 =	vmul.f32 v37, v11;
	v11 =	vmovc v16;
	v16 =	vmov v43  }
0x13c: {  	v37 =	vld [tilespmem:s9+$0xB0];
	v41 =	vadd.f32 v34, v42  }
0x13d: {  	v34 =	vld [tilespmem:s10+$0xFFFFFF10];
	v35 =	vadd.f32 v39, v35;
	v39 =	vmul.f32 v40, v26;
	v40 =	vmul.f32 v44, v27  }
0x13e: {  	v42 =	vld [tilespmem:s9+$0xC0];
	v41 =	vadd.f32 v36, v41;
	v43 =	vmul.f32 v45, v9;
	v9 =	vmovc v14;
	v14 =	vmov v38  }
0x13f: {  	v36 =	vld [tilespmem:s10+$0xFFFFFF20];
	[tilespmem:s7+$0xFFFFFFE0] =	vst v35;
	v38 =	vadd.f32 v40, v39;
	v39 =	vmul.f32 v46, v22  }
0x140: {  	v40 =	vld [tilespmem:s9+$0xD0];
	v43 =	vadd.f32 v43, v41  }
0x141: {  	v35 =	vld [tilespmem:s10+$0xFFFFFF30];
	v38 =	vadd.f32 v39, v38;
	v39 =	vmul.f32 v37, v21  }
0x142: {  	v41 =	vmul.f32 v33, v32;
	v44 =	vld [tilespmem:s9+$0xE0]  }
0x143: {  	v45 =	vmul.f32 v34, v31;
	v37 =	vld [tilespmem:s10+$0xFFFFFF40];
	v38 =	vadd.f32 v39, v38;
	v39 =	vmul.f32 v42, v20  }
0x144: {  	v42 =	vmul.f32 v36, v29;
	v46 =	vld [tilespmem:s9+$0xF0]  }
0x145: {  	v41 =	vadd.f32 v45, v41;
	v45 =	vld [tilespmem:s22+$0x80];
	v38 =	vadd.f32 v39, v38;
	v40 =	vmul.f32 v40, v19  }
0x146: {  	v47 =	vmul.f32 v35, v28;
	v39 =	vld [tilespmem:s10+$0xFFFFFF50]  }
0x147: {  	v41 =	vadd.f32 v42, v41;
	v42 =	vld [tilespmem:s22+$0x90];
	v38 =	vadd.f32 v40, v38;
	v44 =	vmul.f32 v44, v18  }
0x148: {  	v48 =	vmul.f32 v37, v17;
	v40 =	vld [tilespmem:s10+$0xFFFFFF60]  }
0x149: {  	v47 =	vadd.f32 v47, v41;
	v49 =	vld [tilespmem:s22+$0xA0];
	v38 =	vadd.f32 v44, v38;
	v44 =	vmul.f32 v46, v15  }
0x14a: {  	v41 =	vld [tilespmem:s10+$0xFFFFFF70];
	v45 =	vmul.f32 v45, v24  }
0x14b: {  	v46 =	vadd.f32 v48, v47;
	v47 =	vmul.f32 v39, v16;
	v48 =	vld [tilespmem:s22+$0xB0];
	v38 =	vadd.f32 v44, v38  }
0x14c: {  	v42 =	vmul.f32 v42, v25;
	v44 =	vld [tilespmem:s22+$0xC0]  }
0x14d: {  	v46 =	vadd.f32 v47, v46;
	v47 =	vmul.f32 v40, v14;
	v50 =	vld [tilespmem:s22+$0xD0];
	[tilespmem:s7+$0x10] =	vst v38  }
0x14e: {  	v38 =	vadd.f32 v42, v45;
	v42 =	vmul.f32 v49, v13;
	v45 =	vld [tilespmem:s22+$0x80]  }
0x14f: {  	v46 =	vadd.f32 v47, v46;
	v47 =	vmul.f32 v41, v30;
	v49 =	vld [tilespmem:s22+$0x90]  }
0x150: {  	v38 =	vadd.f32 v42, v38;
	v42 =	vmul.f32 v48, v12;
	v48 =	vld [tilespmem:s22+$0xE0]  }
0x151: {  	v46 =	vadd.f32 v47, v46;
	v44 =	vmul.f32 v44, v10;
	v47 =	vld [tilespmem:s22+$0xA0]  }
0x152: {  	v38 =	vadd.f32 v42, v38;
	v42 =	vmul.f32 v50, v11;
	v50 =	vld [tilespmem:s22+$0xF0]  }
0x153: {  	[tilespmem:s12+$0xFFFFFFD0] =	vst v46;
	v46 =	vld [tilespmem:s22+$0xB0]  }
0x154: {  	v51 =	vld [tilespmem:s8+$0xFFFFFE80];
	v38 =	vadd.f32 v44, v38;
	v44 =	vmul.f32 v45, v26;
	v45 =	vmul.f32 v49, v27  }
0x155: {  	v48 =	vmul.f32 v48, v9;
	v49 =	vld [tilespmem:s22+$0xC0]  }
0x156: {  	v52 =	vld [tilespmem:s8+$0xFFFFFE90];
	v38 =	vadd.f32 v42, v38;
	v42 =	vadd.f32 v45, v44;
	v44 =	vmul.f32 v47, v22  }
0x157: {  	v45 =	vmul.f32 v50, v23;
	v47 =	vld [tilespmem:s22+$0xD0]  }
0x158: {  	v50 =	vld [tilespmem:s8+$0xFFFFFEA0];
	v38 =	vadd.f32 v48, v38;
	v42 =	vadd.f32 v44, v42;
	v44 =	vmul.f32 v46, v21  }
0x159: {  	v46 =	vld [tilespmem:s22+$0xE0]  }
0x15a: {  	v48 =	vld [tilespmem:s8+$0xFFFFFEB0];
	v38 =	vadd.f32 v45, v38;
	v42 =	vadd.f32 v44, v42;
	v44 =	vmul.f32 v49, v20  }
0x15b: {  	v45 =	vmul.f32 v51, v32;
	v49 =	vld [tilespmem:s22+$0xF0]  }
0x15c: {  	v51 =	vmul.f32 v52, v31;
	[tilespmem:s21+$0xFFFFFFF0] =	vst v38;
	v38 =	vadd.f32 v44, v42;
	v42 =	vmul.f32 v47, v19;
	v44 =	vld [tilespmem:s19+$0xFFFFFFF0];
	s19 =	smov.u32 s9;
	s9 =	smov.u32 s8  }
0x15d: {  	v47 =	vmul.f32 v50, v29;
	v50 =	vld [tilespmem:s8+$0xFFFFFEC0]  }
0x15e: {  	v45 =	vadd.f32 v51, v45;
	v51 =	vld [tilespmem:s19+$0xFFFFFF80];
	v38 =	vadd.f32 v42, v38;
	v42 =	vmul.f32 v46, v18  }
0x15f: {  	v46 =	vmul.f32 v48, v28;
	v48 =	vld [tilespmem:s8+$0xFFFFFED0]  }
0x160: {  	v45 =	vadd.f32 v47, v45;
	v47 =	vld [tilespmem:s19+$0xFFFFFF90];
	v42 =	vadd.f32 v42, v38;
	v49 =	vmul.f32 v49, v15  }
0x161: {  	v52 =	vld [tilespmem:s8+$0xFFFFFEE0];
	v53 =	vmul.f32 v44, v8;
	v8 =	vmov v23;
	v23 =	vmov v30  }
.Ltmp0:
0x162: {  	v30 =	vadd.f32 v46, v45;
	v45 =	vmul.f32 v50, v17;
	v38 =	vld [tilespmem:s19+$0xFFFFFFA0];
	v46 =	vadd.f32 v49, v42;
	(pc) =	sbr.rel @p0 .LBB2_3-.Ltmp0, $4  }
0x163: {  	v44 =	vld [tilespmem:s8+$0xFFFFFEF0];
	v42 =	vmul.f32 v51, v24;
	v49 =	vadd.f32 v53, v43;
	v24 =	vmov v32  }
0x164: {  	v30 =	vadd.f32 v45, v30;
	v45 =	vmul.f32 v48, v16;
	v32 =	vld [tilespmem:s19+$0xFFFFFFB0];
	[tilespmem:s21+$0x20] =	vst v46  }
0x165: {  	v43 =	vmul.f32 v47, v25;
	v48 =	vld [tilespmem:s19+$0x100];
	[tilespmem:s20+$0xFFFFFFF0] =	vst v49;
	v25 =	vmov v31;
	s20 =	smov.u32 s7;
	s7 =	smov.u32 s3  }
0x166: {  	s10 =	sadd.s32 $0x100, s10;
	v31 =	vadd.f32 v45, v30;
	v45 =	vmul.f32 v52, v14;
	v49 =	vld [tilespmem:s19+$0x110]  }
0x167: {  	_ = 	snop  }
0x168: {  	v30 =	vadd.f32 v45, v31;
	v58 =	vmul.f32 v44, v23;
	_ =	sdelay $0x1  }
0x169: {  	v30 =	vadd.f32 v58, v30;
	_ =	sdelay $0x1  }
0x16a: {  	[tilespmem:s3+$0xFFFFFFD0] =	vst v30  }
0x16b: {  	v46 =	vld [tilespmem:s11+$0x0]  }
0x16c: {  	v47 =	vld [tilespmem:s11+$0x10];
	_ =	sdelay $0x1  }
0x16d: {  	v45 =	vld [tilespmem:s11+$0x20];
	_ =	sdelay $0x1  }
0x16e: {  	v44 =	vld [tilespmem:s11+$0x30]  }
0x16f: {  	v4 =	vmul.f32 v46, v33;
	v5 =	vmul.f32 v47, v34  }
0x170: {  	v34 =	vld [tilespmem:s11+$0x40]  }
0x171: {  	v36 =	vmul.f32 v45, v36;
	v30 =	vadd.f32 v5, v4  }
0x172: {  	v33 =	vld [tilespmem:s11+$0x50]  }
0x173: {  	v35 =	vmul.f32 v44, v35;
	v30 =	vadd.f32 v36, v30  }
0x174: {  	v31 =	vld [tilespmem:s11+$0x60]  }
0x175: {  	v6 =	vmul.f32 v34, v37;
	v35 =	vadd.f32 v35, v30  }
0x176: {  	v30 =	vld [tilespmem:s11+$0x70]  }
0x177: {  	v7 =	vmul.f32 v33, v39;
	v35 =	vadd.f32 v6, v35;
	_ =	sdelay $0x1  }
0x178: {  	v50 =	vmul.f32 v31, v40;
	v35 =	vadd.f32 v7, v35;
	_ =	sdelay $0x1  }
0x179: {  	v51 =	vmul.f32 v30, v41;
	v35 =	vadd.f32 v50, v35;
	_ =	sdelay $0x1  }
0x17a: {  	v35 =	vadd.f32 v51, v35;
	_ =	sdelay $0x1  }
0x17b: {  	[tilespmem:s12+$0x0] =	vst v35  }
0x17c: {  	v35 =	vld [tilespmem:s8+$0x0]  }
0x17d: {  	v52 =	vld [tilespmem:s8+$0x10];
	_ =	sdelay $0x1  }
0x17e: {  	v53 =	vld [tilespmem:s8+$0x20];
	_ =	sdelay $0x1  }
0x17f: {  	v54 =	vld [tilespmem:s8+$0x30]  }
0x180: {  	v35 =	vmul.f32 v35, v46;
	v36 =	vmul.f32 v52, v47  }
0x181: {  	v55 =	vld [tilespmem:s8+$0x40]  }
0x182: {  	v56 =	vmul.f32 v53, v45;
	v35 =	vadd.f32 v36, v35  }
0x183: {  	v57 =	vld [tilespmem:s8+$0x50]  }
0x184: {  	v58 =	vmul.f32 v54, v44;
	v35 =	vadd.f32 v56, v35  }
0x185: {  	v4 =	vld [tilespmem:s8+$0x60]  }
0x186: {  	v5 =	vmul.f32 v55, v34;
	v35 =	vadd.f32 v58, v35  }
0x187: {  	v6 =	vld [tilespmem:s8+$0x70]  }
0x188: {  	v7 =	vmul.f32 v57, v33;
	v35 =	vadd.f32 v5, v35;
	_ =	sdelay $0x1  }
0x189: {  	v41 =	vmul.f32 v4, v31;
	v35 =	vadd.f32 v7, v35;
	_ =	sdelay $0x1  }
0x18a: {  	v50 =	vmul.f32 v6, v30;
	v35 =	vadd.f32 v41, v35;
	_ =	sdelay $0x1  }
0x18b: {  	v35 =	vadd.f32 v50, v35;
	_ =	sdelay $0x1  }
0x18c: {  	[tilespmem:s3+$0x0] =	vst v35  }
0x18d: {  	v35 =	vld [tilespmem:s11+$0xFFFFFF80]  }
0x18e: {  	v51 =	vld [tilespmem:s11+$0xFFFFFF90];
	_ =	sdelay $0x1  }
0x18f: {  	v52 =	vld [tilespmem:s11+$0xFFFFFFA0];
	_ =	sdelay $0x1  }
0x190: {  	v53 =	vld [tilespmem:s11+$0xFFFFFFB0]  }
0x191: {  	v35 =	vmul.f32 v35, v46;
	v36 =	vmul.f32 v51, v47  }
0x192: {  	v54 =	vld [tilespmem:s11+$0xFFFFFFC0]  }
0x193: {  	v55 =	vmul.f32 v52, v45;
	v35 =	vadd.f32 v36, v35  }
0x194: {  	v56 =	vld [tilespmem:s11+$0xFFFFFFD0]  }
0x195: {  	v57 =	vmul.f32 v53, v44;
	v35 =	vadd.f32 v55, v35  }
0x196: {  	v58 =	vld [tilespmem:s11+$0xFFFFFFE0]  }
0x197: {  	v4 =	vmul.f32 v54, v34;
	v35 =	vadd.f32 v57, v35  }
0x198: {  	v5 =	vld [tilespmem:s11+$0xFFFFFFF0]  }
0x199: {  	v6 =	vmul.f32 v56, v33;
	v35 =	vadd.f32 v4, v35;
	_ =	sdelay $0x1  }
0x19a: {  	v7 =	vmul.f32 v58, v31;
	v35 =	vadd.f32 v6, v35;
	_ =	sdelay $0x1  }
0x19b: {  	v41 =	vmul.f32 v5, v30;
	v35 =	vadd.f32 v7, v35;
	_ =	sdelay $0x1  }
0x19c: {  	v35 =	vadd.f32 v41, v35;
	_ =	sdelay $0x1  }
0x19d: {  	[tilespmem:s12+$0x10] =	vst v35  }
0x19e: {  	v35 =	vld [tilespmem:s9+$0x80]  }
0x19f: {  	v50 =	vld [tilespmem:s9+$0x90];
	_ =	sdelay $0x1  }
0x1a0: {  	v51 =	vld [tilespmem:s9+$0xA0];
	_ =	sdelay $0x1  }
0x1a1: {  	v52 =	vld [tilespmem:s9+$0xB0]  }
0x1a2: {  	v35 =	vmul.f32 v35, v46;
	v36 =	vmul.f32 v50, v47  }
0x1a3: {  	v53 =	vld [tilespmem:s9+$0xC0]  }
0x1a4: {  	v54 =	vmul.f32 v51, v45;
	v35 =	vadd.f32 v36, v35  }
0x1a5: {  	v55 =	vld [tilespmem:s9+$0xD0]  }
0x1a6: {  	v56 =	vmul.f32 v52, v44;
	v35 =	vadd.f32 v54, v35  }
0x1a7: {  	v57 =	vld [tilespmem:s9+$0xE0]  }
0x1a8: {  	v58 =	vld [tilespmem:s19+$0x120];
	v4 =	vmul.f32 v53, v34;
	v35 =	vadd.f32 v56, v35  }
0x1a9: {  	v5 =	vld [tilespmem:s9+$0xF0]  }
0x1aa: {  	v6 =	vmul.f32 v55, v33;
	v35 =	vadd.f32 v4, v35  }
0x1ab: {  	v48 =	vmul.f32 v48, v26;
	v49 =	vmul.f32 v49, v27;
	v7 =	vld [tilespmem:s19+$0x130]  }
0x1ac: {  	v52 =	vmul.f32 v57, v31;
	v35 =	vadd.f32 v6, v35  }
0x1ad: {  	v48 =	vadd.f32 v49, v48;
	v53 =	vld [tilespmem:s19+$0x140]  }
0x1ae: {  	v41 =	vmul.f32 v58, v22;
	v54 =	vmul.f32 v5, v30;
	v35 =	vadd.f32 v52, v35  }
0x1af: {  	v55 =	vld [tilespmem:s19+$0x150]  }
0x1b0: {  	v41 =	vadd.f32 v41, v48;
	v37 =	vmul.f32 v7, v21;
	v35 =	vadd.f32 v54, v35  }
0x1b1: {  	v56 =	vld [tilespmem:s19+$0x160]  }
0x1b2: {  	v37 =	vadd.f32 v37, v41;
	v57 =	vld [tilespmem:s19+$0x170];
	v39 =	vmul.f32 v53, v20;
	[tilespmem:s7+$0x10] =	vst v35  }
0x1b3: {  	v35 =	vld [tilespmem:s11+$0x80]  }
0x1b4: {  	v58 =	vmul.f32 v55, v19;
	v37 =	vadd.f32 v39, v37;
	v4 =	vld [tilespmem:s11+$0x90]  }
0x1b5: {  	v5 =	vmul.f32 v46, v24  }
0x1b6: {  	v37 =	vadd.f32 v58, v37;
	v6 =	vmul.f32 v47, v25;
	v36 =	vmul.f32 v56, v18;
	v7 =	vld [tilespmem:s11+$0xA0]  }
0x1b7: {  	v53 =	vmul.f32 v57, v15  }
0x1b8: {  	v48 =	vadd.f32 v6, v5;
	v52 =	vmul.f32 v45, v29;
	v36 =	vadd.f32 v36, v37;
	v54 =	vld [tilespmem:s11+$0xB0]  }
0x1b9: {  	v35 =	vmul.f32 v35, v46;
	v40 =	vmul.f32 v4, v47  }
0x1ba: {  	v55 =	vmul.f32 v44, v28;
	v48 =	vadd.f32 v52, v48;
	v36 =	vadd.f32 v53, v36;
	v56 =	vld [tilespmem:s11+$0xC0]  }
0x1bb: {  	v39 =	vmul.f32 v7, v45;
	v35 =	vadd.f32 v40, v35  }
0x1bc: {  	v57 =	vmul.f32 v34, v17;
	v58 =	vadd.f32 v55, v48;
	[tilespmem:s20+$0x20] =	vst v36;
	v4 =	vld [tilespmem:s11+$0xD0]  }
0x1bd: {  	v48 =	vld [tilespmem:s22+$0x100];
	v5 =	vmul.f32 v54, v44;
	v35 =	vadd.f32 v39, v35  }
0x1be: {  	v6 =	vmul.f32 v33, v16;
	v36 =	vadd.f32 v57, v58;
	v7 =	vld [tilespmem:s11+$0xE0]  }
0x1bf: {  	v50 =	vld [tilespmem:s22+$0x110];
	v55 =	vmul.f32 v56, v34;
	v35 =	vadd.f32 v5, v35  }
0x1c0: {  	v57 =	vld [tilespmem:s11+$0xF0];
	v36 =	vadd.f32 v6, v36;
	v56 =	vmul.f32 v31, v14  }
0x1c1: {  	v51 =	vld [tilespmem:s22+$0x120];
	v37 =	vmul.f32 v4, v33;
	v35 =	vadd.f32 v55, v35  }
0x1c2: {  	v58 =	vmul.f32 v30, v23;
	v52 =	vld [tilespmem:s22+$0x130];
	v36 =	vadd.f32 v56, v36  }
0x1c3: {  	v49 =	vld [tilespmem:s22+$0x140];
	v4 =	vmul.f32 v7, v31;
	v35 =	vadd.f32 v37, v35  }
0x1c4: {  	v40 =	vld [tilespmem:s22+$0x160];
	v36 =	vadd.f32 v58, v36  }
0x1c5: {  	v39 =	vld [tilespmem:s22+$0x150];
	v5 =	vmul.f32 v57, v30;
	v35 =	vadd.f32 v4, v35  }
0x1c6: {  	[tilespmem:s12+$0xFFFFFFE0] =	vst v36;
	v36 =	vld [tilespmem:s22+$0x170]  }
0x1c7: {  	v41 =	vld [tilespmem:s8+$0xFFFFFF00];
	v35 =	vadd.f32 v5, v35  }
0x1c8: {  	v56 =	vld [tilespmem:s8+$0xFFFFFF10]  }
0x1c9: {  	v6 =	vmul.f32 v48, v26;
	v7 =	vmul.f32 v50, v27;
	v53 =	vld [tilespmem:s8+$0xFFFFFF20];
	[tilespmem:s12+$0x20] =	vst v35  }
0x1ca: {  	v48 =	vld [tilespmem:s9+$0x100]  }
0x1cb: {  	v58 =	vmul.f32 v51, v22;
	v57 =	vadd.f32 v7, v6;
	v4 =	vld [tilespmem:s9+$0x110]  }
0x1cc: {  	v6 =	vld [tilespmem:s9+$0xFFFFFF30];
	v41 =	vmul.f32 v41, v24  }
0x1cd: {  	v50 =	vmul.f32 v56, v25;
	v5 =	vmul.f32 v52, v21;
	v35 =	vadd.f32 v58, v57;
	v54 =	vld [tilespmem:s9+$0x120]  }
0x1ce: {  	v7 =	vmul.f32 v49, v20;
	v56 =	vld [tilespmem:s9+$0xFFFFFF40]  }
0x1cf: {  	v41 =	vadd.f32 v50, v41;
	v57 =	vmul.f32 v53, v29;
	v58 =	vld [tilespmem:s9+$0x130];
	v35 =	vadd.f32 v5, v35  }
0x1d0: {  	v37 =	vld [tilespmem:s9+$0xFFFFFF50];
	v48 =	vmul.f32 v48, v46;
	v51 =	vmul.f32 v4, v47  }
0x1d1: {  	v39 =	vmul.f32 v39, v19;
	v41 =	vadd.f32 v57, v41;
	v5 =	vld [tilespmem:s9+$0x140];
	v35 =	vadd.f32 v7, v35  }
0x1d2: {  	v50 =	vld [tilespmem:s9+$0x150];
	v4 =	vmul.f32 v6, v28;
	v7 =	vmul.f32 v54, v45;
	v48 =	vadd.f32 v51, v48  }
0x1d3: {  	v40 =	vmul.f32 v40, v18;
	v49 =	vmul.f32 v56, v17;
	v35 =	vadd.f32 v39, v35;
	v6 =	vld [tilespmem:s9+$0xFFFFFF60]  }
0x1d4: {  	v54 =	vld [tilespmem:s9+$0xFFFFFF70];
	v57 =	vmul.f32 v58, v44;
	v41 =	vadd.f32 v4, v41;
	v48 =	vadd.f32 v7, v48  }
0x1d5: {  	v36 =	vmul.f32 v36, v15;
	v37 =	vmul.f32 v37, v16;
	v35 =	vadd.f32 v40, v35;
	v4 =	vld [tilespmem:s9+$0x160]  }
0x1d6: {  	v5 =	vmul.f32 v5, v34;
	v58 =	vadd.f32 v49, v41;
	v48 =	vadd.f32 v57, v48  }
0x1d7: {  	v53 =	vmul.f32 v50, v33;
	v35 =	vadd.f32 v36, v35;
	v7 =	vld [tilespmem:s9+$0x170]  }
0x1d8: {  	v6 =	vmul.f32 v6, v14;
	v37 =	vadd.f32 v37, v58;
	v52 =	vadd.f32 v5, v48  }
0x1d9: {  	v54 =	vmul.f32 v54, v23  }
0x1da: {  	[tilespmem:s21+$0x30] =	vst v35;
	v57 =	vmul.f32 v4, v31;
	v55 =	vadd.f32 v6, v37;
	v56 =	vadd.f32 v53, v52  }
0x1db: {  	v40 =	vld [tilespmem:s19+$0x180]  }
0x1dc: {  	v41 =	vld [tilespmem:s19+$0x190];
	v58 =	vmul.f32 v7, v30;
	v35 =	vadd.f32 v54, v55;
	v36 =	vadd.f32 v57, v56  }
0x1dd: {  	v39 =	vld [tilespmem:s19+$0x1A0]  }
0x1de: {  	v48 =	vld [tilespmem:s19+$0x1B0];
	[tilespmem:s7+$0xFFFFFFE0] =	vst v35;
	v4 =	vadd.f32 v58, v36  }
0x1df: {  	v5 =	vld [tilespmem:s11+$0x80]  }
0x1e0: {  	v6 =	vld [tilespmem:s11+$0x90];
	[tilespmem:s7+$0x20] =	vst v4  }
0x1e1: {  	v35 =	vld [tilespmem:s11+$0x100]  }
0x1e2: {  	v7 =	vld [tilespmem:s11+$0x110]  }
0x1e3: {  	v57 =	vld [tilespmem:s11+$0xA0]  }
0x1e4: {  	v58 =	vld [tilespmem:s11+$0x120]  }
0x1e5: {  	v4 =	vld [tilespmem:s11+$0xB0]  }
0x1e6: {  	v53 =	vld [tilespmem:s11+$0x130];
	v36 =	vmul.f32 v5, v24;
	v37 =	vmul.f32 v6, v25  }
0x1e7: {  	v5 =	vld [tilespmem:s11+$0xC0];
	v35 =	vmul.f32 v35, v46;
	v49 =	vmul.f32 v7, v47  }
0x1e8: {  	v50 =	vld [tilespmem:s11+$0x140];
	v6 =	vmul.f32 v57, v29;
	v36 =	vadd.f32 v37, v36  }
0x1e9: {  	v7 =	vld [tilespmem:s11+$0xD0];
	v51 =	vmul.f32 v58, v45;
	v35 =	vadd.f32 v49, v35  }
0x1ea: {  	v57 =	vmul.f32 v4, v28;
	v36 =	vadd.f32 v6, v36;
	v58 =	vld [tilespmem:s11+$0x150]  }
0x1eb: {  	v4 =	vld [tilespmem:s11+$0xE0];
	v53 =	vmul.f32 v53, v44;
	v35 =	vadd.f32 v51, v35  }
0x1ec: {  	v54 =	vmul.f32 v5, v17;
	v5 =	vld [tilespmem:s11+$0x160];
	v36 =	vadd.f32 v57, v36  }
0x1ed: {  	v6 =	vld [tilespmem:s11+$0xF0];
	v50 =	vmul.f32 v50, v34;
	v35 =	vadd.f32 v53, v35  }
0x1ee: {  	v36 =	vadd.f32 v54, v36;
	v49 =	vmul.f32 v7, v16;
	v7 =	vld [tilespmem:s11+$0x170]  }
0x1ef: {  	v57 =	vmul.f32 v40, v26;
	v40 =	vld [tilespmem:s19+$0xFFFFFFE0];
	v52 =	vmul.f32 v58, v33;
	v35 =	vadd.f32 v50, v35  }
0x1f0: {  	v51 =	vmul.f32 v4, v14;
	v36 =	vadd.f32 v49, v36;
	v49 =	vld [tilespmem:s19+$0x1D0]  }
0x1f1: {  	v37 =	vmul.f32 v5, v31;
	v50 =	vld [tilespmem:s19+$0x1C0];
	v35 =	vadd.f32 v52, v35  }
0x1f2: {  	v53 =	vmul.f32 v6, v23;
	v36 =	vadd.f32 v51, v36;
	v51 =	vld [tilespmem:s19+$0x1F0]  }
0x1f3: {  	v52 =	vld [tilespmem:s19+$0x1E0];
	v54 =	vmul.f32 v7, v30;
	v35 =	vadd.f32 v37, v35  }
0x1f4: {  	v36 =	vadd.f32 v53, v36;
	v53 =	vld [tilespmem:s19+$0xFFFFFFD0]  }
0x1f5: {  	v37 =	vld [tilespmem:s19+$0xFFFFFFC0];
	v35 =	vadd.f32 v54, v35  }
0x1f6: {  	v58 =	vmul.f32 v41, v27;
	[tilespmem:s12+$0xFFFFFFF0] =	vst v36;
	v36 =	vld [tilespmem:s19+$0xFFFFFFF0]  }
0x1f7: {  	v5 =	vld [tilespmem:s9+$0xFFFFFF80];
	[tilespmem:s12+$0x30] =	vst v35  }
0x1f8: {  	v4 =	vmul.f32 v39, v22;
	v26 =	vadd.f32 v58, v57;
	v35 =	vld [tilespmem:s9+$0x180]  }
0x1f9: {  	v7 =	vld [tilespmem:s9+$0x190]  }
0x1fa: {  	v42 =	vadd.f32 v43, v42;
	v6 =	vmul.f32 v48, v21;
	v22 =	vadd.f32 v4, v26;
	v43 =	vld [tilespmem:s9+$0xFFFFFF90]  }
0x1fb: {  	v13 =	vmul.f32 v38, v13;
	v48 =	vmul.f32 v50, v20;
	v50 =	vld [tilespmem:s9+$0x1A0]  }
0x1fc: {  	v12 =	vmul.f32 v32, v12;
	v21 =	vadd.f32 v6, v22;
	v54 =	vld [tilespmem:s9+$0xFFFFFFA0]  }
0x1fd: {  	v13 =	vadd.f32 v13, v42;
	v9 =	vmul.f32 v40, v9;
	v55 =	vmul.f32 v49, v19;
	v56 =	vld [tilespmem:s9+$0x1B0]  }
0x1fe: {  	v57 =	vld [tilespmem:s9+$0xFFFFFFB0];
	v20 =	vadd.f32 v48, v21;
	v35 =	vmul.f32 v35, v46;
	v26 =	vmul.f32 v7, v47  }
0x1ff: {  	v12 =	vadd.f32 v12, v13;
	v58 =	vmul.f32 v5, v24;
	v4 =	vmul.f32 v43, v25;
	v5 =	vld [tilespmem:s9+$0x1C0]  }
0x200: {  	v19 =	vadd.f32 v55, v20;
	v22 =	vmul.f32 v50, v45;
	v7 =	vld [tilespmem:s9+$0xFFFFFFC0];
	v26 =	vadd.f32 v26, v35  }
0x201: {  	v10 =	vmul.f32 v37, v10;
	v37 =	vld [tilespmem:s9+$0x1D0];
	v20 =	vadd.f32 v4, v58;
	v35 =	vmul.f32 v54, v29  }
0x202: {  	v38 =	vld [tilespmem:s9+$0xFFFFFFD0];
	v51 =	vmul.f32 v51, v15;
	v21 =	vmul.f32 v56, v44;
	v22 =	vadd.f32 v22, v26  }
0x203: {  	v6 =	vmul.f32 v52, v18;
	v41 =	vld [tilespmem:s9+$0x1E0];
	v13 =	vmul.f32 v57, v28;
	v39 =	vadd.f32 v35, v20  }
0x204: {  	v11 =	vmul.f32 v53, v11;
	v44 =	vld [tilespmem:s9+$0xFFFFFFE0];
	v43 =	vmul.f32 v5, v34;
	v42 =	vadd.f32 v21, v22  }
0x205: {  	v10 =	vadd.f32 v10, v12;
	v46 =	vld [tilespmem:s9+$0x1F0];
	v47 =	vmul.f32 v7, v17;
	v45 =	vadd.f32 v13, v39  }
0x206: {  	v8 =	vmul.f32 v36, v8;
	v49 =	vmul.f32 v37, v33;
	v50 =	vld [tilespmem:s9+$0xFFFFFFF0];
	v48 =	vadd.f32 v43, v42  }
0x207: {  	v52 =	vmul.f32 v38, v16;
	v10 =	vadd.f32 v11, v10;
	v11 =	vadd.f32 v47, v45  }
0x208: {  	v18 =	vadd.f32 v6, v19;
	v54 =	vmul.f32 v41, v31;
	v53 =	vadd.f32 v49, v48  }
0x209: {  	v9 =	vadd.f32 v9, v10;
	v55 =	vmul.f32 v44, v14;
	v11 =	vadd.f32 v52, v11  }
0x20a: {  	v15 =	vadd.f32 v51, v18;
	v12 =	vmul.f32 v46, v30;
	v10 =	vadd.f32 v54, v53  }
0x20b: {  	v8 =	vadd.f32 v8, v9;
	v57 =	vmul.f32 v50, v23;
	v56 =	vadd.f32 v55, v11  }
0x20c: {  	p0 =	seq.s32 s17, $0x3F;
	s19 =	sshll.u32 s17, $0x1;
	[tilespmem:s20+$0x30] =	vst v15;
	v10 =	vadd.f32 v12, v10  }
0x20d: {  	p1 =	seq.s32 @!p0 s17, $0x0;
	s3 =	sadd.s32 @!p0 $0x2, s19;
	[tilespmem:s20+$0xFFFFFFF0] =	vst v8;
	v58 =	vadd.f32 v57, v56  }
0x20e: {  	p1 =	por p0, !p1;
	s8 =	sshll.u32 @!p0 s3, $0x7;
	s3 =	sshll.u32 @!p0 s3, $0x8;
	[tilespmem:s7+$0x30] =	vst v10  }
0x20f: {  	s9 =	simm.s32 @!p0 $0xC000;
	[tilespmem:s7+$0xFFFFFFF0] =	vst v58;
	s7 =	sand.u32 @!p0 $0x3FFFFF80, s8;
	s8 =	simm.s32 @!p0 $0x32  }
0x210: {  	[tilespmem:s9], [sflag:$0x1] =	stream.indirect.gather @!p0 [hbm4b:s2+s8], $0x80, s7, s8, $0xb8;
	[tilespmem:$0x1BE00] =	vst v63  }
.Ltmp1:
0x211: {  	s3 =	sand.u32 @!p0 $0x3FFFFF00, s3;
	(pc) =	sbr.rel @!p1 .LBB2_5-.Ltmp1, $4  }
0x212: {  	s7 =	sadd.s32 @!p0 $0x4000, s3;
	s8 =	simm.s32 @!p0 $0x58;
	s9 =	simm.s32 @!p0 $0xF400  }
0x213: {  	[tilespmem:s9], [sflag:$0x1] =	stream.indirect.gather @!p0 [hbm4b:s2+s8], $0x80, s7, s8, $0xb8;
	[tilespmem:$0x1BE00] =	vst v63  }
0x214: {  	s3 =	sadd.s32 @!p0 $0x4080, s3;
	s7 =	simm.s32 @!p0 $0x12000  }
0x215: {  	[tilespmem:s7], [sflag:$0x1] =	stream.indirect.gather @!p0 [hbm4b:s2+s8], $0x80, s3, s8, $0xb8;
	[tilespmem:$0x1BE00] =	vst v63  }
0x216: {  	_ =	swait.ge [sflag:s13], $0x100  }
.Ltmp2:
0x217: {  	[sflag:s13] =	ssyncset.done $0x0;
	(pc) =	sbr.rel .LBB2_7-.Ltmp2, $4  }
0x218: {  	[sflag:s13] =	ssyncadd.s32 $0xFFFFFF00  }
0x219: {  	_ =	swait.ge [sflag:s13], $0x100  }
0x21a: {  	[sflag:s13] =	ssyncset.done $0x0  }
0x21b: {  	p1 =	por $0x0, $0x0;
	[sflag:s13] =	ssyncadd.s32 $0xFFFFFF00  }
.LBB2_5:
0x21c: {  	p1 =	por @!p0 $0x1, $0x1  }
.LBB2_7:
0x21d: {  	s3 =	simm.s32 $0x10  }
0x21e: {  	s7 =	simm.s32 $0x0;
	v8 =	vmov s3  }
0x21f: {  	v9 =	vmov s7;
	v8 =	vshll.u32 v8, $0x4  }
0x220: {  	v9 =	vshll.u32 v9, $0x4;
	v8 =	vor.u32 v0, v8  }
0x221: {  	v9 =	vor.u32 v0, v9;
	_ =	sdelay $0x2  }
0x222: {  	v10 =	vor.u32 $0x1, v9  }
0x223: {  	v12 =	vld.idx.msk [tilespmem:v8+s25+$0x0], $0xffff  }
0x224: {  	v11 =	vor.u32 $0x2, v9;
	v13 =	vld.idx.msk [tilespmem:v9+s25+$0x0], $0xffff  }
0x225: {  	v14 =	vld.idx.msk [tilespmem:v9+s26+$0x0], $0xffff  }
0x226: {  	v15 =	vor.u32 $0x3, v9;
	v49 =	vld.idx.msk [tilespmem:v8+s26+$0x0], $0xffff  }
0x227: {  	v16 =	vld.idx.msk [tilespmem:v10+s25+$0x0], $0xffff  }
0x228: {  	v17 =	vor.u32 $0x4, v9;
	v10 =	vld.idx.msk [tilespmem:v10+s26+$0x0], $0xffff  }
0x229: {  	v18 =	vld.idx.msk [tilespmem:v11+s25+$0x0], $0xffff  }
0x22a: {  	v19 =	vor.u32 $0x5, v9;
	v11 =	vld.idx.msk [tilespmem:v11+s26+$0x0], $0xffff  }
0x22b: {  	v20 =	vld.idx.msk [tilespmem:v15+s25+$0x0], $0xffff  }
0x22c: {  	v21 =	vor.u32 $0x6, v9;
	v15 =	vld.idx.msk [tilespmem:v15+s26+$0x0], $0xffff  }
0x22d: {  	v22 =	vld.idx.msk [tilespmem:v17+s25+$0x0], $0xffff  }
0x22e: {  	v23 =	vor.u32 $0x7, v9;
	v17 =	vld.idx.msk [tilespmem:v17+s26+$0x0], $0xffff  }
0x22f: {  	v24 =	vld.idx.msk [tilespmem:v19+s25+$0x0], $0xffff  }
0x230: {  	v25 =	vor.u32 $0x8, v9;
	v19 =	vld.idx.msk [tilespmem:v19+s26+$0x0], $0xffff  }
0x231: {  	v26 =	vld.idx.msk [tilespmem:v21+s25+$0x0], $0xffff  }
0x232: {  	v27 =	vor.u32 $0x9, v9;
	v21 =	vld.idx.msk [tilespmem:v21+s26+$0x0], $0xffff  }
0x233: {  	v28 =	vld.idx.msk [tilespmem:v23+s25+$0x0], $0xffff  }
0x234: {  	v29 =	vor.u32 $0xA, v9;
	v23 =	vld.idx.msk [tilespmem:v23+s26+$0x0], $0xffff  }
0x235: {  	v30 =	vld.idx.msk [tilespmem:v25+s25+$0x0], $0xffff  }
0x236: {  	v31 =	vor.u32 $0xB, v9;
	v25 =	vld.idx.msk [tilespmem:v25+s26+$0x0], $0xffff  }
0x237: {  	v32 =	vld.idx.msk [tilespmem:v27+s25+$0x0], $0xffff  }
0x238: {  	v35 =	vor.u32 $0xD, v9;
	v27 =	vld.idx.msk [tilespmem:v27+s26+$0x0], $0xffff  }
0x239: {  	v37 =	vor.u32 $0xE, v9;
	v34 =	vld.idx.msk [tilespmem:v29+s25+$0x0], $0xffff  }
0x23a: {  	v47 =	vor.u32 $0x2, v8;
	v29 =	vld.idx.msk [tilespmem:v29+s26+$0x0], $0xffff  }
0x23b: {  	v48 =	vor.u32 $0x3, v8;
	v36 =	vld.idx.msk [tilespmem:v31+s25+$0x0], $0xffff;
	v13 =	vadd.f32 v16, v13  }
0x23c: {  	v52 =	vor.u32 $0x6, v8;
	v31 =	vld.idx.msk [tilespmem:v31+s26+$0x0], $0xffff;
	v10 =	vadd.f32 v10, v14  }
0x23d: {  	v33 =	vor.u32 $0xC, v9;
	v45 =	vld.idx.msk [tilespmem:v35+s26+$0x0], $0xffff;
	v13 =	vadd.f32 v18, v13  }
0x23e: {  	v46 =	vld.idx.msk [tilespmem:v37+s26+$0x0], $0xffff;
	v10 =	vadd.f32 v11, v10  }
0x23f: {  	v50 =	vld.idx.msk [tilespmem:v47+s26+$0x0], $0xffff;
	v13 =	vadd.f32 v20, v13  }
0x240: {  	v51 =	vld.idx.msk [tilespmem:v48+s25+$0x0], $0xffff;
	v10 =	vadd.f32 v15, v10  }
0x241: {  	v54 =	vld.idx.msk [tilespmem:v52+s25+$0x0], $0xffff;
	v18 =	vor.u32 $0x1, v8;
	v13 =	vadd.f32 v22, v13  }
0x242: {  	v14 =	vld.idx.msk [tilespmem:v33+s25+$0x0], $0xffff;
	v10 =	vadd.f32 v17, v10  }
0x243: {  	v16 =	vld.idx.msk [tilespmem:v33+s26+$0x0], $0xffff;
	v13 =	vadd.f32 v24, v13  }
0x244: {  	v9 =	vor.u32 $0xF, v9;
	v11 =	vld.idx.msk [tilespmem:v35+s25+$0x0], $0xffff;
	v10 =	vadd.f32 v19, v10  }
0x245: {  	v15 =	vld.idx.msk [tilespmem:v37+s25+$0x0], $0xffff;
	v13 =	vadd.f32 v26, v13  }
0x246: {  	v19 =	vld.idx.msk [tilespmem:v18+s25+$0x0], $0xffff;
	v10 =	vadd.f32 v21, v10  }
0x247: {  	v18 =	vld.idx.msk [tilespmem:v18+s26+$0x0], $0xffff;
	v24 =	vor.u32 $0x4, v8;
	v13 =	vadd.f32 v28, v13  }
0x248: {  	v26 =	vld.idx.msk [tilespmem:v47+s25+$0x0], $0xffff;
	v10 =	vadd.f32 v23, v10  }
0x249: {  	v17 =	vld.idx.msk [tilespmem:v9+s25+$0x0], $0xffff;
	v28 =	vor.u32 $0x5, v8;
	v13 =	vadd.f32 v30, v13  }
0x24a: {  	v9 =	vld.idx.msk [tilespmem:v9+s26+$0x0], $0xffff;
	v10 =	vadd.f32 v25, v10  }
0x24b: {  	v22 =	vld.idx.msk [tilespmem:v48+s26+$0x0], $0xffff;
	v12 =	vadd.f32 v19, v12;
	v13 =	vadd.f32 v32, v13  }
0x24c: {  	v19 =	vld.idx.msk [tilespmem:v24+s25+$0x0], $0xffff;
	v18 =	vadd.f32 v18, v49;
	v25 =	vor.u32 $0x7, v8;
	v10 =	vadd.f32 v27, v10  }
0x24d: {  	v24 =	vld.idx.msk [tilespmem:v24+s26+$0x0], $0xffff;
	v12 =	vadd.f32 v26, v12;
	v13 =	vadd.f32 v34, v13  }
0x24e: {  	v26 =	vor.u32 $0x8, v8;
	v18 =	vadd.f32 v50, v18;
	v53 =	vld.idx.msk [tilespmem:v28+s25+$0x0], $0xffff;
	v10 =	vadd.f32 v29, v10  }
0x24f: {  	v27 =	vld.idx.msk [tilespmem:v28+s26+$0x0], $0xffff;
	v12 =	vadd.f32 v51, v12;
	v13 =	vadd.f32 v36, v13  }
0x250: {  	v28 =	vor.u32 $0x9, v8;
	v18 =	vadd.f32 v22, v18;
	v29 =	vld.idx.msk [tilespmem:v52+s26+$0x0], $0xffff;
	v10 =	vadd.f32 v31, v10  }
0x251: {  	v56 =	vor.u32 $0xB, v8;
	v12 =	vadd.f32 v19, v12;
	v19 =	vld.idx.msk [tilespmem:v25+s25+$0x0], $0xffff;
	v13 =	vadd.f32 v14, v13  }
0x252: {  	v10 =	vadd.f32 v16, v10;
	v16 =	vld.idx.msk [tilespmem:v25+s26+$0x0], $0xffff;
	v14 =	vadd.f32 v24, v18  }
0x253: {  	v55 =	vor.u32 $0xA, v8;
	v12 =	vadd.f32 v53, v12;
	v18 =	vld.idx.msk [tilespmem:v26+s25+$0x0], $0xffff  }
0x254: {  	v24 =	vld.idx.msk [tilespmem:v26+s26+$0x0], $0xffff;
	v11 =	vadd.f32 v11, v13;
	v14 =	vadd.f32 v27, v14  }
0x255: {  	v57 =	vld.idx.msk [tilespmem:v28+s25+$0x0], $0xffff;
	v13 =	vadd.f32 v45, v10;
	v12 =	vadd.f32 v54, v12  }
0x256: {  	v25 =	vld.idx.msk [tilespmem:v56+s25+$0x0], $0xffff;
	v10 =	vor.u32 $0xC, v8;
	v11 =	vadd.f32 v15, v11;
	v58 =	vadd.f32 v29, v14  }
0x257: {  	v13 =	vadd.f32 v46, v13;
	v15 =	vld.idx.msk [tilespmem:v28+s26+$0x0], $0xffff;
	v12 =	vadd.f32 v19, v12  }
0x258: {  	v14 =	vld.idx.msk [tilespmem:v55+s25+$0x0], $0xffff;
	v17 =	vadd.f32 v17, v11;
	v16 =	vadd.f32 v16, v58;
	v11 =	vor.u32 $0xD, v8  }
0x259: {  	s7 =	simm.s32 $0x1BA10;
	v19 =	vadd.f32 v9, v13;
	v13 =	vld.idx.msk [tilespmem:v55+s26+$0x0], $0xffff;
	v12 =	vadd.f32 v18, v12  }
0x25a: {  	s8 =	simm.s32 $0x1BC10;
	v26 =	vld.idx.msk [tilespmem:v56+s26+$0x0], $0xffff;
	v9 =	vor.u32 $0xE, v8;
	[tilespmem:s7+$0xFFFFFFF0] =	vst v17;
	v16 =	vadd.f32 v24, v16  }
0x25b: {  	s9 =	simm.s32 $0x0;
	s10 =	simm.s32 $0x30;
	s3 =	sadd.s32 s4, s19;
	v8 =	vor.u32 $0xF, v8;
	v27 =	vld.idx.msk [tilespmem:v10+s25+$0x0], $0xffff;
	v12 =	vadd.f32 v57, v12;
	[tilespmem:s8+$0xFFFFFFF0] =	vst v19  }
.LBB2_8:
0x25c: {  	s11 =	sadd.s32 $0xFFFFFFF0, s10;
	v17 =	vmov s10;
	v15 =	vadd.f32 v15, v16;
	v28 =	vld.idx.msk [tilespmem:v10+s26+$0x0], $0xffff  }
0x25d: {  	v10 =	vmov s11;
	v16 =	vshll.u32 v17, $0x4;
	v29 =	vadd.f32 v14, v12;
	v30 =	vld.idx.msk [tilespmem:v11+s25+$0x0], $0xffff  }
0x25e: {  	s9 =	sadd.s32 $0x2, s9;
	v10 =	vshll.u32 v10, $0x4;
	v21 =	vor.u32 v0, v16;
	v31 =	vadd.f32 v13, v15;
	v32 =	vld.idx.msk [tilespmem:v11+s26+$0x0], $0xffff  }
0x25f: {  	p2 =	slt.u32 s9, $0x8;
	v33 =	vor.u32 v0, v10;
	v23 =	vor.u32 $0x1, v21;
	v22 =	vor.u32 $0x2, v21;
	v34 =	vld.idx.msk [tilespmem:v9+s25+$0x0], $0xffff  }
0x260: {  	v20 =	vor.u32 $0x3, v21;
	v19 =	vor.u32 $0x4, v21;
	v18 =	vor.u32 $0x5, v21;
	v35 =	vld.idx.msk [tilespmem:v9+s26+$0x0], $0xffff  }
0x261: {  	v17 =	vor.u32 $0x6, v21;
	v16 =	vor.u32 $0x7, v21;
	v36 =	vor.u32 $0x1, v33;
	v37 =	vld.idx.msk [tilespmem:v8+s25+$0x0], $0xffff  }
0x262: {  	v15 =	vor.u32 $0x8, v21;
	v14 =	vor.u32 $0x9, v21;
	v13 =	vor.u32 $0xA, v21;
	v38 =	vld.idx.msk [tilespmem:v8+s26+$0x0], $0xffff  }
0x263: {  	v12 =	vor.u32 $0xB, v21;
	v10 =	vor.u32 $0xC, v21;
	v39 =	vor.u32 $0x2, v33;
	v24 =	vld.idx.msk [tilespmem:v21+s25+$0x0], $0xffff  }
0x264: {  	v11 =	vor.u32 $0xD, v21;
	v25 =	vadd.f32 v25, v29;
	v26 =	vadd.f32 v26, v31;
	v40 =	vld.idx.msk [tilespmem:v33+s25+$0x0], $0xffff  }
0x265: {  	v31 =	vor.u32 $0x3, v33;
	v9 =	vor.u32 $0xE, v21;
	v8 =	vor.u32 $0xF, v21;
	v29 =	vld.idx.msk [tilespmem:v33+s26+$0x0], $0xffff  }
0x266: {  	v25 =	vadd.f32 v27, v25;
	v26 =	vadd.f32 v28, v26;
	v41 =	vld.idx.msk [tilespmem:v36+s25+$0x0], $0xffff  }
0x267: {  	v28 =	vor.u32 $0x4, v33;
	v27 =	vld.idx.msk [tilespmem:v36+s26+$0x0], $0xffff  }
0x268: {  	v25 =	vadd.f32 v30, v25;
	v26 =	vadd.f32 v32, v26;
	v36 =	vld.idx.msk [tilespmem:v39+s25+$0x0], $0xffff  }
0x269: {  	v32 =	vor.u32 $0x5, v33;
	v30 =	vld.idx.msk [tilespmem:v39+s26+$0x0], $0xffff  }
0x26a: {  	v25 =	vadd.f32 v34, v25;
	v26 =	vadd.f32 v35, v26;
	v39 =	vld.idx.msk [tilespmem:v31+s25+$0x0], $0xffff  }
0x26b: {  	v34 =	vor.u32 $0x6, v33;
	v31 =	vld.idx.msk [tilespmem:v31+s26+$0x0], $0xffff  }
0x26c: {  	v25 =	vadd.f32 v37, v25;
	v35 =	vadd.f32 v41, v40;
	v40 =	vld.idx.msk [tilespmem:v28+s25+$0x0], $0xffff  }
0x26d: {  	v26 =	vadd.f32 v38, v26;
	v27 =	vadd.f32 v27, v29;
	v29 =	vor.u32 $0x7, v33;
	v28 =	vld.idx.msk [tilespmem:v28+s26+$0x0], $0xffff  }
0x26e: {  	v35 =	vadd.f32 v36, v35;
	v36 =	vld.idx.msk [tilespmem:v32+s25+$0x0], $0xffff;
	[tilespmem:s7+$0x0] =	vst v25  }
0x26f: {  	v25 =	vadd.f32 v30, v27;
	v30 =	vor.u32 $0x8, v33;
	v27 =	vld.idx.msk [tilespmem:v32+s26+$0x0], $0xffff;
	[tilespmem:s8+$0x0] =	vst v26  }
0x270: {  	v26 =	vadd.f32 v39, v35;
	v32 =	vld.idx.msk [tilespmem:v34+s25+$0x0], $0xffff  }
0x271: {  	v25 =	vadd.f32 v31, v25;
	v31 =	vld.idx.msk [tilespmem:v34+s26+$0x0], $0xffff;
	v34 =	vor.u32 $0x9, v33  }
0x272: {  	v26 =	vadd.f32 v40, v26;
	v35 =	vld.idx.msk [tilespmem:v29+s25+$0x0], $0xffff  }
0x273: {  	v25 =	vadd.f32 v28, v25;
	v28 =	vld.idx.msk [tilespmem:v29+s26+$0x0], $0xffff;
	v29 =	vor.u32 $0xA, v33  }
0x274: {  	v26 =	vadd.f32 v36, v26;
	v36 =	vld.idx.msk [tilespmem:v30+s25+$0x0], $0xffff  }
0x275: {  	v25 =	vadd.f32 v27, v25;
	v27 =	vld.idx.msk [tilespmem:v30+s26+$0x0], $0xffff;
	v30 =	vor.u32 $0xB, v33  }
0x276: {  	v26 =	vadd.f32 v32, v26;
	v32 =	vld.idx.msk [tilespmem:v34+s25+$0x0], $0xffff  }
0x277: {  	v25 =	vadd.f32 v31, v25;
	v31 =	vld.idx.msk [tilespmem:v34+s26+$0x0], $0xffff;
	v34 =	vor.u32 $0xC, v33  }
0x278: {  	v26 =	vadd.f32 v35, v26;
	v35 =	vld.idx.msk [tilespmem:v29+s25+$0x0], $0xffff  }
0x279: {  	v25 =	vadd.f32 v28, v25;
	v28 =	vld.idx.msk [tilespmem:v29+s26+$0x0], $0xffff;
	v29 =	vor.u32 $0xD, v33  }
0x27a: {  	v26 =	vadd.f32 v36, v26;
	v36 =	vld.idx.msk [tilespmem:v30+s25+$0x0], $0xffff  }
0x27b: {  	v25 =	vadd.f32 v27, v25;
	v27 =	vld.idx.msk [tilespmem:v30+s26+$0x0], $0xffff;
	v30 =	vor.u32 $0xE, v33  }
0x27c: {  	v26 =	vadd.f32 v32, v26;
	v32 =	vld.idx.msk [tilespmem:v34+s25+$0x0], $0xffff  }
0x27d: {  	v33 =	vor.u32 $0xF, v33;
	v25 =	vadd.f32 v31, v25;
	v31 =	vld.idx.msk [tilespmem:v34+s26+$0x0], $0xffff  }
0x27e: {  	v26 =	vadd.f32 v35, v26;
	v34 =	vld.idx.msk [tilespmem:v29+s25+$0x0], $0xffff  }
0x27f: {  	v25 =	vadd.f32 v28, v25;
	v28 =	vld.idx.msk [tilespmem:v29+s26+$0x0], $0xffff  }
0x280: {  	v26 =	vadd.f32 v36, v26;
	v29 =	vld.idx.msk [tilespmem:v30+s25+$0x0], $0xffff  }
0x281: {  	v25 =	vadd.f32 v27, v25;
	v27 =	vld.idx.msk [tilespmem:v30+s26+$0x0], $0xffff  }
0x282: {  	v26 =	vadd.f32 v32, v26;
	v30 =	vld.idx.msk [tilespmem:v33+s25+$0x0], $0xffff  }
0x283: {  	v25 =	vadd.f32 v31, v25;
	v31 =	vld.idx.msk [tilespmem:v33+s26+$0x0], $0xffff  }
0x284: {  	v26 =	vadd.f32 v34, v26;
	v32 =	vld.idx.msk [tilespmem:v23+s25+$0x0], $0xffff  }
0x285: {  	v25 =	vadd.f32 v28, v25;
	v23 =	vld.idx.msk [tilespmem:v23+s26+$0x0], $0xffff  }
0x286: {  	v26 =	vadd.f32 v29, v26;
	v21 =	vld.idx.msk [tilespmem:v21+s26+$0x0], $0xffff  }
0x287: {  	v25 =	vadd.f32 v27, v25;
	v27 =	vld.idx.msk [tilespmem:v22+s25+$0x0], $0xffff  }
0x288: {  	v26 =	vadd.f32 v30, v26;
	v22 =	vld.idx.msk [tilespmem:v22+s26+$0x0], $0xffff  }
0x289: {  	s7 =	sadd.s32 $0x20, s7;
	v25 =	vadd.f32 v31, v25;
	v28 =	vld.idx.msk [tilespmem:v20+s25+$0x0], $0xffff  }
0x28a: {  	s8 =	sadd.s32 $0x20, s8;
	v24 =	vadd.f32 v32, v24;
	[tilespmem:s7+$0xFFFFFFF0] =	vst v26;
	v20 =	vld.idx.msk [tilespmem:v20+s26+$0x0], $0xffff  }
0x28b: {  	[tilespmem:s8+$0xFFFFFFF0] =	vst v25;
	v25 =	vld.idx.msk [tilespmem:v19+s25+$0x0], $0xffff  }
0x28c: {  	v21 =	vadd.f32 v23, v21;
	v19 =	vld.idx.msk [tilespmem:v19+s26+$0x0], $0xffff  }
0x28d: {  	v23 =	vadd.f32 v27, v24;
	v24 =	vld.idx.msk [tilespmem:v18+s25+$0x0], $0xffff  }
0x28e: {  	v21 =	vadd.f32 v22, v21;
	v18 =	vld.idx.msk [tilespmem:v18+s26+$0x0], $0xffff  }
0x28f: {  	v22 =	vadd.f32 v28, v23;
	v23 =	vld.idx.msk [tilespmem:v17+s25+$0x0], $0xffff  }
0x290: {  	v20 =	vadd.f32 v20, v21;
	v17 =	vld.idx.msk [tilespmem:v17+s26+$0x0], $0xffff  }
0x291: {  	v21 =	vadd.f32 v25, v22;
	v22 =	vld.idx.msk [tilespmem:v16+s25+$0x0], $0xffff  }
0x292: {  	v19 =	vadd.f32 v19, v20;
	v16 =	vld.idx.msk [tilespmem:v16+s26+$0x0], $0xffff  }
0x293: {  	v20 =	vadd.f32 v24, v21;
	v21 =	vld.idx.msk [tilespmem:v15+s25+$0x0], $0xffff  }
0x294: {  	v18 =	vadd.f32 v18, v19;
	v19 =	vld.idx.msk [tilespmem:v15+s26+$0x0], $0xffff  }
0x295: {  	v20 =	vadd.f32 v23, v20;
	v23 =	vld.idx.msk [tilespmem:v14+s25+$0x0], $0xffff  }
0x296: {  	v17 =	vadd.f32 v17, v18;
	v15 =	vld.idx.msk [tilespmem:v14+s26+$0x0], $0xffff  }
.Ltmp3:
0x297: {  	v18 =	vadd.f32 v22, v20;
	v14 =	vld.idx.msk [tilespmem:v13+s25+$0x0], $0xffff;
	(pc) =	sbr.rel @p2 .LBB2_8-.Ltmp3, $4  }
0x298: {  	v16 =	vadd.f32 v16, v17;
	v13 =	vld.idx.msk [tilespmem:v13+s26+$0x0], $0xffff  }
0x299: {  	v17 =	vadd.f32 v21, v18;
	v25 =	vld.idx.msk [tilespmem:v12+s25+$0x0], $0xffff  }
0x29a: {  	v16 =	vadd.f32 v19, v16;
	v26 =	vld.idx.msk [tilespmem:v12+s26+$0x0], $0xffff  }
0x29b: {  	s10 =	sadd.s32 $0x20, s10;
	v12 =	vadd.f32 v23, v17;
	v27 =	vld.idx.msk [tilespmem:v10+s25+$0x0], $0xffff  }
0x29c: {  	_ =	sdelay $0x2  }
0x29d: {  	v15 =	vadd.f32 v15, v16  }
0x29e: {  	v10 =	vld.idx.msk [tilespmem:v10+s26+$0x0], $0xffff;
	v12 =	vadd.f32 v14, v12  }
0x29f: {  	v14 =	vld.idx.msk [tilespmem:v11+s25+$0x0], $0xffff;
	v13 =	vadd.f32 v13, v15  }
0x2a0: {  	v11 =	vld.idx.msk [tilespmem:v11+s26+$0x0], $0xffff;
	v12 =	vadd.f32 v25, v12  }
0x2a1: {  	v15 =	vld.idx.msk [tilespmem:v9+s25+$0x0], $0xffff;
	v13 =	vadd.f32 v26, v13  }
0x2a2: {  	v9 =	vld.idx.msk [tilespmem:v9+s26+$0x0], $0xffff;
	v12 =	vadd.f32 v27, v12  }
0x2a3: {  	v16 =	vld.idx.msk [tilespmem:v8+s25+$0x0], $0xffff;
	v10 =	vadd.f32 v10, v13  }
0x2a4: {  	v8 =	vld.idx.msk [tilespmem:v8+s26+$0x0], $0xffff;
	v12 =	vadd.f32 v14, v12  }
0x2a5: {  	v10 =	vadd.f32 v11, v10  }
0x2a6: {  	v11 =	vadd.f32 v15, v12  }
0x2a7: {  	v9 =	vadd.f32 v9, v10  }
0x2a8: {  	v10 =	vadd.f32 v16, v11  }
0x2a9: {  	v8 =	vadd.f32 v8, v9  }
0x2aa: {  	[tilespmem:s7+$0x0] =	vst v10  }
0x2ab: {  	[tilespmem:s8+$0x0] =	vst v8  }
0x2ac: {  	v8 =	vld.idx.msk [tilespmem:v59+s25+$0x0], $0xffff  }
0x2ad: {  	v10 =	vld.idx.msk [tilespmem:v60+s25+$0x0], $0xffff  }
0x2ae: {  	v1 =	vld [tilespmem:$0x1FFC0];
	_ =	sdelay $0x1  }
0x2af: {  	v12 =	vld.idx.msk [tilespmem:v61+s25+$0x0], $0xffff;
	_ =	sdelay $0x1  }
0x2b0: {  	v14 =	vld.idx.msk [tilespmem:v62+s25+$0x0], $0xffff  }
0x2b1: {  	v8 =	vadd.f32 v10, v8  }
0x2b2: {  	v9 =	vld.idx.msk [tilespmem:v59+s26+$0x0], $0xffff  }
0x2b3: {  	v11 =	vld.idx.msk [tilespmem:v60+s26+$0x0], $0xffff;
	v12 =	vadd.f32 v12, v8  }
0x2b4: {  	v16 =	vld.idx.msk [tilespmem:v1+s25+$0x0], $0xffff  }
0x2b5: {  	v12 =	vadd.f32 v14, v12;
	v14 =	vld.idx.msk [tilespmem:v1+s26+$0x0], $0xffff  }
0x2b6: {  	v1 =	vld [tilespmem:$0x1FFD0]  }
0x2b7: {  	v13 =	vld.idx.msk [tilespmem:v61+s26+$0x0], $0xffff;
	_ =	sdelay $0x1  }
0x2b8: {  	v10 =	vld.idx.msk [tilespmem:v62+s26+$0x0], $0xffff  }
0x2b9: {  	v9 =	vadd.f32 v11, v9;
	v11 =	vld.idx.msk [tilespmem:v63+s25+$0x0], $0xffff  }
0x2ba: {  	v15 =	vld.idx.msk [tilespmem:v63+s26+$0x0], $0xffff;
	v8 =	vor.u32 $0xA07, v0  }
0x2bb: {  	v13 =	vadd.f32 v13, v9  }
0x2bc: {  	v9 =	vor.u32 $0xA08, v0  }
0x2bd: {  	v13 =	vadd.f32 v10, v13;
	v17 =	vld.idx.msk [tilespmem:v1+s25+$0x0], $0xffff  }
0x2be: {  	v10 =	vor.u32 $0xA09, v0;
	v11 =	vadd.f32 v11, v12;
	v18 =	vld.idx.msk [tilespmem:v1+s26+$0x0], $0xffff  }
0x2bf: {  	v12 =	vadd.f32 v15, v13;
	v13 =	vld.idx.msk [tilespmem:v8+s25+$0x0], $0xffff  }
0x2c0: {  	v15 =	vadd.f32 v16, v11;
	v16 =	vld.idx.msk [tilespmem:v8+s26+$0x0], $0xffff;
	v11 =	vor.u32 $0xA0A, v0  }
0x2c1: {  	v19 =	vld.idx.msk [tilespmem:v9+s25+$0x0], $0xffff;
	v14 =	vadd.f32 v14, v12  }
0x2c2: {  	v12 =	vor.u32 $0xA0B, v0;
	v15 =	vadd.f32 v17, v15;
	v17 =	vld.idx.msk [tilespmem:v9+s26+$0x0], $0xffff  }
0x2c3: {  	v14 =	vadd.f32 v18, v14;
	v18 =	vld.idx.msk [tilespmem:v10+s25+$0x0], $0xffff  }
0x2c4: {  	v20 =	vld.idx.msk [tilespmem:v10+s26+$0x0], $0xffff;
	v15 =	vadd.f32 v13, v15;
	v13 =	vor.u32 $0xA0C, v0  }
0x2c5: {  	v21 =	vld.idx.msk [tilespmem:v11+s25+$0x0], $0xffff;
	v16 =	vadd.f32 v16, v14  }
0x2c6: {  	v14 =	vor.u32 $0xA0D, v0;
	v15 =	vadd.f32 v19, v15;
	v19 =	vld.idx.msk [tilespmem:v11+s26+$0x0], $0xffff  }
0x2c7: {  	v16 =	vadd.f32 v17, v16;
	v17 =	vld.idx.msk [tilespmem:v12+s25+$0x0], $0xffff  }
0x2c8: {  	v22 =	vld.idx.msk [tilespmem:v12+s26+$0x0], $0xffff;
	v18 =	vadd.f32 v18, v15;
	v15 =	vor.u32 $0xA0E, v0  }
0x2c9: {  	v20 =	vadd.f32 v20, v16;
	v23 =	vld.idx.msk [tilespmem:v13+s25+$0x0], $0xffff  }
0x2ca: {  	v16 =	vor.u32 $0xA0F, v0;
	v18 =	vadd.f32 v21, v18;
	v21 =	vld.idx.msk [tilespmem:v13+s26+$0x0], $0xffff  }
0x2cb: {  	v19 =	vadd.f32 v19, v20;
	v20 =	vld.idx.msk [tilespmem:v14+s25+$0x0], $0xffff  }
0x2cc: {  	v17 =	vadd.f32 v17, v18;
	v18 =	vld.idx.msk [tilespmem:v14+s26+$0x0], $0xffff  }
0x2cd: {  	v19 =	vadd.f32 v22, v19;
	v22 =	vld.idx.msk [tilespmem:v15+s25+$0x0], $0xffff  }
0x2ce: {  	v17 =	vadd.f32 v23, v17;
	v23 =	vld.idx.msk [tilespmem:v15+s26+$0x0], $0xffff  }
0x2cf: {  	v19 =	vadd.f32 v21, v19;
	v21 =	vld.idx.msk [tilespmem:v16+s25+$0x0], $0xffff  }
0x2d0: {  	v17 =	vadd.f32 v20, v17;
	v20 =	vld.idx.msk [tilespmem:v16+s26+$0x0], $0xffff  }
0x2d1: {  	v18 =	vadd.f32 v18, v19  }
0x2d2: {  	v17 =	vadd.f32 v22, v17  }
0x2d3: {  	v18 =	vadd.f32 v23, v18  }
0x2d4: {  	s3 =	sshll.u32 s3, $0x5;
	s22 =	sshll.u32 s17, $0x5;
	v17 =	vadd.f32 v21, v17  }
0x2d5: {  	s3 =	sand.u32 $0x1FF00, s3;
	s7 =	sand.u32 $0x60, s22;
	v18 =	vadd.f32 v20, v18  }
0x2d6: {  	s20 =	sor.u32 s7, s3;
	[tilespmem:$0x1BAA0] =	vst v17  }
0x2d7: {  	s3 =	sadd.s32 s5, s20;
	[tilespmem:$0x1BCA0] =	vst v18  }
0x2d8: {  	[hbm4b:s3+s18] =	stream.strided.scatter [tilespmem:s29], [sflag:$0x3], $0x100, s28, s18, $0x38;
	[tilespmem:$0x1BE00] =	vst v63  }
0x2d9: {  	s23 =	sadd.s32 s6, s20  }
0x2da: {  	[hbm4b:s23+s18] =	stream.strided.scatter [tilespmem:s30], [sflag:$0x3], $0x100, s28, s18, $0x38;
	[tilespmem:$0x1BE00] =	vst v63  }
0x2db: {  	_ =	swait.ge [sflag:s31], $0x1900  }
0x2dc: {  	[sflag:s31] =	ssyncset.done $0x0  }
0x2dd: {  	[sflag:s31] =	ssyncadd.s32 $0xFFFFE700  }
0x2de: {  	_ =	swait.ge [sflag:s31], $0x2C00  }
0x2df: {  	[sflag:s31] =	ssyncset.done $0x0  }
0x2e0: {  	[sflag:s31] =	ssyncadd.s32 $0xFFFFD400  }
0x2e1: {  	_ =	swait.ge [sflag:s31], $0x2C00  }
0x2e2: {  	[sflag:s31] =	ssyncset.done $0x0  }
0x2e3: {  	s11 =	simm.s32 $0xDBF0;
	[sflag:s31] =	ssyncadd.s32 $0xFFFFD400  }
0x2e4: {  	v40 =	vld [tilespmem:s11+$0xFFFFFE10]  }
0x2e5: {  	v39 =	vld [tilespmem:s11+$0xFFFFFE20]  }
0x2e6: {  	v17 =	vld [tilespmem:s11+$0xFFFFFD10]  }
0x2e7: {  	v18 =	vld [tilespmem:s11+$0xFFFFFD20]  }
0x2e8: {  	v22 =	vld [tilespmem:s11+$0xFFFFFE30]  }
0x2e9: {  	v23 =	vld [tilespmem:s11+$0xFFFFFD30]  }
0x2ea: {  	v21 =	vld [tilespmem:s11+$0xFFFFFE40]  }
0x2eb: {  	v24 =	vld [tilespmem:s11+$0xFFFFFD40]  }
0x2ec: {  	v19 =	vld [tilespmem:s11+$0xFFFFFE50];
	v17 =	vmul.f32 v17, v40;
	v18 =	vmul.f32 v18, v39  }
0x2ed: {  	v25 =	vld [tilespmem:s11+$0xFFFFFD50]  }
0x2ee: {  	v20 =	vld [tilespmem:s11+$0xFFFFFE60];
	v23 =	vmul.f32 v23, v22;
	v17 =	vadd.f32 v18, v17  }
0x2ef: {  	v26 =	vld [tilespmem:s11+$0xFFFFFD60]  }
0x2f0: {  	v27 =	vld [tilespmem:s11+$0xFFFFFD70];
	v24 =	vmul.f32 v24, v21;
	v23 =	vadd.f32 v23, v17  }
0x2f1: {  	v18 =	vld [tilespmem:s11+$0xFFFFFE70]  }
0x2f2: {  	v17 =	vld [tilespmem:s11+$0xFFFFFE80];
	v23 =	vadd.f32 v24, v23;
	v24 =	vmul.f32 v25, v19  }
0x2f3: {  	v25 =	vld [tilespmem:s11+$0xFFFFFD80]  }
0x2f4: {  	v26 =	vmul.f32 v26, v20;
	v23 =	vadd.f32 v24, v23;
	_ =	sdelay $0x1  }
0x2f5: {  	v24 =	vmul.f32 v27, v18;
	v23 =	vadd.f32 v26, v23;
	_ =	sdelay $0x1  }
0x2f6: {  	v25 =	vmul.f32 v25, v17;
	v23 =	vadd.f32 v24, v23;
	_ =	sdelay $0x1  }
0x2f7: {  	v23 =	vadd.f32 v25, v23  }
0x2f8: {  	s23 =	simm.s32 $0x1A440  }
0x2f9: {  	s22 =	simm.s32 $0x14FF0;
	[tilespmem:s23+$0xFFFFFFC0] =	vst v23  }
0x2fa: {  	v23 =	vld [tilespmem:s22+$0xFFFFFC10]  }
0x2fb: {  	v24 =	vld [tilespmem:s22+$0xFFFFFC20];
	_ =	sdelay $0x1  }
0x2fc: {  	v25 =	vld [tilespmem:s22+$0xFFFFFC30];
	_ =	sdelay $0x1  }
0x2fd: {  	v26 =	vld [tilespmem:s22+$0xFFFFFC40]  }
0x2fe: {  	v23 =	vmul.f32 v23, v40;
	v24 =	vmul.f32 v24, v39  }
0x2ff: {  	v27 =	vld [tilespmem:s22+$0xFFFFFC50]  }
0x300: {  	v25 =	vmul.f32 v25, v22;
	v23 =	vadd.f32 v24, v23  }
0x301: {  	v24 =	vld [tilespmem:s22+$0xFFFFFC60]  }
0x302: {  	v26 =	vmul.f32 v26, v21;
	v23 =	vadd.f32 v25, v23  }
0x303: {  	v25 =	vld [tilespmem:s22+$0xFFFFFC70]  }
0x304: {  	v27 =	vmul.f32 v27, v19;
	v23 =	vadd.f32 v26, v23  }
0x305: {  	v26 =	vld [tilespmem:s22+$0xFFFFFC80]  }
0x306: {  	v24 =	vmul.f32 v24, v20;
	v23 =	vadd.f32 v27, v23;
	_ =	sdelay $0x1  }
0x307: {  	v23 =	vadd.f32 v24, v23;
	v24 =	vmul.f32 v25, v18;
	_ =	sdelay $0x1  }
0x308: {  	v23 =	vadd.f32 v24, v23;
	v24 =	vmul.f32 v26, v17;
	_ =	sdelay $0x1  }
0x309: {  	v23 =	vadd.f32 v24, v23  }
0x30a: {  	s21 =	simm.s32 $0x1AF40  }
0x30b: {  	[tilespmem:s21+$0xFFFFFFC0] =	vst v23  }
0x30c: {  	v23 =	vld [tilespmem:s11+$0xFFFFFD90]  }
0x30d: {  	v24 =	vld [tilespmem:s11+$0xFFFFFDA0];
	_ =	sdelay $0x1  }
0x30e: {  	v25 =	vld [tilespmem:s11+$0xFFFFFDB0];
	_ =	sdelay $0x1  }
0x30f: {  	v26 =	vld [tilespmem:s11+$0xFFFFFDC0]  }
0x310: {  	v27 =	vmul.f32 v23, v40;
	v28 =	vmul.f32 v24, v39  }
0x311: {  	v32 =	vld [tilespmem:s11+$0xFFFFFDD0]  }
0x312: {  	v29 =	vmul.f32 v25, v22;
	v27 =	vadd.f32 v28, v27  }
0x313: {  	v33 =	vld [tilespmem:s11+$0xFFFFFDE0]  }
0x314: {  	v28 =	vmul.f32 v26, v21;
	v27 =	vadd.f32 v29, v27  }
0x315: {  	v34 =	vld [tilespmem:s11+$0xFFFFFDF0]  }
0x316: {  	v29 =	vmul.f32 v32, v19;
	v27 =	vadd.f32 v28, v27  }
0x317: {  	v37 =	vld [tilespmem:s11+$0xFFFFFE00]  }
0x318: {  	v28 =	vmul.f32 v33, v20;
	v27 =	vadd.f32 v29, v27;
	_ =	sdelay $0x1  }
0x319: {  	v27 =	vadd.f32 v28, v27;
	v28 =	vmul.f32 v34, v18;
	_ =	sdelay $0x1  }
0x31a: {  	v27 =	vadd.f32 v28, v27;
	v28 =	vmul.f32 v37, v17;
	_ =	sdelay $0x1  }
0x31b: {  	v27 =	vadd.f32 v28, v27;
	_ =	sdelay $0x1  }
0x31c: {  	[tilespmem:s23+$0xFFFFFFD0] =	vst v27  }
0x31d: {  	v27 =	vld [tilespmem:s22+$0xFFFFFC90]  }
0x31e: {  	v28 =	vld [tilespmem:s22+$0xFFFFFCA0];
	_ =	sdelay $0x1  }
0x31f: {  	v29 =	vld [tilespmem:s22+$0xFFFFFCB0];
	_ =	sdelay $0x1  }
0x320: {  	v30 =	vld [tilespmem:s22+$0xFFFFFCC0]  }
0x321: {  	v27 =	vmul.f32 v27, v40;
	v28 =	vmul.f32 v28, v39  }
0x322: {  	v31 =	vld [tilespmem:s22+$0xFFFFFCD0]  }
0x323: {  	v29 =	vmul.f32 v29, v22;
	v27 =	vadd.f32 v28, v27  }
0x324: {  	v28 =	vld [tilespmem:s22+$0xFFFFFCE0]  }
0x325: {  	v30 =	vmul.f32 v30, v21;
	v27 =	vadd.f32 v29, v27  }
0x326: {  	v29 =	vld [tilespmem:s22+$0xFFFFFCF0]  }
0x327: {  	v27 =	vadd.f32 v30, v27;
	v30 =	vmul.f32 v31, v19  }
0x328: {  	v31 =	vld [tilespmem:s22+$0xFFFFFD00]  }
0x329: {  	v28 =	vmul.f32 v28, v20;
	v27 =	vadd.f32 v30, v27;
	_ =	sdelay $0x1  }
0x32a: {  	v27 =	vadd.f32 v28, v27;
	v28 =	vmul.f32 v29, v18;
	_ =	sdelay $0x1  }
0x32b: {  	v27 =	vadd.f32 v28, v27;
	v28 =	vmul.f32 v31, v17;
	_ =	sdelay $0x1  }
0x32c: {  	v27 =	vadd.f32 v28, v27;
	_ =	sdelay $0x1  }
0x32d: {  	[tilespmem:s21+$0xFFFFFFD0] =	vst v27  }
0x32e: {  	v35 =	vld [tilespmem:s11+$0xFFFFFE90]  }
0x32f: {  	v36 =	vld [tilespmem:s11+$0xFFFFFEA0];
	_ =	sdelay $0x1  }
0x330: {  	v31 =	vld [tilespmem:s11+$0xFFFFFEB0];
	_ =	sdelay $0x1  }
0x331: {  	v30 =	vld [tilespmem:s11+$0xFFFFFEC0]  }
0x332: {  	v23 =	vmul.f32 v35, v23;
	v24 =	vmul.f32 v36, v24  }
0x333: {  	v29 =	vld [tilespmem:s11+$0xFFFFFED0]  }
0x334: {  	v25 =	vmul.f32 v31, v25;
	v23 =	vadd.f32 v24, v23  }
0x335: {  	v28 =	vld [tilespmem:s11+$0xFFFFFEE0]  }
0x336: {  	v24 =	vmul.f32 v30, v26;
	v23 =	vadd.f32 v25, v23  }
0x337: {  	v27 =	vld [tilespmem:s11+$0xFFFFFEF0]  }
0x338: {  	v25 =	vmul.f32 v29, v32;
	v23 =	vadd.f32 v24, v23  }
0x339: {  	v24 =	vld [tilespmem:s11+$0xFFFFFF00]  }
0x33a: {  	v26 =	vmul.f32 v28, v33;
	v25 =	vadd.f32 v25, v23;
	_ =	sdelay $0x1  }
0x33b: {  	v59 =	vmul.f32 v27, v34;
	v58 =	vadd.f32 v26, v25  }
0x33c: {  	s12 =	simm.s32 $0xDCF0  }
0x33d: {  	v38 =	vld [tilespmem:s12+$0xFFFFFE30];
	v60 =	vmul.f32 v24, v37;
	v32 =	vadd.f32 v59, v58  }
0x33e: {  	v42 =	vld [tilespmem:s12+$0xFFFFFD10]  }
0x33f: {  	v44 =	vld [tilespmem:s12+$0xFFFFFD20];
	v32 =	vadd.f32 v60, v32  }
0x340: {  	v48 =	vld [tilespmem:s12+$0xFFFFFD30]  }
0x341: {  	v50 =	vld [tilespmem:s12+$0xFFFFFD40];
	[tilespmem:s23+$0x0] =	vst v32  }
0x342: {  	v32 =	vld [tilespmem:s22+$0xFFFFFE10]  }
0x343: {  	v41 =	vld [tilespmem:s22+$0xFFFFFE20]  }
0x344: {  	v34 =	vld [tilespmem:s12+$0xFFFFFE20];
	v45 =	vmul.f32 v35, v40;
	v46 =	vmul.f32 v36, v39  }
0x345: {  	v43 =	vld [tilespmem:s22+$0xFFFFFE30]  }
0x346: {  	v7 =	vmov v61;
	v61 =	vmul.f32 v31, v22;
	v33 =	vld [tilespmem:s12+$0xFFFFFE10];
	v45 =	vadd.f32 v46, v45  }
0x347: {  	v47 =	vld [tilespmem:s22+$0xFFFFFE40]  }
0x348: {  	v6 =	vmovc v63;
	v63 =	vadd.f32 v61, v45;
	v45 =	vld [tilespmem:s12+$0xFFFFFD50];
	v32 =	vmul.f32 v32, v35;
	v41 =	vmul.f32 v41, v36  }
0x349: {  	v49 =	vld [tilespmem:s22+$0xFFFFFE50]  }
0x34a: {  	v5 =	vmov v62;
	v25 =	vld [tilespmem:s12+$0xFFFFFE60];
	v62 =	vmul.f32 v43, v31;
	v32 =	vadd.f32 v41, v32  }
0x34b: {  	v51 =	vld [tilespmem:s22+$0xFFFFFE60]  }
0x34c: {  	v37 =	vld [tilespmem:s12+$0xFFFFFE40];
	v57 =	vmul.f32 v47, v30;
	v32 =	vadd.f32 v62, v32  }
0x34d: {  	v44 =	vmul.f32 v44, v34;
	v42 =	vmul.f32 v42, v33;
	v59 =	vld [tilespmem:s22+$0xFFFFFE70]  }
0x34e: {  	v26 =	vld [tilespmem:s12+$0xFFFFFE50];
	v60 =	vmul.f32 v49, v29;
	v32 =	vadd.f32 v57, v32  }
0x34f: {  	v42 =	vadd.f32 v44, v42;
	v58 =	vmul.f32 v48, v38;
	v54 =	vld [tilespmem:s22+$0xFFFFFE80]  }
0x350: {  	v47 =	vld [tilespmem:s12+$0xFFFFFD60];
	v51 =	vmul.f32 v51, v28;
	v41 =	vadd.f32 v60, v32  }
0x351: {  	v61 =	vld [tilespmem:s12+$0xFFFFFD70];
	v42 =	vadd.f32 v58, v42;
	v62 =	vmul.f32 v50, v37  }
0x352: {  	v23 =	vld [tilespmem:s12+$0xFFFFFE70];
	v46 =	vmul.f32 v59, v27;
	v41 =	vadd.f32 v51, v41  }
0x353: {  	v56 =	vmul.f32 v30, v21;
	v55 =	vmul.f32 v45, v26;
	v42 =	vadd.f32 v62, v42;
	v57 =	vld [tilespmem:s12+$0xFFFFFD80]  }
0x354: {  	v52 =	vmul.f32 v29, v19;
	v32 =	vld [tilespmem:s12+$0xFFFFFE80];
	v60 =	vmul.f32 v54, v24;
	v41 =	vadd.f32 v46, v41  }
0x355: {  	v43 =	vadd.f32 v56, v63;
	v47 =	vmul.f32 v47, v25;
	v42 =	vadd.f32 v55, v42  }
0x356: {  	v63 =	vmul.f32 v28, v20;
	v41 =	vadd.f32 v60, v41  }
0x357: {  	v59 =	vmul.f32 v61, v23;
	v43 =	vadd.f32 v52, v43;
	v42 =	vadd.f32 v47, v42  }
0x358: {  	v56 =	vmul.f32 v27, v18;
	[tilespmem:s21+$0x0] =	vst v41  }
0x359: {  	v43 =	vadd.f32 v63, v43;
	v42 =	vadd.f32 v59, v42;
	v61 =	vmul.f32 v57, v32;
	v63 =	vld [tilespmem:s11+$0xFFFFFE10]  }
0x35a: {  	v52 =	vld [tilespmem:s11+$0xFFFFFE20]  }
0x35b: {  	v58 =	vmul.f32 v24, v17;
	v43 =	vadd.f32 v56, v43;
	v62 =	vadd.f32 v61, v42;
	v54 =	vld [tilespmem:s11+$0xFFFFFE30]  }
0x35c: {  	s7 =	simm.s32 $0x1A4C0;
	v56 =	vld [tilespmem:s11+$0xFFFFFE40]  }
0x35d: {  	s9 =	simm.s32 $0x153F0;
	v43 =	vadd.f32 v58, v43;
	[tilespmem:s7+$0xFFFFFFC0] =	vst v62;
	v58 =	vld [tilespmem:s11+$0xFFFFFE50]  }
0x35e: {  	v53 =	vld [tilespmem:s9+$0xFFFFFC10]  }
0x35f: {  	v55 =	vld [tilespmem:s9+$0xFFFFFC20];
	v42 =	vmul.f32 v63, v35;
	v41 =	vmul.f32 v52, v36  }
0x360: {  	v57 =	vld [tilespmem:s9+$0xFFFFFC30]  }
0x361: {  	v59 =	vld [tilespmem:s9+$0xFFFFFC40];
	v60 =	vmul.f32 v54, v31;
	v41 =	vadd.f32 v41, v42  }
0x362: {  	[tilespmem:s23+$0xFFFFFFE0] =	vst v43;
	v61 =	vld [tilespmem:s11+$0xFFFFFE60]  }
0x363: {  	v43 =	vld [tilespmem:s22+$0xFFFFFD10];
	v62 =	vmul.f32 v56, v30;
	v41 =	vadd.f32 v60, v41  }
0x364: {  	v48 =	vld [tilespmem:s11+$0xFFFFFE70];
	v44 =	vmul.f32 v53, v33  }
0x365: {  	v51 =	vld [tilespmem:s9+$0xFFFFFC50];
	v63 =	vmul.f32 v57, v38;
	v57 =	vmul.f32 v58, v29;
	v41 =	vadd.f32 v62, v41  }
0x366: {  	v46 =	vmul.f32 v55, v34;
	v58 =	vmul.f32 v59, v37;
	v59 =	vld [tilespmem:s11+$0xFFFFFE80]  }
0x367: {  	v56 =	vld [tilespmem:s9+$0xFFFFFC60];
	v61 =	vmul.f32 v61, v28;
	v41 =	vadd.f32 v57, v41  }
0x368: {  	v54 =	vld [tilespmem:s22+$0xFFFFFD30];
	v44 =	vadd.f32 v46, v44  }
0x369: {  	v55 =	vmul.f32 v48, v27;
	v60 =	vld [tilespmem:s22+$0xFFFFFD20];
	v41 =	vadd.f32 v61, v41  }
0x36a: {  	v44 =	vadd.f32 v63, v44;
	v63 =	vld [tilespmem:s9+$0xFFFFFC70]  }
0x36b: {  	v52 =	vld [tilespmem:s22+$0xFFFFFD70];
	v57 =	vmul.f32 v59, v24;
	v41 =	vadd.f32 v55, v41  }
0x36c: {  	v46 =	vmul.f32 v56, v25;
	v56 =	vld [tilespmem:s9+$0xFFFFFC80];
	v62 =	vmul.f32 v51, v26;
	v44 =	vadd.f32 v58, v44  }
0x36d: {  	v59 =	vld [tilespmem:s22+$0xFFFFFD40];
	v41 =	vadd.f32 v57, v41  }
0x36e: {  	v43 =	vmul.f32 v43, v40;
	v44 =	vadd.f32 v62, v44;
	v58 =	vmul.f32 v60, v39;
	v60 =	vld [tilespmem:s22+$0xFFFFFD50]  }
0x36f: {  	v61 =	vmul.f32 v63, v23;
	v63 =	vld [tilespmem:s22+$0xFFFFFD60];
	[tilespmem:s23+$0x10] =	vst v41  }
0x370: {  	v51 =	vmul.f32 v54, v22;
	v44 =	vadd.f32 v46, v44;
	v62 =	vadd.f32 v58, v43;
	v41 =	vld [tilespmem:s22+$0xFFFFFE90]  }
0x371: {  	v53 =	vmul.f32 v56, v32;
	v55 =	vld [tilespmem:s22+$0xFFFFFEA0]  }
0x372: {  	v56 =	vld [tilespmem:s22+$0xFFFFFD80];
	v44 =	vadd.f32 v61, v44;
	v42 =	vadd.f32 v51, v62;
	v54 =	vmul.f32 v59, v21  }
0x373: {  	v58 =	vld [tilespmem:s22+$0xFFFFFEB0]  }
0x374: {  	v57 =	vmul.f32 v60, v19;
	v44 =	vadd.f32 v53, v44;
	v45 =	vadd.f32 v54, v42;
	v60 =	vld [tilespmem:s22+$0xFFFFFEC0]  }
0x375: {  	s14 =	simm.s32 $0x1AFC0;
	v59 =	vmul.f32 v63, v20;
	v61 =	vld [tilespmem:s22+$0xFFFFFED0]  }
0x376: {  	[tilespmem:s14+$0xFFFFFFC0] =	vst v44;
	v45 =	vadd.f32 v57, v45;
	v63 =	vld [tilespmem:s22+$0xFFFFFEE0];
	v41 =	vmul.f32 v41, v35;
	v46 =	vmul.f32 v55, v36  }
0x377: {  	v47 =	vmul.f32 v52, v18;
	v42 =	vld [tilespmem:s12+$0xFFFFFD90]  }
0x378: {  	v43 =	vld [tilespmem:s12+$0xFFFFFDA0];
	v49 =	vadd.f32 v59, v45;
	v62 =	vmul.f32 v58, v31;
	v41 =	vadd.f32 v46, v41  }
0x379: {  	v48 =	vmul.f32 v56, v17;
	v44 =	vld [tilespmem:s12+$0xFFFFFDC0]  }
0x37a: {  	v45 =	vld [tilespmem:s12+$0xFFFFFDB0];
	v47 =	vadd.f32 v47, v49;
	v50 =	vmul.f32 v60, v30;
	v41 =	vadd.f32 v62, v41  }
0x37b: {  	v58 =	vld [tilespmem:s22+$0xFFFFFEF0]  }
0x37c: {  	v59 =	vmul.f32 v61, v29;
	v61 =	vld [tilespmem:s22+$0xFFFFFF00];
	v47 =	vadd.f32 v48, v47;
	v41 =	vadd.f32 v50, v41  }
0x37d: {  	v57 =	vmul.f32 v42, v33;
	v53 =	vmul.f32 v43, v34;
	v48 =	vld [tilespmem:s12+$0xFFFFFDE0]  }
0x37e: {  	v49 =	vmul.f32 v63, v28;
	v46 =	vld [tilespmem:s12+$0xFFFFFDD0];
	[tilespmem:s21+$0xFFFFFFE0] =	vst v47;
	v41 =	vadd.f32 v59, v41  }
0x37f: {  	v60 =	vmul.f32 v45, v38;
	v53 =	vadd.f32 v53, v57;
	v54 =	vld [tilespmem:s11+$0xFFFFFF10]  }
0x380: {  	v63 =	vld [tilespmem:s11+$0xFFFFFF20];
	v52 =	vmul.f32 v58, v27;
	v41 =	vadd.f32 v49, v41  }
0x381: {  	v62 =	vmul.f32 v44, v37;
	v56 =	vld [tilespmem:s11+$0xFFFFFF30];
	v47 =	vadd.f32 v60, v53  }
0x382: {  	v51 =	vmul.f32 v61, v24;
	v49 =	vld [tilespmem:s12+$0xFFFFFDF0];
	v41 =	vadd.f32 v52, v41  }
0x383: {  	v57 =	vld [tilespmem:s11+$0xFFFFFF60];
	v55 =	vmul.f32 v46, v26;
	v47 =	vadd.f32 v62, v47  }
0x384: {  	v50 =	vld [tilespmem:s12+$0xFFFFFE00];
	v41 =	vadd.f32 v51, v41  }
0x385: {  	v60 =	vmul.f32 v48, v25;
	v47 =	vadd.f32 v55, v47;
	v55 =	vld [tilespmem:s11+$0xFFFFFF40]  }
0x386: {  	v61 =	vmul.f32 v54, v40;
	v53 =	vmul.f32 v63, v39;
	v54 =	vld [tilespmem:s11+$0xFFFFFF50];
	[tilespmem:s21+$0x10] =	vst v41  }
0x387: {  	v47 =	vadd.f32 v60, v47;
	v62 =	vmul.f32 v49, v23;
	v51 =	vld [tilespmem:s11+$0xFFFFFF10]  }
0x388: {  	v63 =	vadd.f32 v53, v61;
	v60 =	vmul.f32 v56, v22;
	v56 =	vld [tilespmem:s11+$0xFFFFFF20]  }
0x389: {  	v58 =	vld [tilespmem:s11+$0xFFFFFF70];
	v61 =	vmul.f32 v50, v32;
	v47 =	vadd.f32 v62, v47  }
0x38a: {  	v41 =	vadd.f32 v60, v63;
	v62 =	vmul.f32 v55, v21;
	v63 =	vld [tilespmem:s11+$0xFFFFFF30]  }
0x38b: {  	v60 =	vld [tilespmem:s11+$0xFFFFFF80];
	v47 =	vadd.f32 v61, v47  }
0x38c: {  	v54 =	vmul.f32 v54, v19;
	v41 =	vadd.f32 v62, v41;
	v61 =	vld [tilespmem:s11+$0xFFFFFF40]  }
0x38d: {  	v62 =	vld [tilespmem:s11+$0xFFFFFF50];
	[tilespmem:s7+$0xFFFFFFD0] =	vst v47;
	v51 =	vmul.f32 v51, v35;
	v56 =	vmul.f32 v56, v36  }
0x38e: {  	v57 =	vmul.f32 v57, v20;
	v41 =	vadd.f32 v54, v41;
	v53 =	vld [tilespmem:s9+$0xFFFFFC90]  }
0x38f: {  	v59 =	vld [tilespmem:s9+$0xFFFFFCA0];
	v52 =	vmul.f32 v63, v31;
	v51 =	vadd.f32 v56, v51  }
0x390: {  	v63 =	vmul.f32 v58, v18;
	v41 =	vadd.f32 v57, v41;
	v57 =	vld [tilespmem:s11+$0xFFFFFF60]  }
0x391: {  	v55 =	vld [tilespmem:s11+$0xFFFFFF70];
	v47 =	vmul.f32 v61, v30;
	v51 =	vadd.f32 v52, v51  }
0x392: {  	v60 =	vmul.f32 v60, v17;
	v58 =	vld [tilespmem:s9+$0xFFFFFCB0];
	v41 =	vadd.f32 v63, v41  }
0x393: {  	v56 =	vld [tilespmem:s9+$0xFFFFFCC0];
	v61 =	vmul.f32 v62, v29;
	v47 =	vadd.f32 v47, v51  }
0x394: {  	v41 =	vadd.f32 v60, v41;
	v62 =	vmul.f32 v53, v33;
	v53 =	vld [tilespmem:s11+$0xFFFFFF80];
	v63 =	vmul.f32 v59, v34  }
0x395: {  	v60 =	vmul.f32 v57, v28;
	v47 =	vadd.f32 v61, v47  }
0x396: {  	v57 =	vld [tilespmem:s9+$0xFFFFFCD0];
	[tilespmem:s23+$0xFFFFFFF0] =	vst v41;
	v52 =	vadd.f32 v63, v62  }
0x397: {  	v62 =	vmul.f32 v55, v27;
	v61 =	vmul.f32 v58, v38;
	v54 =	vld [tilespmem:s22+$0xFFFFFD90];
	v47 =	vadd.f32 v60, v47  }
0x398: {  	v63 =	vmul.f32 v56, v37;
	v60 =	vld [tilespmem:s9+$0xFFFFFCE0]  }
0x399: {  	v41 =	vadd.f32 v61, v52;
	v61 =	vld [tilespmem:s22+$0xFFFFFDA0];
	v53 =	vmul.f32 v53, v24;
	v51 =	vadd.f32 v62, v47  }
0x39a: {  	v62 =	vld [tilespmem:s9+$0xFFFFFCF0]  }
0x39b: {  	v41 =	vadd.f32 v63, v41;
	v63 =	vmul.f32 v57, v26;
	v47 =	vld [tilespmem:s22+$0xFFFFFDB0];
	v51 =	vadd.f32 v53, v51  }
0x39c: {  	v53 =	vld [tilespmem:s9+$0xFFFFFD00]  }
0x39d: {  	v55 =	vadd.f32 v63, v41;
	v41 =	vld [tilespmem:s22+$0xFFFFFDC0];
	v56 =	vmul.f32 v60, v25;
	[tilespmem:s23+$0x20] =	vst v51  }
0x39e: {  	s10 =	simm.s32 $0x2;
	v52 =	vmul.f32 v61, v39;
	v51 =	vmul.f32 v54, v40;
	v57 =	vld [tilespmem:s22+$0xFFFFFF10]  }
0x39f: {  	s15 =	simm.s32 $0xDDF0;
	s8 =	simm.s32 $0x1AFC0;
	s3 =	simm.s32 $0x153F0;
	v40 =	vadd.f32 v56, v55;
	v54 =	vmul.f32 v62, v23;
	v58 =	vld [tilespmem:s22+$0xFFFFFF20]  }
.LBB2_10:
0x3a0: {  	v39 =	vld [tilespmem:s15+$0xFFFFFE80];
	v51 =	vadd.f32 v52, v51;
	v52 =	vmul.f32 v47, v22;
	v22 =	vmov v38  }
0x3a1: {  	v38 =	vadd.f32 v54, v40;
	v40 =	vmul.f32 v53, v32;
	v55 =	vld [tilespmem:s22+$0xFFFFFF30]  }
0x3a2: {  	v47 =	vld [tilespmem:s15+$0xFFFFFE70];
	v51 =	vadd.f32 v52, v51;
	v41 =	vmul.f32 v41, v21;
	v21 =	vmov v37  }
0x3a3: {  	v37 =	vadd.f32 v40, v38;
	v38 =	vld [tilespmem:s22+$0xFFFFFF40]  }
0x3a4: {  	v40 =	vmul.f32 v57, v35;
	v53 =	vld [tilespmem:s15+$0xFFFFFD70];
	v51 =	vadd.f32 v41, v51;
	v41 =	vmul.f32 v58, v36  }
0x3a5: {  	[tilespmem:s14+$0xFFFFFFD0] =	vst v37;
	v37 =	vld [tilespmem:s22+$0xFFFFFF50]  }
0x3a6: {  	v54 =	vld [tilespmem:s12+$0xFFFFFE90];
	v40 =	vadd.f32 v41, v40;
	v41 =	vmul.f32 v55, v31  }
0x3a7: {  	v57 =	vld [tilespmem:s22+$0xFFFFFF60]  }
0x3a8: {  	v55 =	vld [tilespmem:s12+$0xFFFFFEA0];
	v40 =	vadd.f32 v41, v40;
	v38 =	vmul.f32 v38, v30  }
0x3a9: {  	v41 =	vld [tilespmem:s22+$0xFFFFFF70]  }
0x3aa: {  	v56 =	vld [tilespmem:s12+$0xFFFFFEB0];
	v38 =	vadd.f32 v38, v40;
	v37 =	vmul.f32 v37, v29  }
0x3ab: {  	v40 =	vmul.f32 v54, v33;
	v60 =	vld [tilespmem:s22+$0xFFFFFF80]  }
0x3ac: {  	v52 =	vld [tilespmem:s15+$0xFFFFFE60];
	v37 =	vadd.f32 v37, v38;
	v38 =	vmul.f32 v57, v28  }
0x3ad: {  	v61 =	vmul.f32 v54, v42;
	v58 =	vmul.f32 v55, v34;
	v57 =	vld [tilespmem:s12+$0xFFFFFEC0]  }
0x3ae: {  	v43 =	vmul.f32 v55, v43;
	v59 =	vld [tilespmem:s15+$0xFFFFFD60];
	v37 =	vadd.f32 v38, v37;
	v38 =	vmul.f32 v41, v27  }
0x3af: {  	v40 =	vadd.f32 v58, v40;
	v41 =	vmul.f32 v56, v22;
	v58 =	vld [tilespmem:s12+$0xFFFFFED0];
	v62 =	vmul.f32 v56, v45  }
0x3b0: {  	v43 =	vadd.f32 v43, v61;
	v42 =	vld [tilespmem:s15+$0xFFFFFE50];
	v37 =	vadd.f32 v38, v37;
	v38 =	vmul.f32 v60, v24  }
0x3b1: {  	v40 =	vadd.f32 v41, v40;
	v45 =	vld [tilespmem:s12+$0xFFFFFEE0]  }
0x3b2: {  	v41 =	vadd.f32 v62, v43;
	v60 =	vld [tilespmem:s15+$0xFFFFFD50];
	v61 =	vmul.f32 v57, v44;
	v37 =	vadd.f32 v38, v37  }
0x3b3: {  	v38 =	vmul.f32 v57, v21;
	v44 =	vld [tilespmem:s12+$0xFFFFFEF0]  }
0x3b4: {  	v62 =	vmul.f32 v58, v26;
	v43 =	vld [tilespmem:s12+$0xFFFFFF00];
	v41 =	vadd.f32 v61, v41;
	v46 =	vmul.f32 v58, v46;
	[tilespmem:s21+$0x20] =	vst v37  }
0x3b5: {  	v38 =	vadd.f32 v38, v40;
	v40 =	vld [tilespmem:s11+$0xFFFFFF90]  }
0x3b6: {  	v61 =	vmul.f32 v45, v25;
	v41 =	vadd.f32 v46, v41;
	v46 =	vmul.f32 v45, v48;
	v48 =	vld [tilespmem:s11+$0xFFFFFFA0]  }
0x3b7: {  	v62 =	vadd.f32 v62, v38;
	v37 =	vld [tilespmem:s15+$0xFFFFFE40]  }
0x3b8: {  	v63 =	vmul.f32 v44, v23;
	v41 =	vadd.f32 v46, v41;
	v46 =	vmul.f32 v44, v49;
	v49 =	vld [tilespmem:s11+$0xFFFFFFB0]  }
0x3b9: {  	v61 =	vadd.f32 v61, v62;
	v38 =	vld [tilespmem:s15+$0xFFFFFE30];
	v62 =	vmul.f32 v43, v32  }
0x3ba: {  	v50 =	vmul.f32 v43, v50;
	v46 =	vadd.f32 v46, v41;
	v1 =	vld [tilespmem:s11+$0xFFFFFFC0]  }
0x3bb: {  	v61 =	vadd.f32 v63, v61;
	v63 =	vmul.f32 v40, v35;
	v41 =	vld [tilespmem:s15+$0xFFFFFE10];
	v48 =	vmul.f32 v48, v36  }
0x3bc: {  	v46 =	vadd.f32 v50, v46;
	v50 =	vld [tilespmem:s11+$0xFFFFFFD0]  }
0x3bd: {  	v61 =	vadd.f32 v62, v61;
	v40 =	vld [tilespmem:s15+$0xFFFFFE20];
	v48 =	vadd.f32 v48, v63;
	v49 =	vmul.f32 v49, v31  }
0x3be: {  	[tilespmem:s7+$0x0] =	vst v46;
	v46 =	vld [tilespmem:s11+$0xFFFFFFE0]  }
0x3bf: {  	[tilespmem:s7+$0xFFFFFFE0] =	vst v61;
	v61 =	vld [tilespmem:s9+$0xFFFFFE10];
	v48 =	vadd.f32 v49, v48;
	v1 =	vmul.f32 v1, v30  }
0x3c0: {  	v49 =	vld [tilespmem:s11+$0xFFFFFFF0]  }
0x3c1: {  	v62 =	vld [tilespmem:s9+$0xFFFFFE20];
	v1 =	vadd.f32 v1, v48;
	v48 =	vmul.f32 v50, v29  }
0x3c2: {  	v50 =	vld [tilespmem:s11+$0x0];
	s11 =	smov.u32 s12;
	s12 =	smov.u32 s15  }
0x3c3: {  	v63 =	vld [tilespmem:s15+$0xFFFFFD10];
	v1 =	vadd.f32 v48, v1;
	v46 =	vmul.f32 v46, v28  }
0x3c4: {  	v48 =	vld [tilespmem:s9+$0xFFFFFE30]  }
0x3c5: {  	v2 =	vld [tilespmem:s15+$0xFFFFFD20];
	v1 =	vadd.f32 v46, v1;
	v46 =	vmul.f32 v49, v27  }
0x3c6: {  	v49 =	vmul.f32 v61, v54;
	v61 =	vld [tilespmem:s9+$0xFFFFFE40]  }
0x3c7: {  	v62 =	vmul.f32 v62, v55;
	v3 =	vld [tilespmem:s15+$0xFFFFFD30];
	v1 =	vadd.f32 v46, v1;
	v46 =	vmul.f32 v50, v24  }
0x3c8: {  	v50 =	vld [tilespmem:s9+$0xFFFFFE50]  }
0x3c9: {  	v49 =	vadd.f32 v62, v49;
	v4 =	vld [tilespmem:s15+$0xFFFFFD40];
	v48 =	vmul.f32 v48, v56;
	v1 =	vadd.f32 v46, v1  }
0x3ca: {  	v46 =	vmul.f32 v63, v41;
	v2 =	vmul.f32 v2, v40;
	v62 =	vld [tilespmem:s9+$0xFFFFFE60]  }
0x3cb: {  	v48 =	vadd.f32 v48, v49;
	v49 =	vmul.f32 v61, v57;
	v61 =	vld [tilespmem:s9+$0xFFFFFE70];
	[tilespmem:s23+$0x30] =	vst v1;
	s23 =	smov.u32 s7  }
0x3cc: {  	v1 =	vadd.f32 v2, v46;
	v2 =	vmul.f32 v3, v38;
	v3 =	vld [tilespmem:s22+$0xFFFFFF90]  }
0x3cd: {  	v46 =	vadd.f32 v49, v48;
	v48 =	vmul.f32 v50, v58;
	v49 =	vld [tilespmem:s22+$0xFFFFFFA0]  }
0x3ce: {  	v1 =	vadd.f32 v2, v1;
	v2 =	vmul.f32 v4, v37;
	v4 =	vld [tilespmem:s9+$0xFFFFFE80]  }
0x3cf: {  	v46 =	vadd.f32 v48, v46;
	v48 =	vmul.f32 v62, v45;
	v50 =	vld [tilespmem:s22+$0xFFFFFFB0]  }
0x3d0: {  	v1 =	vadd.f32 v2, v1;
	v2 =	vmul.f32 v60, v42;
	v60 =	vld [tilespmem:s15+$0xFFFFFD80]  }
0x3d1: {  	v59 =	vmul.f32 v59, v52;
	v46 =	vadd.f32 v48, v46;
	v48 =	vmul.f32 v61, v44;
	v61 =	vld [tilespmem:s22+$0xFFFFFFC0]  }
0x3d2: {  	v3 =	vmul.f32 v3, v35;
	v35 =	vmovc v54;
	v1 =	vadd.f32 v2, v1;
	v2 =	vld [tilespmem:s9+$0xFFFFFD10];
	v49 =	vmul.f32 v49, v36  }
0x3d3: {  	v53 =	vmul.f32 v53, v47;
	v36 =	vmovc v55;
	v46 =	vadd.f32 v48, v46;
	v4 =	vmul.f32 v4, v43;
	v48 =	vld [tilespmem:s22+$0xFFFFFFD0]  }
0x3d4: {  	v1 =	vadd.f32 v59, v1;
	v54 =	vld [tilespmem:s9+$0xFFFFFD20];
	v3 =	vadd.f32 v49, v3;
	v49 =	vmul.f32 v50, v31;
	v31 =	vmovc v56  }
0x3d5: {  	v50 =	vmul.f32 v60, v39;
	v4 =	vadd.f32 v4, v46;
	v46 =	vld [tilespmem:s22+$0xFFFFFFE0]  }
0x3d6: {  	v1 =	vadd.f32 v53, v1;
	v53 =	vld [tilespmem:s9+$0xFFFFFD30];
	v3 =	vadd.f32 v49, v3;
	v49 =	vmul.f32 v61, v30;
	v30 =	vmovc v57  }
0x3d7: {  	v2 =	vmul.f32 v2, v33;
	[tilespmem:s14+$0x0] =	vst v4;
	v4 =	vld [tilespmem:s22+$0xFFFFFFF0]  }
0x3d8: {  	v1 =	vadd.f32 v50, v1;
	v50 =	vld [tilespmem:s11+$0xFFFFFE10];
	v3 =	vadd.f32 v49, v3;
	v48 =	vmul.f32 v48, v29;
	v29 =	vmovc v58  }
0x3d9: {  	s7 =	sadd.s32 $0x80, s7;
	v49 =	vmul.f32 v54, v34;
	v54 =	vld [tilespmem:s22+$0x0]  }
0x3da: {  	s9 =	sadd.s32 $0x400, s9;
	[tilespmem:s7+$0xFFFFFFC0] =	vst v1;
	v1 =	vld [tilespmem:s11+$0xFFFFFE20];
	v3 =	vadd.f32 v48, v3;
	v46 =	vmul.f32 v46, v28;
	v28 =	vmov v45  }
0x3db: {  	s10 =	sadd.s32 $0x2, s10;
	v45 =	vld [tilespmem:s9+$0xFFFFFC10];
	v2 =	vadd.f32 v49, v2;
	v48 =	vmul.f32 v53, v22  }
0x3dc: {  	p2 =	slt.u32 s10, $0x2A;
	v49 =	vld [tilespmem:s11+$0xFFFFFE30];
	v3 =	vadd.f32 v46, v3;
	v4 =	vmul.f32 v4, v27;
	v27 =	vmov v44  }
0x3dd: {  	v44 =	vld [tilespmem:s9+$0xFFFFFC20];
	v2 =	vadd.f32 v48, v2  }
0x3de: {  	v46 =	vld [tilespmem:s11+$0xFFFFFE40];
	v3 =	vadd.f32 v4, v3;
	v4 =	vmul.f32 v54, v24;
	v24 =	vmov v43  }
0x3df: {  	v48 =	vmul.f32 v50, v35;
	v43 =	vld [tilespmem:s9+$0xFFFFFC30];
	v1 =	vmul.f32 v1, v36  }
0x3e0: {  	v50 =	vld [tilespmem:s11+$0xFFFFFE50];
	v3 =	vadd.f32 v4, v3  }
0x3e1: {  	v4 =	vld [tilespmem:s9+$0xFFFFFC40];
	v1 =	vadd.f32 v1, v48;
	v48 =	vmul.f32 v49, v31  }
0x3e2: {  	v45 =	vmul.f32 v45, v41;
	v49 =	vld [tilespmem:s11+$0xFFFFFE60];
	[tilespmem:s21+$0x30] =	vst v3  }
0x3e3: {  	v3 =	vmul.f32 v44, v40;
	v44 =	vld [tilespmem:s9+$0xFFFFFC50];
	v1 =	vadd.f32 v48, v1;
	v46 =	vmul.f32 v46, v30  }
0x3e4: {  	v43 =	vmul.f32 v43, v38;
	v48 =	vld [tilespmem:s11+$0xFFFFFE70]  }
0x3e5: {  	v3 =	vadd.f32 v3, v45;
	v45 =	vld [tilespmem:s9+$0xFFFFFC60];
	v1 =	vadd.f32 v46, v1;
	v46 =	vmul.f32 v50, v29  }
0x3e6: {  	v4 =	vmul.f32 v4, v37;
	v50 =	vld [tilespmem:s11+$0xFFFFFE80]  }
0x3e7: {  	v3 =	vadd.f32 v43, v3;
	v43 =	vld [tilespmem:s3+$0xFFFFFD40];
	v1 =	vadd.f32 v46, v1;
	v46 =	vmul.f32 v49, v28  }
0x3e8: {  	v44 =	vmul.f32 v44, v42;
	v49 =	vld [tilespmem:s9+$0xFFFFFC70]  }
0x3e9: {  	v3 =	vadd.f32 v4, v3;
	v4 =	vld [tilespmem:s3+$0xFFFFFD50];
	v1 =	vadd.f32 v46, v1;
	v46 =	vmul.f32 v48, v27  }
0x3ea: {  	v45 =	vmul.f32 v45, v52;
	v48 =	vld [tilespmem:s9+$0xFFFFFC80]  }
0x3eb: {  	v3 =	vadd.f32 v44, v3;
	v44 =	vld [tilespmem:s3+$0xFFFFFD60];
	v1 =	vadd.f32 v46, v1;
	v46 =	vmul.f32 v50, v24  }
0x3ec: {  	v43 =	vmul.f32 v43, v21;
	v50 =	vld [tilespmem:s3+$0xFFFFFD70]  }
0x3ed: {  	v3 =	vadd.f32 v45, v3;
	v45 =	vmul.f32 v49, v47;
	v49 =	vld [tilespmem:s3+$0xFFFFFD80];
	v1 =	vadd.f32 v46, v1  }
0x3ee: {  	v2 =	vadd.f32 v43, v2;
	v4 =	vmul.f32 v4, v26;
	v43 =	vld [tilespmem:s22+$0xFFFFFDD0]  }
0x3ef: {  	v3 =	vadd.f32 v45, v3;
	v45 =	vmul.f32 v48, v39;
	[tilespmem:s23+$0x10] =	vst v1;
	v1 =	vld [tilespmem:s22+$0xFFFFFDE0]  }
0x3f0: {  	v2 =	vadd.f32 v4, v2;
	v4 =	vmul.f32 v44, v25;
	v44 =	vld [tilespmem:s3+$0xFFFFFE90]  }
0x3f1: {  	v3 =	vadd.f32 v45, v3;
	v45 =	vmul.f32 v50, v23;
	v46 =	vld [tilespmem:s3+$0xFFFFFEA0]  }
0x3f2: {  	s14 =	sadd.s32 $0x80, s14;
	v2 =	vadd.f32 v4, v2;
	v4 =	vmul.f32 v49, v32;
	v48 =	vld [tilespmem:s22+$0xFFFFFDF0]  }
0x3f3: {  	[tilespmem:s14+$0xFFFFFFC0] =	vst v3;
	v3 =	vld [tilespmem:s3+$0xFFFFFEB0];
	v43 =	vmul.f32 v43, v19;
	v19 =	vmov v26;
	v26 =	vmov v42  }
0x3f4: {  	v42 =	vld [tilespmem:s15+$0xFFFFFD90];
	v2 =	vadd.f32 v45, v2;
	v1 =	vmul.f32 v1, v20;
	v20 =	vmovc v25;
	v25 =	vmov v52  }
0x3f5: {  	v49 =	vld [tilespmem:s3+$0xFFFFFEC0];
	v45 =	vadd.f32 v43, v51  }
0x3f6: {  	v43 =	vld [tilespmem:s15+$0xFFFFFDA0];
	v2 =	vadd.f32 v4, v2;
	v4 =	vmul.f32 v44, v35;
	v44 =	vmul.f32 v46, v36  }
0x3f7: {  	v50 =	vld [tilespmem:s3+$0xFFFFFED0];
	v1 =	vadd.f32 v1, v45;
	v46 =	vmul.f32 v48, v18;
	v18 =	vmovc v23;
	v23 =	vmov v47  }
0x3f8: {  	v45 =	vld [tilespmem:s15+$0xFFFFFDB0];
	[tilespmem:s8+$0xFFFFFFE0] =	vst v2;
	v2 =	vadd.f32 v44, v4;
	v3 =	vmul.f32 v3, v31  }
0x3f9: {  	v4 =	vld [tilespmem:s3+$0xFFFFFEE0];
	v52 =	vadd.f32 v46, v1  }
0x3fa: {  	v44 =	vld [tilespmem:s15+$0xFFFFFDC0];
	v1 =	vadd.f32 v3, v2;
	v2 =	vmul.f32 v49, v30  }
0x3fb: {  	v3 =	vmul.f32 v42, v41;
	v47 =	vld [tilespmem:s3+$0xFFFFFEF0]  }
0x3fc: {  	v48 =	vmul.f32 v43, v40;
	v46 =	vld [tilespmem:s15+$0xFFFFFDD0];
	v1 =	vadd.f32 v2, v1;
	v2 =	vmul.f32 v50, v29  }
0x3fd: {  	v49 =	vmul.f32 v45, v38;
	v50 =	vld [tilespmem:s3+$0xFFFFFF00]  }
0x3fe: {  	v3 =	vadd.f32 v48, v3;
	v51 =	vld [tilespmem:s11+$0xFFFFFF10];
	v1 =	vadd.f32 v2, v1;
	v2 =	vmul.f32 v4, v28  }
0x3ff: {  	v4 =	vmul.f32 v44, v37;
	v48 =	vld [tilespmem:s15+$0xFFFFFDE0]  }
0x400: {  	v3 =	vadd.f32 v49, v3;
	v53 =	vld [tilespmem:s11+$0xFFFFFF20];
	v1 =	vadd.f32 v2, v1;
	v2 =	vmul.f32 v47, v27  }
0x401: {  	v47 =	vmul.f32 v46, v26;
	v49 =	vld [tilespmem:s15+$0xFFFFFDF0]  }
0x402: {  	v3 =	vadd.f32 v4, v3;
	v4 =	vld [tilespmem:s11+$0xFFFFFF30];
	v1 =	vadd.f32 v2, v1;
	v2 =	vmul.f32 v50, v24  }
0x403: {  	v50 =	vld [tilespmem:s15+$0xFFFFFE00];
	v51 =	vmul.f32 v51, v33  }
0x404: {  	v3 =	vadd.f32 v47, v3;
	v47 =	vmul.f32 v48, v25;
	v54 =	vld [tilespmem:s11+$0xFFFFFF40];
	v1 =	vadd.f32 v2, v1  }
0x405: {  	v2 =	vmul.f32 v53, v34;
	v53 =	vld [tilespmem:s11+$0xFFFFFF50]  }
0x406: {  	v3 =	vadd.f32 v47, v3;
	v47 =	vmul.f32 v49, v23;
	v55 =	vld [tilespmem:s11+$0xFFFFFF60];
	[tilespmem:s8+$0x10] =	vst v1  }
0x407: {  	v1 =	vadd.f32 v2, v51;
	v2 =	vmul.f32 v4, v22;
	v4 =	vld [tilespmem:s11+$0xFFFFFF10]  }
0x408: {  	v3 =	vadd.f32 v47, v3;
	v47 =	vmul.f32 v50, v39;
	v51 =	vld [tilespmem:s11+$0xFFFFFF20]  }
0x409: {  	v1 =	vadd.f32 v2, v1;
	v2 =	vmul.f32 v54, v21;
	v54 =	vld [tilespmem:s11+$0xFFFFFF70]  }
0x40a: {  	v3 =	vadd.f32 v47, v3;
	v47 =	vmul.f32 v53, v19;
	v53 =	vld [tilespmem:s11+$0xFFFFFF30]  }
0x40b: {  	v1 =	vadd.f32 v2, v1;
	v2 =	vmul.f32 v55, v20;
	v55 =	vld [tilespmem:s11+$0xFFFFFF80]  }
0x40c: {  	[tilespmem:s7+$0xFFFFFFD0] =	vst v3;
	v3 =	vld [tilespmem:s11+$0xFFFFFF40]  }
0x40d: {  	v4 =	vmul.f32 v4, v35;
	v56 =	vld [tilespmem:s9+$0xFFFFFC90];
	v1 =	vadd.f32 v47, v1;
	v47 =	vmul.f32 v51, v36  }
0x40e: {  	v51 =	vmul.f32 v54, v18;
	v54 =	vld [tilespmem:s11+$0xFFFFFF50]  }
0x40f: {  	v57 =	vld [tilespmem:s9+$0xFFFFFCA0];
	v1 =	vadd.f32 v2, v1;
	v2 =	vadd.f32 v47, v4;
	v4 =	vmul.f32 v53, v31  }
0x410: {  	v47 =	vmul.f32 v55, v32;
	v53 =	vld [tilespmem:s11+$0xFFFFFF60]  }
0x411: {  	v55 =	vld [tilespmem:s9+$0xFFFFFCB0];
	v1 =	vadd.f32 v51, v1;
	v2 =	vadd.f32 v4, v2;
	v3 =	vmul.f32 v3, v30  }
0x412: {  	v4 =	vld [tilespmem:s11+$0xFFFFFF70]  }
0x413: {  	v51 =	vld [tilespmem:s9+$0xFFFFFCC0];
	v1 =	vadd.f32 v47, v1;
	v2 =	vadd.f32 v3, v2;
	v3 =	vmul.f32 v54, v29  }
0x414: {  	v47 =	vmul.f32 v56, v41;
	v54 =	vld [tilespmem:s11+$0xFFFFFF80]  }
0x415: {  	v56 =	vmul.f32 v57, v40;
	[tilespmem:s23+$0xFFFFFFF0] =	vst v1;
	v1 =	vadd.f32 v3, v2;
	v2 =	vmul.f32 v53, v28;
	v3 =	vld [tilespmem:s22+$0xFFFFFE00];
	s22 =	smov.u32 s3;
	s3 =	smov.u32 s9  }
0x416: {  	v53 =	vmul.f32 v55, v38;
	v55 =	vld [tilespmem:s9+$0xFFFFFCD0]  }
0x417: {  	v47 =	vadd.f32 v56, v47;
	v56 =	vld [tilespmem:s22+$0xFFFFFD90];
	v1 =	vadd.f32 v2, v1;
	v2 =	vmul.f32 v4, v27  }
0x418: {  	v4 =	vmul.f32 v51, v37;
	v57 =	vld [tilespmem:s9+$0xFFFFFCE0]  }
0x419: {  	v47 =	vadd.f32 v53, v47;
	v58 =	vld [tilespmem:s22+$0xFFFFFDA0];
	v1 =	vadd.f32 v2, v1;
	v2 =	vmul.f32 v54, v24  }
0x41a: {  	v54 =	vld [tilespmem:s9+$0xFFFFFCF0];
	v3 =	vmul.f32 v3, v17;
	v17 =	vmov v32;
	v32 =	vmov v39  }
.Ltmp4:
0x41b: {  	v4 =	vadd.f32 v4, v47;
	v39 =	vmul.f32 v55, v26;
	v47 =	vld [tilespmem:s22+$0xFFFFFDB0];
	v1 =	vadd.f32 v2, v1;
	(pc) =	sbr.rel @p2 .LBB2_10-.Ltmp4, $4  }
0x41c: {  	v53 =	vld [tilespmem:s9+$0xFFFFFD00];
	v51 =	vmul.f32 v56, v33;
	v2 =	vadd.f32 v3, v52;
	v33 =	vmov v41  }
0x41d: {  	v3 =	vadd.f32 v39, v4;
	v4 =	vmul.f32 v57, v25;
	v41 =	vld [tilespmem:s22+$0xFFFFFDC0];
	[tilespmem:s23+$0x20] =	vst v1  }
0x41e: {  	v52 =	vmul.f32 v58, v34;
	v57 =	vld [tilespmem:s22+$0xFFFFFF10];
	[tilespmem:s21+$0xFFFFFFF0] =	vst v2;
	v34 =	vmov v40;
	s21 =	smov.u32 s8;
	s8 =	smov.u32 s14  }
0x41f: {  	s15 =	sadd.s32 $0x100, s15;
	v40 =	vadd.f32 v4, v3;
	v54 =	vmul.f32 v54, v23;
	v58 =	vld [tilespmem:s22+$0xFFFFFF20]  }
0x420: {  	_ = 	snop  }
0x421: {  	v1 =	vadd.f32 v54, v40;
	v2 =	vmul.f32 v53, v32;
	_ =	sdelay $0x1  }
0x422: {  	v1 =	vadd.f32 v2, v1;
	_ =	sdelay $0x1  }
0x423: {  	[tilespmem:s14+$0xFFFFFFD0] =	vst v1  }
0x424: {  	v55 =	vld [tilespmem:s12+$0xFFFFFE90]  }
0x425: {  	v56 =	vld [tilespmem:s12+$0xFFFFFEA0];
	_ =	sdelay $0x1  }
0x426: {  	v54 =	vld [tilespmem:s12+$0xFFFFFEB0];
	_ =	sdelay $0x1  }
0x427: {  	v53 =	vld [tilespmem:s12+$0xFFFFFEC0]  }
0x428: {  	v1 =	vmul.f32 v55, v42;
	v2 =	vmul.f32 v56, v43  }
0x429: {  	v43 =	vld [tilespmem:s12+$0xFFFFFED0]  }
0x42a: {  	v3 =	vmul.f32 v54, v45;
	v1 =	vadd.f32 v2, v1  }
0x42b: {  	v42 =	vld [tilespmem:s12+$0xFFFFFEE0]  }
0x42c: {  	v2 =	vmul.f32 v53, v44;
	v1 =	vadd.f32 v3, v1  }
0x42d: {  	v40 =	vld [tilespmem:s12+$0xFFFFFEF0]  }
0x42e: {  	v1 =	vadd.f32 v2, v1;
	v2 =	vmul.f32 v43, v46  }
0x42f: {  	v39 =	vld [tilespmem:s12+$0xFFFFFF00]  }
0x430: {  	v1 =	vadd.f32 v2, v1;
	v2 =	vmul.f32 v42, v48;
	_ =	sdelay $0x1  }
0x431: {  	v1 =	vadd.f32 v2, v1;
	v2 =	vmul.f32 v40, v49;
	_ =	sdelay $0x1  }
0x432: {  	v1 =	vadd.f32 v2, v1;
	v2 =	vmul.f32 v39, v50;
	_ =	sdelay $0x1  }
0x433: {  	v1 =	vadd.f32 v2, v1;
	_ =	sdelay $0x1  }
0x434: {  	[tilespmem:s7+$0x0] =	vst v1  }
0x435: {  	v1 =	vld [tilespmem:s9+$0xFFFFFE10]  }
0x436: {  	v2 =	vld [tilespmem:s9+$0xFFFFFE20];
	_ =	sdelay $0x1  }
0x437: {  	v3 =	vld [tilespmem:s9+$0xFFFFFE30];
	_ =	sdelay $0x1  }
0x438: {  	v4 =	vld [tilespmem:s9+$0xFFFFFE40]  }
0x439: {  	v1 =	vmul.f32 v1, v55;
	v2 =	vmul.f32 v2, v56  }
0x43a: {  	v49 =	vld [tilespmem:s9+$0xFFFFFE50]  }
0x43b: {  	v1 =	vadd.f32 v2, v1;
	v2 =	vmul.f32 v3, v54  }
0x43c: {  	v3 =	vld [tilespmem:s9+$0xFFFFFE60]  }
0x43d: {  	v1 =	vadd.f32 v2, v1;
	v2 =	vmul.f32 v4, v53  }
0x43e: {  	v4 =	vld [tilespmem:s9+$0xFFFFFE70]  }
0x43f: {  	v1 =	vadd.f32 v2, v1;
	v2 =	vmul.f32 v49, v43  }
0x440: {  	v50 =	vld [tilespmem:s9+$0xFFFFFE80]  }
0x441: {  	v1 =	vadd.f32 v2, v1;
	v2 =	vmul.f32 v3, v42;
	_ =	sdelay $0x1  }
0x442: {  	v1 =	vadd.f32 v2, v1;
	v2 =	vmul.f32 v4, v40;
	_ =	sdelay $0x1  }
0x443: {  	v1 =	vadd.f32 v2, v1;
	v2 =	vmul.f32 v50, v39;
	_ =	sdelay $0x1  }
0x444: {  	v1 =	vadd.f32 v2, v1;
	_ =	sdelay $0x1  }
0x445: {  	[tilespmem:s14+$0x0] =	vst v1  }
0x446: {  	v1 =	vld [tilespmem:s12+$0xFFFFFE10]  }
0x447: {  	v2 =	vld [tilespmem:s12+$0xFFFFFE20];
	_ =	sdelay $0x1  }
0x448: {  	v3 =	vld [tilespmem:s12+$0xFFFFFE30];
	_ =	sdelay $0x1  }
0x449: {  	v4 =	vld [tilespmem:s12+$0xFFFFFE40]  }
0x44a: {  	v1 =	vmul.f32 v1, v55;
	v2 =	vmul.f32 v2, v56  }
0x44b: {  	v59 =	vld [tilespmem:s12+$0xFFFFFE50]  }
0x44c: {  	v1 =	vadd.f32 v2, v1;
	v2 =	vmul.f32 v3, v54  }
0x44d: {  	v3 =	vld [tilespmem:s12+$0xFFFFFE60]  }
0x44e: {  	v1 =	vadd.f32 v2, v1;
	v2 =	vmul.f32 v4, v53  }
0x44f: {  	v4 =	vld [tilespmem:s12+$0xFFFFFE70]  }
0x450: {  	v1 =	vadd.f32 v2, v1;
	v2 =	vmul.f32 v59, v43  }
0x451: {  	v60 =	vld [tilespmem:s12+$0xFFFFFE80]  }
0x452: {  	v1 =	vadd.f32 v2, v1;
	v2 =	vmul.f32 v3, v42;
	_ =	sdelay $0x1  }
0x453: {  	v1 =	vadd.f32 v2, v1;
	v2 =	vmul.f32 v4, v40;
	_ =	sdelay $0x1  }
0x454: {  	v1 =	vadd.f32 v2, v1;
	v2 =	vmul.f32 v60, v39;
	_ =	sdelay $0x1  }
0x455: {  	v1 =	vadd.f32 v2, v1;
	_ =	sdelay $0x1  }
0x456: {  	[tilespmem:s7+$0x10] =	vst v1  }
0x457: {  	v1 =	vld [tilespmem:s3+$0xFFFFFE90]  }
0x458: {  	v2 =	vld [tilespmem:s3+$0xFFFFFEA0];
	_ =	sdelay $0x1  }
0x459: {  	v3 =	vld [tilespmem:s3+$0xFFFFFEB0];
	_ =	sdelay $0x1  }
0x45a: {  	v4 =	vld [tilespmem:s3+$0xFFFFFEC0]  }
0x45b: {  	v1 =	vmul.f32 v1, v55;
	v2 =	vmul.f32 v2, v56  }
0x45c: {  	v61 =	vld [tilespmem:s3+$0xFFFFFED0]  }
0x45d: {  	v1 =	vadd.f32 v2, v1;
	v2 =	vmul.f32 v3, v54  }
0x45e: {  	v3 =	vld [tilespmem:s3+$0xFFFFFEE0]  }
0x45f: {  	v1 =	vadd.f32 v2, v1;
	v2 =	vmul.f32 v4, v53  }
0x460: {  	v4 =	vld [tilespmem:s3+$0xFFFFFEF0]  }
0x461: {  	v62 =	vld [tilespmem:s22+$0xFFFFFF30];
	v1 =	vadd.f32 v2, v1;
	v2 =	vmul.f32 v61, v43  }
0x462: {  	v63 =	vld [tilespmem:s3+$0xFFFFFF00]  }
0x463: {  	v1 =	vadd.f32 v2, v1;
	v2 =	vmul.f32 v3, v42  }
0x464: {  	v57 =	vmul.f32 v57, v35;
	v3 =	vld [tilespmem:s22+$0xFFFFFF40]  }
0x465: {  	v59 =	vmul.f32 v58, v36;
	v1 =	vadd.f32 v2, v1;
	v2 =	vmul.f32 v4, v40  }
0x466: {  	v45 =	vmul.f32 v62, v31;
	v4 =	vld [tilespmem:s22+$0xFFFFFF50]  }
0x467: {  	v46 =	vadd.f32 v59, v57;
	v1 =	vadd.f32 v2, v1;
	v2 =	vmul.f32 v63, v39  }
0x468: {  	v60 =	vld [tilespmem:s22+$0xFFFFFF60]  }
0x469: {  	v45 =	vadd.f32 v45, v46;
	v3 =	vmul.f32 v3, v30;
	v1 =	vadd.f32 v2, v1  }
0x46a: {  	v2 =	vld [tilespmem:s22+$0xFFFFFF70]  }
0x46b: {  	v61 =	vld [tilespmem:s22+$0xFFFFFF80];
	v3 =	vadd.f32 v3, v45;
	v4 =	vmul.f32 v4, v29;
	[tilespmem:s8+$0x10] =	vst v1  }
0x46c: {  	v1 =	vld [tilespmem:s12+$0xFFFFFF10]  }
0x46d: {  	v3 =	vadd.f32 v4, v3;
	v4 =	vmul.f32 v60, v28;
	v62 =	vld [tilespmem:s12+$0xFFFFFF20]  }
0x46e: {  	v57 =	vmul.f32 v56, v34  }
0x46f: {  	v63 =	vmul.f32 v55, v33;
	v3 =	vadd.f32 v4, v3;
	v2 =	vmul.f32 v2, v27;
	v4 =	vld [tilespmem:s12+$0xFFFFFF30]  }
0x470: {  	v58 =	vmul.f32 v54, v38  }
0x471: {  	v46 =	vadd.f32 v57, v63;
	v59 =	vld [tilespmem:s12+$0xFFFFFF40];
	v2 =	vadd.f32 v2, v3;
	v3 =	vmul.f32 v61, v24  }
0x472: {  	v1 =	vmul.f32 v1, v55;
	v44 =	vmul.f32 v62, v56  }
0x473: {  	v46 =	vadd.f32 v58, v46;
	v60 =	vld [tilespmem:s12+$0xFFFFFF50];
	v2 =	vadd.f32 v3, v2;
	v3 =	vmul.f32 v53, v37  }
0x474: {  	v1 =	vadd.f32 v44, v1;
	v4 =	vmul.f32 v4, v54  }
0x475: {  	v61 =	vmul.f32 v43, v26;
	[tilespmem:s21+$0x20] =	vst v2;
	v2 =	vadd.f32 v3, v46;
	v3 =	vld [tilespmem:s12+$0xFFFFFF60]  }
0x476: {  	v44 =	vld [tilespmem:s12+$0xFFFFFF70];
	v1 =	vadd.f32 v4, v1;
	v4 =	vmul.f32 v59, v53  }
0x477: {  	v62 =	vmul.f32 v42, v25;
	v46 =	vld [tilespmem:s11+$0xFFFFFF90];
	v2 =	vadd.f32 v61, v2  }
0x478: {  	v63 =	vld [tilespmem:s11+$0xFFFFFFA0];
	v1 =	vadd.f32 v4, v1;
	v4 =	vmul.f32 v60, v43  }
0x479: {  	v61 =	vld [tilespmem:s12+$0xFFFFFF80];
	v60 =	vmul.f32 v40, v23;
	v2 =	vadd.f32 v62, v2  }
0x47a: {  	v57 =	vld [tilespmem:s11+$0xFFFFFFC0];
	v1 =	vadd.f32 v4, v1;
	v3 =	vmul.f32 v3, v42  }
0x47b: {  	v48 =	vld [tilespmem:s11+$0xFFFFFFD0];
	v4 =	vmul.f32 v39, v32;
	v2 =	vadd.f32 v60, v2  }
0x47c: {  	v62 =	vld [tilespmem:s11+$0xFFFFFFB0];
	v1 =	vadd.f32 v3, v1;
	v3 =	vmul.f32 v44, v40  }
0x47d: {  	v44 =	vld [tilespmem:s11+$0xFFFFFFF0];
	v2 =	vadd.f32 v4, v2  }
0x47e: {  	v4 =	vld [tilespmem:s11+$0xFFFFFFE0];
	v1 =	vadd.f32 v3, v1;
	v3 =	vmul.f32 v61, v39  }
0x47f: {  	[tilespmem:s7+$0xFFFFFFE0] =	vst v2;
	v2 =	vld [tilespmem:s11+$0x0]  }
0x480: {  	v45 =	vld [tilespmem:s9+$0xFFFFFD10];
	v1 =	vadd.f32 v3, v1  }
0x481: {  	v63 =	vmul.f32 v63, v36;
	v3 =	vmul.f32 v46, v35;
	v60 =	vld [tilespmem:s9+$0xFFFFFD20]  }
0x482: {  	v61 =	vld [tilespmem:s9+$0xFFFFFD30];
	[tilespmem:s7+$0x20] =	vst v1  }
0x483: {  	v1 =	vadd.f32 v63, v3;
	v3 =	vmul.f32 v62, v31;
	v46 =	vld [tilespmem:s3+$0xFFFFFF10]  }
0x484: {  	v62 =	vld [tilespmem:s3+$0xFFFFFF20]  }
0x485: {  	v63 =	vld [tilespmem:s3+$0xFFFFFD40];
	v1 =	vadd.f32 v3, v1;
	v3 =	vmul.f32 v57, v30  }
0x486: {  	v59 =	vld [tilespmem:s3+$0xFFFFFF30];
	v45 =	vmul.f32 v45, v33;
	v49 =	vmul.f32 v60, v34  }
0x487: {  	v60 =	vmul.f32 v61, v38;
	v61 =	vld [tilespmem:s3+$0xFFFFFF40];
	v1 =	vadd.f32 v3, v1;
	v3 =	vmul.f32 v48, v29  }
0x488: {  	v4 =	vmul.f32 v4, v28;
	v48 =	vld [tilespmem:s3+$0xFFFFFD50];
	v45 =	vadd.f32 v49, v45  }
0x489: {  	v57 =	vld [tilespmem:s3+$0xFFFFFF50];
	v1 =	vadd.f32 v3, v1;
	v46 =	vmul.f32 v46, v55;
	v50 =	vmul.f32 v62, v56  }
0x48a: {  	v3 =	vld [tilespmem:s3+$0xFFFFFD60];
	v62 =	vmul.f32 v63, v37;
	v45 =	vadd.f32 v60, v45  }
0x48b: {  	v63 =	vmul.f32 v59, v54;
	v1 =	vadd.f32 v4, v1;
	v4 =	vld [tilespmem:s3+$0xFFFFFD70];
	v46 =	vadd.f32 v50, v46  }
0x48c: {  	v44 =	vmul.f32 v44, v27;
	v60 =	vld [tilespmem:s3+$0xFFFFFF60];
	v61 =	vmul.f32 v61, v53  }
0x48d: {  	v59 =	vld [tilespmem:s3+$0xFFFFFD80];
	v45 =	vadd.f32 v62, v45;
	v48 =	vmul.f32 v48, v26;
	v46 =	vadd.f32 v63, v46  }
0x48e: {  	v2 =	vmul.f32 v2, v24;
	v57 =	vmul.f32 v57, v43;
	v1 =	vadd.f32 v44, v1;
	v63 =	vld [tilespmem:s3+$0xFFFFFF70]  }
0x48f: {  	v62 =	vadd.f32 v48, v45;
	v3 =	vmul.f32 v3, v25;
	v46 =	vadd.f32 v61, v46  }
0x490: {  	v1 =	vadd.f32 v2, v1;
	v2 =	vmul.f32 v4, v23;
	v4 =	vld [tilespmem:s3+$0xFFFFFF80]  }
0x491: {  	v60 =	vmul.f32 v60, v42;
	v3 =	vadd.f32 v3, v62;
	v58 =	vadd.f32 v57, v46  }
0x492: {  	v61 =	vmul.f32 v59, v32  }
0x493: {  	[tilespmem:s23+$0x30] =	vst v1;
	v1 =	vadd.f32 v2, v3;
	v3 =	vmul.f32 v63, v40;
	v2 =	vadd.f32 v60, v58  }
0x494: {  	v44 =	vld [tilespmem:s22+$0xFFFFFF90]  }
0x495: {  	v45 =	vld [tilespmem:s22+$0xFFFFFFA0];
	v1 =	vadd.f32 v61, v1;
	v2 =	vadd.f32 v3, v2;
	v3 =	vmul.f32 v4, v39  }
0x496: {  	v46 =	vld [tilespmem:s22+$0xFFFFFFC0]  }
0x497: {  	v4 =	vld [tilespmem:s22+$0xFFFFFFB0];
	[tilespmem:s8+$0xFFFFFFE0] =	vst v1;
	v1 =	vadd.f32 v3, v2  }
0x498: {  	v2 =	vld [tilespmem:s12+$0xFFFFFF10]  }
0x499: {  	v3 =	vld [tilespmem:s12+$0xFFFFFF20];
	[tilespmem:s8+$0x20] =	vst v1  }
0x49a: {  	v1 =	vld [tilespmem:s12+$0xFFFFFF90]  }
0x49b: {  	v48 =	vld [tilespmem:s12+$0xFFFFFFA0]  }
0x49c: {  	v62 =	vld [tilespmem:s12+$0xFFFFFF30]  }
0x49d: {  	v63 =	vld [tilespmem:s12+$0xFFFFFFB0]  }
0x49e: {  	v60 =	vld [tilespmem:s12+$0xFFFFFF40]  }
0x49f: {  	v58 =	vld [tilespmem:s12+$0xFFFFFFC0];
	v2 =	vmul.f32 v2, v33;
	v3 =	vmul.f32 v3, v34  }
0x4a0: {  	v61 =	vld [tilespmem:s12+$0xFFFFFF50];
	v1 =	vmul.f32 v1, v55;
	v48 =	vmul.f32 v48, v56  }
0x4a1: {  	v49 =	vld [tilespmem:s12+$0xFFFFFFD0];
	v2 =	vadd.f32 v3, v2;
	v3 =	vmul.f32 v62, v38  }
0x4a2: {  	v62 =	vld [tilespmem:s12+$0xFFFFFF60];
	v50 =	vmul.f32 v63, v54;
	v1 =	vadd.f32 v48, v1  }
0x4a3: {  	v63 =	vld [tilespmem:s12+$0xFFFFFFE0];
	v2 =	vadd.f32 v3, v2;
	v3 =	vmul.f32 v60, v37  }
0x4a4: {  	v58 =	vmul.f32 v58, v53;
	v60 =	vld [tilespmem:s12+$0xFFFFFF70];
	v1 =	vadd.f32 v50, v1  }
0x4a5: {  	v59 =	vmul.f32 v61, v26;
	v2 =	vadd.f32 v3, v2;
	v3 =	vld [tilespmem:s12+$0xFFFFFFF0]  }
0x4a6: {  	v61 =	vld [tilespmem:s12+$0xFFFFFF80];
	v49 =	vmul.f32 v49, v43;
	v1 =	vadd.f32 v58, v1  }
0x4a7: {  	v48 =	vmul.f32 v62, v25;
	v62 =	vld [tilespmem:s12+$0x0];
	v2 =	vadd.f32 v59, v2  }
0x4a8: {  	v57 =	vmul.f32 v63, v42;
	v63 =	vmul.f32 v44, v35;
	v44 =	vld [tilespmem:s22+$0xFFFFFDF0];
	v1 =	vadd.f32 v49, v1  }
0x4a9: {  	v50 =	vmul.f32 v60, v23;
	v2 =	vadd.f32 v48, v2;
	v48 =	vld [tilespmem:s22+$0xFFFFFFE0]  }
0x4aa: {  	v49 =	vld [tilespmem:s22+$0xFFFFFFD0];
	v3 =	vmul.f32 v3, v40;
	v1 =	vadd.f32 v57, v1  }
0x4ab: {  	v58 =	vmul.f32 v61, v32;
	v2 =	vadd.f32 v50, v2;
	v50 =	vld [tilespmem:s22+$0x0]  }
0x4ac: {  	v59 =	vmul.f32 v62, v39;
	v57 =	vld [tilespmem:s22+$0xFFFFFFF0];
	v1 =	vadd.f32 v3, v1  }
0x4ad: {  	v2 =	vadd.f32 v58, v2;
	v58 =	vld [tilespmem:s22+$0xFFFFFDE0]  }
0x4ae: {  	v60 =	vmul.f32 v45, v36;
	v3 =	vld [tilespmem:s22+$0xFFFFFDD0];
	v1 =	vadd.f32 v59, v1  }
0x4af: {  	[tilespmem:s7+$0xFFFFFFF0] =	vst v2;
	v2 =	vld [tilespmem:s22+$0xFFFFFE00]  }
0x4b0: {  	v4 =	vmul.f32 v4, v31;
	v35 =	vadd.f32 v60, v63;
	v31 =	vld [tilespmem:s3+$0xFFFFFD90];
	[tilespmem:s7+$0x30] =	vst v1  }
0x4b1: {  	v1 =	vld [tilespmem:s3+$0xFFFFFF90]  }
0x4b2: {  	v4 =	vadd.f32 v4, v35;
	v35 =	vld [tilespmem:s3+$0xFFFFFFA0]  }
0x4b3: {  	v22 =	vmul.f32 v47, v22;
	v62 =	vadd.f32 v52, v51;
	v63 =	vld [tilespmem:s3+$0xFFFFFDA0]  }
0x4b4: {  	v61 =	vmul.f32 v46, v30;
	v52 =	vld [tilespmem:s3+$0xFFFFFFB0]  }
0x4b5: {  	v21 =	vmul.f32 v41, v21;
	v22 =	vadd.f32 v22, v62;
	v60 =	vmul.f32 v48, v28;
	v59 =	vld [tilespmem:s3+$0xFFFFFDB0]  }
0x4b6: {  	v4 =	vadd.f32 v61, v4;
	v51 =	vmul.f32 v49, v29;
	v27 =	vmul.f32 v57, v27;
	v61 =	vld [tilespmem:s3+$0xFFFFFFC0]  }
0x4b7: {  	v21 =	vadd.f32 v21, v22;
	v22 =	vld [tilespmem:s3+$0xFFFFFDC0];
	v1 =	vmul.f32 v1, v55;
	v35 =	vmul.f32 v35, v56  }
0x4b8: {  	v4 =	vadd.f32 v51, v4;
	v41 =	vld [tilespmem:s3+$0xFFFFFFD0];
	v62 =	vmul.f32 v31, v33;
	v63 =	vmul.f32 v63, v34  }
0x4b9: {  	v45 =	vld [tilespmem:s3+$0xFFFFFDD0];
	v20 =	vmul.f32 v58, v20;
	v30 =	vmul.f32 v52, v54;
	v1 =	vadd.f32 v35, v1  }
0x4ba: {  	v3 =	vmul.f32 v3, v19;
	v47 =	vld [tilespmem:s3+$0xFFFFFFE0];
	v46 =	vmul.f32 v59, v38;
	v19 =	vadd.f32 v63, v62  }
0x4bb: {  	v48 =	vld [tilespmem:s3+$0xFFFFFDE0];
	v4 =	vadd.f32 v60, v4;
	v29 =	vmul.f32 v61, v53;
	v1 =	vadd.f32 v30, v1  }
0x4bc: {  	v3 =	vadd.f32 v3, v21;
	v21 =	vmul.f32 v22, v37;
	v22 =	vld [tilespmem:s3+$0xFFFFFFF0];
	v19 =	vadd.f32 v46, v19  }
0x4bd: {  	v49 =	vld [tilespmem:s3+$0xFFFFFDF0];
	v4 =	vadd.f32 v27, v4;
	v27 =	vmul.f32 v41, v43;
	v1 =	vadd.f32 v29, v1  }
0x4be: {  	v3 =	vadd.f32 v20, v3;
	v20 =	vld [tilespmem:s3+$0x0];
	v19 =	vadd.f32 v21, v19;
	v21 =	vmul.f32 v45, v26  }
0x4bf: {  	v18 =	vmul.f32 v44, v18;
	v26 =	vmul.f32 v47, v42;
	v1 =	vadd.f32 v27, v1;
	v27 =	vld [tilespmem:s3+$0xFFFFFE00]  }
0x4c0: {  	v24 =	vmul.f32 v50, v24;
	v25 =	vmul.f32 v48, v25;
	v19 =	vadd.f32 v21, v19  }
0x4c1: {  	v3 =	vadd.f32 v18, v3;
	v18 =	vmul.f32 v22, v40;
	v1 =	vadd.f32 v26, v1  }
0x4c2: {  	v2 =	vmul.f32 v2, v17;
	v17 =	vadd.f32 v25, v19;
	v19 =	vmul.f32 v49, v23  }
0x4c3: {  	v4 =	vadd.f32 v24, v4;
	v1 =	vadd.f32 v18, v1;
	v18 =	vmul.f32 v20, v39  }
0x4c4: {  	v2 =	vadd.f32 v2, v3;
	v3 =	vadd.f32 v19, v17;
	v17 =	vmul.f32 v27, v32  }
0x4c5: {  	[tilespmem:s21+$0x30] =	vst v4;
	s3 =	sadd.s32 @!p0 $0x3, s19;
	v1 =	vadd.f32 v18, v1  }
0x4c6: {  	[tilespmem:s21+$0xFFFFFFF0] =	vst v2;
	s7 =	sshll.u32 @!p0 s3, $0x7;
	v2 =	vadd.f32 v17, v3  }
0x4c7: {  	s3 =	sshll.u32 @!p0 s3, $0x8;
	s7 =	sand.u32 @!p0 $0x3FFFFF80, s7;
	[tilespmem:s8+$0x30] =	vst v1  }
0x4c8: {  	s9 =	simm.s32 @!p0 $0xD900;
	s3 =	sand.u32 @!p0 $0x3FFFFF00, s3;
	[tilespmem:s8+$0xFFFFFFF0] =	vst v2;
	s8 =	simm.s32 @!p0 $0x32  }
0x4c9: {  	[tilespmem:s9], [sflag:$0x2] =	stream.indirect.gather @!p0 [hbm4b:s2+s8], $0x80, s7, s8, $0xb8;
	[tilespmem:$0x1BE00] =	vst v63  }
0x4ca: {  	s7 =	sadd.s32 @!p0 $0x4000, s3;
	s8 =	simm.s32 @!p0 $0x58;
	s9 =	simm.s32 @!p0 $0x14C00  }
0x4cb: {  	[tilespmem:s9], [sflag:$0x2] =	stream.indirect.gather @!p0 [hbm4b:s2+s8], $0x80, s7, s8, $0xb8;
	[tilespmem:$0x1BE00] =	vst v63  }
0x4cc: {  	s22 =	simm.s32 $0x10;
	s3 =	sadd.s32 @!p0 $0x4080, s3;
	s7 =	simm.s32 @!p0 $0x17800  }
0x4cd: {  	[tilespmem:s7], [sflag:$0x2] =	stream.indirect.gather @!p0 [hbm4b:s2+s8], $0x80, s3, s8, $0xb8;
	[tilespmem:$0x1BE00] =	vst v63  }
0x4ce: {  	s23 =	simm.s32 $0x0;
	v1 =	vmov s22;
	s7 =	simm.s32 @!p1 $0x4  }
0x4cf: {  	v2 =	vmov s23;
	v1 =	vshll.u32 v1, $0x4;
	_ =	swait.ge @!p1 [sflag:s7], $0x100  }
0x4d0: {  	v2 =	vshll.u32 v2, $0x4;
	v17 =	vor.u32 v0, v1;
	[sflag:s7] =	ssyncset.done @!p1 $0x0  }
0x4d1: {  	v1 =	vor.u32 v0, v2;
	[sflag:s7] =	ssyncadd.s32 @!p1 $0xFFFFFF00  }
0x4d2: {  	_ =	swait.ge @!p1 [sflag:s7], $0x100  }
0x4d3: {  	v2 =	vor.u32 $0x1, v1;
	[sflag:s7] =	ssyncset.done @!p1 $0x0  }
0x4d4: {  	[sflag:s7] =	ssyncadd.s32 @!p1 $0xFFFFFF00  }
0x4d5: {  	v3 =	vor.u32 $0x2, v1;
	v4 =	vld.idx.msk [tilespmem:v17+s25+$0x0], $0xffff  }
0x4d6: {  	v18 =	vld.idx.msk [tilespmem:v1+s25+$0x0], $0xffff  }
0x4d7: {  	v20 =	vor.u32 $0x3, v1;
	v19 =	vld.idx.msk [tilespmem:v1+s26+$0x0], $0xffff  }
0x4d8: {  	v21 =	vld.idx.msk [tilespmem:v2+s25+$0x0], $0xffff  }
0x4d9: {  	v22 =	vor.u32 $0x4, v1;
	v2 =	vld.idx.msk [tilespmem:v2+s26+$0x0], $0xffff  }
0x4da: {  	v23 =	vld.idx.msk [tilespmem:v3+s25+$0x0], $0xffff  }
0x4db: {  	v24 =	vor.u32 $0x5, v1;
	v3 =	vld.idx.msk [tilespmem:v3+s26+$0x0], $0xffff  }
0x4dc: {  	v25 =	vld.idx.msk [tilespmem:v20+s25+$0x0], $0xffff  }
0x4dd: {  	v26 =	vor.u32 $0x6, v1;
	v20 =	vld.idx.msk [tilespmem:v20+s26+$0x0], $0xffff  }
0x4de: {  	v27 =	vld.idx.msk [tilespmem:v22+s25+$0x0], $0xffff  }
0x4df: {  	v50 =	vor.u32 $0x7, v1;
	v22 =	vld.idx.msk [tilespmem:v22+s26+$0x0], $0xffff  }
0x4e0: {  	v51 =	vld.idx.msk [tilespmem:v24+s25+$0x0], $0xffff  }
0x4e1: {  	v52 =	vor.u32 $0x8, v1;
	v24 =	vld.idx.msk [tilespmem:v24+s26+$0x0], $0xffff  }
0x4e2: {  	v53 =	vld.idx.msk [tilespmem:v26+s25+$0x0], $0xffff  }
0x4e3: {  	v54 =	vor.u32 $0x9, v1;
	v26 =	vld.idx.msk [tilespmem:v26+s26+$0x0], $0xffff  }
0x4e4: {  	v55 =	vld.idx.msk [tilespmem:v50+s25+$0x0], $0xffff  }
0x4e5: {  	v56 =	vor.u32 $0xA, v1;
	v28 =	vld.idx.msk [tilespmem:v50+s26+$0x0], $0xffff  }
0x4e6: {  	v57 =	vld.idx.msk [tilespmem:v52+s25+$0x0], $0xffff  }
0x4e7: {  	v58 =	vor.u32 $0xB, v1;
	v30 =	vld.idx.msk [tilespmem:v52+s26+$0x0], $0xffff  }
0x4e8: {  	v59 =	vld.idx.msk [tilespmem:v54+s25+$0x0], $0xffff  }
0x4e9: {  	v62 =	vor.u32 $0xD, v1;
	v32 =	vld.idx.msk [tilespmem:v54+s26+$0x0], $0xffff  }
0x4ea: {  	v47 =	vor.u32 $0x2, v17;
	v61 =	vld.idx.msk [tilespmem:v56+s25+$0x0], $0xffff  }
0x4eb: {  	v48 =	vor.u32 $0x4, v17;
	v34 =	vld.idx.msk [tilespmem:v56+s26+$0x0], $0xffff  }
0x4ec: {  	v60 =	vor.u32 $0xC, v1;
	v63 =	vld.idx.msk [tilespmem:v58+s25+$0x0], $0xffff  }
0x4ed: {  	v36 =	vld.idx.msk [tilespmem:v58+s26+$0x0], $0xffff;
	v18 =	vadd.f32 v21, v18  }
0x4ee: {  	v46 =	vld.idx.msk [tilespmem:v62+s26+$0x0], $0xffff;
	v50 =	vor.u32 $0x5, v17;
	v2 =	vadd.f32 v2, v19  }
0x4ef: {  	v49 =	vld.idx.msk [tilespmem:v47+s25+$0x0], $0xffff;
	v18 =	vadd.f32 v23, v18  }
0x4f0: {  	v45 =	vor.u32 $0xE, v1;
	v29 =	vld.idx.msk [tilespmem:v48+s26+$0x0], $0xffff;
	v2 =	vadd.f32 v3, v2  }
0x4f1: {  	v19 =	vld.idx.msk [tilespmem:v60+s25+$0x0], $0xffff;
	v18 =	vadd.f32 v25, v18  }
0x4f2: {  	v21 =	vld.idx.msk [tilespmem:v60+s26+$0x0], $0xffff;
	v23 =	vor.u32 $0x1, v17;
	v2 =	vadd.f32 v20, v2  }
0x4f3: {  	v56 =	vld.idx.msk [tilespmem:v50+s26+$0x0], $0xffff;
	v18 =	vadd.f32 v27, v18  }
0x4f4: {  	v3 =	vld.idx.msk [tilespmem:v62+s25+$0x0], $0xffff;
	v2 =	vadd.f32 v22, v2  }
0x4f5: {  	v1 =	vor.u32 $0xF, v1;
	v20 =	vld.idx.msk [tilespmem:v45+s25+$0x0], $0xffff;
	v18 =	vadd.f32 v51, v18  }
0x4f6: {  	v25 =	vld.idx.msk [tilespmem:v45+s26+$0x0], $0xffff;
	v2 =	vadd.f32 v24, v2  }
0x4f7: {  	v27 =	vor.u32 $0x3, v17;
	v24 =	vld.idx.msk [tilespmem:v23+s25+$0x0], $0xffff;
	v18 =	vadd.f32 v53, v18  }
0x4f8: {  	v23 =	vld.idx.msk [tilespmem:v23+s26+$0x0], $0xffff;
	v2 =	vadd.f32 v26, v2  }
0x4f9: {  	v26 =	vld.idx.msk [tilespmem:v17+s26+$0x0], $0xffff;
	v18 =	vadd.f32 v55, v18  }
0x4fa: {  	v22 =	vld.idx.msk [tilespmem:v1+s25+$0x0], $0xffff;
	v2 =	vadd.f32 v28, v2  }
0x4fb: {  	v51 =	vld.idx.msk [tilespmem:v47+s26+$0x0], $0xffff;
	v18 =	vadd.f32 v57, v18  }
0x4fc: {  	v53 =	vor.u32 $0x6, v17;
	v52 =	vld.idx.msk [tilespmem:v27+s25+$0x0], $0xffff;
	v2 =	vadd.f32 v30, v2  }
0x4fd: {  	v27 =	vld.idx.msk [tilespmem:v27+s26+$0x0], $0xffff;
	v4 =	vadd.f32 v24, v4;
	v18 =	vadd.f32 v59, v18  }
0x4fe: {  	v55 =	vor.u32 $0x8, v17;
	v24 =	vld.idx.msk [tilespmem:v48+s25+$0x0], $0xffff;
	v23 =	vadd.f32 v23, v26;
	v2 =	vadd.f32 v32, v2  }
0x4ff: {  	v54 =	vor.u32 $0x7, v17;
	v1 =	vld.idx.msk [tilespmem:v1+s26+$0x0], $0xffff;
	v4 =	vadd.f32 v49, v4;
	v18 =	vadd.f32 v61, v18  }
0x500: {  	v26 =	vld.idx.msk [tilespmem:v50+s25+$0x0], $0xffff;
	v23 =	vadd.f32 v51, v23;
	v2 =	vadd.f32 v34, v2  }
0x501: {  	v57 =	vld.idx.msk [tilespmem:v53+s25+$0x0], $0xffff;
	v4 =	vadd.f32 v52, v4;
	v18 =	vadd.f32 v63, v18  }
0x502: {  	v58 =	vor.u32 $0x9, v17;
	v59 =	vld.idx.msk [tilespmem:v53+s26+$0x0], $0xffff;
	v23 =	vadd.f32 v27, v23;
	v2 =	vadd.f32 v36, v2  }
0x503: {  	v62 =	vld.idx.msk [tilespmem:v55+s26+$0x0], $0xffff;
	v4 =	vadd.f32 v24, v4;
	v18 =	vadd.f32 v19, v18  }
0x504: {  	v60 =	vor.u32 $0xA, v17;
	v27 =	vld.idx.msk [tilespmem:v54+s25+$0x0], $0xffff;
	v2 =	vadd.f32 v21, v2;
	v19 =	vadd.f32 v29, v23  }
0x505: {  	v61 =	vor.u32 $0xB, v17;
	v4 =	vadd.f32 v26, v4;
	v21 =	vld.idx.msk [tilespmem:v54+s26+$0x0], $0xffff;
	v3 =	vadd.f32 v3, v18  }
0x506: {  	v26 =	vld.idx.msk [tilespmem:v55+s25+$0x0], $0xffff;
	v2 =	vadd.f32 v46, v2;
	v18 =	vadd.f32 v56, v19  }
0x507: {  	v24 =	vld.idx.msk [tilespmem:v58+s26+$0x0], $0xffff;
	v4 =	vadd.f32 v57, v4;
	v3 =	vadd.f32 v20, v3  }
0x508: {  	v63 =	vld.idx.msk [tilespmem:v58+s25+$0x0], $0xffff;
	v19 =	vor.u32 $0xC, v17;
	v2 =	vadd.f32 v25, v2;
	v18 =	vadd.f32 v59, v18  }
0x509: {  	v23 =	vld.idx.msk [tilespmem:v60+s25+$0x0], $0xffff;
	v4 =	vadd.f32 v27, v4;
	v3 =	vadd.f32 v22, v3  }
0x50a: {  	v34 =	vld.idx.msk [tilespmem:v61+s25+$0x0], $0xffff;
	v20 =	vor.u32 $0xD, v17;
	v1 =	vadd.f32 v1, v2;
	v2 =	vadd.f32 v21, v18  }
0x50b: {  	s3 =	simm.s32 $0x1BB10;
	v4 =	vadd.f32 v26, v4;
	v22 =	vld.idx.msk [tilespmem:v60+s26+$0x0], $0xffff  }
0x50c: {  	s7 =	simm.s32 $0x1BD10;
	v36 =	vld.idx.msk [tilespmem:v61+s26+$0x0], $0xffff;
	v18 =	vor.u32 $0xE, v17;
	[tilespmem:s3+$0xFFFFFFF0] =	vst v3;
	v25 =	vadd.f32 v62, v2  }
0x50d: {  	s9 =	simm.s32 $0x30;
	s8 =	simm.s32 $0x0;
	v17 =	vor.u32 $0xF, v17;
	v21 =	vadd.f32 v63, v4;
	v35 =	vld.idx.msk [tilespmem:v19+s25+$0x0], $0xffff;
	[tilespmem:s7+$0xFFFFFFF0] =	vst v1  }
.LBB2_12:
0x50e: {  	s10 =	sadd.s32 $0xFFFFFFF0, s9;
	v1 =	vmov s9;
	v2 =	vadd.f32 v24, v25;
	v3 =	vld.idx.msk [tilespmem:v19+s26+$0x0], $0xffff  }
0x50f: {  	v4 =	vmov s10;
	v1 =	vshll.u32 v1, $0x4;
	v37 =	vadd.f32 v23, v21;
	v38 =	vld.idx.msk [tilespmem:v20+s25+$0x0], $0xffff  }
0x510: {  	s8 =	sadd.s32 $0x2, s8;
	v4 =	vshll.u32 v4, $0x4;
	v30 =	vor.u32 v0, v1;
	v1 =	vadd.f32 v22, v2;
	v2 =	vld.idx.msk [tilespmem:v20+s26+$0x0], $0xffff  }
0x511: {  	p0 =	slt.u32 s8, $0x8;
	v4 =	vor.u32 v0, v4;
	v32 =	vor.u32 $0x1, v30;
	v31 =	vor.u32 $0x2, v30;
	v39 =	vld.idx.msk [tilespmem:v18+s25+$0x0], $0xffff  }
0x512: {  	v29 =	vor.u32 $0x3, v30;
	v28 =	vor.u32 $0x4, v30;
	v27 =	vor.u32 $0x5, v30;
	v40 =	vld.idx.msk [tilespmem:v18+s26+$0x0], $0xffff  }
0x513: {  	v26 =	vor.u32 $0x6, v30;
	v25 =	vor.u32 $0x7, v30;
	v41 =	vor.u32 $0x1, v4;
	v42 =	vld.idx.msk [tilespmem:v17+s25+$0x0], $0xffff  }
0x514: {  	v24 =	vor.u32 $0x8, v30;
	v23 =	vor.u32 $0x9, v30;
	v22 =	vor.u32 $0xA, v30;
	v43 =	vld.idx.msk [tilespmem:v17+s26+$0x0], $0xffff  }
0x515: {  	v21 =	vor.u32 $0xB, v30;
	v19 =	vor.u32 $0xC, v30;
	v44 =	vor.u32 $0x2, v4;
	v33 =	vld.idx.msk [tilespmem:v30+s25+$0x0], $0xffff  }
0x516: {  	v20 =	vor.u32 $0xD, v30;
	v34 =	vadd.f32 v34, v37;
	v1 =	vadd.f32 v36, v1;
	v45 =	vld.idx.msk [tilespmem:v4+s25+$0x0], $0xffff  }
0x517: {  	v37 =	vor.u32 $0x3, v4;
	v18 =	vor.u32 $0xE, v30;
	v17 =	vor.u32 $0xF, v30;
	v36 =	vld.idx.msk [tilespmem:v4+s26+$0x0], $0xffff  }
0x518: {  	v34 =	vadd.f32 v35, v34;
	v1 =	vadd.f32 v3, v1;
	v46 =	vld.idx.msk [tilespmem:v41+s25+$0x0], $0xffff  }
0x519: {  	v35 =	vor.u32 $0x4, v4;
	v3 =	vld.idx.msk [tilespmem:v41+s26+$0x0], $0xffff  }
0x51a: {  	v34 =	vadd.f32 v38, v34;
	v1 =	vadd.f32 v2, v1;
	v41 =	vld.idx.msk [tilespmem:v44+s25+$0x0], $0xffff  }
0x51b: {  	v38 =	vor.u32 $0x5, v4;
	v2 =	vld.idx.msk [tilespmem:v44+s26+$0x0], $0xffff  }
0x51c: {  	v34 =	vadd.f32 v39, v34;
	v1 =	vadd.f32 v40, v1;
	v44 =	vld.idx.msk [tilespmem:v37+s25+$0x0], $0xffff  }
0x51d: {  	v39 =	vor.u32 $0x6, v4;
	v37 =	vld.idx.msk [tilespmem:v37+s26+$0x0], $0xffff  }
0x51e: {  	v34 =	vadd.f32 v42, v34;
	v40 =	vadd.f32 v46, v45;
	v45 =	vld.idx.msk [tilespmem:v35+s25+$0x0], $0xffff  }
0x51f: {  	v1 =	vadd.f32 v43, v1;
	v3 =	vadd.f32 v3, v36;
	v36 =	vor.u32 $0x7, v4;
	v35 =	vld.idx.msk [tilespmem:v35+s26+$0x0], $0xffff  }
0x520: {  	v40 =	vadd.f32 v41, v40;
	v41 =	vld.idx.msk [tilespmem:v38+s25+$0x0], $0xffff;
	[tilespmem:s3+$0x0] =	vst v34  }
0x521: {  	v2 =	vadd.f32 v2, v3;
	v34 =	vor.u32 $0x8, v4;
	v3 =	vld.idx.msk [tilespmem:v38+s26+$0x0], $0xffff;
	[tilespmem:s7+$0x0] =	vst v1  }
0x522: {  	v1 =	vadd.f32 v44, v40;
	v38 =	vld.idx.msk [tilespmem:v39+s25+$0x0], $0xffff  }
0x523: {  	v2 =	vadd.f32 v37, v2;
	v37 =	vld.idx.msk [tilespmem:v39+s26+$0x0], $0xffff;
	v39 =	vor.u32 $0x9, v4  }
0x524: {  	v1 =	vadd.f32 v45, v1;
	v40 =	vld.idx.msk [tilespmem:v36+s25+$0x0], $0xffff  }
0x525: {  	v2 =	vadd.f32 v35, v2;
	v35 =	vld.idx.msk [tilespmem:v36+s26+$0x0], $0xffff;
	v36 =	vor.u32 $0xA, v4  }
0x526: {  	v1 =	vadd.f32 v41, v1;
	v41 =	vld.idx.msk [tilespmem:v34+s25+$0x0], $0xffff  }
0x527: {  	v2 =	vadd.f32 v3, v2;
	v3 =	vld.idx.msk [tilespmem:v34+s26+$0x0], $0xffff;
	v34 =	vor.u32 $0xB, v4  }
0x528: {  	v1 =	vadd.f32 v38, v1;
	v38 =	vld.idx.msk [tilespmem:v39+s25+$0x0], $0xffff  }
0x529: {  	v2 =	vadd.f32 v37, v2;
	v37 =	vld.idx.msk [tilespmem:v39+s26+$0x0], $0xffff;
	v39 =	vor.u32 $0xC, v4  }
0x52a: {  	v1 =	vadd.f32 v40, v1;
	v40 =	vld.idx.msk [tilespmem:v36+s25+$0x0], $0xffff  }
0x52b: {  	v2 =	vadd.f32 v35, v2;
	v35 =	vld.idx.msk [tilespmem:v36+s26+$0x0], $0xffff;
	v36 =	vor.u32 $0xD, v4  }
0x52c: {  	v1 =	vadd.f32 v41, v1;
	v41 =	vld.idx.msk [tilespmem:v34+s25+$0x0], $0xffff  }
0x52d: {  	v2 =	vadd.f32 v3, v2;
	v3 =	vld.idx.msk [tilespmem:v34+s26+$0x0], $0xffff;
	v34 =	vor.u32 $0xE, v4  }
0x52e: {  	v1 =	vadd.f32 v38, v1;
	v38 =	vld.idx.msk [tilespmem:v39+s25+$0x0], $0xffff  }
0x52f: {  	v4 =	vor.u32 $0xF, v4;
	v2 =	vadd.f32 v37, v2;
	v37 =	vld.idx.msk [tilespmem:v39+s26+$0x0], $0xffff  }
0x530: {  	v1 =	vadd.f32 v40, v1;
	v39 =	vld.idx.msk [tilespmem:v36+s25+$0x0], $0xffff  }
0x531: {  	v2 =	vadd.f32 v35, v2;
	v35 =	vld.idx.msk [tilespmem:v36+s26+$0x0], $0xffff  }
0x532: {  	v1 =	vadd.f32 v41, v1;
	v36 =	vld.idx.msk [tilespmem:v34+s25+$0x0], $0xffff  }
0x533: {  	v2 =	vadd.f32 v3, v2;
	v3 =	vld.idx.msk [tilespmem:v34+s26+$0x0], $0xffff  }
0x534: {  	v1 =	vadd.f32 v38, v1;
	v34 =	vld.idx.msk [tilespmem:v4+s25+$0x0], $0xffff  }
0x535: {  	v2 =	vadd.f32 v37, v2;
	v4 =	vld.idx.msk [tilespmem:v4+s26+$0x0], $0xffff  }
0x536: {  	v1 =	vadd.f32 v39, v1;
	v37 =	vld.idx.msk [tilespmem:v32+s25+$0x0], $0xffff  }
0x537: {  	v2 =	vadd.f32 v35, v2;
	v32 =	vld.idx.msk [tilespmem:v32+s26+$0x0], $0xffff  }
0x538: {  	v1 =	vadd.f32 v36, v1;
	v30 =	vld.idx.msk [tilespmem:v30+s26+$0x0], $0xffff  }
0x539: {  	v2 =	vadd.f32 v3, v2;
	v3 =	vld.idx.msk [tilespmem:v31+s25+$0x0], $0xffff  }
0x53a: {  	v1 =	vadd.f32 v34, v1;
	v31 =	vld.idx.msk [tilespmem:v31+s26+$0x0], $0xffff  }
0x53b: {  	s3 =	sadd.s32 $0x20, s3;
	v2 =	vadd.f32 v4, v2;
	v4 =	vld.idx.msk [tilespmem:v29+s25+$0x0], $0xffff  }
0x53c: {  	s7 =	sadd.s32 $0x20, s7;
	[tilespmem:s3+$0xFFFFFFF0] =	vst v1;
	v1 =	vadd.f32 v37, v33;
	v29 =	vld.idx.msk [tilespmem:v29+s26+$0x0], $0xffff  }
0x53d: {  	[tilespmem:s7+$0xFFFFFFF0] =	vst v2;
	v2 =	vld.idx.msk [tilespmem:v28+s25+$0x0], $0xffff  }
0x53e: {  	v30 =	vadd.f32 v32, v30;
	v28 =	vld.idx.msk [tilespmem:v28+s26+$0x0], $0xffff  }
0x53f: {  	v1 =	vadd.f32 v3, v1;
	v3 =	vld.idx.msk [tilespmem:v27+s25+$0x0], $0xffff  }
0x540: {  	v30 =	vadd.f32 v31, v30;
	v27 =	vld.idx.msk [tilespmem:v27+s26+$0x0], $0xffff  }
0x541: {  	v1 =	vadd.f32 v4, v1;
	v4 =	vld.idx.msk [tilespmem:v26+s25+$0x0], $0xffff  }
0x542: {  	v29 =	vadd.f32 v29, v30;
	v26 =	vld.idx.msk [tilespmem:v26+s26+$0x0], $0xffff  }
0x543: {  	v1 =	vadd.f32 v2, v1;
	v2 =	vld.idx.msk [tilespmem:v25+s25+$0x0], $0xffff  }
0x544: {  	v28 =	vadd.f32 v28, v29;
	v25 =	vld.idx.msk [tilespmem:v25+s26+$0x0], $0xffff  }
0x545: {  	v1 =	vadd.f32 v3, v1;
	v3 =	vld.idx.msk [tilespmem:v24+s25+$0x0], $0xffff  }
0x546: {  	v27 =	vadd.f32 v27, v28;
	v28 =	vld.idx.msk [tilespmem:v24+s26+$0x0], $0xffff  }
0x547: {  	v1 =	vadd.f32 v4, v1;
	v4 =	vld.idx.msk [tilespmem:v23+s25+$0x0], $0xffff  }
0x548: {  	v26 =	vadd.f32 v26, v27;
	v24 =	vld.idx.msk [tilespmem:v23+s26+$0x0], $0xffff  }
.Ltmp5:
0x549: {  	v1 =	vadd.f32 v2, v1;
	v23 =	vld.idx.msk [tilespmem:v22+s25+$0x0], $0xffff;
	(pc) =	sbr.rel @p0 .LBB2_12-.Ltmp5, $4  }
0x54a: {  	v2 =	vadd.f32 v25, v26;
	v22 =	vld.idx.msk [tilespmem:v22+s26+$0x0], $0xffff  }
0x54b: {  	v1 =	vadd.f32 v3, v1;
	v34 =	vld.idx.msk [tilespmem:v21+s25+$0x0], $0xffff  }
0x54c: {  	v25 =	vadd.f32 v28, v2;
	v36 =	vld.idx.msk [tilespmem:v21+s26+$0x0], $0xffff  }
0x54d: {  	s9 =	sadd.s32 $0x20, s9;
	v21 =	vadd.f32 v4, v1;
	v35 =	vld.idx.msk [tilespmem:v19+s25+$0x0], $0xffff  }
0x54e: {  	_ =	sdelay $0x2  }
0x54f: {  	v1 =	vadd.f32 v24, v25  }
0x550: {  	v2 =	vld.idx.msk [tilespmem:v19+s26+$0x0], $0xffff;
	v3 =	vadd.f32 v23, v21  }
0x551: {  	v4 =	vld.idx.msk [tilespmem:v20+s25+$0x0], $0xffff;
	v1 =	vadd.f32 v22, v1  }
0x552: {  	v29 =	vld.idx.msk [tilespmem:v20+s26+$0x0], $0xffff;
	v3 =	vadd.f32 v34, v3  }
0x553: {  	v30 =	vld.idx.msk [tilespmem:v18+s25+$0x0], $0xffff;
	v1 =	vadd.f32 v36, v1  }
0x554: {  	v31 =	vld.idx.msk [tilespmem:v18+s26+$0x0], $0xffff;
	v3 =	vadd.f32 v35, v3  }
0x555: {  	v32 =	vld.idx.msk [tilespmem:v17+s25+$0x0], $0xffff;
	v1 =	vadd.f32 v2, v1  }
0x556: {  	v2 =	vld.idx.msk [tilespmem:v17+s26+$0x0], $0xffff;
	v3 =	vadd.f32 v4, v3  }
0x557: {  	v1 =	vadd.f32 v29, v1  }
0x558: {  	v3 =	vadd.f32 v30, v3  }
0x559: {  	v1 =	vadd.f32 v31, v1  }
0x55a: {  	v3 =	vadd.f32 v32, v3  }
0x55b: {  	v1 =	vadd.f32 v2, v1  }
0x55c: {  	[tilespmem:s3+$0x0] =	vst v3  }
0x55d: {  	[tilespmem:s7+$0x0] =	vst v1  }
0x55e: {  	v59 =	vld [tilespmem:$0x1FFE0];
	_ =	sdelay $0x1  }
0x55f: {  	v60 =	vld [tilespmem:$0x1FFF0];
	_ =	sdelay $0x3  }
0x560: {  	v34 =	vld.idx.msk [tilespmem:v7+s25+$0x0], $0xffff  }
0x561: {  	v39 =	vld [tilespmem:$0x1FFC0]  }
0x562: {  	v1 =	vld.idx.msk [tilespmem:v59+s25+$0x0], $0xffff  }
0x563: {  	v2 =	vld.idx.msk [tilespmem:v59+s26+$0x0], $0xffff  }
0x564: {  	v3 =	vld.idx.msk [tilespmem:v60+s25+$0x0], $0xffff  }
0x565: {  	v33 =	vld.idx.msk [tilespmem:v60+s26+$0x0], $0xffff  }
0x566: {  	v42 =	vld [tilespmem:$0x1FFD0]  }
0x567: {  	v35 =	vld.idx.msk [tilespmem:v7+s26+$0x0], $0xffff  }
0x568: {  	v36 =	vld.idx.msk [tilespmem:v5+s25+$0x0], $0xffff  }
0x569: {  	v1 =	vadd.f32 v3, v1;
	v3 =	vld.idx.msk [tilespmem:v5+s26+$0x0], $0xffff  }
0x56a: {  	v37 =	vld.idx.msk [tilespmem:v6+s25+$0x0], $0xffff;
	v2 =	vadd.f32 v33, v2  }
0x56b: {  	v38 =	vld.idx.msk [tilespmem:v6+s26+$0x0], $0xffff;
	v1 =	vadd.f32 v34, v1  }
0x56c: {  	v40 =	vld.idx.msk [tilespmem:v39+s25+$0x0], $0xffff;
	v2 =	vadd.f32 v35, v2  }
0x56d: {  	v41 =	vld.idx.msk [tilespmem:v39+s26+$0x0], $0xffff;
	v1 =	vadd.f32 v36, v1  }
0x56e: {  	v2 =	vadd.f32 v3, v2;
	v3 =	vld.idx.msk [tilespmem:v42+s25+$0x0], $0xffff  }
0x56f: {  	v43 =	vld.idx.msk [tilespmem:v42+s26+$0x0], $0xffff;
	v1 =	vadd.f32 v37, v1  }
0x570: {  	v44 =	vld.idx.msk [tilespmem:v8+s25+$0x0], $0xffff;
	v2 =	vadd.f32 v38, v2  }
0x571: {  	v45 =	vld.idx.msk [tilespmem:v8+s26+$0x0], $0xffff;
	v1 =	vadd.f32 v40, v1  }
0x572: {  	v46 =	vld.idx.msk [tilespmem:v9+s25+$0x0], $0xffff;
	v2 =	vadd.f32 v41, v2  }
0x573: {  	v1 =	vadd.f32 v3, v1;
	v3 =	vld.idx.msk [tilespmem:v9+s26+$0x0], $0xffff  }
0x574: {  	v47 =	vld.idx.msk [tilespmem:v10+s25+$0x0], $0xffff;
	v2 =	vadd.f32 v43, v2  }
0x575: {  	v48 =	vld.idx.msk [tilespmem:v10+s26+$0x0], $0xffff;
	v1 =	vadd.f32 v44, v1  }
0x576: {  	v49 =	vld.idx.msk [tilespmem:v11+s25+$0x0], $0xffff;
	v2 =	vadd.f32 v45, v2  }
0x577: {  	v50 =	vld.idx.msk [tilespmem:v11+s26+$0x0], $0xffff;
	v1 =	vadd.f32 v46, v1  }
0x578: {  	v2 =	vadd.f32 v3, v2;
	v3 =	vld.idx.msk [tilespmem:v12+s25+$0x0], $0xffff  }
0x579: {  	v51 =	vld.idx.msk [tilespmem:v12+s26+$0x0], $0xffff;
	v1 =	vadd.f32 v47, v1  }
0x57a: {  	v52 =	vld.idx.msk [tilespmem:v13+s25+$0x0], $0xffff;
	v2 =	vadd.f32 v48, v2  }
0x57b: {  	v53 =	vld.idx.msk [tilespmem:v13+s26+$0x0], $0xffff;
	v1 =	vadd.f32 v49, v1  }
0x57c: {  	v54 =	vld.idx.msk [tilespmem:v14+s25+$0x0], $0xffff;
	v2 =	vadd.f32 v50, v2  }
0x57d: {  	v1 =	vadd.f32 v3, v1;
	v3 =	vld.idx.msk [tilespmem:v14+s26+$0x0], $0xffff  }
0x57e: {  	v55 =	vld.idx.msk [tilespmem:v15+s25+$0x0], $0xffff;
	v2 =	vadd.f32 v51, v2  }
0x57f: {  	v56 =	vld.idx.msk [tilespmem:v15+s26+$0x0], $0xffff;
	v1 =	vadd.f32 v52, v1  }
0x580: {  	v57 =	vld.idx.msk [tilespmem:v16+s25+$0x0], $0xffff;
	v2 =	vadd.f32 v53, v2  }
0x581: {  	v58 =	vld.idx.msk [tilespmem:v16+s26+$0x0], $0xffff;
	v1 =	vadd.f32 v54, v1  }
0x582: {  	v2 =	vadd.f32 v3, v2  }
0x583: {  	v1 =	vadd.f32 v55, v1  }
0x584: {  	v2 =	vadd.f32 v56, v2  }
0x585: {  	s17 =	sadd.s32 $0x1, s17;
	v1 =	vadd.f32 v57, v1  }
0x586: {  	p0 =	sne.s32 s17, $0x40;
	v2 =	vadd.f32 v58, v2  }
.Ltmp6:
0x587: {  	s22 =	sor.u32 $0x10, s20;
	[tilespmem:$0x1BBA0] =	vst v1;
	(pc) =	sbr.rel @p0 .LBB2_2-.Ltmp6, $4  }
0x588: {  	s23 =	sadd.s32 s5, s22;
	[tilespmem:$0x1BDA0] =	vst v2  }
0x589: {  	[hbm4b:s23+s18] =	stream.strided.scatter [tilespmem:s0], [sflag:$0x4], $0x100, s28, s18, $0x38;
	[tilespmem:$0x1BE00] =	vst v63  }
0x58a: {  	s3 =	sadd.s32 s6, s22  }
0x58b: {  	v61 =	vmov v7;
	v62 =	vmov v5;
	v63 =	vmov v6;
	[hbm4b:s3+s18] =	stream.strided.scatter [tilespmem:s1], [sflag:$0x4], $0x100, s28, s18, $0x38;
	[tilespmem:$0x1BE00] =	vst v63  }
0x58c: {  	_ =	swait.ge [sflag:s13], $0x100  }
0x58d: {  	[sflag:s13] =	ssyncset.done $0x0  }
0x58e: {  	[sflag:s13] =	ssyncadd.s32 $0xFFFFFF00  }
0x58f: {  	_ =	swait.ge [sflag:s13], $0x100  }
0x590: {  	[sflag:s13] =	ssyncset.done $0x0  }
0x591: {  	s7 =	simm.s32 $0x4;
	[sflag:s13] =	ssyncadd.s32 $0xFFFFFF00  }
0x592: {  	_ =	swait.ge [sflag:s7], $0x100  }
0x593: {  	[sflag:s7] =	ssyncset.done $0x0  }
0x594: {  	[sflag:s7] =	ssyncadd.s32 $0xFFFFFF00  }
0x595: {  	_ =	swait.ge [sflag:s7], $0x100  }
0x596: {  	s16 =	sadd.s32 $0x1, s16;
	s3 =	rddreg [dreg:$0x5]  }
0x597: {  	p0 =	sne.s32 s16, s3  }
.Ltmp7:
0x598: {  	_ = 	snop;
	(pc) =	sbr.rel @p0 .LBB2_1-.Ltmp7, $3  }
0x599: {  	_ =	sdelay $0x1  }
0x59a: {  	[sflag:s7] =	ssyncset.done $0x0  }
0x59b: {  	[sflag:s7] =	ssyncadd.s32 $0xFFFFFF00  }
0x59c: {  	_ =	sfence.sel $0x180000  }
0x59d: {  	[bflag:$0x0] =	sbarrier.arrive $0xFFFF  }
0x59e: {  	_ =	strace $0x90000047  }
0x59f: {  	s0 =	stileid.u32;
	[bflag:$0x2] =	sbarrier.arrive $0xFFFF  }
0x5a0: {  	p0 =	sne.s32 s0, $0x0;
	s0 =	rddreg [dreg:$0x2]  }
0x5a1: {  	s0 =	sadd.s32 @!p0 $0x100000, s0  }
0x5a2: {  	[sflag:s0] =	ssyncadd.tile.s32 @!p0 $0x1;
	_ =	shalt  }
.Lfunc_end2:
_tile_overlayer_lowered:
.L_overlay_start_2:
0x5a3: {  	(tag) =	ssettag $0x2  }
0x5a4: {  	s0 =	rddreg [dreg:$0x0];
	s2 =	stileid.u32  }
0x5a5: {  	s1 =	rddreg [dreg:$0x1];
	p0 =	sne.s32 s2, $0x0  }
0x5a6: {  	s3 =	rddreg [dreg:$0x2];
	[bflag:$0x3] =	sbarrier.arrive $0xFFFF;
	s2 =	simm.s32 @!p0 $0x1C05  }
0x5a7: {  	[timem:s3], [sflag:s2] =	dma.local @!p0 [hbm:s0], s1  }
0x5a8: {  	s0 =	simm.s32 @!p0 $0x5  }
0x5a9: {  	_ =	swait.ge @!p0 [sflag:s0], s1  }
0x5aa: {  	s1 =	ssub.s32 @!p0 $0x0, s1;
	[sflag:s0] =	ssyncset.done @!p0 $0x0  }
0x5ab: {  	[sflag:s0] =	ssyncadd.s32 @!p0 s1  }
0x5ac: {  	[bflag:$0x3] =	sbarrier.arrive $0xFFFF  }
0x5ad: {  	_ =	shalt  }

</sc_bundles>
